<compile_context>
chip_gen: v7x
topology: tpu7x:2x2x1
jax: 0.10.2.dev20260603
libtpu: 0.0.44.dev20260713+nightly
codegen_flags: <defaults>
</compile_context>

<pallas_src>
import functools

import jax
import jax.numpy as jnp
from jax import lax
from jax.experimental import pallas as pl
from jax.experimental.pallas import tpu as pltpu
from jax.experimental.pallas import tpu_sc as plsc

N_VALID = 10000
NP = 10240
EP = 163840
NBLK = EP // 128
BPT = NBLK // 32
RPS = NP // 16
BR = 512
GRID = NP // BR
NBUF = 2



def _make_sc_agg(n_chunks, with_deg):
    mesh = plsc.VectorSubcoreMesh(core_axis_name="c", subcore_axis_name="s")
    out_type = [jax.ShapeDtypeStruct((n_chunks, 2, NP, 128), jnp.float32)]
    if with_deg:
        out_type.append(jax.ShapeDtypeStruct((2, NP, 128), jnp.float32))
    scratch = [
        pltpu.VMEM((BPT, 128), jnp.int32),
        pltpu.VMEM((BPT, 128), jnp.int32),
        pltpu.VMEM((NBUF, 128, 128), jnp.float32),
        pltpu.VMEM_SHARED((NP, 128), jnp.float32),
    ] + [pltpu.SemaphoreType.DMA] * NBUF

    @functools.partial(pl.kernel, mesh=mesh, out_type=tuple(out_type),
                       scratch_types=tuple(scratch))
    def sc_agg(*refs):
        tables = refs[:n_chunks]
        src_hbm, dst_hbm, z_hbm = (refs[n_chunks], refs[n_chunks + 1],
                                   refs[n_chunks + 2])
        k = n_chunks + 3
        out = refs[k]
        k += 1
        if with_deg:
            deg_out = refs[k]
            k += 1
        src_v, dst_v, rows = refs[k], refs[k + 1], refs[k + 2]
        acc = refs[k + 3]
        sems = refs[k + 4:k + 4 + NBUF]

        scid = lax.axis_index("c")
        sid = lax.axis_index("s")
        tid = scid * 16 + sid

        pltpu.sync_copy(src_hbm.at[pl.ds(tid * BPT, BPT)], src_v)
        pltpu.sync_copy(dst_hbm.at[pl.ds(tid * BPT, BPT)], dst_v)

        def reset_acc():
            for r in range(RPS // 128):
                pltpu.sync_copy(z_hbm, acc.at[pl.ds(sid * RPS + r * 128, 128)])

        if with_deg:
            def orow(i, _):
                for j in range(8):
                    rows[0, i, pl.ds(j * 16, 16)] = jnp.ones((16,), jnp.float32)
                return 0
            lax.fori_loop(0, 128, orow, 0)
            reset_acc()
            plsc.subcore_barrier()

            def deg_body(i, _):
                pltpu.sync_copy(rows.at[0], acc.at[dst_v.at[i]], add=True)
                return 0
            lax.fori_loop(0, BPT, deg_body, 0)
            plsc.subcore_barrier()
            pltpu.sync_copy(acc.at[pl.ds(sid * RPS, RPS)],
                            deg_out.at[scid, pl.ds(sid * RPS, RPS)])
            plsc.subcore_barrier()

        for c in range(n_chunks):
            tab = tables[c]
            for b in range(NBUF):
                pltpu.async_copy(tab.at[src_v.at[b]], rows.at[b], sems[b])
            reset_acc()
            plsc.subcore_barrier()

            def body(j, _, _t=tab):
                for b in range(NBUF):
                    i = j * NBUF + b
                    pltpu.make_async_copy(
                        _t.at[src_v.at[i]], rows.at[b], sems[b]).wait()
                    pltpu.sync_copy(rows.at[b], acc.at[dst_v.at[i]], add=True)

                    @pl.when(i + NBUF < BPT)
                    def _(b=b, i=i):
                        pltpu.async_copy(
                            _t.at[src_v.at[i + NBUF]], rows.at[b], sems[b])
                return 0
            lax.fori_loop(0, BPT // NBUF, body, 0)
            plsc.subcore_barrier()
            pltpu.sync_copy(acc.at[pl.ds(sid * RPS, RPS)],
                            out.at[c, scid, pl.ds(sid * RPS, RPS)])
            plsc.subcore_barrier()

    return sc_agg



def _dot16(a, w):
    return lax.dot_general(a.astype(jnp.bfloat16), w.astype(jnp.bfloat16),
                           (((1,), (0,)), ((), ())),
                           preferred_element_type=jnp.float32)


def _mm_stats_body(agg_ref, deg_ref, base_ref, wl_ref, b_ref,
                   hpre_ref, ssum_ref, ssq_ref, *, n_chunks):
    i = pl.program_id(0)
    cnt16 = deg_ref[0] + deg_ref[1]
    inv = 1.0 / jnp.maximum(cnt16[:, :1], 1.0)
    h = base_ref[...] + b_ref[...]
    for c in range(n_chunks):
        mc = (agg_ref[c, 0] + agg_ref[c, 1]) * inv
        h = h + _dot16(mc, wl_ref[pl.ds(c * 128, 128), :])
    hpre_ref[...] = h

    rows = lax.broadcasted_iota(jnp.int32, (BR, 1), 0) + i * BR
    hm = jnp.where(rows < N_VALID, h, 0.0)

    @pl.when(i == 0)
    def _():
        ssum_ref[...] = jnp.zeros_like(ssum_ref)
        ssq_ref[...] = jnp.zeros_like(ssq_ref)
    ssum_ref[...] += jnp.sum(hm, axis=0, keepdims=True)
    ssq_ref[...] += jnp.sum(hm * hm, axis=0, keepdims=True)


def _matmul_body(x_ref, w_ref, o_ref):
    o_ref[...] = _dot16(x_ref[...], w_ref[...])


def _matmul(x, w):
    din, dout = w.shape
    return pl.pallas_call(
        _matmul_body,
        grid=(GRID,),
        in_specs=[
            pl.BlockSpec((BR, din), lambda i: (i, 0)),
            pl.BlockSpec((din, dout), lambda i: (0, 0)),
        ],
        out_specs=pl.BlockSpec((BR, dout), lambda i: (i, 0)),
        out_shape=jax.ShapeDtypeStruct((NP, dout), jnp.float32),
    )(x, w)


def _mm_stats(agg, deg, base, wl, b, n_chunks, dout):
    return pl.pallas_call(
        functools.partial(_mm_stats_body, n_chunks=n_chunks),
        grid=(GRID,),
        in_specs=[
            pl.BlockSpec((n_chunks, 2, BR, 128), lambda i: (0, 0, i, 0)),
            pl.BlockSpec((2, BR, 128), lambda i: (0, i, 0)),
            pl.BlockSpec((BR, dout), lambda i: (i, 0)),
            pl.BlockSpec((n_chunks * 128, dout), lambda i: (0, 0)),
            pl.BlockSpec((1, dout), lambda i: (0, 0)),
        ],
        out_specs=[
            pl.BlockSpec((BR, dout), lambda i: (i, 0)),
            pl.BlockSpec((1, dout), lambda i: (0, 0)),
            pl.BlockSpec((1, dout), lambda i: (0, 0)),
        ],
        out_shape=[
            jax.ShapeDtypeStruct((NP, dout), jnp.float32),
            jax.ShapeDtypeStruct((1, dout), jnp.float32),
            jax.ShapeDtypeStruct((1, dout), jnp.float32),
        ],
    )(agg, deg, base, wl, b)



def _bn_relu_body(hpre_ref, ssum_ref, ssq_ref, g_ref, bt_ref, *rest, nfuse):
    w_refs = rest[:nfuse]
    h_ref = rest[nfuse]
    t_refs = rest[nfuse + 1:]
    mu = ssum_ref[...] / N_VALID
    var = ssq_ref[...] / N_VALID - mu * mu
    scale = g_ref[...] * lax.rsqrt(var + 1e-5)
    h = jnp.maximum((hpre_ref[...] - mu) * scale + bt_ref[...], 0.0)
    h_ref[...] = h
    for w_ref, t_ref in zip(w_refs, t_refs):
        t_ref[...] = _dot16(h, w_ref[...])


def _bn_relu(hpre, ssum, ssq, gamma, beta, wl_next=None):
    d = hpre.shape[1]
    in_specs = [
        pl.BlockSpec((BR, d), lambda i: (i, 0)),
        pl.BlockSpec((1, d), lambda i: (0, 0)),
        pl.BlockSpec((1, d), lambda i: (0, 0)),
        pl.BlockSpec((1, d), lambda i: (0, 0)),
        pl.BlockSpec((1, d), lambda i: (0, 0)),
    ]
    out_specs = [pl.BlockSpec((BR, d), lambda i: (i, 0))]
    out_shape = [jax.ShapeDtypeStruct((NP, d), jnp.float32)]
    args = [hpre, ssum, ssq, gamma, beta]
    wl_next = wl_next or []
    for w in wl_next:
        dn = w.shape[1]
        in_specs.append(pl.BlockSpec((d, dn), lambda i: (0, 0)))
        out_specs.append(pl.BlockSpec((BR, dn), lambda i: (i, 0)))
        out_shape.append(jax.ShapeDtypeStruct((NP, dn), jnp.float32))
        args.append(w)
    return pl.pallas_call(
        functools.partial(_bn_relu_body, nfuse=len(wl_next)),
        grid=(GRID,),
        in_specs=in_specs, out_specs=out_specs, out_shape=out_shape,
    )(*args)



def _final_body2(agg_ref, deg_ref, base_ref, b_ref, out_ref):
    cnt16 = deg_ref[0] + deg_ref[1]
    inv = 1.0 / jnp.maximum(cnt16[:, :1], 1.0)
    mean = jnp.concatenate(
        [(agg_ref[c, 0] + agg_ref[c, 1]) * inv for c in range(2)], axis=1)
    y = mean + base_ref[...] + b_ref[...]
    m = jnp.max(y, axis=1, keepdims=True)
    e = jnp.exp(y - m)
    s = jnp.sum(e, axis=1, keepdims=True)
    out_ref[...] = y - m - jnp.log(s)


def _final(agg, deg, base, b):
    dout = base.shape[1]
    return pl.pallas_call(
        _final_body2,
        grid=(GRID,),
        in_specs=[
            pl.BlockSpec((2, 2, BR, 128), lambda i: (0, 0, i, 0)),
            pl.BlockSpec((2, BR, 128), lambda i: (0, i, 0)),
            pl.BlockSpec((BR, dout), lambda i: (i, 0)),
            pl.BlockSpec((1, dout), lambda i: (0, 0)),
        ],
        out_specs=pl.BlockSpec((BR, dout), lambda i: (i, 0)),
        out_shape=jax.ShapeDtypeStruct((NP, dout), jnp.float32),
    )(agg, deg, base, b)



_sc_agg_l1 = _make_sc_agg(2, with_deg=True)
_sc_agg_l2 = _make_sc_agg(4, with_deg=False)
_sc_agg_l3 = _make_sc_agg(2, with_deg=False)


def kernel(x, edge_index, W_l1, b_l1, W_r1, gamma1, beta1,
           W_l2, b_l2, W_r2, gamma2, beta2, W_l3, b_l3, W_r3):
    n, din = x.shape
    e = edge_index.shape[1]
    src = edge_index[0].astype(jnp.int32)
    dst = edge_index[1].astype(jnp.int32)
    pad = jnp.full((EP - e,), n, jnp.int32)
    src2d = jnp.concatenate([src, pad]).reshape(NBLK, 128)
    dst2d = jnp.concatenate([dst, pad]).reshape(NBLK, 128)

    xp = jnp.pad(x, ((0, NP - n), (0, 0)))
    t0, t1 = xp[:, :128], xp[:, 128:256]

    z128 = jnp.zeros((128, 128), jnp.float32)
    agg1, deg = _sc_agg_l1(t0, t1, src2d, dst2d, z128)
    r1 = _matmul(xp, W_r1)
    h1pre, s1, q1 = _mm_stats(agg1, deg, r1, W_l1, b_l1.reshape(1, -1), 2, 512)
    h1, r2 = _bn_relu(h1pre, s1, q1, gamma1.reshape(1, -1),
                      beta1.reshape(1, -1), wl_next=[W_r2])

    c1 = [lax.slice(h1, (0, k * 128), (NP, (k + 1) * 128)) for k in range(4)]
    (agg2,) = _sc_agg_l2(*c1, src2d, dst2d, z128)
    h2pre, s2, q2 = _mm_stats(agg2, deg, r2, W_l2, b_l2.reshape(1, -1), 4, 512)
    h2, t3, r3 = _bn_relu(h2pre, s2, q2, gamma2.reshape(1, -1),
                          beta2.reshape(1, -1), wl_next=[W_l3, W_r3])

    c3 = [lax.slice(t3, (0, k * 128), (NP, (k + 1) * 128)) for k in range(2)]
    (agg3,) = _sc_agg_l3(*c3, src2d, dst2d, z128)
    out = _final(agg3, deg, r3, b_l3.reshape(1, -1))
    return out[:n]

# --- scband reference (transcript-rebuilt; emitter-appended) ---
"""Pipeline reference for scband-graph-sage-88399016886939 (READ-ONLY COPY).

The authoritative reference and input builder live on the scoring server;
editing this copy changes nothing except your own understanding.
"""

import jax, jax.numpy as jnp
import numpy as np

N_NODES = 10000
N_EDGES = 160000
IN_DIM = 256
HID = 512
OUT_DIM = 256


def sage_conv(x, src, dst, W_l, b_l, W_r):
    # PyG SAGEConv (aggr='mean', root_weight=True):
    # out_i = W_l @ mean_{j in N(i)} x_j + b_l + W_r @ x_i
    n = x.shape[0]
    msgs = x[src]  # gather source node features along edges
    agg = jax.ops.segment_sum(msgs, dst, num_segments=n)
    cnt = jax.ops.segment_sum(jnp.ones((src.shape[0], 1), dtype=x.dtype), dst, num_segments=n)
    mean = agg / jnp.maximum(cnt, 1.0)
    return mean @ W_l + b_l + x @ W_r


def batch_norm(x, gamma, beta, eps=1e-5):
    mu = jnp.mean(x, axis=0)
    var = jnp.var(x, axis=0)
    return gamma * (x - mu) / jnp.sqrt(var + eps) + beta


def setup_inputs(seed: int = 0) -> dict:
    key = jax.random.key(seed)
    ks = jax.random.split(key, 16)
    x = jax.random.normal(ks[0], (N_NODES, IN_DIM), dtype=jnp.float32)
    edge_index = jax.random.randint(ks[1], (2, N_EDGES), 0, N_NODES, dtype=jnp.int64)
    s = 0.05
    params = {
        'W_l1': jax.random.normal(ks[2], (IN_DIM, HID), dtype=jnp.float32) * s,
        'b_l1': jnp.zeros((HID,), dtype=jnp.float32),
        'W_r1': jax.random.normal(ks[3], (IN_DIM, HID), dtype=jnp.float32) * s,
        'gamma1': jnp.ones((HID,), dtype=jnp.float32),
        'beta1': jnp.zeros((HID,), dtype=jnp.float32),
        'W_l2': jax.random.normal(ks[4], (HID, HID), dtype=jnp.float32) * s,
        'b_l2': jnp.zeros((HID,), dtype=jnp.float32),
        'W_r2': jax.random.normal(ks[5], (HID, HID), dtype=jnp.float32) * s,
        'gamma2': jnp.ones((HID,), dtype=jnp.float32),
        'beta2': jnp.zeros((HID,), dtype=jnp.float32),
        'W_l3': jax.random.normal(ks[6], (HID, OUT_DIM), dtype=jnp.float32) * s,
        'b_l3': jnp.zeros((OUT_DIM,), dtype=jnp.float32),
        'W_r3': jax.random.normal(ks[7], (HID, OUT_DIM), dtype=jnp.float32) * s,
    }
    return {'x': x, 'edge_index': edge_index, **params}


def reference(x, edge_index, W_l1, b_l1, W_r1, gamma1, beta1,
              W_l2, b_l2, W_r2, gamma2, beta2, W_l3, b_l3, W_r3):
    src = edge_index[0]
    dst = edge_index[1]
    h = sage_conv(x, src, dst, W_l1, b_l1, W_r1)
    h = batch_norm(h, gamma1, beta1)
    h = jax.nn.relu(h)
    # dropout omitted for determinism (identity in eval / deterministic reference)
    h = sage_conv(h, src, dst, W_l2, b_l2, W_r2)
    h = batch_norm(h, gamma2, beta2)
    h = jax.nn.relu(h)
    h = sage_conv(h, src, dst, W_l3, b_l3, W_r3)
    return jax.nn.log_softmax(h, axis=-1)

if __name__ == "__main__":
    import jax
    _d = setup_inputs()
    print(jax.jit(kernel)(*tuple(_d.values())))

</pallas_src>

<mosaic_0001>
#map = affine_map<(d0, d1) -> (0, 0)>
#map1 = affine_map<(d0, d1) -> (0, 0, 0, 0)>
module attributes {stable_mosaic.version = 14 : i64} {
  func.func @sc_agg(%arg0: i32, %arg1: i32, %arg2: memref<10240x128xf32, #tpu.memory_space<hbm>>, %arg3: memref<10240x128xf32, #tpu.memory_space<hbm>>, %arg4: memref<1280x128xi32, #tpu.memory_space<hbm>>, %arg5: memref<1280x128xi32, #tpu.memory_space<hbm>>, %arg6: memref<128x128xf32, #tpu.memory_space<hbm>>, %arg7: memref<2x2x10240x128xf32, #tpu.memory_space<hbm>>, %arg8: memref<40x128xi32, #tpu.memory_space<vmem>>, %arg9: memref<40x128xi32, #tpu.memory_space<vmem>>, %arg10: memref<2x128x128xf32, #tpu.memory_space<vmem>>, %arg11: memref<10240x128xf32, #tpu.memory_space<vmem_shared>>, %arg12: memref<!tpu.dma_semaphore, #tpu.memory_space<semaphore_mem>>, %arg13: memref<!tpu.dma_semaphore, #tpu.memory_space<semaphore_mem>>) attributes {dimension_semantics = [#tpu.dimension_semantics<core_parallel>, #tpu.dimension_semantics<subcore_parallel>], iteration_bounds = array<i64: 2, 16>, scalar_prefetch = 0 : i64, scratch_operands = 6 : i64, tpu.core_type = #tpu.core_type<sc_vector_subcore>, window_params = [{transform_indices = #map}, {transform_indices = #map}, {transform_indices = #map}, {transform_indices = #map}, {transform_indices = #map}, {transform_indices = #map1}]} {
    %mul3A = arith.constant 16 : i32
    %mul3A_0 = arith.muli %arg0, %mul3A : i32
    %add3A = arith.addi %mul3A_0, %arg1 : i32
    %mul3A_1 = arith.constant 40 : i32
    %mul3A_2 = arith.muli %add3A, %mul3A_1 : i32
    "tpu.region"() ({
      %run_scoped3A_119 = tpu.sem_alloc : memref<!tpu.dma_semaphore, #tpu.memory_space<semaphore_mem>>
      %dma_start3A_120 = arith.constant 0 : i32
      %dma_start3A_121 = tpu.memref_slice %arg4[%mul3A_2, %dma_start3A_120] : memref<1280x128xi32, #tpu.memory_space<hbm>> -> memref<40x128xi32, #tpu.memory_space<hbm>>
      %dma_start3A_122 = arith.constant 0 : i32
      %dma_start3A_123 = tpu.memref_slice %arg4[%mul3A_2, %dma_start3A_122] : memref<1280x128xi32, #tpu.memory_space<hbm>> -> memref<40x128xi32, #tpu.memory_space<hbm>>
      tpu.enqueue_dma source(%dma_start3A_123 : memref<40x128xi32, #tpu.memory_space<hbm>>) target(%arg8 : memref<40x128xi32, #tpu.memory_space<vmem>>) target_semaphore(%run_scoped3A_119 : memref<!tpu.dma_semaphore, #tpu.memory_space<semaphore_mem>>)
      %dma_wait3A = arith.constant 0 : i32
      %dma_wait3A_124 = tpu.memref_slice %arg4[%mul3A_2, %dma_wait3A] : memref<1280x128xi32, #tpu.memory_space<hbm>> -> memref<40x128xi32, #tpu.memory_space<hbm>>
      %dma_wait3A_125 = arith.constant 0 : i32
      %dma_wait3A_126 = tpu.memref_slice %arg4[%mul3A_2, %dma_wait3A_125] : memref<1280x128xi32, #tpu.memory_space<hbm>> -> memref<40x128xi32, #tpu.memory_space<hbm>>
      tpu.wait_dma2 semaphore(%run_scoped3A_119 : memref<!tpu.dma_semaphore, #tpu.memory_space<semaphore_mem>>) src(%dma_wait3A_126 : memref<40x128xi32, #tpu.memory_space<hbm>>) dst(%arg8 : memref<40x128xi32, #tpu.memory_space<vmem>>)
      tpu.yield
    }) : () -> ()
    %mul3A_3 = arith.constant 40 : i32
    %mul3A_4 = arith.muli %add3A, %mul3A_3 : i32
    "tpu.region"() ({
      %run_scoped3A_119 = tpu.sem_alloc : memref<!tpu.dma_semaphore, #tpu.memory_space<semaphore_mem>>
      %dma_start3A_120 = arith.constant 0 : i32
      %dma_start3A_121 = tpu.memref_slice %arg5[%mul3A_4, %dma_start3A_120] : memref<1280x128xi32, #tpu.memory_space<hbm>> -> memref<40x128xi32, #tpu.memory_space<hbm>>
      %dma_start3A_122 = arith.constant 0 : i32
      %dma_start3A_123 = tpu.memref_slice %arg5[%mul3A_4, %dma_start3A_122] : memref<1280x128xi32, #tpu.memory_space<hbm>> -> memref<40x128xi32, #tpu.memory_space<hbm>>
      tpu.enqueue_dma source(%dma_start3A_123 : memref<40x128xi32, #tpu.memory_space<hbm>>) target(%arg9 : memref<40x128xi32, #tpu.memory_space<vmem>>) target_semaphore(%run_scoped3A_119 : memref<!tpu.dma_semaphore, #tpu.memory_space<semaphore_mem>>)
      %dma_wait3A = arith.constant 0 : i32
      %dma_wait3A_124 = tpu.memref_slice %arg5[%mul3A_4, %dma_wait3A] : memref<1280x128xi32, #tpu.memory_space<hbm>> -> memref<40x128xi32, #tpu.memory_space<hbm>>
      %dma_wait3A_125 = arith.constant 0 : i32
      %dma_wait3A_126 = tpu.memref_slice %arg5[%mul3A_4, %dma_wait3A_125] : memref<1280x128xi32, #tpu.memory_space<hbm>> -> memref<40x128xi32, #tpu.memory_space<hbm>>
      tpu.wait_dma2 semaphore(%run_scoped3A_119 : memref<!tpu.dma_semaphore, #tpu.memory_space<semaphore_mem>>) src(%dma_wait3A_126 : memref<40x128xi32, #tpu.memory_space<hbm>>) dst(%arg9 : memref<40x128xi32, #tpu.memory_space<vmem>>)
      tpu.yield
    }) : () -> ()
    %dma_start3A = arith.constant 0 : i32
    %dma_start3A_5 = arith.constant 0 : i32
    %dma_start3A_6 = arith.constant 0 : i32
    %dma_start3A_7 = arith.constant 0 : i32
    %dma_start3A_8 = tpu.memref_slice %arg10[%dma_start3A_5, %dma_start3A_6, %dma_start3A_7] : memref<2x128x128xf32, #tpu.memory_space<vmem>> -> memref<1x128x128xf32, #tpu.memory_space<vmem>>
    %dma_start3A_9 = tpu.memref_squeeze %dma_start3A_8 : memref<1x128x128xf32, #tpu.memory_space<vmem>> -> memref<128x128xf32, #tpu.memory_space<vmem>>
    %dma_start3A_10 = arith.constant 0 : i32
    %dma_start3A_11 = tpu.memref_slice %arg8[%dma_start3A, %dma_start3A_10] : memref<40x128xi32, #tpu.memory_space<vmem>> -> memref<1x128xi32, #tpu.memory_space<vmem>>
    %dma_start3A_12 = tpu.memref_squeeze %dma_start3A_11 : memref<1x128xi32, #tpu.memory_space<vmem>> -> memref<128xi32, #tpu.memory_space<vmem>>
    %dma_start3A_13 = arith.constant 0 : i32
    %dma_start3A_14 = arith.constant 0 : i32
    %dma_start3A_15 = tpu.memref_slice %arg2[%dma_start3A_13, %dma_start3A_14] : memref<10240x128xf32, #tpu.memory_space<hbm>> -> memref<10240x128xf32, #tpu.memory_space<hbm>>
    tpu.enqueue_indirect_dma source(%dma_start3A_15 : memref<10240x128xf32, #tpu.memory_space<hbm>>) target(%dma_start3A_9 : memref<128x128xf32, #tpu.memory_space<vmem>>) offsets(%dma_start3A_12 : memref<128xi32, #tpu.memory_space<vmem>>) semaphore(%arg12 : memref<!tpu.dma_semaphore, #tpu.memory_space<semaphore_mem>>)
    %dma_start3A_16 = arith.constant 1 : i32
    %dma_start3A_17 = arith.constant 1 : i32
    %dma_start3A_18 = arith.constant 0 : i32
    %dma_start3A_19 = arith.constant 0 : i32
    %dma_start3A_20 = tpu.memref_slice %arg10[%dma_start3A_17, %dma_start3A_18, %dma_start3A_19] : memref<2x128x128xf32, #tpu.memory_space<vmem>> -> memref<1x128x128xf32, #tpu.memory_space<vmem>>
    %dma_start3A_21 = tpu.memref_squeeze %dma_start3A_20 : memref<1x128x128xf32, #tpu.memory_space<vmem>> -> memref<128x128xf32, #tpu.memory_space<vmem>>
    %dma_start3A_22 = arith.constant 0 : i32
    %dma_start3A_23 = tpu.memref_slice %arg8[%dma_start3A_16, %dma_start3A_22] : memref<40x128xi32, #tpu.memory_space<vmem>> -> memref<1x128xi32, #tpu.memory_space<vmem>>
    %dma_start3A_24 = tpu.memref_squeeze %dma_start3A_23 : memref<1x128xi32, #tpu.memory_space<vmem>> -> memref<128xi32, #tpu.memory_space<vmem>>
    %dma_start3A_25 = arith.constant 0 : i32
    %dma_start3A_26 = arith.constant 0 : i32
    %dma_start3A_27 = tpu.memref_slice %arg2[%dma_start3A_25, %dma_start3A_26] : memref<10240x128xf32, #tpu.memory_space<hbm>> -> memref<10240x128xf32, #tpu.memory_space<hbm>>
    tpu.enqueue_indirect_dma source(%dma_start3A_27 : memref<10240x128xf32, #tpu.memory_space<hbm>>) target(%dma_start3A_21 : memref<128x128xf32, #tpu.memory_space<vmem>>) offsets(%dma_start3A_24 : memref<128xi32, #tpu.memory_space<vmem>>) semaphore(%arg13 : memref<!tpu.dma_semaphore, #tpu.memory_space<semaphore_mem>>)
    %mul3A_28 = arith.constant 640 : i32
    %mul3A_29 = arith.muli %arg1, %mul3A_28 : i32
    %add3A_30 = arith.constant 0 : i32
    %add3A_31 = arith.addi %mul3A_29, %add3A_30 : i32
    "tpu.region"() ({
      %run_scoped3A_119 = tpu.sem_alloc : memref<!tpu.dma_semaphore, #tpu.memory_space<semaphore_mem>>
      %dma_start3A_120 = arith.constant 0 : i32
      %dma_start3A_121 = tpu.memref_slice %arg11[%add3A_31, %dma_start3A_120] : memref<10240x128xf32, #tpu.memory_space<vmem_shared>> -> memref<128x128xf32, #tpu.memory_space<vmem_shared>>
      tpu.enqueue_dma source(%arg6 : memref<128x128xf32, #tpu.memory_space<hbm>>) target(%dma_start3A_121 : memref<128x128xf32, #tpu.memory_space<vmem_shared>>) target_semaphore(%run_scoped3A_119 : memref<!tpu.dma_semaphore, #tpu.memory_space<semaphore_mem>>)
      %dma_wait3A = arith.constant 0 : i32
      %dma_wait3A_122 = tpu.memref_slice %arg11[%add3A_31, %dma_wait3A] : memref<10240x128xf32, #tpu.memory_space<vmem_shared>> -> memref<128x128xf32, #tpu.memory_space<vmem_shared>>
      tpu.wait_dma2 semaphore(%run_scoped3A_119 : memref<!tpu.dma_semaphore, #tpu.memory_space<semaphore_mem>>) src(%arg6 : memref<128x128xf32, #tpu.memory_space<hbm>>) dst(%dma_wait3A_122 : memref<128x128xf32, #tpu.memory_space<vmem_shared>>)
      tpu.yield
    }) : () -> ()
    %mul3A_32 = arith.constant 640 : i32
    %mul3A_33 = arith.muli %arg1, %mul3A_32 : i32
    %add3A_34 = arith.constant 128 : i32
    %add3A_35 = arith.addi %mul3A_33, %add3A_34 : i32
    "tpu.region"() ({
      %run_scoped3A_119 = tpu.sem_alloc : memref<!tpu.dma_semaphore, #tpu.memory_space<semaphore_mem>>
      %dma_start3A_120 = arith.constant 0 : i32
      %dma_start3A_121 = tpu.memref_slice %arg11[%add3A_35, %dma_start3A_120] : memref<10240x128xf32, #tpu.memory_space<vmem_shared>> -> memref<128x128xf32, #tpu.memory_space<vmem_shared>>
      tpu.enqueue_dma source(%arg6 : memref<128x128xf32, #tpu.memory_space<hbm>>) target(%dma_start3A_121 : memref<128x128xf32, #tpu.memory_space<vmem_shared>>) target_semaphore(%run_scoped3A_119 : memref<!tpu.dma_semaphore, #tpu.memory_space<semaphore_mem>>)
      %dma_wait3A = arith.constant 0 : i32
      %dma_wait3A_122 = tpu.memref_slice %arg11[%add3A_35, %dma_wait3A] : memref<10240x128xf32, #tpu.memory_space<vmem_shared>> -> memref<128x128xf32, #tpu.memory_space<vmem_shared>>
      tpu.wait_dma2 semaphore(%run_scoped3A_119 : memref<!tpu.dma_semaphore, #tpu.memory_space<semaphore_mem>>) src(%arg6 : memref<128x128xf32, #tpu.memory_space<hbm>>) dst(%dma_wait3A_122 : memref<128x128xf32, #tpu.memory_space<vmem_shared>>)
      tpu.yield
    }) : () -> ()
    %mul3A_36 = arith.constant 640 : i32
    %mul3A_37 = arith.muli %arg1, %mul3A_36 : i32
    %add3A_38 = arith.constant 256 : i32
    %add3A_39 = arith.addi %mul3A_37, %add3A_38 : i32
    "tpu.region"() ({
      %run_scoped3A_119 = tpu.sem_alloc : memref<!tpu.dma_semaphore, #tpu.memory_space<semaphore_mem>>
      %dma_start3A_120 = arith.constant 0 : i32
      %dma_start3A_121 = tpu.memref_slice %arg11[%add3A_39, %dma_start3A_120] : memref<10240x128xf32, #tpu.memory_space<vmem_shared>> -> memref<128x128xf32, #tpu.memory_space<vmem_shared>>
      tpu.enqueue_dma source(%arg6 : memref<128x128xf32, #tpu.memory_space<hbm>>) target(%dma_start3A_121 : memref<128x128xf32, #tpu.memory_space<vmem_shared>>) target_semaphore(%run_scoped3A_119 : memref<!tpu.dma_semaphore, #tpu.memory_space<semaphore_mem>>)
      %dma_wait3A = arith.constant 0 : i32
      %dma_wait3A_122 = tpu.memref_slice %arg11[%add3A_39, %dma_wait3A] : memref<10240x128xf32, #tpu.memory_space<vmem_shared>> -> memref<128x128xf32, #tpu.memory_space<vmem_shared>>
      tpu.wait_dma2 semaphore(%run_scoped3A_119 : memref<!tpu.dma_semaphore, #tpu.memory_space<semaphore_mem>>) src(%arg6 : memref<128x128xf32, #tpu.memory_space<hbm>>) dst(%dma_wait3A_122 : memref<128x128xf32, #tpu.memory_space<vmem_shared>>)
      tpu.yield
    }) : () -> ()
    %mul3A_40 = arith.constant 640 : i32
    %mul3A_41 = arith.muli %arg1, %mul3A_40 : i32
    %add3A_42 = arith.constant 384 : i32
    %add3A_43 = arith.addi %mul3A_41, %add3A_42 : i32
    "tpu.region"() ({
      %run_scoped3A_119 = tpu.sem_alloc : memref<!tpu.dma_semaphore, #tpu.memory_space<semaphore_mem>>
      %dma_start3A_120 = arith.constant 0 : i32
      %dma_start3A_121 = tpu.memref_slice %arg11[%add3A_43, %dma_start3A_120] : memref<10240x128xf32, #tpu.memory_space<vmem_shared>> -> memref<128x128xf32, #tpu.memory_space<vmem_shared>>
      tpu.enqueue_dma source(%arg6 : memref<128x128xf32, #tpu.memory_space<hbm>>) target(%dma_start3A_121 : memref<128x128xf32, #tpu.memory_space<vmem_shared>>) target_semaphore(%run_scoped3A_119 : memref<!tpu.dma_semaphore, #tpu.memory_space<semaphore_mem>>)
      %dma_wait3A = arith.constant 0 : i32
      %dma_wait3A_122 = tpu.memref_slice %arg11[%add3A_43, %dma_wait3A] : memref<10240x128xf32, #tpu.memory_space<vmem_shared>> -> memref<128x128xf32, #tpu.memory_space<vmem_shared>>
      tpu.wait_dma2 semaphore(%run_scoped3A_119 : memref<!tpu.dma_semaphore, #tpu.memory_space<semaphore_mem>>) src(%arg6 : memref<128x128xf32, #tpu.memory_space<hbm>>) dst(%dma_wait3A_122 : memref<128x128xf32, #tpu.memory_space<vmem_shared>>)
      tpu.yield
    }) : () -> ()
    %mul3A_44 = arith.constant 640 : i32
    %mul3A_45 = arith.muli %arg1, %mul3A_44 : i32
    %add3A_46 = arith.constant 512 : i32
    %add3A_47 = arith.addi %mul3A_45, %add3A_46 : i32
    "tpu.region"() ({
      %run_scoped3A_119 = tpu.sem_alloc : memref<!tpu.dma_semaphore, #tpu.memory_space<semaphore_mem>>
      %dma_start3A_120 = arith.constant 0 : i32
      %dma_start3A_121 = tpu.memref_slice %arg11[%add3A_47, %dma_start3A_120] : memref<10240x128xf32, #tpu.memory_space<vmem_shared>> -> memref<128x128xf32, #tpu.memory_space<vmem_shared>>
      tpu.enqueue_dma source(%arg6 : memref<128x128xf32, #tpu.memory_space<hbm>>) target(%dma_start3A_121 : memref<128x128xf32, #tpu.memory_space<vmem_shared>>) target_semaphore(%run_scoped3A_119 : memref<!tpu.dma_semaphore, #tpu.memory_space<semaphore_mem>>)
      %dma_wait3A = arith.constant 0 : i32
      %dma_wait3A_122 = tpu.memref_slice %arg11[%add3A_47, %dma_wait3A] : memref<10240x128xf32, #tpu.memory_space<vmem_shared>> -> memref<128x128xf32, #tpu.memory_space<vmem_shared>>
      tpu.wait_dma2 semaphore(%run_scoped3A_119 : memref<!tpu.dma_semaphore, #tpu.memory_space<semaphore_mem>>) src(%arg6 : memref<128x128xf32, #tpu.memory_space<hbm>>) dst(%dma_wait3A_122 : memref<128x128xf32, #tpu.memory_space<vmem_shared>>)
      tpu.yield
    }) : () -> ()
    %barrier3A = arith.constant 0 : index
    tpu.barrier barrier_id(%barrier3A)
    %scan3A = arith.constant 0 : i32
    %scan3A_48 = arith.constant 0 : i32
    %scan3A_49 = arith.constant 20 : i32
    %scan3A_50 = arith.addi %scan3A_48, %scan3A_49 : i32
    %scan3A_51 = arith.constant 1 : i32
    %scan3A_52 = scf.for %scan3A_119 = %scan3A_48 to %scan3A_50 step %scan3A_51 iter_args(%scan3A_120 = %scan3A) -> (i32)  : i32 {
      %mul3A_121 = arith.constant 2 : i32
      %mul3A_122 = arith.muli %scan3A_119, %mul3A_121 : i32
      %add3A_123 = arith.constant 0 : i32
      %add3A_124 = arith.addi %mul3A_122, %add3A_123 : i32
      %dma_wait3A = arith.constant 0 : i32
      %dma_wait3A_125 = arith.constant 0 : i32
      %dma_wait3A_126 = arith.constant 0 : i32
      %dma_wait3A_127 = tpu.memref_slice %arg10[%dma_wait3A, %dma_wait3A_125, %dma_wait3A_126] : memref<2x128x128xf32, #tpu.memory_space<vmem>> -> memref<1x128x128xf32, #tpu.memory_space<vmem>>
      %dma_wait3A_128 = tpu.memref_squeeze %dma_wait3A_127 : memref<1x128x128xf32, #tpu.memory_space<vmem>> -> memref<128x128xf32, #tpu.memory_space<vmem>>
      %dma_wait3A_129 = arith.constant 0 : i32
      %dma_wait3A_130 = tpu.memref_slice %arg8[%add3A_124, %dma_wait3A_129] : memref<40x128xi32, #tpu.memory_space<vmem>> -> memref<1x128xi32, #tpu.memory_space<vmem>>
      %dma_wait3A_131 = tpu.memref_squeeze %dma_wait3A_130 : memref<1x128xi32, #tpu.memory_space<vmem>> -> memref<128xi32, #tpu.memory_space<vmem>>
      %dma_wait3A_132 = arith.constant 0 : i32
      %dma_wait3A_133 = arith.constant 0 : i32
      %dma_wait3A_134 = tpu.memref_slice %arg2[%dma_wait3A_132, %dma_wait3A_133] : memref<10240x128xf32, #tpu.memory_space<hbm>> -> memref<10240x128xf32, #tpu.memory_space<hbm>>
      tpu.wait_indirect_dma semaphore(%arg12 : memref<!tpu.dma_semaphore, #tpu.memory_space<semaphore_mem>>) src(%dma_wait3A_134 : memref<10240x128xf32, #tpu.memory_space<hbm>>) dst(%dma_wait3A_128 : memref<128x128xf32, #tpu.memory_space<vmem>>)
      %run_scoped3A_135 = arith.constant 0 : i32
      "tpu.region"() ({
        %run_scoped3A_164 = tpu.sem_alloc : memref<!tpu.dma_semaphore, #tpu.memory_space<semaphore_mem>>
        %dma_start3A_165 = arith.constant 0 : i32
        %dma_start3A_166 = arith.constant 0 : i32
        %dma_start3A_167 = tpu.memref_slice %arg10[%run_scoped3A_135, %dma_start3A_165, %dma_start3A_166] : memref<2x128x128xf32, #tpu.memory_space<vmem>> -> memref<1x128x128xf32, #tpu.memory_space<vmem>>
        %dma_start3A_168 = tpu.memref_squeeze %dma_start3A_167 : memref<1x128x128xf32, #tpu.memory_space<vmem>> -> memref<128x128xf32, #tpu.memory_space<vmem>>
        %dma_start3A_169 = arith.constant 0 : i32
        %dma_start3A_170 = tpu.memref_slice %arg9[%add3A_124, %dma_start3A_169] : memref<40x128xi32, #tpu.memory_space<vmem>> -> memref<1x128xi32, #tpu.memory_space<vmem>>
        %dma_start3A_171 = tpu.memref_squeeze %dma_start3A_170 : memref<1x128xi32, #tpu.memory_space<vmem>> -> memref<128xi32, #tpu.memory_space<vmem>>
        %dma_start3A_172 = arith.constant 0 : i32
        %dma_start3A_173 = arith.constant 0 : i32
        %dma_start3A_174 = tpu.memref_slice %arg11[%dma_start3A_172, %dma_start3A_173] : memref<10240x128xf32, #tpu.memory_space<vmem_shared>> -> memref<10240x128xf32, #tpu.memory_space<vmem_shared>>
        tpu.enqueue_indirect_dma source(%dma_start3A_168 : memref<128x128xf32, #tpu.memory_space<vmem>>) target(%dma_start3A_174 : memref<10240x128xf32, #tpu.memory_space<vmem_shared>>) offsets(%dma_start3A_171 : memref<128xi32, #tpu.memory_space<vmem>>) semaphore(%run_scoped3A_164 : memref<!tpu.dma_semaphore, #tpu.memory_space<semaphore_mem>>) {add = true}
        %dma_wait3A_175 = arith.constant 0 : i32
        %dma_wait3A_176 = arith.constant 0 : i32
        %dma_wait3A_177 = tpu.memref_slice %arg10[%run_scoped3A_135, %dma_wait3A_175, %dma_wait3A_176] : memref<2x128x128xf32, #tpu.memory_space<vmem>> -> memref<1x128x128xf32, #tpu.memory_space<vmem>>
        %dma_wait3A_178 = tpu.memref_squeeze %dma_wait3A_177 : memref<1x128x128xf32, #tpu.memory_space<vmem>> -> memref<128x128xf32, #tpu.memory_space<vmem>>
        %dma_wait3A_179 = arith.constant 0 : i32
        %dma_wait3A_180 = tpu.memref_slice %arg9[%add3A_124, %dma_wait3A_179] : memref<40x128xi32, #tpu.memory_space<vmem>> -> memref<1x128xi32, #tpu.memory_space<vmem>>
        %dma_wait3A_181 = tpu.memref_squeeze %dma_wait3A_180 : memref<1x128xi32, #tpu.memory_space<vmem>> -> memref<128xi32, #tpu.memory_space<vmem>>
        %dma_wait3A_182 = arith.constant 0 : i32
        %dma_wait3A_183 = arith.constant 0 : i32
        %dma_wait3A_184 = tpu.memref_slice %arg11[%dma_wait3A_182, %dma_wait3A_183] : memref<10240x128xf32, #tpu.memory_space<vmem_shared>> -> memref<10240x128xf32, #tpu.memory_space<vmem_shared>>
        tpu.wait_indirect_dma semaphore(%run_scoped3A_164 : memref<!tpu.dma_semaphore, #tpu.memory_space<semaphore_mem>>) src(%dma_wait3A_178 : memref<128x128xf32, #tpu.memory_space<vmem>>) dst(%dma_wait3A_184 : memref<10240x128xf32, #tpu.memory_space<vmem_shared>>)
        tpu.yield
      }) : () -> ()
      %add3A_136 = arith.constant 2 : i32
      %add3A_137 = arith.addi %add3A_124, %add3A_136 : i32
      %lt3A = arith.constant 40 : i32
      %lt3A_138 = arith.cmpi slt, %add3A_137, %lt3A : i32
      %convert_element_type3A = arith.extui %lt3A_138 : i1 to i32
      %cond3A = arith.constant 0 : i32
      %cond3A_139 = arith.cmpi ne, %convert_element_type3A, %cond3A : i32
      scf.if %cond3A_139 {
        %add3A_164 = arith.constant 2 : i32
        %add3A_165 = arith.addi %add3A_124, %add3A_164 : i32
        %dma_start3A_166 = arith.constant 0 : i32
        %dma_start3A_167 = arith.constant 0 : i32
        %dma_start3A_168 = arith.constant 0 : i32
        %dma_start3A_169 = tpu.memref_slice %arg10[%dma_start3A_166, %dma_start3A_167, %dma_start3A_168] : memref<2x128x128xf32, #tpu.memory_space<vmem>> -> memref<1x128x128xf32, #tpu.memory_space<vmem>>
        %dma_start3A_170 = tpu.memref_squeeze %dma_start3A_169 : memref<1x128x128xf32, #tpu.memory_space<vmem>> -> memref<128x128xf32, #tpu.memory_space<vmem>>
        %dma_start3A_171 = arith.constant 0 : i32
        %dma_start3A_172 = tpu.memref_slice %arg8[%add3A_165, %dma_start3A_171] : memref<40x128xi32, #tpu.memory_space<vmem>> -> memref<1x128xi32, #tpu.memory_space<vmem>>
        %dma_start3A_173 = tpu.memref_squeeze %dma_start3A_172 : memref<1x128xi32, #tpu.memory_space<vmem>> -> memref<128xi32, #tpu.memory_space<vmem>>
        %dma_start3A_174 = arith.constant 0 : i32
        %dma_start3A_175 = arith.constant 0 : i32
        %dma_start3A_176 = tpu.memref_slice %arg2[%dma_start3A_174, %dma_start3A_175] : memref<10240x128xf32, #tpu.memory_space<hbm>> -> memref<10240x128xf32, #tpu.memory_space<hbm>>
        tpu.enqueue_indirect_dma source(%dma_start3A_176 : memref<10240x128xf32, #tpu.memory_space<hbm>>) target(%dma_start3A_170 : memref<128x128xf32, #tpu.memory_space<vmem>>) offsets(%dma_start3A_173 : memref<128xi32, #tpu.memory_space<vmem>>) semaphore(%arg12 : memref<!tpu.dma_semaphore, #tpu.memory_space<semaphore_mem>>)
      } else {
      }
      %mul3A_140 = arith.constant 2 : i32
      %mul3A_141 = arith.muli %scan3A_119, %mul3A_140 : i32
      %add3A_142 = arith.constant 1 : i32
      %add3A_143 = arith.addi %mul3A_141, %add3A_142 : i32
      %dma_wait3A_144 = arith.constant 1 : i32
      %dma_wait3A_145 = arith.constant 0 : i32
      %dma_wait3A_146 = arith.constant 0 : i32
      %dma_wait3A_147 = tpu.memref_slice %arg10[%dma_wait3A_144, %dma_wait3A_145, %dma_wait3A_146] : memref<2x128x128xf32, #tpu.memory_space<vmem>> -> memref<1x128x128xf32, #tpu.memory_space<vmem>>
      %dma_wait3A_148 = tpu.memref_squeeze %dma_wait3A_147 : memref<1x128x128xf32, #tpu.memory_space<vmem>> -> memref<128x128xf32, #tpu.memory_space<vmem>>
      %dma_wait3A_149 = arith.constant 0 : i32
      %dma_wait3A_150 = tpu.memref_slice %arg8[%add3A_143, %dma_wait3A_149] : memref<40x128xi32, #tpu.memory_space<vmem>> -> memref<1x128xi32, #tpu.memory_space<vmem>>
      %dma_wait3A_151 = tpu.memref_squeeze %dma_wait3A_150 : memref<1x128xi32, #tpu.memory_space<vmem>> -> memref<128xi32, #tpu.memory_space<vmem>>
      %dma_wait3A_152 = arith.constant 0 : i32
      %dma_wait3A_153 = arith.constant 0 : i32
      %dma_wait3A_154 = tpu.memref_slice %arg2[%dma_wait3A_152, %dma_wait3A_153] : memref<10240x128xf32, #tpu.memory_space<hbm>> -> memref<10240x128xf32, #tpu.memory_space<hbm>>
      tpu.wait_indirect_dma semaphore(%arg13 : memref<!tpu.dma_semaphore, #tpu.memory_space<semaphore_mem>>) src(%dma_wait3A_154 : memref<10240x128xf32, #tpu.memory_space<hbm>>) dst(%dma_wait3A_148 : memref<128x128xf32, #tpu.memory_space<vmem>>)
      %run_scoped3A_155 = arith.constant 1 : i32
      "tpu.region"() ({
        %run_scoped3A_164 = tpu.sem_alloc : memref<!tpu.dma_semaphore, #tpu.memory_space<semaphore_mem>>
        %dma_start3A_165 = arith.constant 0 : i32
        %dma_start3A_166 = arith.constant 0 : i32
        %dma_start3A_167 = tpu.memref_slice %arg10[%run_scoped3A_155, %dma_start3A_165, %dma_start3A_166] : memref<2x128x128xf32, #tpu.memory_space<vmem>> -> memref<1x128x128xf32, #tpu.memory_space<vmem>>
        %dma_start3A_168 = tpu.memref_squeeze %dma_start3A_167 : memref<1x128x128xf32, #tpu.memory_space<vmem>> -> memref<128x128xf32, #tpu.memory_space<vmem>>
        %dma_start3A_169 = arith.constant 0 : i32
        %dma_start3A_170 = tpu.memref_slice %arg9[%add3A_143, %dma_start3A_169] : memref<40x128xi32, #tpu.memory_space<vmem>> -> memref<1x128xi32, #tpu.memory_space<vmem>>
        %dma_start3A_171 = tpu.memref_squeeze %dma_start3A_170 : memref<1x128xi32, #tpu.memory_space<vmem>> -> memref<128xi32, #tpu.memory_space<vmem>>
        %dma_start3A_172 = arith.constant 0 : i32
        %dma_start3A_173 = arith.constant 0 : i32
        %dma_start3A_174 = tpu.memref_slice %arg11[%dma_start3A_172, %dma_start3A_173] : memref<10240x128xf32, #tpu.memory_space<vmem_shared>> -> memref<10240x128xf32, #tpu.memory_space<vmem_shared>>
        tpu.enqueue_indirect_dma source(%dma_start3A_168 : memref<128x128xf32, #tpu.memory_space<vmem>>) target(%dma_start3A_174 : memref<10240x128xf32, #tpu.memory_space<vmem_shared>>) offsets(%dma_start3A_171 : memref<128xi32, #tpu.memory_space<vmem>>) semaphore(%run_scoped3A_164 : memref<!tpu.dma_semaphore, #tpu.memory_space<semaphore_mem>>) {add = true}
        %dma_wait3A_175 = arith.constant 0 : i32
        %dma_wait3A_176 = arith.constant 0 : i32
        %dma_wait3A_177 = tpu.memref_slice %arg10[%run_scoped3A_155, %dma_wait3A_175, %dma_wait3A_176] : memref<2x128x128xf32, #tpu.memory_space<vmem>> -> memref<1x128x128xf32, #tpu.memory_space<vmem>>
        %dma_wait3A_178 = tpu.memref_squeeze %dma_wait3A_177 : memref<1x128x128xf32, #tpu.memory_space<vmem>> -> memref<128x128xf32, #tpu.memory_space<vmem>>
        %dma_wait3A_179 = arith.constant 0 : i32
        %dma_wait3A_180 = tpu.memref_slice %arg9[%add3A_143, %dma_wait3A_179] : memref<40x128xi32, #tpu.memory_space<vmem>> -> memref<1x128xi32, #tpu.memory_space<vmem>>
        %dma_wait3A_181 = tpu.memref_squeeze %dma_wait3A_180 : memref<1x128xi32, #tpu.memory_space<vmem>> -> memref<128xi32, #tpu.memory_space<vmem>>
        %dma_wait3A_182 = arith.constant 0 : i32
        %dma_wait3A_183 = arith.constant 0 : i32
        %dma_wait3A_184 = tpu.memref_slice %arg11[%dma_wait3A_182, %dma_wait3A_183] : memref<10240x128xf32, #tpu.memory_space<vmem_shared>> -> memref<10240x128xf32, #tpu.memory_space<vmem_shared>>
        tpu.wait_indirect_dma semaphore(%run_scoped3A_164 : memref<!tpu.dma_semaphore, #tpu.memory_space<semaphore_mem>>) src(%dma_wait3A_178 : memref<128x128xf32, #tpu.memory_space<vmem>>) dst(%dma_wait3A_184 : memref<10240x128xf32, #tpu.memory_space<vmem_shared>>)
        tpu.yield
      }) : () -> ()
      %add3A_156 = arith.constant 2 : i32
      %add3A_157 = arith.addi %add3A_143, %add3A_156 : i32
      %lt3A_158 = arith.constant 40 : i32
      %lt3A_159 = arith.cmpi slt, %add3A_157, %lt3A_158 : i32
      %convert_element_type3A_160 = arith.extui %lt3A_159 : i1 to i32
      %cond3A_161 = arith.constant 0 : i32
      %cond3A_162 = arith.cmpi ne, %convert_element_type3A_160, %cond3A_161 : i32
      scf.if %cond3A_162 {
        %add3A_164 = arith.constant 2 : i32
        %add3A_165 = arith.addi %add3A_143, %add3A_164 : i32
        %dma_start3A_166 = arith.constant 1 : i32
        %dma_start3A_167 = arith.constant 0 : i32
        %dma_start3A_168 = arith.constant 0 : i32
        %dma_start3A_169 = tpu.memref_slice %arg10[%dma_start3A_166, %dma_start3A_167, %dma_start3A_168] : memref<2x128x128xf32, #tpu.memory_space<vmem>> -> memref<1x128x128xf32, #tpu.memory_space<vmem>>
        %dma_start3A_170 = tpu.memref_squeeze %dma_start3A_169 : memref<1x128x128xf32, #tpu.memory_space<vmem>> -> memref<128x128xf32, #tpu.memory_space<vmem>>
        %dma_start3A_171 = arith.constant 0 : i32
        %dma_start3A_172 = tpu.memref_slice %arg8[%add3A_165, %dma_start3A_171] : memref<40x128xi32, #tpu.memory_space<vmem>> -> memref<1x128xi32, #tpu.memory_space<vmem>>
        %dma_start3A_173 = tpu.memref_squeeze %dma_start3A_172 : memref<1x128xi32, #tpu.memory_space<vmem>> -> memref<128xi32, #tpu.memory_space<vmem>>
        %dma_start3A_174 = arith.constant 0 : i32
        %dma_start3A_175 = arith.constant 0 : i32
        %dma_start3A_176 = tpu.memref_slice %arg2[%dma_start3A_174, %dma_start3A_175] : memref<10240x128xf32, #tpu.memory_space<hbm>> -> memref<10240x128xf32, #tpu.memory_space<hbm>>
        tpu.enqueue_indirect_dma source(%dma_start3A_176 : memref<10240x128xf32, #tpu.memory_space<hbm>>) target(%dma_start3A_170 : memref<128x128xf32, #tpu.memory_space<vmem>>) offsets(%dma_start3A_173 : memref<128xi32, #tpu.memory_space<vmem>>) semaphore(%arg13 : memref<!tpu.dma_semaphore, #tpu.memory_space<semaphore_mem>>)
      } else {
      }
      %scan3A_163 = arith.constant 0 : i32
      scf.yield %scan3A_163 : i32
    }
    %scan3A_53 = arith.constant 20 : i32
    %barrier3A_54 = arith.constant 0 : index
    tpu.barrier barrier_id(%barrier3A_54)
    %mul3A_55 = arith.constant 640 : i32
    %mul3A_56 = arith.muli %arg1, %mul3A_55 : i32
    %mul3A_57 = arith.constant 640 : i32
    %mul3A_58 = arith.muli %arg1, %mul3A_57 : i32
    %run_scoped3A = arith.constant 0 : i32
    "tpu.region"() ({
      %run_scoped3A_119 = tpu.sem_alloc : memref<!tpu.dma_semaphore, #tpu.memory_space<semaphore_mem>>
      %dma_start3A_120 = arith.constant 0 : i32
      %dma_start3A_121 = tpu.memref_slice %arg7[%run_scoped3A, %arg0, %mul3A_58, %dma_start3A_120] : memref<2x2x10240x128xf32, #tpu.memory_space<hbm>> -> memref<1x1x640x128xf32, #tpu.memory_space<hbm>>
      %dma_start3A_122 = tpu.memref_squeeze %dma_start3A_121 : memref<1x1x640x128xf32, #tpu.memory_space<hbm>> -> memref<640x128xf32, #tpu.memory_space<hbm>>
      %dma_start3A_123 = arith.constant 0 : i32
      %dma_start3A_124 = tpu.memref_slice %arg11[%mul3A_56, %dma_start3A_123] : memref<10240x128xf32, #tpu.memory_space<vmem_shared>> -> memref<640x128xf32, #tpu.memory_space<vmem_shared>>
      tpu.enqueue_dma source(%dma_start3A_124 : memref<640x128xf32, #tpu.memory_space<vmem_shared>>) target(%dma_start3A_122 : memref<640x128xf32, #tpu.memory_space<hbm>>) target_semaphore(%run_scoped3A_119 : memref<!tpu.dma_semaphore, #tpu.memory_space<semaphore_mem>>)
      %dma_wait3A = arith.constant 0 : i32
      %dma_wait3A_125 = tpu.memref_slice %arg7[%run_scoped3A, %arg0, %mul3A_58, %dma_wait3A] : memref<2x2x10240x128xf32, #tpu.memory_space<hbm>> -> memref<1x1x640x128xf32, #tpu.memory_space<hbm>>
      %dma_wait3A_126 = tpu.memref_squeeze %dma_wait3A_125 : memref<1x1x640x128xf32, #tpu.memory_space<hbm>> -> memref<640x128xf32, #tpu.memory_space<hbm>>
      %dma_wait3A_127 = arith.constant 0 : i32
      %dma_wait3A_128 = tpu.memref_slice %arg11[%mul3A_56, %dma_wait3A_127] : memref<10240x128xf32, #tpu.memory_space<vmem_shared>> -> memref<640x128xf32, #tpu.memory_space<vmem_shared>>
      tpu.wait_dma2 semaphore(%run_scoped3A_119 : memref<!tpu.dma_semaphore, #tpu.memory_space<semaphore_mem>>) src(%dma_wait3A_128 : memref<640x128xf32, #tpu.memory_space<vmem_shared>>) dst(%dma_wait3A_126 : memref<640x128xf32, #tpu.memory_space<hbm>>)
      tpu.yield
    }) : () -> ()
    %barrier3A_59 = arith.constant 0 : index
    tpu.barrier barrier_id(%barrier3A_59)
    %dma_start3A_60 = arith.constant 0 : i32
    %dma_start3A_61 = arith.constant 0 : i32
    %dma_start3A_62 = arith.constant 0 : i32
    %dma_start3A_63 = arith.constant 0 : i32
    %dma_start3A_64 = tpu.memref_slice %arg10[%dma_start3A_61, %dma_start3A_62, %dma_start3A_63] : memref<2x128x128xf32, #tpu.memory_space<vmem>> -> memref<1x128x128xf32, #tpu.memory_space<vmem>>
    %dma_start3A_65 = tpu.memref_squeeze %dma_start3A_64 : memref<1x128x128xf32, #tpu.memory_space<vmem>> -> memref<128x128xf32, #tpu.memory_space<vmem>>
    %dma_start3A_66 = arith.constant 0 : i32
    %dma_start3A_67 = tpu.memref_slice %arg8[%dma_start3A_60, %dma_start3A_66] : memref<40x128xi32, #tpu.memory_space<vmem>> -> memref<1x128xi32, #tpu.memory_space<vmem>>
    %dma_start3A_68 = tpu.memref_squeeze %dma_start3A_67 : memref<1x128xi32, #tpu.memory_space<vmem>> -> memref<128xi32, #tpu.memory_space<vmem>>
    %dma_start3A_69 = arith.constant 0 : i32
    %dma_start3A_70 = arith.constant 0 : i32
    %dma_start3A_71 = tpu.memref_slice %arg3[%dma_start3A_69, %dma_start3A_70] : memref<10240x128xf32, #tpu.memory_space<hbm>> -> memref<10240x128xf32, #tpu.memory_space<hbm>>
    tpu.enqueue_indirect_dma source(%dma_start3A_71 : memref<10240x128xf32, #tpu.memory_space<hbm>>) target(%dma_start3A_65 : memref<128x128xf32, #tpu.memory_space<vmem>>) offsets(%dma_start3A_68 : memref<128xi32, #tpu.memory_space<vmem>>) semaphore(%arg12 : memref<!tpu.dma_semaphore, #tpu.memory_space<semaphore_mem>>)
    %dma_start3A_72 = arith.constant 1 : i32
    %dma_start3A_73 = arith.constant 1 : i32
    %dma_start3A_74 = arith.constant 0 : i32
    %dma_start3A_75 = arith.constant 0 : i32
    %dma_start3A_76 = tpu.memref_slice %arg10[%dma_start3A_73, %dma_start3A_74, %dma_start3A_75] : memref<2x128x128xf32, #tpu.memory_space<vmem>> -> memref<1x128x128xf32, #tpu.memory_space<vmem>>
    %dma_start3A_77 = tpu.memref_squeeze %dma_start3A_76 : memref<1x128x128xf32, #tpu.memory_space<vmem>> -> memref<128x128xf32, #tpu.memory_space<vmem>>
    %dma_start3A_78 = arith.constant 0 : i32
    %dma_start3A_79 = tpu.memref_slice %arg8[%dma_start3A_72, %dma_start3A_78] : memref<40x128xi32, #tpu.memory_space<vmem>> -> memref<1x128xi32, #tpu.memory_space<vmem>>
    %dma_start3A_80 = tpu.memref_squeeze %dma_start3A_79 : memref<1x128xi32, #tpu.memory_space<vmem>> -> memref<128xi32, #tpu.memory_space<vmem>>
    %dma_start3A_81 = arith.constant 0 : i32
    %dma_start3A_82 = arith.constant 0 : i32
    %dma_start3A_83 = tpu.memref_slice %arg3[%dma_start3A_81, %dma_start3A_82] : memref<10240x128xf32, #tpu.memory_space<hbm>> -> memref<10240x128xf32, #tpu.memory_space<hbm>>
    tpu.enqueue_indirect_dma source(%dma_start3A_83 : memref<10240x128xf32, #tpu.memory_space<hbm>>) target(%dma_start3A_77 : memref<128x128xf32, #tpu.memory_space<vmem>>) offsets(%dma_start3A_80 : memref<128xi32, #tpu.memory_space<vmem>>) semaphore(%arg13 : memref<!tpu.dma_semaphore, #tpu.memory_space<semaphore_mem>>)
    %mul3A_84 = arith.constant 640 : i32
    %mul3A_85 = arith.muli %arg1, %mul3A_84 : i32
    %add3A_86 = arith.constant 0 : i32
    %add3A_87 = arith.addi %mul3A_85, %add3A_86 : i32
    "tpu.region"() ({
      %run_scoped3A_119 = tpu.sem_alloc : memref<!tpu.dma_semaphore, #tpu.memory_space<semaphore_mem>>
      %dma_start3A_120 = arith.constant 0 : i32
      %dma_start3A_121 = tpu.memref_slice %arg11[%add3A_87, %dma_start3A_120] : memref<10240x128xf32, #tpu.memory_space<vmem_shared>> -> memref<128x128xf32, #tpu.memory_space<vmem_shared>>
      tpu.enqueue_dma source(%arg6 : memref<128x128xf32, #tpu.memory_space<hbm>>) target(%dma_start3A_121 : memref<128x128xf32, #tpu.memory_space<vmem_shared>>) target_semaphore(%run_scoped3A_119 : memref<!tpu.dma_semaphore, #tpu.memory_space<semaphore_mem>>)
      %dma_wait3A = arith.constant 0 : i32
      %dma_wait3A_122 = tpu.memref_slice %arg11[%add3A_87, %dma_wait3A] : memref<10240x128xf32, #tpu.memory_space<vmem_shared>> -> memref<128x128xf32, #tpu.memory_space<vmem_shared>>
      tpu.wait_dma2 semaphore(%run_scoped3A_119 : memref<!tpu.dma_semaphore, #tpu.memory_space<semaphore_mem>>) src(%arg6 : memref<128x128xf32, #tpu.memory_space<hbm>>) dst(%dma_wait3A_122 : memref<128x128xf32, #tpu.memory_space<vmem_shared>>)
      tpu.yield
    }) : () -> ()
    %mul3A_88 = arith.constant 640 : i32
    %mul3A_89 = arith.muli %arg1, %mul3A_88 : i32
    %add3A_90 = arith.constant 128 : i32
    %add3A_91 = arith.addi %mul3A_89, %add3A_90 : i32
    "tpu.region"() ({
      %run_scoped3A_119 = tpu.sem_alloc : memref<!tpu.dma_semaphore, #tpu.memory_space<semaphore_mem>>
      %dma_start3A_120 = arith.constant 0 : i32
      %dma_start3A_121 = tpu.memref_slice %arg11[%add3A_91, %dma_start3A_120] : memref<10240x128xf32, #tpu.memory_space<vmem_shared>> -> memref<128x128xf32, #tpu.memory_space<vmem_shared>>
      tpu.enqueue_dma source(%arg6 : memref<128x128xf32, #tpu.memory_space<hbm>>) target(%dma_start3A_121 : memref<128x128xf32, #tpu.memory_space<vmem_shared>>) target_semaphore(%run_scoped3A_119 : memref<!tpu.dma_semaphore, #tpu.memory_space<semaphore_mem>>)
      %dma_wait3A = arith.constant 0 : i32
      %dma_wait3A_122 = tpu.memref_slice %arg11[%add3A_91, %dma_wait3A] : memref<10240x128xf32, #tpu.memory_space<vmem_shared>> -> memref<128x128xf32, #tpu.memory_space<vmem_shared>>
      tpu.wait_dma2 semaphore(%run_scoped3A_119 : memref<!tpu.dma_semaphore, #tpu.memory_space<semaphore_mem>>) src(%arg6 : memref<128x128xf32, #tpu.memory_space<hbm>>) dst(%dma_wait3A_122 : memref<128x128xf32, #tpu.memory_space<vmem_shared>>)
      tpu.yield
    }) : () -> ()
    %mul3A_92 = arith.constant 640 : i32
    %mul3A_93 = arith.muli %arg1, %mul3A_92 : i32
    %add3A_94 = arith.constant 256 : i32
    %add3A_95 = arith.addi %mul3A_93, %add3A_94 : i32
    "tpu.region"() ({
      %run_scoped3A_119 = tpu.sem_alloc : memref<!tpu.dma_semaphore, #tpu.memory_space<semaphore_mem>>
      %dma_start3A_120 = arith.constant 0 : i32
      %dma_start3A_121 = tpu.memref_slice %arg11[%add3A_95, %dma_start3A_120] : memref<10240x128xf32, #tpu.memory_space<vmem_shared>> -> memref<128x128xf32, #tpu.memory_space<vmem_shared>>
      tpu.enqueue_dma source(%arg6 : memref<128x128xf32, #tpu.memory_space<hbm>>) target(%dma_start3A_121 : memref<128x128xf32, #tpu.memory_space<vmem_shared>>) target_semaphore(%run_scoped3A_119 : memref<!tpu.dma_semaphore, #tpu.memory_space<semaphore_mem>>)
      %dma_wait3A = arith.constant 0 : i32
      %dma_wait3A_122 = tpu.memref_slice %arg11[%add3A_95, %dma_wait3A] : memref<10240x128xf32, #tpu.memory_space<vmem_shared>> -> memref<128x128xf32, #tpu.memory_space<vmem_shared>>
      tpu.wait_dma2 semaphore(%run_scoped3A_119 : memref<!tpu.dma_semaphore, #tpu.memory_space<semaphore_mem>>) src(%arg6 : memref<128x128xf32, #tpu.memory_space<hbm>>) dst(%dma_wait3A_122 : memref<128x128xf32, #tpu.memory_space<vmem_shared>>)
      tpu.yield
    }) : () -> ()
    %mul3A_96 = arith.constant 640 : i32
    %mul3A_97 = arith.muli %arg1, %mul3A_96 : i32
    %add3A_98 = arith.constant 384 : i32
    %add3A_99 = arith.addi %mul3A_97, %add3A_98 : i32
    "tpu.region"() ({
      %run_scoped3A_119 = tpu.sem_alloc : memref<!tpu.dma_semaphore, #tpu.memory_space<semaphore_mem>>
      %dma_start3A_120 = arith.constant 0 : i32
      %dma_start3A_121 = tpu.memref_slice %arg11[%add3A_99, %dma_start3A_120] : memref<10240x128xf32, #tpu.memory_space<vmem_shared>> -> memref<128x128xf32, #tpu.memory_space<vmem_shared>>
      tpu.enqueue_dma source(%arg6 : memref<128x128xf32, #tpu.memory_space<hbm>>) target(%dma_start3A_121 : memref<128x128xf32, #tpu.memory_space<vmem_shared>>) target_semaphore(%run_scoped3A_119 : memref<!tpu.dma_semaphore, #tpu.memory_space<semaphore_mem>>)
      %dma_wait3A = arith.constant 0 : i32
      %dma_wait3A_122 = tpu.memref_slice %arg11[%add3A_99, %dma_wait3A] : memref<10240x128xf32, #tpu.memory_space<vmem_shared>> -> memref<128x128xf32, #tpu.memory_space<vmem_shared>>
      tpu.wait_dma2 semaphore(%run_scoped3A_119 : memref<!tpu.dma_semaphore, #tpu.memory_space<semaphore_mem>>) src(%arg6 : memref<128x128xf32, #tpu.memory_space<hbm>>) dst(%dma_wait3A_122 : memref<128x128xf32, #tpu.memory_space<vmem_shared>>)
      tpu.yield
    }) : () -> ()
    %mul3A_100 = arith.constant 640 : i32
    %mul3A_101 = arith.muli %arg1, %mul3A_100 : i32
    %add3A_102 = arith.constant 512 : i32
    %add3A_103 = arith.addi %mul3A_101, %add3A_102 : i32
    "tpu.region"() ({
      %run_scoped3A_119 = tpu.sem_alloc : memref<!tpu.dma_semaphore, #tpu.memory_space<semaphore_mem>>
      %dma_start3A_120 = arith.constant 0 : i32
      %dma_start3A_121 = tpu.memref_slice %arg11[%add3A_103, %dma_start3A_120] : memref<10240x128xf32, #tpu.memory_space<vmem_shared>> -> memref<128x128xf32, #tpu.memory_space<vmem_shared>>
      tpu.enqueue_dma source(%arg6 : memref<128x128xf32, #tpu.memory_space<hbm>>) target(%dma_start3A_121 : memref<128x128xf32, #tpu.memory_space<vmem_shared>>) target_semaphore(%run_scoped3A_119 : memref<!tpu.dma_semaphore, #tpu.memory_space<semaphore_mem>>)
      %dma_wait3A = arith.constant 0 : i32
      %dma_wait3A_122 = tpu.memref_slice %arg11[%add3A_103, %dma_wait3A] : memref<10240x128xf32, #tpu.memory_space<vmem_shared>> -> memref<128x128xf32, #tpu.memory_space<vmem_shared>>
      tpu.wait_dma2 semaphore(%run_scoped3A_119 : memref<!tpu.dma_semaphore, #tpu.memory_space<semaphore_mem>>) src(%arg6 : memref<128x128xf32, #tpu.memory_space<hbm>>) dst(%dma_wait3A_122 : memref<128x128xf32, #tpu.memory_space<vmem_shared>>)
      tpu.yield
    }) : () -> ()
    %barrier3A_104 = arith.constant 0 : index
    tpu.barrier barrier_id(%barrier3A_104)
    %scan3A_105 = arith.constant 0 : i32
    %scan3A_106 = arith.constant 0 : i32
    %scan3A_107 = arith.constant 20 : i32
    %scan3A_108 = arith.addi %scan3A_106, %scan3A_107 : i32
    %scan3A_109 = arith.constant 1 : i32
    %scan3A_110 = scf.for %scan3A_119 = %scan3A_106 to %scan3A_108 step %scan3A_109 iter_args(%scan3A_120 = %scan3A_105) -> (i32)  : i32 {
      %mul3A_121 = arith.constant 2 : i32
      %mul3A_122 = arith.muli %scan3A_119, %mul3A_121 : i32
      %add3A_123 = arith.constant 0 : i32
      %add3A_124 = arith.addi %mul3A_122, %add3A_123 : i32
      %dma_wait3A = arith.constant 0 : i32
      %dma_wait3A_125 = arith.constant 0 : i32
      %dma_wait3A_126 = arith.constant 0 : i32
      %dma_wait3A_127 = tpu.memref_slice %arg10[%dma_wait3A, %dma_wait3A_125, %dma_wait3A_126] : memref<2x128x128xf32, #tpu.memory_space<vmem>> -> memref<1x128x128xf32, #tpu.memory_space<vmem>>
      %dma_wait3A_128 = tpu.memref_squeeze %dma_wait3A_127 : memref<1x128x128xf32, #tpu.memory_space<vmem>> -> memref<128x128xf32, #tpu.memory_space<vmem>>
      %dma_wait3A_129 = arith.constant 0 : i32
      %dma_wait3A_130 = tpu.memref_slice %arg8[%add3A_124, %dma_wait3A_129] : memref<40x128xi32, #tpu.memory_space<vmem>> -> memref<1x128xi32, #tpu.memory_space<vmem>>
      %dma_wait3A_131 = tpu.memref_squeeze %dma_wait3A_130 : memref<1x128xi32, #tpu.memory_space<vmem>> -> memref<128xi32, #tpu.memory_space<vmem>>
      %dma_wait3A_132 = arith.constant 0 : i32
      %dma_wait3A_133 = arith.constant 0 : i32
      %dma_wait3A_134 = tpu.memref_slice %arg3[%dma_wait3A_132, %dma_wait3A_133] : memref<10240x128xf32, #tpu.memory_space<hbm>> -> memref<10240x128xf32, #tpu.memory_space<hbm>>
      tpu.wait_indirect_dma semaphore(%arg12 : memref<!tpu.dma_semaphore, #tpu.memory_space<semaphore_mem>>) src(%dma_wait3A_134 : memref<10240x128xf32, #tpu.memory_space<hbm>>) dst(%dma_wait3A_128 : memref<128x128xf32, #tpu.memory_space<vmem>>)
      %run_scoped3A_135 = arith.constant 0 : i32
      "tpu.region"() ({
        %run_scoped3A_164 = tpu.sem_alloc : memref<!tpu.dma_semaphore, #tpu.memory_space<semaphore_mem>>
        %dma_start3A_165 = arith.constant 0 : i32
        %dma_start3A_166 = arith.constant 0 : i32
        %dma_start3A_167 = tpu.memref_slice %arg10[%run_scoped3A_135, %dma_start3A_165, %dma_start3A_166] : memref<2x128x128xf32, #tpu.memory_space<vmem>> -> memref<1x128x128xf32, #tpu.memory_space<vmem>>
        %dma_start3A_168 = tpu.memref_squeeze %dma_start3A_167 : memref<1x128x128xf32, #tpu.memory_space<vmem>> -> memref<128x128xf32, #tpu.memory_space<vmem>>
        %dma_start3A_169 = arith.constant 0 : i32
        %dma_start3A_170 = tpu.memref_slice %arg9[%add3A_124, %dma_start3A_169] : memref<40x128xi32, #tpu.memory_space<vmem>> -> memref<1x128xi32, #tpu.memory_space<vmem>>
        %dma_start3A_171 = tpu.memref_squeeze %dma_start3A_170 : memref<1x128xi32, #tpu.memory_space<vmem>> -> memref<128xi32, #tpu.memory_space<vmem>>
        %dma_start3A_172 = arith.constant 0 : i32
        %dma_start3A_173 = arith.constant 0 : i32
        %dma_start3A_174 = tpu.memref_slice %arg11[%dma_start3A_172, %dma_start3A_173] : memref<10240x128xf32, #tpu.memory_space<vmem_shared>> -> memref<10240x128xf32, #tpu.memory_space<vmem_shared>>
        tpu.enqueue_indirect_dma source(%dma_start3A_168 : memref<128x128xf32, #tpu.memory_space<vmem>>) target(%dma_start3A_174 : memref<10240x128xf32, #tpu.memory_space<vmem_shared>>) offsets(%dma_start3A_171 : memref<128xi32, #tpu.memory_space<vmem>>) semaphore(%run_scoped3A_164 : memref<!tpu.dma_semaphore, #tpu.memory_space<semaphore_mem>>) {add = true}
        %dma_wait3A_175 = arith.constant 0 : i32
        %dma_wait3A_176 = arith.constant 0 : i32
        %dma_wait3A_177 = tpu.memref_slice %arg10[%run_scoped3A_135, %dma_wait3A_175, %dma_wait3A_176] : memref<2x128x128xf32, #tpu.memory_space<vmem>> -> memref<1x128x128xf32, #tpu.memory_space<vmem>>
        %dma_wait3A_178 = tpu.memref_squeeze %dma_wait3A_177 : memref<1x128x128xf32, #tpu.memory_space<vmem>> -> memref<128x128xf32, #tpu.memory_space<vmem>>
        %dma_wait3A_179 = arith.constant 0 : i32
        %dma_wait3A_180 = tpu.memref_slice %arg9[%add3A_124, %dma_wait3A_179] : memref<40x128xi32, #tpu.memory_space<vmem>> -> memref<1x128xi32, #tpu.memory_space<vmem>>
        %dma_wait3A_181 = tpu.memref_squeeze %dma_wait3A_180 : memref<1x128xi32, #tpu.memory_space<vmem>> -> memref<128xi32, #tpu.memory_space<vmem>>
        %dma_wait3A_182 = arith.constant 0 : i32
        %dma_wait3A_183 = arith.constant 0 : i32
        %dma_wait3A_184 = tpu.memref_slice %arg11[%dma_wait3A_182, %dma_wait3A_183] : memref<10240x128xf32, #tpu.memory_space<vmem_shared>> -> memref<10240x128xf32, #tpu.memory_space<vmem_shared>>
        tpu.wait_indirect_dma semaphore(%run_scoped3A_164 : memref<!tpu.dma_semaphore, #tpu.memory_space<semaphore_mem>>) src(%dma_wait3A_178 : memref<128x128xf32, #tpu.memory_space<vmem>>) dst(%dma_wait3A_184 : memref<10240x128xf32, #tpu.memory_space<vmem_shared>>)
        tpu.yield
      }) : () -> ()
      %add3A_136 = arith.constant 2 : i32
      %add3A_137 = arith.addi %add3A_124, %add3A_136 : i32
      %lt3A = arith.constant 40 : i32
      %lt3A_138 = arith.cmpi slt, %add3A_137, %lt3A : i32
      %convert_element_type3A = arith.extui %lt3A_138 : i1 to i32
      %cond3A = arith.constant 0 : i32
      %cond3A_139 = arith.cmpi ne, %convert_element_type3A, %cond3A : i32
      scf.if %cond3A_139 {
        %add3A_164 = arith.constant 2 : i32
        %add3A_165 = arith.addi %add3A_124, %add3A_164 : i32
        %dma_start3A_166 = arith.constant 0 : i32
        %dma_start3A_167 = arith.constant 0 : i32
        %dma_start3A_168 = arith.constant 0 : i32
        %dma_start3A_169 = tpu.memref_slice %arg10[%dma_start3A_166, %dma_start3A_167, %dma_start3A_168] : memref<2x128x128xf32, #tpu.memory_space<vmem>> -> memref<1x128x128xf32, #tpu.memory_space<vmem>>
        %dma_start3A_170 = tpu.memref_squeeze %dma_start3A_169 : memref<1x128x128xf32, #tpu.memory_space<vmem>> -> memref<128x128xf32, #tpu.memory_space<vmem>>
        %dma_start3A_171 = arith.constant 0 : i32
        %dma_start3A_172 = tpu.memref_slice %arg8[%add3A_165, %dma_start3A_171] : memref<40x128xi32, #tpu.memory_space<vmem>> -> memref<1x128xi32, #tpu.memory_space<vmem>>
        %dma_start3A_173 = tpu.memref_squeeze %dma_start3A_172 : memref<1x128xi32, #tpu.memory_space<vmem>> -> memref<128xi32, #tpu.memory_space<vmem>>
        %dma_start3A_174 = arith.constant 0 : i32
        %dma_start3A_175 = arith.constant 0 : i32
        %dma_start3A_176 = tpu.memref_slice %arg3[%dma_start3A_174, %dma_start3A_175] : memref<10240x128xf32, #tpu.memory_space<hbm>> -> memref<10240x128xf32, #tpu.memory_space<hbm>>
        tpu.enqueue_indirect_dma source(%dma_start3A_176 : memref<10240x128xf32, #tpu.memory_space<hbm>>) target(%dma_start3A_170 : memref<128x128xf32, #tpu.memory_space<vmem>>) offsets(%dma_start3A_173 : memref<128xi32, #tpu.memory_space<vmem>>) semaphore(%arg12 : memref<!tpu.dma_semaphore, #tpu.memory_space<semaphore_mem>>)
      } else {
      }
      %mul3A_140 = arith.constant 2 : i32
      %mul3A_141 = arith.muli %scan3A_119, %mul3A_140 : i32
      %add3A_142 = arith.constant 1 : i32
      %add3A_143 = arith.addi %mul3A_141, %add3A_142 : i32
      %dma_wait3A_144 = arith.constant 1 : i32
      %dma_wait3A_145 = arith.constant 0 : i32
      %dma_wait3A_146 = arith.constant 0 : i32
      %dma_wait3A_147 = tpu.memref_slice %arg10[%dma_wait3A_144, %dma_wait3A_145, %dma_wait3A_146] : memref<2x128x128xf32, #tpu.memory_space<vmem>> -> memref<1x128x128xf32, #tpu.memory_space<vmem>>
      %dma_wait3A_148 = tpu.memref_squeeze %dma_wait3A_147 : memref<1x128x128xf32, #tpu.memory_space<vmem>> -> memref<128x128xf32, #tpu.memory_space<vmem>>
      %dma_wait3A_149 = arith.constant 0 : i32
      %dma_wait3A_150 = tpu.memref_slice %arg8[%add3A_143, %dma_wait3A_149] : memref<40x128xi32, #tpu.memory_space<vmem>> -> memref<1x128xi32, #tpu.memory_space<vmem>>
      %dma_wait3A_151 = tpu.memref_squeeze %dma_wait3A_150 : memref<1x128xi32, #tpu.memory_space<vmem>> -> memref<128xi32, #tpu.memory_space<vmem>>
      %dma_wait3A_152 = arith.constant 0 : i32
      %dma_wait3A_153 = arith.constant 0 : i32
      %dma_wait3A_154 = tpu.memref_slice %arg3[%dma_wait3A_152, %dma_wait3A_153] : memref<10240x128xf32, #tpu.memory_space<hbm>> -> memref<10240x128xf32, #tpu.memory_space<hbm>>
      tpu.wait_indirect_dma semaphore(%arg13 : memref<!tpu.dma_semaphore, #tpu.memory_space<semaphore_mem>>) src(%dma_wait3A_154 : memref<10240x128xf32, #tpu.memory_space<hbm>>) dst(%dma_wait3A_148 : memref<128x128xf32, #tpu.memory_space<vmem>>)
      %run_scoped3A_155 = arith.constant 1 : i32
      "tpu.region"() ({
        %run_scoped3A_164 = tpu.sem_alloc : memref<!tpu.dma_semaphore, #tpu.memory_space<semaphore_mem>>
        %dma_start3A_165 = arith.constant 0 : i32
        %dma_start3A_166 = arith.constant 0 : i32
        %dma_start3A_167 = tpu.memref_slice %arg10[%run_scoped3A_155, %dma_start3A_165, %dma_start3A_166] : memref<2x128x128xf32, #tpu.memory_space<vmem>> -> memref<1x128x128xf32, #tpu.memory_space<vmem>>
        %dma_start3A_168 = tpu.memref_squeeze %dma_start3A_167 : memref<1x128x128xf32, #tpu.memory_space<vmem>> -> memref<128x128xf32, #tpu.memory_space<vmem>>
        %dma_start3A_169 = arith.constant 0 : i32
        %dma_start3A_170 = tpu.memref_slice %arg9[%add3A_143, %dma_start3A_169] : memref<40x128xi32, #tpu.memory_space<vmem>> -> memref<1x128xi32, #tpu.memory_space<vmem>>
        %dma_start3A_171 = tpu.memref_squeeze %dma_start3A_170 : memref<1x128xi32, #tpu.memory_space<vmem>> -> memref<128xi32, #tpu.memory_space<vmem>>
        %dma_start3A_172 = arith.constant 0 : i32
        %dma_start3A_173 = arith.constant 0 : i32
        %dma_start3A_174 = tpu.memref_slice %arg11[%dma_start3A_172, %dma_start3A_173] : memref<10240x128xf32, #tpu.memory_space<vmem_shared>> -> memref<10240x128xf32, #tpu.memory_space<vmem_shared>>
        tpu.enqueue_indirect_dma source(%dma_start3A_168 : memref<128x128xf32, #tpu.memory_space<vmem>>) target(%dma_start3A_174 : memref<10240x128xf32, #tpu.memory_space<vmem_shared>>) offsets(%dma_start3A_171 : memref<128xi32, #tpu.memory_space<vmem>>) semaphore(%run_scoped3A_164 : memref<!tpu.dma_semaphore, #tpu.memory_space<semaphore_mem>>) {add = true}
        %dma_wait3A_175 = arith.constant 0 : i32
        %dma_wait3A_176 = arith.constant 0 : i32
        %dma_wait3A_177 = tpu.memref_slice %arg10[%run_scoped3A_155, %dma_wait3A_175, %dma_wait3A_176] : memref<2x128x128xf32, #tpu.memory_space<vmem>> -> memref<1x128x128xf32, #tpu.memory_space<vmem>>
        %dma_wait3A_178 = tpu.memref_squeeze %dma_wait3A_177 : memref<1x128x128xf32, #tpu.memory_space<vmem>> -> memref<128x128xf32, #tpu.memory_space<vmem>>
        %dma_wait3A_179 = arith.constant 0 : i32
        %dma_wait3A_180 = tpu.memref_slice %arg9[%add3A_143, %dma_wait3A_179] : memref<40x128xi32, #tpu.memory_space<vmem>> -> memref<1x128xi32, #tpu.memory_space<vmem>>
        %dma_wait3A_181 = tpu.memref_squeeze %dma_wait3A_180 : memref<1x128xi32, #tpu.memory_space<vmem>> -> memref<128xi32, #tpu.memory_space<vmem>>
        %dma_wait3A_182 = arith.constant 0 : i32
        %dma_wait3A_183 = arith.constant 0 : i32
        %dma_wait3A_184 = tpu.memref_slice %arg11[%dma_wait3A_182, %dma_wait3A_183] : memref<10240x128xf32, #tpu.memory_space<vmem_shared>> -> memref<10240x128xf32, #tpu.memory_space<vmem_shared>>
        tpu.wait_indirect_dma semaphore(%run_scoped3A_164 : memref<!tpu.dma_semaphore, #tpu.memory_space<semaphore_mem>>) src(%dma_wait3A_178 : memref<128x128xf32, #tpu.memory_space<vmem>>) dst(%dma_wait3A_184 : memref<10240x128xf32, #tpu.memory_space<vmem_shared>>)
        tpu.yield
      }) : () -> ()
      %add3A_156 = arith.constant 2 : i32
      %add3A_157 = arith.addi %add3A_143, %add3A_156 : i32
      %lt3A_158 = arith.constant 40 : i32
      %lt3A_159 = arith.cmpi slt, %add3A_157, %lt3A_158 : i32
      %convert_element_type3A_160 = arith.extui %lt3A_159 : i1 to i32
      %cond3A_161 = arith.constant 0 : i32
      %cond3A_162 = arith.cmpi ne, %convert_element_type3A_160, %cond3A_161 : i32
      scf.if %cond3A_162 {
        %add3A_164 = arith.constant 2 : i32
        %add3A_165 = arith.addi %add3A_143, %add3A_164 : i32
        %dma_start3A_166 = arith.constant 1 : i32
        %dma_start3A_167 = arith.constant 0 : i32
        %dma_start3A_168 = arith.constant 0 : i32
        %dma_start3A_169 = tpu.memref_slice %arg10[%dma_start3A_166, %dma_start3A_167, %dma_start3A_168] : memref<2x128x128xf32, #tpu.memory_space<vmem>> -> memref<1x128x128xf32, #tpu.memory_space<vmem>>
        %dma_start3A_170 = tpu.memref_squeeze %dma_start3A_169 : memref<1x128x128xf32, #tpu.memory_space<vmem>> -> memref<128x128xf32, #tpu.memory_space<vmem>>
        %dma_start3A_171 = arith.constant 0 : i32
        %dma_start3A_172 = tpu.memref_slice %arg8[%add3A_165, %dma_start3A_171] : memref<40x128xi32, #tpu.memory_space<vmem>> -> memref<1x128xi32, #tpu.memory_space<vmem>>
        %dma_start3A_173 = tpu.memref_squeeze %dma_start3A_172 : memref<1x128xi32, #tpu.memory_space<vmem>> -> memref<128xi32, #tpu.memory_space<vmem>>
        %dma_start3A_174 = arith.constant 0 : i32
        %dma_start3A_175 = arith.constant 0 : i32
        %dma_start3A_176 = tpu.memref_slice %arg3[%dma_start3A_174, %dma_start3A_175] : memref<10240x128xf32, #tpu.memory_space<hbm>> -> memref<10240x128xf32, #tpu.memory_space<hbm>>
        tpu.enqueue_indirect_dma source(%dma_start3A_176 : memref<10240x128xf32, #tpu.memory_space<hbm>>) target(%dma_start3A_170 : memref<128x128xf32, #tpu.memory_space<vmem>>) offsets(%dma_start3A_173 : memref<128xi32, #tpu.memory_space<vmem>>) semaphore(%arg13 : memref<!tpu.dma_semaphore, #tpu.memory_space<semaphore_mem>>)
      } else {
      }
      %scan3A_163 = arith.constant 0 : i32
      scf.yield %scan3A_163 : i32
    }
    %scan3A_111 = arith.constant 20 : i32
    %barrier3A_112 = arith.constant 0 : index
    tpu.barrier barrier_id(%barrier3A_112)
    %mul3A_113 = arith.constant 640 : i32
    %mul3A_114 = arith.muli %arg1, %mul3A_113 : i32
    %mul3A_115 = arith.constant 640 : i32
    %mul3A_116 = arith.muli %arg1, %mul3A_115 : i32
    %run_scoped3A_117 = arith.constant 1 : i32
    "tpu.region"() ({
      %run_scoped3A_119 = tpu.sem_alloc : memref<!tpu.dma_semaphore, #tpu.memory_space<semaphore_mem>>
      %dma_start3A_120 = arith.constant 0 : i32
      %dma_start3A_121 = tpu.memref_slice %arg7[%run_scoped3A_117, %arg0, %mul3A_116, %dma_start3A_120] : memref<2x2x10240x128xf32, #tpu.memory_space<hbm>> -> memref<1x1x640x128xf32, #tpu.memory_space<hbm>>
      %dma_start3A_122 = tpu.memref_squeeze %dma_start3A_121 : memref<1x1x640x128xf32, #tpu.memory_space<hbm>> -> memref<640x128xf32, #tpu.memory_space<hbm>>
      %dma_start3A_123 = arith.constant 0 : i32
      %dma_start3A_124 = tpu.memref_slice %arg11[%mul3A_114, %dma_start3A_123] : memref<10240x128xf32, #tpu.memory_space<vmem_shared>> -> memref<640x128xf32, #tpu.memory_space<vmem_shared>>
      tpu.enqueue_dma source(%dma_start3A_124 : memref<640x128xf32, #tpu.memory_space<vmem_shared>>) target(%dma_start3A_122 : memref<640x128xf32, #tpu.memory_space<hbm>>) target_semaphore(%run_scoped3A_119 : memref<!tpu.dma_semaphore, #tpu.memory_space<semaphore_mem>>)
      %dma_wait3A = arith.constant 0 : i32
      %dma_wait3A_125 = tpu.memref_slice %arg7[%run_scoped3A_117, %arg0, %mul3A_116, %dma_wait3A] : memref<2x2x10240x128xf32, #tpu.memory_space<hbm>> -> memref<1x1x640x128xf32, #tpu.memory_space<hbm>>
      %dma_wait3A_126 = tpu.memref_squeeze %dma_wait3A_125 : memref<1x1x640x128xf32, #tpu.memory_space<hbm>> -> memref<640x128xf32, #tpu.memory_space<hbm>>
      %dma_wait3A_127 = arith.constant 0 : i32
      %dma_wait3A_128 = tpu.memref_slice %arg11[%mul3A_114, %dma_wait3A_127] : memref<10240x128xf32, #tpu.memory_space<vmem_shared>> -> memref<640x128xf32, #tpu.memory_space<vmem_shared>>
      tpu.wait_dma2 semaphore(%run_scoped3A_119 : memref<!tpu.dma_semaphore, #tpu.memory_space<semaphore_mem>>) src(%dma_wait3A_128 : memref<640x128xf32, #tpu.memory_space<vmem_shared>>) dst(%dma_wait3A_126 : memref<640x128xf32, #tpu.memory_space<hbm>>)
      tpu.yield
    }) : () -> ()
    %barrier3A_118 = arith.constant 0 : index
    tpu.barrier barrier_id(%barrier3A_118)
    return
  }
}

#map = affine_map<(d0, d1) -> (0, 0)>
#map1 = affine_map<(d0, d1) -> (0, 0, 0, 0)>
#map2 = affine_map<(d0, d1) -> (0, 0, 0)>
module attributes {stable_mosaic.version = 14 : i64} {
  func.func @sc_agg(%arg0: i32, %arg1: i32, %arg2: memref<10240x128xf32, #tpu.memory_space<hbm>>, %arg3: memref<10240x128xf32, #tpu.memory_space<hbm>>, %arg4: memref<1280x128xi32, #tpu.memory_space<hbm>>, %arg5: memref<1280x128xi32, #tpu.memory_space<hbm>>, %arg6: memref<128x128xf32, #tpu.memory_space<hbm>>, %arg7: memref<2x2x10240x128xf32, #tpu.memory_space<hbm>>, %arg8: memref<2x10240x128xf32, #tpu.memory_space<hbm>>, %arg9: memref<40x128xi32, #tpu.memory_space<vmem>>, %arg10: memref<40x128xi32, #tpu.memory_space<vmem>>, %arg11: memref<2x128x128xf32, #tpu.memory_space<vmem>>, %arg12: memref<10240x128xf32, #tpu.memory_space<vmem_shared>>, %arg13: memref<!tpu.dma_semaphore, #tpu.memory_space<semaphore_mem>>, %arg14: memref<!tpu.dma_semaphore, #tpu.memory_space<semaphore_mem>>) attributes {dimension_semantics = [#tpu.dimension_semantics<core_parallel>, #tpu.dimension_semantics<subcore_parallel>], iteration_bounds = array<i64: 2, 16>, scalar_prefetch = 0 : i64, scratch_operands = 6 : i64, tpu.core_type = #tpu.core_type<sc_vector_subcore>, window_params = [{transform_indices = #map}, {transform_indices = #map}, {transform_indices = #map}, {transform_indices = #map}, {transform_indices = #map}, {transform_indices = #map1}, {transform_indices = #map2}]} {
    %mul3A = arith.constant 16 : i32
    %mul3A_0 = arith.muli %arg0, %mul3A : i32
    %add3A = arith.addi %mul3A_0, %arg1 : i32
    %mul3A_1 = arith.constant 40 : i32
    %mul3A_2 = arith.muli %add3A, %mul3A_1 : i32
    "tpu.region"() ({
      %run_scoped3A_160 = tpu.sem_alloc : memref<!tpu.dma_semaphore, #tpu.memory_space<semaphore_mem>>
      %dma_start3A_161 = arith.constant 0 : i32
      %dma_start3A_162 = tpu.memref_slice %arg4[%mul3A_2, %dma_start3A_161] : memref<1280x128xi32, #tpu.memory_space<hbm>> -> memref<40x128xi32, #tpu.memory_space<hbm>>
      %dma_start3A_163 = arith.constant 0 : i32
      %dma_start3A_164 = tpu.memref_slice %arg4[%mul3A_2, %dma_start3A_163] : memref<1280x128xi32, #tpu.memory_space<hbm>> -> memref<40x128xi32, #tpu.memory_space<hbm>>
      tpu.enqueue_dma source(%dma_start3A_164 : memref<40x128xi32, #tpu.memory_space<hbm>>) target(%arg9 : memref<40x128xi32, #tpu.memory_space<vmem>>) target_semaphore(%run_scoped3A_160 : memref<!tpu.dma_semaphore, #tpu.memory_space<semaphore_mem>>)
      %dma_wait3A = arith.constant 0 : i32
      %dma_wait3A_165 = tpu.memref_slice %arg4[%mul3A_2, %dma_wait3A] : memref<1280x128xi32, #tpu.memory_space<hbm>> -> memref<40x128xi32, #tpu.memory_space<hbm>>
      %dma_wait3A_166 = arith.constant 0 : i32
      %dma_wait3A_167 = tpu.memref_slice %arg4[%mul3A_2, %dma_wait3A_166] : memref<1280x128xi32, #tpu.memory_space<hbm>> -> memref<40x128xi32, #tpu.memory_space<hbm>>
      tpu.wait_dma2 semaphore(%run_scoped3A_160 : memref<!tpu.dma_semaphore, #tpu.memory_space<semaphore_mem>>) src(%dma_wait3A_167 : memref<40x128xi32, #tpu.memory_space<hbm>>) dst(%arg9 : memref<40x128xi32, #tpu.memory_space<vmem>>)
      tpu.yield
    }) : () -> ()
    %mul3A_3 = arith.constant 40 : i32
    %mul3A_4 = arith.muli %add3A, %mul3A_3 : i32
    "tpu.region"() ({
      %run_scoped3A_160 = tpu.sem_alloc : memref<!tpu.dma_semaphore, #tpu.memory_space<semaphore_mem>>
      %dma_start3A_161 = arith.constant 0 : i32
      %dma_start3A_162 = tpu.memref_slice %arg5[%mul3A_4, %dma_start3A_161] : memref<1280x128xi32, #tpu.memory_space<hbm>> -> memref<40x128xi32, #tpu.memory_space<hbm>>
      %dma_start3A_163 = arith.constant 0 : i32
      %dma_start3A_164 = tpu.memref_slice %arg5[%mul3A_4, %dma_start3A_163] : memref<1280x128xi32, #tpu.memory_space<hbm>> -> memref<40x128xi32, #tpu.memory_space<hbm>>
      tpu.enqueue_dma source(%dma_start3A_164 : memref<40x128xi32, #tpu.memory_space<hbm>>) target(%arg10 : memref<40x128xi32, #tpu.memory_space<vmem>>) target_semaphore(%run_scoped3A_160 : memref<!tpu.dma_semaphore, #tpu.memory_space<semaphore_mem>>)
      %dma_wait3A = arith.constant 0 : i32
      %dma_wait3A_165 = tpu.memref_slice %arg5[%mul3A_4, %dma_wait3A] : memref<1280x128xi32, #tpu.memory_space<hbm>> -> memref<40x128xi32, #tpu.memory_space<hbm>>
      %dma_wait3A_166 = arith.constant 0 : i32
      %dma_wait3A_167 = tpu.memref_slice %arg5[%mul3A_4, %dma_wait3A_166] : memref<1280x128xi32, #tpu.memory_space<hbm>> -> memref<40x128xi32, #tpu.memory_space<hbm>>
      tpu.wait_dma2 semaphore(%run_scoped3A_160 : memref<!tpu.dma_semaphore, #tpu.memory_space<semaphore_mem>>) src(%dma_wait3A_167 : memref<40x128xi32, #tpu.memory_space<hbm>>) dst(%arg10 : memref<40x128xi32, #tpu.memory_space<vmem>>)
      tpu.yield
    }) : () -> ()
    %scan3A = arith.constant 0 : i32
    %scan3A_5 = arith.constant 0 : i32
    %scan3A_6 = arith.constant 128 : i32
    %scan3A_7 = arith.addi %scan3A_5, %scan3A_6 : i32
    %scan3A_8 = arith.constant 1 : i32
    %scan3A_9 = scf.for %scan3A_160 = %scan3A_5 to %scan3A_7 step %scan3A_8 iter_args(%scan3A_161 = %scan3A) -> (i32)  : i32 {
      %broadcast_in_dim3A = arith.constant 1.000000e+00 : f32
      %broadcast_in_dim3A_162 = vector.broadcast %broadcast_in_dim3A : f32 to vector<16xf32>
      %swap3A = arith.constant 0 : i32
      %swap3A_163 = arith.index_cast %swap3A : i32 to index
      %swap3A_164 = arith.index_cast %scan3A_160 : i32 to index
      %swap3A_165 = arith.constant 0 : index
      %swap3A_166 = tpu.vector_load %arg11[%swap3A_163, %swap3A_164, %swap3A_165] {strides = array<i32>} : memref<2x128x128xf32, #tpu.memory_space<vmem>>, vector<1x1x16xf32>,
      %swap3A_167 = vector.shape_cast %swap3A_166 : vector<1x1x16xf32> to vector<16xf32>
      %swap3A_168 = vector.shape_cast %broadcast_in_dim3A_162 : vector<16xf32> to vector<1x1x16xf32>
      tpu.vector_store %arg11[%swap3A_163, %swap3A_164, %swap3A_165], %swap3A_168 {strides = array<i32>} : memref<2x128x128xf32, #tpu.memory_space<vmem>>, vector<1x1x16xf32>,
      %broadcast_in_dim3A_169 = arith.constant 1.000000e+00 : f32
      %broadcast_in_dim3A_170 = vector.broadcast %broadcast_in_dim3A_169 : f32 to vector<16xf32>
      %swap3A_171 = arith.constant 0 : i32
      %swap3A_172 = arith.index_cast %swap3A_171 : i32 to index
      %swap3A_173 = arith.index_cast %scan3A_160 : i32 to index
      %swap3A_174 = arith.constant 16 : index
      %swap3A_175 = tpu.vector_load %arg11[%swap3A_172, %swap3A_173, %swap3A_174] {strides = array<i32>} : memref<2x128x128xf32, #tpu.memory_space<vmem>>, vector<1x1x16xf32>,
      %swap3A_176 = vector.shape_cast %swap3A_175 : vector<1x1x16xf32> to vector<16xf32>
      %swap3A_177 = vector.shape_cast %broadcast_in_dim3A_170 : vector<16xf32> to vector<1x1x16xf32>
      tpu.vector_store %arg11[%swap3A_172, %swap3A_173, %swap3A_174], %swap3A_177 {strides = array<i32>} : memref<2x128x128xf32, #tpu.memory_space<vmem>>, vector<1x1x16xf32>,
      %broadcast_in_dim3A_178 = arith.constant 1.000000e+00 : f32
      %broadcast_in_dim3A_179 = vector.broadcast %broadcast_in_dim3A_178 : f32 to vector<16xf32>
      %swap3A_180 = arith.constant 0 : i32
      %swap3A_181 = arith.index_cast %swap3A_180 : i32 to index
      %swap3A_182 = arith.index_cast %scan3A_160 : i32 to index
      %swap3A_183 = arith.constant 32 : index
      %swap3A_184 = tpu.vector_load %arg11[%swap3A_181, %swap3A_182, %swap3A_183] {strides = array<i32>} : memref<2x128x128xf32, #tpu.memory_space<vmem>>, vector<1x1x16xf32>,
      %swap3A_185 = vector.shape_cast %swap3A_184 : vector<1x1x16xf32> to vector<16xf32>
      %swap3A_186 = vector.shape_cast %broadcast_in_dim3A_179 : vector<16xf32> to vector<1x1x16xf32>
      tpu.vector_store %arg11[%swap3A_181, %swap3A_182, %swap3A_183], %swap3A_186 {strides = array<i32>} : memref<2x128x128xf32, #tpu.memory_space<vmem>>, vector<1x1x16xf32>,
      %broadcast_in_dim3A_187 = arith.constant 1.000000e+00 : f32
      %broadcast_in_dim3A_188 = vector.broadcast %broadcast_in_dim3A_187 : f32 to vector<16xf32>
      %swap3A_189 = arith.constant 0 : i32
      %swap3A_190 = arith.index_cast %swap3A_189 : i32 to index
      %swap3A_191 = arith.index_cast %scan3A_160 : i32 to index
      %swap3A_192 = arith.constant 48 : index
      %swap3A_193 = tpu.vector_load %arg11[%swap3A_190, %swap3A_191, %swap3A_192] {strides = array<i32>} : memref<2x128x128xf32, #tpu.memory_space<vmem>>, vector<1x1x16xf32>,
      %swap3A_194 = vector.shape_cast %swap3A_193 : vector<1x1x16xf32> to vector<16xf32>
      %swap3A_195 = vector.shape_cast %broadcast_in_dim3A_188 : vector<16xf32> to vector<1x1x16xf32>
      tpu.vector_store %arg11[%swap3A_190, %swap3A_191, %swap3A_192], %swap3A_195 {strides = array<i32>} : memref<2x128x128xf32, #tpu.memory_space<vmem>>, vector<1x1x16xf32>,
      %broadcast_in_dim3A_196 = arith.constant 1.000000e+00 : f32
      %broadcast_in_dim3A_197 = vector.broadcast %broadcast_in_dim3A_196 : f32 to vector<16xf32>
      %swap3A_198 = arith.constant 0 : i32
      %swap3A_199 = arith.index_cast %swap3A_198 : i32 to index
      %swap3A_200 = arith.index_cast %scan3A_160 : i32 to index
      %swap3A_201 = arith.constant 64 : index
      %swap3A_202 = tpu.vector_load %arg11[%swap3A_199, %swap3A_200, %swap3A_201] {strides = array<i32>} : memref<2x128x128xf32, #tpu.memory_space<vmem>>, vector<1x1x16xf32>,
      %swap3A_203 = vector.shape_cast %swap3A_202 : vector<1x1x16xf32> to vector<16xf32>
      %swap3A_204 = vector.shape_cast %broadcast_in_dim3A_197 : vector<16xf32> to vector<1x1x16xf32>
      tpu.vector_store %arg11[%swap3A_199, %swap3A_200, %swap3A_201], %swap3A_204 {strides = array<i32>} : memref<2x128x128xf32, #tpu.memory_space<vmem>>, vector<1x1x16xf32>,
      %broadcast_in_dim3A_205 = arith.constant 1.000000e+00 : f32
      %broadcast_in_dim3A_206 = vector.broadcast %broadcast_in_dim3A_205 : f32 to vector<16xf32>
      %swap3A_207 = arith.constant 0 : i32
      %swap3A_208 = arith.index_cast %swap3A_207 : i32 to index
      %swap3A_209 = arith.index_cast %scan3A_160 : i32 to index
      %swap3A_210 = arith.constant 80 : index
      %swap3A_211 = tpu.vector_load %arg11[%swap3A_208, %swap3A_209, %swap3A_210] {strides = array<i32>} : memref<2x128x128xf32, #tpu.memory_space<vmem>>, vector<1x1x16xf32>,
      %swap3A_212 = vector.shape_cast %swap3A_211 : vector<1x1x16xf32> to vector<16xf32>
      %swap3A_213 = vector.shape_cast %broadcast_in_dim3A_206 : vector<16xf32> to vector<1x1x16xf32>
      tpu.vector_store %arg11[%swap3A_208, %swap3A_209, %swap3A_210], %swap3A_213 {strides = array<i32>} : memref<2x128x128xf32, #tpu.memory_space<vmem>>, vector<1x1x16xf32>,
      %broadcast_in_dim3A_214 = arith.constant 1.000000e+00 : f32
      %broadcast_in_dim3A_215 = vector.broadcast %broadcast_in_dim3A_214 : f32 to vector<16xf32>
      %swap3A_216 = arith.constant 0 : i32
      %swap3A_217 = arith.index_cast %swap3A_216 : i32 to index
      %swap3A_218 = arith.index_cast %scan3A_160 : i32 to index
      %swap3A_219 = arith.constant 96 : index
      %swap3A_220 = tpu.vector_load %arg11[%swap3A_217, %swap3A_218, %swap3A_219] {strides = array<i32>} : memref<2x128x128xf32, #tpu.memory_space<vmem>>, vector<1x1x16xf32>,
      %swap3A_221 = vector.shape_cast %swap3A_220 : vector<1x1x16xf32> to vector<16xf32>
      %swap3A_222 = vector.shape_cast %broadcast_in_dim3A_215 : vector<16xf32> to vector<1x1x16xf32>
      tpu.vector_store %arg11[%swap3A_217, %swap3A_218, %swap3A_219], %swap3A_222 {strides = array<i32>} : memref<2x128x128xf32, #tpu.memory_space<vmem>>, vector<1x1x16xf32>,
      %broadcast_in_dim3A_223 = arith.constant 1.000000e+00 : f32
      %broadcast_in_dim3A_224 = vector.broadcast %broadcast_in_dim3A_223 : f32 to vector<16xf32>
      %swap3A_225 = arith.constant 0 : i32
      %swap3A_226 = arith.index_cast %swap3A_225 : i32 to index
      %swap3A_227 = arith.index_cast %scan3A_160 : i32 to index
      %swap3A_228 = arith.constant 112 : index
      %swap3A_229 = tpu.vector_load %arg11[%swap3A_226, %swap3A_227, %swap3A_228] {strides = array<i32>} : memref<2x128x128xf32, #tpu.memory_space<vmem>>, vector<1x1x16xf32>,
      %swap3A_230 = vector.shape_cast %swap3A_229 : vector<1x1x16xf32> to vector<16xf32>
      %swap3A_231 = vector.shape_cast %broadcast_in_dim3A_224 : vector<16xf32> to vector<1x1x16xf32>
      tpu.vector_store %arg11[%swap3A_226, %swap3A_227, %swap3A_228], %swap3A_231 {strides = array<i32>} : memref<2x128x128xf32, #tpu.memory_space<vmem>>, vector<1x1x16xf32>,
      %scan3A_232 = arith.constant 0 : i32
      scf.yield %scan3A_232 : i32
    }
    %scan3A_10 = arith.constant 128 : i32
    %mul3A_11 = arith.constant 640 : i32
    %mul3A_12 = arith.muli %arg1, %mul3A_11 : i32
    %add3A_13 = arith.constant 0 : i32
    %add3A_14 = arith.addi %mul3A_12, %add3A_13 : i32
    "tpu.region"() ({
      %run_scoped3A_160 = tpu.sem_alloc : memref<!tpu.dma_semaphore, #tpu.memory_space<semaphore_mem>>
      %dma_start3A_161 = arith.constant 0 : i32
      %dma_start3A_162 = tpu.memref_slice %arg12[%add3A_14, %dma_start3A_161] : memref<10240x128xf32, #tpu.memory_space<vmem_shared>> -> memref<128x128xf32, #tpu.memory_space<vmem_shared>>
      tpu.enqueue_dma source(%arg6 : memref<128x128xf32, #tpu.memory_space<hbm>>) target(%dma_start3A_162 : memref<128x128xf32, #tpu.memory_space<vmem_shared>>) target_semaphore(%run_scoped3A_160 : memref<!tpu.dma_semaphore, #tpu.memory_space<semaphore_mem>>)
      %dma_wait3A = arith.constant 0 : i32
      %dma_wait3A_163 = tpu.memref_slice %arg12[%add3A_14, %dma_wait3A] : memref<10240x128xf32, #tpu.memory_space<vmem_shared>> -> memref<128x128xf32, #tpu.memory_space<vmem_shared>>
      tpu.wait_dma2 semaphore(%run_scoped3A_160 : memref<!tpu.dma_semaphore, #tpu.memory_space<semaphore_mem>>) src(%arg6 : memref<128x128xf32, #tpu.memory_space<hbm>>) dst(%dma_wait3A_163 : memref<128x128xf32, #tpu.memory_space<vmem_shared>>)
      tpu.yield
    }) : () -> ()
    %mul3A_15 = arith.constant 640 : i32
    %mul3A_16 = arith.muli %arg1, %mul3A_15 : i32
    %add3A_17 = arith.constant 128 : i32
    %add3A_18 = arith.addi %mul3A_16, %add3A_17 : i32
    "tpu.region"() ({
      %run_scoped3A_160 = tpu.sem_alloc : memref<!tpu.dma_semaphore, #tpu.memory_space<semaphore_mem>>
      %dma_start3A_161 = arith.constant 0 : i32
      %dma_start3A_162 = tpu.memref_slice %arg12[%add3A_18, %dma_start3A_161] : memref<10240x128xf32, #tpu.memory_space<vmem_shared>> -> memref<128x128xf32, #tpu.memory_space<vmem_shared>>
      tpu.enqueue_dma source(%arg6 : memref<128x128xf32, #tpu.memory_space<hbm>>) target(%dma_start3A_162 : memref<128x128xf32, #tpu.memory_space<vmem_shared>>) target_semaphore(%run_scoped3A_160 : memref<!tpu.dma_semaphore, #tpu.memory_space<semaphore_mem>>)
      %dma_wait3A = arith.constant 0 : i32
      %dma_wait3A_163 = tpu.memref_slice %arg12[%add3A_18, %dma_wait3A] : memref<10240x128xf32, #tpu.memory_space<vmem_shared>> -> memref<128x128xf32, #tpu.memory_space<vmem_shared>>
      tpu.wait_dma2 semaphore(%run_scoped3A_160 : memref<!tpu.dma_semaphore, #tpu.memory_space<semaphore_mem>>) src(%arg6 : memref<128x128xf32, #tpu.memory_space<hbm>>) dst(%dma_wait3A_163 : memref<128x128xf32, #tpu.memory_space<vmem_shared>>)
      tpu.yield
    }) : () -> ()
    %mul3A_19 = arith.constant 640 : i32
    %mul3A_20 = arith.muli %arg1, %mul3A_19 : i32
    %add3A_21 = arith.constant 256 : i32
    %add3A_22 = arith.addi %mul3A_20, %add3A_21 : i32
    "tpu.region"() ({
      %run_scoped3A_160 = tpu.sem_alloc : memref<!tpu.dma_semaphore, #tpu.memory_space<semaphore_mem>>
      %dma_start3A_161 = arith.constant 0 : i32
      %dma_start3A_162 = tpu.memref_slice %arg12[%add3A_22, %dma_start3A_161] : memref<10240x128xf32, #tpu.memory_space<vmem_shared>> -> memref<128x128xf32, #tpu.memory_space<vmem_shared>>
      tpu.enqueue_dma source(%arg6 : memref<128x128xf32, #tpu.memory_space<hbm>>) target(%dma_start3A_162 : memref<128x128xf32, #tpu.memory_space<vmem_shared>>) target_semaphore(%run_scoped3A_160 : memref<!tpu.dma_semaphore, #tpu.memory_space<semaphore_mem>>)
      %dma_wait3A = arith.constant 0 : i32
      %dma_wait3A_163 = tpu.memref_slice %arg12[%add3A_22, %dma_wait3A] : memref<10240x128xf32, #tpu.memory_space<vmem_shared>> -> memref<128x128xf32, #tpu.memory_space<vmem_shared>>
      tpu.wait_dma2 semaphore(%run_scoped3A_160 : memref<!tpu.dma_semaphore, #tpu.memory_space<semaphore_mem>>) src(%arg6 : memref<128x128xf32, #tpu.memory_space<hbm>>) dst(%dma_wait3A_163 : memref<128x128xf32, #tpu.memory_space<vmem_shared>>)
      tpu.yield
    }) : () -> ()
    %mul3A_23 = arith.constant 640 : i32
    %mul3A_24 = arith.muli %arg1, %mul3A_23 : i32
    %add3A_25 = arith.constant 384 : i32
    %add3A_26 = arith.addi %mul3A_24, %add3A_25 : i32
    "tpu.region"() ({
      %run_scoped3A_160 = tpu.sem_alloc : memref<!tpu.dma_semaphore, #tpu.memory_space<semaphore_mem>>
      %dma_start3A_161 = arith.constant 0 : i32
      %dma_start3A_162 = tpu.memref_slice %arg12[%add3A_26, %dma_start3A_161] : memref<10240x128xf32, #tpu.memory_space<vmem_shared>> -> memref<128x128xf32, #tpu.memory_space<vmem_shared>>
      tpu.enqueue_dma source(%arg6 : memref<128x128xf32, #tpu.memory_space<hbm>>) target(%dma_start3A_162 : memref<128x128xf32, #tpu.memory_space<vmem_shared>>) target_semaphore(%run_scoped3A_160 : memref<!tpu.dma_semaphore, #tpu.memory_space<semaphore_mem>>)
      %dma_wait3A = arith.constant 0 : i32
      %dma_wait3A_163 = tpu.memref_slice %arg12[%add3A_26, %dma_wait3A] : memref<10240x128xf32, #tpu.memory_space<vmem_shared>> -> memref<128x128xf32, #tpu.memory_space<vmem_shared>>
      tpu.wait_dma2 semaphore(%run_scoped3A_160 : memref<!tpu.dma_semaphore, #tpu.memory_space<semaphore_mem>>) src(%arg6 : memref<128x128xf32, #tpu.memory_space<hbm>>) dst(%dma_wait3A_163 : memref<128x128xf32, #tpu.memory_space<vmem_shared>>)
      tpu.yield
    }) : () -> ()
    %mul3A_27 = arith.constant 640 : i32
    %mul3A_28 = arith.muli %arg1, %mul3A_27 : i32
    %add3A_29 = arith.constant 512 : i32
    %add3A_30 = arith.addi %mul3A_28, %add3A_29 : i32
    "tpu.region"() ({
      %run_scoped3A_160 = tpu.sem_alloc : memref<!tpu.dma_semaphore, #tpu.memory_space<semaphore_mem>>
      %dma_start3A_161 = arith.constant 0 : i32
      %dma_start3A_162 = tpu.memref_slice %arg12[%add3A_30, %dma_start3A_161] : memref<10240x128xf32, #tpu.memory_space<vmem_shared>> -> memref<128x128xf32, #tpu.memory_space<vmem_shared>>
      tpu.enqueue_dma source(%arg6 : memref<128x128xf32, #tpu.memory_space<hbm>>) target(%dma_start3A_162 : memref<128x128xf32, #tpu.memory_space<vmem_shared>>) target_semaphore(%run_scoped3A_160 : memref<!tpu.dma_semaphore, #tpu.memory_space<semaphore_mem>>)
      %dma_wait3A = arith.constant 0 : i32
      %dma_wait3A_163 = tpu.memref_slice %arg12[%add3A_30, %dma_wait3A] : memref<10240x128xf32, #tpu.memory_space<vmem_shared>> -> memref<128x128xf32, #tpu.memory_space<vmem_shared>>
      tpu.wait_dma2 semaphore(%run_scoped3A_160 : memref<!tpu.dma_semaphore, #tpu.memory_space<semaphore_mem>>) src(%arg6 : memref<128x128xf32, #tpu.memory_space<hbm>>) dst(%dma_wait3A_163 : memref<128x128xf32, #tpu.memory_space<vmem_shared>>)
      tpu.yield
    }) : () -> ()
    %barrier3A = arith.constant 0 : index
    tpu.barrier barrier_id(%barrier3A)
    %scan3A_31 = arith.constant 0 : i32
    %scan3A_32 = arith.constant 0 : i32
    %scan3A_33 = arith.constant 40 : i32
    %scan3A_34 = arith.addi %scan3A_32, %scan3A_33 : i32
    %scan3A_35 = arith.constant 1 : i32
    %scan3A_36 = scf.for %scan3A_160 = %scan3A_32 to %scan3A_34 step %scan3A_35 iter_args(%scan3A_161 = %scan3A_31) -> (i32)  : i32 {
      %run_scoped3A_162 = arith.constant 0 : i32
      "tpu.region"() ({
        %run_scoped3A_164 = tpu.sem_alloc : memref<!tpu.dma_semaphore, #tpu.memory_space<semaphore_mem>>
        %dma_start3A_165 = arith.constant 0 : i32
        %dma_start3A_166 = arith.constant 0 : i32
        %dma_start3A_167 = tpu.memref_slice %arg11[%run_scoped3A_162, %dma_start3A_165, %dma_start3A_166] : memref<2x128x128xf32, #tpu.memory_space<vmem>> -> memref<1x128x128xf32, #tpu.memory_space<vmem>>
        %dma_start3A_168 = tpu.memref_squeeze %dma_start3A_167 : memref<1x128x128xf32, #tpu.memory_space<vmem>> -> memref<128x128xf32, #tpu.memory_space<vmem>>
        %dma_start3A_169 = arith.constant 0 : i32
        %dma_start3A_170 = tpu.memref_slice %arg10[%scan3A_160, %dma_start3A_169] : memref<40x128xi32, #tpu.memory_space<vmem>> -> memref<1x128xi32, #tpu.memory_space<vmem>>
        %dma_start3A_171 = tpu.memref_squeeze %dma_start3A_170 : memref<1x128xi32, #tpu.memory_space<vmem>> -> memref<128xi32, #tpu.memory_space<vmem>>
        %dma_start3A_172 = arith.constant 0 : i32
        %dma_start3A_173 = arith.constant 0 : i32
        %dma_start3A_174 = tpu.memref_slice %arg12[%dma_start3A_172, %dma_start3A_173] : memref<10240x128xf32, #tpu.memory_space<vmem_shared>> -> memref<10240x128xf32, #tpu.memory_space<vmem_shared>>
        tpu.enqueue_indirect_dma source(%dma_start3A_168 : memref<128x128xf32, #tpu.memory_space<vmem>>) target(%dma_start3A_174 : memref<10240x128xf32, #tpu.memory_space<vmem_shared>>) offsets(%dma_start3A_171 : memref<128xi32, #tpu.memory_space<vmem>>) semaphore(%run_scoped3A_164 : memref<!tpu.dma_semaphore, #tpu.memory_space<semaphore_mem>>) {add = true}
        %dma_wait3A = arith.constant 0 : i32
        %dma_wait3A_175 = arith.constant 0 : i32
        %dma_wait3A_176 = tpu.memref_slice %arg11[%run_scoped3A_162, %dma_wait3A, %dma_wait3A_175] : memref<2x128x128xf32, #tpu.memory_space<vmem>> -> memref<1x128x128xf32, #tpu.memory_space<vmem>>
        %dma_wait3A_177 = tpu.memref_squeeze %dma_wait3A_176 : memref<1x128x128xf32, #tpu.memory_space<vmem>> -> memref<128x128xf32, #tpu.memory_space<vmem>>
        %dma_wait3A_178 = arith.constant 0 : i32
        %dma_wait3A_179 = tpu.memref_slice %arg10[%scan3A_160, %dma_wait3A_178] : memref<40x128xi32, #tpu.memory_space<vmem>> -> memref<1x128xi32, #tpu.memory_space<vmem>>
        %dma_wait3A_180 = tpu.memref_squeeze %dma_wait3A_179 : memref<1x128xi32, #tpu.memory_space<vmem>> -> memref<128xi32, #tpu.memory_space<vmem>>
        %dma_wait3A_181 = arith.constant 0 : i32
        %dma_wait3A_182 = arith.constant 0 : i32
        %dma_wait3A_183 = tpu.memref_slice %arg12[%dma_wait3A_181, %dma_wait3A_182] : memref<10240x128xf32, #tpu.memory_space<vmem_shared>> -> memref<10240x128xf32, #tpu.memory_space<vmem_shared>>
        tpu.wait_indirect_dma semaphore(%run_scoped3A_164 : memref<!tpu.dma_semaphore, #tpu.memory_space<semaphore_mem>>) src(%dma_wait3A_177 : memref<128x128xf32, #tpu.memory_space<vmem>>) dst(%dma_wait3A_183 : memref<10240x128xf32, #tpu.memory_space<vmem_shared>>)
        tpu.yield
      }) : () -> ()
      %scan3A_163 = arith.constant 0 : i32
      scf.yield %scan3A_163 : i32
    }
    %scan3A_37 = arith.constant 40 : i32
    %barrier3A_38 = arith.constant 0 : index
    tpu.barrier barrier_id(%barrier3A_38)
    %mul3A_39 = arith.constant 640 : i32
    %mul3A_40 = arith.muli %arg1, %mul3A_39 : i32
    %mul3A_41 = arith.constant 640 : i32
    %mul3A_42 = arith.muli %arg1, %mul3A_41 : i32
    "tpu.region"() ({
      %run_scoped3A_160 = tpu.sem_alloc : memref<!tpu.dma_semaphore, #tpu.memory_space<semaphore_mem>>
      %dma_start3A_161 = arith.constant 0 : i32
      %dma_start3A_162 = tpu.memref_slice %arg8[%arg0, %mul3A_42, %dma_start3A_161] : memref<2x10240x128xf32, #tpu.memory_space<hbm>> -> memref<1x640x128xf32, #tpu.memory_space<hbm>>
      %dma_start3A_163 = tpu.memref_squeeze %dma_start3A_162 : memref<1x640x128xf32, #tpu.memory_space<hbm>> -> memref<640x128xf32, #tpu.memory_space<hbm>>
      %dma_start3A_164 = arith.constant 0 : i32
      %dma_start3A_165 = tpu.memref_slice %arg12[%mul3A_40, %dma_start3A_164] : memref<10240x128xf32, #tpu.memory_space<vmem_shared>> -> memref<640x128xf32, #tpu.memory_space<vmem_shared>>
      tpu.enqueue_dma source(%dma_start3A_165 : memref<640x128xf32, #tpu.memory_space<vmem_shared>>) target(%dma_start3A_163 : memref<640x128xf32, #tpu.memory_space<hbm>>) target_semaphore(%run_scoped3A_160 : memref<!tpu.dma_semaphore, #tpu.memory_space<semaphore_mem>>)
      %dma_wait3A = arith.constant 0 : i32
      %dma_wait3A_166 = tpu.memref_slice %arg8[%arg0, %mul3A_42, %dma_wait3A] : memref<2x10240x128xf32, #tpu.memory_space<hbm>> -> memref<1x640x128xf32, #tpu.memory_space<hbm>>
      %dma_wait3A_167 = tpu.memref_squeeze %dma_wait3A_166 : memref<1x640x128xf32, #tpu.memory_space<hbm>> -> memref<640x128xf32, #tpu.memory_space<hbm>>
      %dma_wait3A_168 = arith.constant 0 : i32
      %dma_wait3A_169 = tpu.memref_slice %arg12[%mul3A_40, %dma_wait3A_168] : memref<10240x128xf32, #tpu.memory_space<vmem_shared>> -> memref<640x128xf32, #tpu.memory_space<vmem_shared>>
      tpu.wait_dma2 semaphore(%run_scoped3A_160 : memref<!tpu.dma_semaphore, #tpu.memory_space<semaphore_mem>>) src(%dma_wait3A_169 : memref<640x128xf32, #tpu.memory_space<vmem_shared>>) dst(%dma_wait3A_167 : memref<640x128xf32, #tpu.memory_space<hbm>>)
      tpu.yield
    }) : () -> ()
    %barrier3A_43 = arith.constant 0 : index
    tpu.barrier barrier_id(%barrier3A_43)
    %dma_start3A = arith.constant 0 : i32
    %dma_start3A_44 = arith.constant 0 : i32
    %dma_start3A_45 = arith.constant 0 : i32
    %dma_start3A_46 = arith.constant 0 : i32
    %dma_start3A_47 = tpu.memref_slice %arg11[%dma_start3A_44, %dma_start3A_45, %dma_start3A_46] : memref<2x128x128xf32, #tpu.memory_space<vmem>> -> memref<1x128x128xf32, #tpu.memory_space<vmem>>
    %dma_start3A_48 = tpu.memref_squeeze %dma_start3A_47 : memref<1x128x128xf32, #tpu.memory_space<vmem>> -> memref<128x128xf32, #tpu.memory_space<vmem>>
    %dma_start3A_49 = arith.constant 0 : i32
    %dma_start3A_50 = tpu.memref_slice %arg9[%dma_start3A, %dma_start3A_49] : memref<40x128xi32, #tpu.memory_space<vmem>> -> memref<1x128xi32, #tpu.memory_space<vmem>>
    %dma_start3A_51 = tpu.memref_squeeze %dma_start3A_50 : memref<1x128xi32, #tpu.memory_space<vmem>> -> memref<128xi32, #tpu.memory_space<vmem>>
    %dma_start3A_52 = arith.constant 0 : i32
    %dma_start3A_53 = arith.constant 0 : i32
    %dma_start3A_54 = tpu.memref_slice %arg2[%dma_start3A_52, %dma_start3A_53] : memref<10240x128xf32, #tpu.memory_space<hbm>> -> memref<10240x128xf32, #tpu.memory_space<hbm>>
    tpu.enqueue_indirect_dma source(%dma_start3A_54 : memref<10240x128xf32, #tpu.memory_space<hbm>>) target(%dma_start3A_48 : memref<128x128xf32, #tpu.memory_space<vmem>>) offsets(%dma_start3A_51 : memref<128xi32, #tpu.memory_space<vmem>>) semaphore(%arg13 : memref<!tpu.dma_semaphore, #tpu.memory_space<semaphore_mem>>)
    %dma_start3A_55 = arith.constant 1 : i32
    %dma_start3A_56 = arith.constant 1 : i32
    %dma_start3A_57 = arith.constant 0 : i32
    %dma_start3A_58 = arith.constant 0 : i32
    %dma_start3A_59 = tpu.memref_slice %arg11[%dma_start3A_56, %dma_start3A_57, %dma_start3A_58] : memref<2x128x128xf32, #tpu.memory_space<vmem>> -> memref<1x128x128xf32, #tpu.memory_space<vmem>>
    %dma_start3A_60 = tpu.memref_squeeze %dma_start3A_59 : memref<1x128x128xf32, #tpu.memory_space<vmem>> -> memref<128x128xf32, #tpu.memory_space<vmem>>
    %dma_start3A_61 = arith.constant 0 : i32
    %dma_start3A_62 = tpu.memref_slice %arg9[%dma_start3A_55, %dma_start3A_61] : memref<40x128xi32, #tpu.memory_space<vmem>> -> memref<1x128xi32, #tpu.memory_space<vmem>>
    %dma_start3A_63 = tpu.memref_squeeze %dma_start3A_62 : memref<1x128xi32, #tpu.memory_space<vmem>> -> memref<128xi32, #tpu.memory_space<vmem>>
    %dma_start3A_64 = arith.constant 0 : i32
    %dma_start3A_65 = arith.constant 0 : i32
    %dma_start3A_66 = tpu.memref_slice %arg2[%dma_start3A_64, %dma_start3A_65] : memref<10240x128xf32, #tpu.memory_space<hbm>> -> memref<10240x128xf32, #tpu.memory_space<hbm>>
    tpu.enqueue_indirect_dma source(%dma_start3A_66 : memref<10240x128xf32, #tpu.memory_space<hbm>>) target(%dma_start3A_60 : memref<128x128xf32, #tpu.memory_space<vmem>>) offsets(%dma_start3A_63 : memref<128xi32, #tpu.memory_space<vmem>>) semaphore(%arg14 : memref<!tpu.dma_semaphore, #tpu.memory_space<semaphore_mem>>)
    %mul3A_67 = arith.constant 640 : i32
    %mul3A_68 = arith.muli %arg1, %mul3A_67 : i32
    %add3A_69 = arith.constant 0 : i32
    %add3A_70 = arith.addi %mul3A_68, %add3A_69 : i32
    "tpu.region"() ({
      %run_scoped3A_160 = tpu.sem_alloc : memref<!tpu.dma_semaphore, #tpu.memory_space<semaphore_mem>>
      %dma_start3A_161 = arith.constant 0 : i32
      %dma_start3A_162 = tpu.memref_slice %arg12[%add3A_70, %dma_start3A_161] : memref<10240x128xf32, #tpu.memory_space<vmem_shared>> -> memref<128x128xf32, #tpu.memory_space<vmem_shared>>
      tpu.enqueue_dma source(%arg6 : memref<128x128xf32, #tpu.memory_space<hbm>>) target(%dma_start3A_162 : memref<128x128xf32, #tpu.memory_space<vmem_shared>>) target_semaphore(%run_scoped3A_160 : memref<!tpu.dma_semaphore, #tpu.memory_space<semaphore_mem>>)
      %dma_wait3A = arith.constant 0 : i32
      %dma_wait3A_163 = tpu.memref_slice %arg12[%add3A_70, %dma_wait3A] : memref<10240x128xf32, #tpu.memory_space<vmem_shared>> -> memref<128x128xf32, #tpu.memory_space<vmem_shared>>
      tpu.wait_dma2 semaphore(%run_scoped3A_160 : memref<!tpu.dma_semaphore, #tpu.memory_space<semaphore_mem>>) src(%arg6 : memref<128x128xf32, #tpu.memory_space<hbm>>) dst(%dma_wait3A_163 : memref<128x128xf32, #tpu.memory_space<vmem_shared>>)
      tpu.yield
    }) : () -> ()
    %mul3A_71 = arith.constant 640 : i32
    %mul3A_72 = arith.muli %arg1, %mul3A_71 : i32
    %add3A_73 = arith.constant 128 : i32
    %add3A_74 = arith.addi %mul3A_72, %add3A_73 : i32
    "tpu.region"() ({
      %run_scoped3A_160 = tpu.sem_alloc : memref<!tpu.dma_semaphore, #tpu.memory_space<semaphore_mem>>
      %dma_start3A_161 = arith.constant 0 : i32
      %dma_start3A_162 = tpu.memref_slice %arg12[%add3A_74, %dma_start3A_161] : memref<10240x128xf32, #tpu.memory_space<vmem_shared>> -> memref<128x128xf32, #tpu.memory_space<vmem_shared>>
      tpu.enqueue_dma source(%arg6 : memref<128x128xf32, #tpu.memory_space<hbm>>) target(%dma_start3A_162 : memref<128x128xf32, #tpu.memory_space<vmem_shared>>) target_semaphore(%run_scoped3A_160 : memref<!tpu.dma_semaphore, #tpu.memory_space<semaphore_mem>>)
      %dma_wait3A = arith.constant 0 : i32
      %dma_wait3A_163 = tpu.memref_slice %arg12[%add3A_74, %dma_wait3A] : memref<10240x128xf32, #tpu.memory_space<vmem_shared>> -> memref<128x128xf32, #tpu.memory_space<vmem_shared>>
      tpu.wait_dma2 semaphore(%run_scoped3A_160 : memref<!tpu.dma_semaphore, #tpu.memory_space<semaphore_mem>>) src(%arg6 : memref<128x128xf32, #tpu.memory_space<hbm>>) dst(%dma_wait3A_163 : memref<128x128xf32, #tpu.memory_space<vmem_shared>>)
      tpu.yield
    }) : () -> ()
    %mul3A_75 = arith.constant 640 : i32
    %mul3A_76 = arith.muli %arg1, %mul3A_75 : i32
    %add3A_77 = arith.constant 256 : i32
    %add3A_78 = arith.addi %mul3A_76, %add3A_77 : i32
    "tpu.region"() ({
      %run_scoped3A_160 = tpu.sem_alloc : memref<!tpu.dma_semaphore, #tpu.memory_space<semaphore_mem>>
      %dma_start3A_161 = arith.constant 0 : i32
      %dma_start3A_162 = tpu.memref_slice %arg12[%add3A_78, %dma_start3A_161] : memref<10240x128xf32, #tpu.memory_space<vmem_shared>> -> memref<128x128xf32, #tpu.memory_space<vmem_shared>>
      tpu.enqueue_dma source(%arg6 : memref<128x128xf32, #tpu.memory_space<hbm>>) target(%dma_start3A_162 : memref<128x128xf32, #tpu.memory_space<vmem_shared>>) target_semaphore(%run_scoped3A_160 : memref<!tpu.dma_semaphore, #tpu.memory_space<semaphore_mem>>)
      %dma_wait3A = arith.constant 0 : i32
      %dma_wait3A_163 = tpu.memref_slice %arg12[%add3A_78, %dma_wait3A] : memref<10240x128xf32, #tpu.memory_space<vmem_shared>> -> memref<128x128xf32, #tpu.memory_space<vmem_shared>>
      tpu.wait_dma2 semaphore(%run_scoped3A_160 : memref<!tpu.dma_semaphore, #tpu.memory_space<semaphore_mem>>) src(%arg6 : memref<128x128xf32, #tpu.memory_space<hbm>>) dst(%dma_wait3A_163 : memref<128x128xf32, #tpu.memory_space<vmem_shared>>)
      tpu.yield
    }) : () -> ()
    %mul3A_79 = arith.constant 640 : i32
    %mul3A_80 = arith.muli %arg1, %mul3A_79 : i32
    %add3A_81 = arith.constant 384 : i32
    %add3A_82 = arith.addi %mul3A_80, %add3A_81 : i32
    "tpu.region"() ({
      %run_scoped3A_160 = tpu.sem_alloc : memref<!tpu.dma_semaphore, #tpu.memory_space<semaphore_mem>>
      %dma_start3A_161 = arith.constant 0 : i32
      %dma_start3A_162 = tpu.memref_slice %arg12[%add3A_82, %dma_start3A_161] : memref<10240x128xf32, #tpu.memory_space<vmem_shared>> -> memref<128x128xf32, #tpu.memory_space<vmem_shared>>
      tpu.enqueue_dma source(%arg6 : memref<128x128xf32, #tpu.memory_space<hbm>>) target(%dma_start3A_162 : memref<128x128xf32, #tpu.memory_space<vmem_shared>>) target_semaphore(%run_scoped3A_160 : memref<!tpu.dma_semaphore, #tpu.memory_space<semaphore_mem>>)
      %dma_wait3A = arith.constant 0 : i32
      %dma_wait3A_163 = tpu.memref_slice %arg12[%add3A_82, %dma_wait3A] : memref<10240x128xf32, #tpu.memory_space<vmem_shared>> -> memref<128x128xf32, #tpu.memory_space<vmem_shared>>
      tpu.wait_dma2 semaphore(%run_scoped3A_160 : memref<!tpu.dma_semaphore, #tpu.memory_space<semaphore_mem>>) src(%arg6 : memref<128x128xf32, #tpu.memory_space<hbm>>) dst(%dma_wait3A_163 : memref<128x128xf32, #tpu.memory_space<vmem_shared>>)
      tpu.yield
    }) : () -> ()
    %mul3A_83 = arith.constant 640 : i32
    %mul3A_84 = arith.muli %arg1, %mul3A_83 : i32
    %add3A_85 = arith.constant 512 : i32
    %add3A_86 = arith.addi %mul3A_84, %add3A_85 : i32
    "tpu.region"() ({
      %run_scoped3A_160 = tpu.sem_alloc : memref<!tpu.dma_semaphore, #tpu.memory_space<semaphore_mem>>
      %dma_start3A_161 = arith.constant 0 : i32
      %dma_start3A_162 = tpu.memref_slice %arg12[%add3A_86, %dma_start3A_161] : memref<10240x128xf32, #tpu.memory_space<vmem_shared>> -> memref<128x128xf32, #tpu.memory_space<vmem_shared>>
      tpu.enqueue_dma source(%arg6 : memref<128x128xf32, #tpu.memory_space<hbm>>) target(%dma_start3A_162 : memref<128x128xf32, #tpu.memory_space<vmem_shared>>) target_semaphore(%run_scoped3A_160 : memref<!tpu.dma_semaphore, #tpu.memory_space<semaphore_mem>>)
      %dma_wait3A = arith.constant 0 : i32
      %dma_wait3A_163 = tpu.memref_slice %arg12[%add3A_86, %dma_wait3A] : memref<10240x128xf32, #tpu.memory_space<vmem_shared>> -> memref<128x128xf32, #tpu.memory_space<vmem_shared>>
      tpu.wait_dma2 semaphore(%run_scoped3A_160 : memref<!tpu.dma_semaphore, #tpu.memory_space<semaphore_mem>>) src(%arg6 : memref<128x128xf32, #tpu.memory_space<hbm>>) dst(%dma_wait3A_163 : memref<128x128xf32, #tpu.memory_space<vmem_shared>>)
      tpu.yield
    }) : () -> ()
    %barrier3A_87 = arith.constant 0 : index
    tpu.barrier barrier_id(%barrier3A_87)
    %scan3A_88 = arith.constant 0 : i32
    %scan3A_89 = arith.constant 0 : i32
    %scan3A_90 = arith.constant 20 : i32
    %scan3A_91 = arith.addi %scan3A_89, %scan3A_90 : i32
    %scan3A_92 = arith.constant 1 : i32
    %scan3A_93 = scf.for %scan3A_160 = %scan3A_89 to %scan3A_91 step %scan3A_92 iter_args(%scan3A_161 = %scan3A_88) -> (i32)  : i32 {
      %mul3A_162 = arith.constant 2 : i32
      %mul3A_163 = arith.muli %scan3A_160, %mul3A_162 : i32
      %add3A_164 = arith.constant 0 : i32
      %add3A_165 = arith.addi %mul3A_163, %add3A_164 : i32
      %dma_wait3A = arith.constant 0 : i32
      %dma_wait3A_166 = arith.constant 0 : i32
      %dma_wait3A_167 = arith.constant 0 : i32
      %dma_wait3A_168 = tpu.memref_slice %arg11[%dma_wait3A, %dma_wait3A_166, %dma_wait3A_167] : memref<2x128x128xf32, #tpu.memory_space<vmem>> -> memref<1x128x128xf32, #tpu.memory_space<vmem>>
      %dma_wait3A_169 = tpu.memref_squeeze %dma_wait3A_168 : memref<1x128x128xf32, #tpu.memory_space<vmem>> -> memref<128x128xf32, #tpu.memory_space<vmem>>
      %dma_wait3A_170 = arith.constant 0 : i32
      %dma_wait3A_171 = tpu.memref_slice %arg9[%add3A_165, %dma_wait3A_170] : memref<40x128xi32, #tpu.memory_space<vmem>> -> memref<1x128xi32, #tpu.memory_space<vmem>>
      %dma_wait3A_172 = tpu.memref_squeeze %dma_wait3A_171 : memref<1x128xi32, #tpu.memory_space<vmem>> -> memref<128xi32, #tpu.memory_space<vmem>>
      %dma_wait3A_173 = arith.constant 0 : i32
      %dma_wait3A_174 = arith.constant 0 : i32
      %dma_wait3A_175 = tpu.memref_slice %arg2[%dma_wait3A_173, %dma_wait3A_174] : memref<10240x128xf32, #tpu.memory_space<hbm>> -> memref<10240x128xf32, #tpu.memory_space<hbm>>
      tpu.wait_indirect_dma semaphore(%arg13 : memref<!tpu.dma_semaphore, #tpu.memory_space<semaphore_mem>>) src(%dma_wait3A_175 : memref<10240x128xf32, #tpu.memory_space<hbm>>) dst(%dma_wait3A_169 : memref<128x128xf32, #tpu.memory_space<vmem>>)
      %run_scoped3A_176 = arith.constant 0 : i32
      "tpu.region"() ({
        %run_scoped3A_205 = tpu.sem_alloc : memref<!tpu.dma_semaphore, #tpu.memory_space<semaphore_mem>>
        %dma_start3A_206 = arith.constant 0 : i32
        %dma_start3A_207 = arith.constant 0 : i32
        %dma_start3A_208 = tpu.memref_slice %arg11[%run_scoped3A_176, %dma_start3A_206, %dma_start3A_207] : memref<2x128x128xf32, #tpu.memory_space<vmem>> -> memref<1x128x128xf32, #tpu.memory_space<vmem>>
        %dma_start3A_209 = tpu.memref_squeeze %dma_start3A_208 : memref<1x128x128xf32, #tpu.memory_space<vmem>> -> memref<128x128xf32, #tpu.memory_space<vmem>>
        %dma_start3A_210 = arith.constant 0 : i32
        %dma_start3A_211 = tpu.memref_slice %arg10[%add3A_165, %dma_start3A_210] : memref<40x128xi32, #tpu.memory_space<vmem>> -> memref<1x128xi32, #tpu.memory_space<vmem>>
        %dma_start3A_212 = tpu.memref_squeeze %dma_start3A_211 : memref<1x128xi32, #tpu.memory_space<vmem>> -> memref<128xi32, #tpu.memory_space<vmem>>
        %dma_start3A_213 = arith.constant 0 : i32
        %dma_start3A_214 = arith.constant 0 : i32
        %dma_start3A_215 = tpu.memref_slice %arg12[%dma_start3A_213, %dma_start3A_214] : memref<10240x128xf32, #tpu.memory_space<vmem_shared>> -> memref<10240x128xf32, #tpu.memory_space<vmem_shared>>
        tpu.enqueue_indirect_dma source(%dma_start3A_209 : memref<128x128xf32, #tpu.memory_space<vmem>>) target(%dma_start3A_215 : memref<10240x128xf32, #tpu.memory_space<vmem_shared>>) offsets(%dma_start3A_212 : memref<128xi32, #tpu.memory_space<vmem>>) semaphore(%run_scoped3A_205 : memref<!tpu.dma_semaphore, #tpu.memory_space<semaphore_mem>>) {add = true}
        %dma_wait3A_216 = arith.constant 0 : i32
        %dma_wait3A_217 = arith.constant 0 : i32
        %dma_wait3A_218 = tpu.memref_slice %arg11[%run_scoped3A_176, %dma_wait3A_216, %dma_wait3A_217] : memref<2x128x128xf32, #tpu.memory_space<vmem>> -> memref<1x128x128xf32, #tpu.memory_space<vmem>>
        %dma_wait3A_219 = tpu.memref_squeeze %dma_wait3A_218 : memref<1x128x128xf32, #tpu.memory_space<vmem>> -> memref<128x128xf32, #tpu.memory_space<vmem>>
        %dma_wait3A_220 = arith.constant 0 : i32
        %dma_wait3A_221 = tpu.memref_slice %arg10[%add3A_165, %dma_wait3A_220] : memref<40x128xi32, #tpu.memory_space<vmem>> -> memref<1x128xi32, #tpu.memory_space<vmem>>
        %dma_wait3A_222 = tpu.memref_squeeze %dma_wait3A_221 : memref<1x128xi32, #tpu.memory_space<vmem>> -> memref<128xi32, #tpu.memory_space<vmem>>
        %dma_wait3A_223 = arith.constant 0 : i32
        %dma_wait3A_224 = arith.constant 0 : i32
        %dma_wait3A_225 = tpu.memref_slice %arg12[%dma_wait3A_223, %dma_wait3A_224] : memref<10240x128xf32, #tpu.memory_space<vmem_shared>> -> memref<10240x128xf32, #tpu.memory_space<vmem_shared>>
        tpu.wait_indirect_dma semaphore(%run_scoped3A_205 : memref<!tpu.dma_semaphore, #tpu.memory_space<semaphore_mem>>) src(%dma_wait3A_219 : memref<128x128xf32, #tpu.memory_space<vmem>>) dst(%dma_wait3A_225 : memref<10240x128xf32, #tpu.memory_space<vmem_shared>>)
        tpu.yield
      }) : () -> ()
      %add3A_177 = arith.constant 2 : i32
      %add3A_178 = arith.addi %add3A_165, %add3A_177 : i32
      %lt3A = arith.constant 40 : i32
      %lt3A_179 = arith.cmpi slt, %add3A_178, %lt3A : i32
      %convert_element_type3A = arith.extui %lt3A_179 : i1 to i32
      %cond3A = arith.constant 0 : i32
      %cond3A_180 = arith.cmpi ne, %convert_element_type3A, %cond3A : i32
      scf.if %cond3A_180 {
        %add3A_205 = arith.constant 2 : i32
        %add3A_206 = arith.addi %add3A_165, %add3A_205 : i32
        %dma_start3A_207 = arith.constant 0 : i32
        %dma_start3A_208 = arith.constant 0 : i32
        %dma_start3A_209 = arith.constant 0 : i32
        %dma_start3A_210 = tpu.memref_slice %arg11[%dma_start3A_207, %dma_start3A_208, %dma_start3A_209] : memref<2x128x128xf32, #tpu.memory_space<vmem>> -> memref<1x128x128xf32, #tpu.memory_space<vmem>>
        %dma_start3A_211 = tpu.memref_squeeze %dma_start3A_210 : memref<1x128x128xf32, #tpu.memory_space<vmem>> -> memref<128x128xf32, #tpu.memory_space<vmem>>
        %dma_start3A_212 = arith.constant 0 : i32
        %dma_start3A_213 = tpu.memref_slice %arg9[%add3A_206, %dma_start3A_212] : memref<40x128xi32, #tpu.memory_space<vmem>> -> memref<1x128xi32, #tpu.memory_space<vmem>>
        %dma_start3A_214 = tpu.memref_squeeze %dma_start3A_213 : memref<1x128xi32, #tpu.memory_space<vmem>> -> memref<128xi32, #tpu.memory_space<vmem>>
        %dma_start3A_215 = arith.constant 0 : i32
        %dma_start3A_216 = arith.constant 0 : i32
        %dma_start3A_217 = tpu.memref_slice %arg2[%dma_start3A_215, %dma_start3A_216] : memref<10240x128xf32, #tpu.memory_space<hbm>> -> memref<10240x128xf32, #tpu.memory_space<hbm>>
        tpu.enqueue_indirect_dma source(%dma_start3A_217 : memref<10240x128xf32, #tpu.memory_space<hbm>>) target(%dma_start3A_211 : memref<128x128xf32, #tpu.memory_space<vmem>>) offsets(%dma_start3A_214 : memref<128xi32, #tpu.memory_space<vmem>>) semaphore(%arg13 : memref<!tpu.dma_semaphore, #tpu.memory_space<semaphore_mem>>)
      } else {
      }
      %mul3A_181 = arith.constant 2 : i32
      %mul3A_182 = arith.muli %scan3A_160, %mul3A_181 : i32
      %add3A_183 = arith.constant 1 : i32
      %add3A_184 = arith.addi %mul3A_182, %add3A_183 : i32
      %dma_wait3A_185 = arith.constant 1 : i32
      %dma_wait3A_186 = arith.constant 0 : i32
      %dma_wait3A_187 = arith.constant 0 : i32
      %dma_wait3A_188 = tpu.memref_slice %arg11[%dma_wait3A_185, %dma_wait3A_186, %dma_wait3A_187] : memref<2x128x128xf32, #tpu.memory_space<vmem>> -> memref<1x128x128xf32, #tpu.memory_space<vmem>>
      %dma_wait3A_189 = tpu.memref_squeeze %dma_wait3A_188 : memref<1x128x128xf32, #tpu.memory_space<vmem>> -> memref<128x128xf32, #tpu.memory_space<vmem>>
      %dma_wait3A_190 = arith.constant 0 : i32
      %dma_wait3A_191 = tpu.memref_slice %arg9[%add3A_184, %dma_wait3A_190] : memref<40x128xi32, #tpu.memory_space<vmem>> -> memref<1x128xi32, #tpu.memory_space<vmem>>
      %dma_wait3A_192 = tpu.memref_squeeze %dma_wait3A_191 : memref<1x128xi32, #tpu.memory_space<vmem>> -> memref<128xi32, #tpu.memory_space<vmem>>
      %dma_wait3A_193 = arith.constant 0 : i32
      %dma_wait3A_194 = arith.constant 0 : i32
      %dma_wait3A_195 = tpu.memref_slice %arg2[%dma_wait3A_193, %dma_wait3A_194] : memref<10240x128xf32, #tpu.memory_space<hbm>> -> memref<10240x128xf32, #tpu.memory_space<hbm>>
      tpu.wait_indirect_dma semaphore(%arg14 : memref<!tpu.dma_semaphore, #tpu.memory_space<semaphore_mem>>) src(%dma_wait3A_195 : memref<10240x128xf32, #tpu.memory_space<hbm>>) dst(%dma_wait3A_189 : memref<128x128xf32, #tpu.memory_space<vmem>>)
      %run_scoped3A_196 = arith.constant 1 : i32
      "tpu.region"() ({
        %run_scoped3A_205 = tpu.sem_alloc : memref<!tpu.dma_semaphore, #tpu.memory_space<semaphore_mem>>
        %dma_start3A_206 = arith.constant 0 : i32
        %dma_start3A_207 = arith.constant 0 : i32
        %dma_start3A_208 = tpu.memref_slice %arg11[%run_scoped3A_196, %dma_start3A_206, %dma_start3A_207] : memref<2x128x128xf32, #tpu.memory_space<vmem>> -> memref<1x128x128xf32, #tpu.memory_space<vmem>>
        %dma_start3A_209 = tpu.memref_squeeze %dma_start3A_208 : memref<1x128x128xf32, #tpu.memory_space<vmem>> -> memref<128x128xf32, #tpu.memory_space<vmem>>
        %dma_start3A_210 = arith.constant 0 : i32
        %dma_start3A_211 = tpu.memref_slice %arg10[%add3A_184, %dma_start3A_210] : memref<40x128xi32, #tpu.memory_space<vmem>> -> memref<1x128xi32, #tpu.memory_space<vmem>>
        %dma_start3A_212 = tpu.memref_squeeze %dma_start3A_211 : memref<1x128xi32, #tpu.memory_space<vmem>> -> memref<128xi32, #tpu.memory_space<vmem>>
        %dma_start3A_213 = arith.constant 0 : i32
        %dma_start3A_214 = arith.constant 0 : i32
        %dma_start3A_215 = tpu.memref_slice %arg12[%dma_start3A_213, %dma_start3A_214] : memref<10240x128xf32, #tpu.memory_space<vmem_shared>> -> memref<10240x128xf32, #tpu.memory_space<vmem_shared>>
        tpu.enqueue_indirect_dma source(%dma_start3A_209 : memref<128x128xf32, #tpu.memory_space<vmem>>) target(%dma_start3A_215 : memref<10240x128xf32, #tpu.memory_space<vmem_shared>>) offsets(%dma_start3A_212 : memref<128xi32, #tpu.memory_space<vmem>>) semaphore(%run_scoped3A_205 : memref<!tpu.dma_semaphore, #tpu.memory_space<semaphore_mem>>) {add = true}
        %dma_wait3A_216 = arith.constant 0 : i32
        %dma_wait3A_217 = arith.constant 0 : i32
        %dma_wait3A_218 = tpu.memref_slice %arg11[%run_scoped3A_196, %dma_wait3A_216, %dma_wait3A_217] : memref<2x128x128xf32, #tpu.memory_space<vmem>> -> memref<1x128x128xf32, #tpu.memory_space<vmem>>
        %dma_wait3A_219 = tpu.memref_squeeze %dma_wait3A_218 : memref<1x128x128xf32, #tpu.memory_space<vmem>> -> memref<128x128xf32, #tpu.memory_space<vmem>>
        %dma_wait3A_220 = arith.constant 0 : i32
        %dma_wait3A_221 = tpu.memref_slice %arg10[%add3A_184, %dma_wait3A_220] : memref<40x128xi32, #tpu.memory_space<vmem>> -> memref<1x128xi32, #tpu.memory_space<vmem>>
        %dma_wait3A_222 = tpu.memref_squeeze %dma_wait3A_221 : memref<1x128xi32, #tpu.memory_space<vmem>> -> memref<128xi32, #tpu.memory_space<vmem>>
        %dma_wait3A_223 = arith.constant 0 : i32
        %dma_wait3A_224 = arith.constant 0 : i32
        %dma_wait3A_225 = tpu.memref_slice %arg12[%dma_wait3A_223, %dma_wait3A_224] : memref<10240x128xf32, #tpu.memory_space<vmem_shared>> -> memref<10240x128xf32, #tpu.memory_space<vmem_shared>>
        tpu.wait_indirect_dma semaphore(%run_scoped3A_205 : memref<!tpu.dma_semaphore, #tpu.memory_space<semaphore_mem>>) src(%dma_wait3A_219 : memref<128x128xf32, #tpu.memory_space<vmem>>) dst(%dma_wait3A_225 : memref<10240x128xf32, #tpu.memory_space<vmem_shared>>)
        tpu.yield
      }) : () -> ()
      %add3A_197 = arith.constant 2 : i32
      %add3A_198 = arith.addi %add3A_184, %add3A_197 : i32
      %lt3A_199 = arith.constant 40 : i32
      %lt3A_200 = arith.cmpi slt, %add3A_198, %lt3A_199 : i32
      %convert_element_type3A_201 = arith.extui %lt3A_200 : i1 to i32
      %cond3A_202 = arith.constant 0 : i32
      %cond3A_203 = arith.cmpi ne, %convert_element_type3A_201, %cond3A_202 : i32
      scf.if %cond3A_203 {
        %add3A_205 = arith.constant 2 : i32
        %add3A_206 = arith.addi %add3A_184, %add3A_205 : i32
        %dma_start3A_207 = arith.constant 1 : i32
        %dma_start3A_208 = arith.constant 0 : i32
        %dma_start3A_209 = arith.constant 0 : i32
        %dma_start3A_210 = tpu.memref_slice %arg11[%dma_start3A_207, %dma_start3A_208, %dma_start3A_209] : memref<2x128x128xf32, #tpu.memory_space<vmem>> -> memref<1x128x128xf32, #tpu.memory_space<vmem>>
        %dma_start3A_211 = tpu.memref_squeeze %dma_start3A_210 : memref<1x128x128xf32, #tpu.memory_space<vmem>> -> memref<128x128xf32, #tpu.memory_space<vmem>>
        %dma_start3A_212 = arith.constant 0 : i32
        %dma_start3A_213 = tpu.memref_slice %arg9[%add3A_206, %dma_start3A_212] : memref<40x128xi32, #tpu.memory_space<vmem>> -> memref<1x128xi32, #tpu.memory_space<vmem>>
        %dma_start3A_214 = tpu.memref_squeeze %dma_start3A_213 : memref<1x128xi32, #tpu.memory_space<vmem>> -> memref<128xi32, #tpu.memory_space<vmem>>
        %dma_start3A_215 = arith.constant 0 : i32
        %dma_start3A_216 = arith.constant 0 : i32
        %dma_start3A_217 = tpu.memref_slice %arg2[%dma_start3A_215, %dma_start3A_216] : memref<10240x128xf32, #tpu.memory_space<hbm>> -> memref<10240x128xf32, #tpu.memory_space<hbm>>
        tpu.enqueue_indirect_dma source(%dma_start3A_217 : memref<10240x128xf32, #tpu.memory_space<hbm>>) target(%dma_start3A_211 : memref<128x128xf32, #tpu.memory_space<vmem>>) offsets(%dma_start3A_214 : memref<128xi32, #tpu.memory_space<vmem>>) semaphore(%arg14 : memref<!tpu.dma_semaphore, #tpu.memory_space<semaphore_mem>>)
      } else {
      }
      %scan3A_204 = arith.constant 0 : i32
      scf.yield %scan3A_204 : i32
    }
    %scan3A_94 = arith.constant 20 : i32
    %barrier3A_95 = arith.constant 0 : index
    tpu.barrier barrier_id(%barrier3A_95)
    %mul3A_96 = arith.constant 640 : i32
    %mul3A_97 = arith.muli %arg1, %mul3A_96 : i32
    %mul3A_98 = arith.constant 640 : i32
    %mul3A_99 = arith.muli %arg1, %mul3A_98 : i32
    %run_scoped3A = arith.constant 0 : i32
    "tpu.region"() ({
      %run_scoped3A_160 = tpu.sem_alloc : memref<!tpu.dma_semaphore, #tpu.memory_space<semaphore_mem>>
      %dma_start3A_161 = arith.constant 0 : i32
      %dma_start3A_162 = tpu.memref_slice %arg7[%run_scoped3A, %arg0, %mul3A_99, %dma_start3A_161] : memref<2x2x10240x128xf32, #tpu.memory_space<hbm>> -> memref<1x1x640x128xf32, #tpu.memory_space<hbm>>
      %dma_start3A_163 = tpu.memref_squeeze %dma_start3A_162 : memref<1x1x640x128xf32, #tpu.memory_space<hbm>> -> memref<640x128xf32, #tpu.memory_space<hbm>>
      %dma_start3A_164 = arith.constant 0 : i32
      %dma_start3A_165 = tpu.memref_slice %arg12[%mul3A_97, %dma_start3A_164] : memref<10240x128xf32, #tpu.memory_space<vmem_shared>> -> memref<640x128xf32, #tpu.memory_space<vmem_shared>>
      tpu.enqueue_dma source(%dma_start3A_165 : memref<640x128xf32, #tpu.memory_space<vmem_shared>>) target(%dma_start3A_163 : memref<640x128xf32, #tpu.memory_space<hbm>>) target_semaphore(%run_scoped3A_160 : memref<!tpu.dma_semaphore, #tpu.memory_space<semaphore_mem>>)
      %dma_wait3A = arith.constant 0 : i32
      %dma_wait3A_166 = tpu.memref_slice %arg7[%run_scoped3A, %arg0, %mul3A_99, %dma_wait3A] : memref<2x2x10240x128xf32, #tpu.memory_space<hbm>> -> memref<1x1x640x128xf32, #tpu.memory_space<hbm>>
      %dma_wait3A_167 = tpu.memref_squeeze %dma_wait3A_166 : memref<1x1x640x128xf32, #tpu.memory_space<hbm>> -> memref<640x128xf32, #tpu.memory_space<hbm>>
      %dma_wait3A_168 = arith.constant 0 : i32
      %dma_wait3A_169 = tpu.memref_slice %arg12[%mul3A_97, %dma_wait3A_168] : memref<10240x128xf32, #tpu.memory_space<vmem_shared>> -> memref<640x128xf32, #tpu.memory_space<vmem_shared>>
      tpu.wait_dma2 semaphore(%run_scoped3A_160 : memref<!tpu.dma_semaphore, #tpu.memory_space<semaphore_mem>>) src(%dma_wait3A_169 : memref<640x128xf32, #tpu.memory_space<vmem_shared>>) dst(%dma_wait3A_167 : memref<640x128xf32, #tpu.memory_space<hbm>>)
      tpu.yield
    }) : () -> ()
    %barrier3A_100 = arith.constant 0 : index
    tpu.barrier barrier_id(%barrier3A_100)
    %dma_start3A_101 = arith.constant 0 : i32
    %dma_start3A_102 = arith.constant 0 : i32
    %dma_start3A_103 = arith.constant 0 : i32
    %dma_start3A_104 = arith.constant 0 : i32
    %dma_start3A_105 = tpu.memref_slice %arg11[%dma_start3A_102, %dma_start3A_103, %dma_start3A_104] : memref<2x128x128xf32, #tpu.memory_space<vmem>> -> memref<1x128x128xf32, #tpu.memory_space<vmem>>
    %dma_start3A_106 = tpu.memref_squeeze %dma_start3A_105 : memref<1x128x128xf32, #tpu.memory_space<vmem>> -> memref<128x128xf32, #tpu.memory_space<vmem>>
    %dma_start3A_107 = arith.constant 0 : i32
    %dma_start3A_108 = tpu.memref_slice %arg9[%dma_start3A_101, %dma_start3A_107] : memref<40x128xi32, #tpu.memory_space<vmem>> -> memref<1x128xi32, #tpu.memory_space<vmem>>
    %dma_start3A_109 = tpu.memref_squeeze %dma_start3A_108 : memref<1x128xi32, #tpu.memory_space<vmem>> -> memref<128xi32, #tpu.memory_space<vmem>>
    %dma_start3A_110 = arith.constant 0 : i32
    %dma_start3A_111 = arith.constant 0 : i32
    %dma_start3A_112 = tpu.memref_slice %arg3[%dma_start3A_110, %dma_start3A_111] : memref<10240x128xf32, #tpu.memory_space<hbm>> -> memref<10240x128xf32, #tpu.memory_space<hbm>>
    tpu.enqueue_indirect_dma source(%dma_start3A_112 : memref<10240x128xf32, #tpu.memory_space<hbm>>) target(%dma_start3A_106 : memref<128x128xf32, #tpu.memory_space<vmem>>) offsets(%dma_start3A_109 : memref<128xi32, #tpu.memory_space<vmem>>) semaphore(%arg13 : memref<!tpu.dma_semaphore, #tpu.memory_space<semaphore_mem>>)
    %dma_start3A_113 = arith.constant 1 : i32
    %dma_start3A_114 = arith.constant 1 : i32
    %dma_start3A_115 = arith.constant 0 : i32
    %dma_start3A_116 = arith.constant 0 : i32
    %dma_start3A_117 = tpu.memref_slice %arg11[%dma_start3A_114, %dma_start3A_115, %dma_start3A_116] : memref<2x128x128xf32, #tpu.memory_space<vmem>> -> memref<1x128x128xf32, #tpu.memory_space<vmem>>
    %dma_start3A_118 = tpu.memref_squeeze %dma_start3A_117 : memref<1x128x128xf32, #tpu.memory_space<vmem>> -> memref<128x128xf32, #tpu.memory_space<vmem>>
    %dma_start3A_119 = arith.constant 0 : i32
    %dma_start3A_120 = tpu.memref_slice %arg9[%dma_start3A_113, %dma_start3A_119] : memref<40x128xi32, #tpu.memory_space<vmem>> -> memref<1x128xi32, #tpu.memory_space<vmem>>
    %dma_start3A_121 = tpu.memref_squeeze %dma_start3A_120 : memref<1x128xi32, #tpu.memory_space<vmem>> -> memref<128xi32, #tpu.memory_space<vmem>>
    %dma_start3A_122 = arith.constant 0 : i32
    %dma_start3A_123 = arith.constant 0 : i32
    %dma_start3A_124 = tpu.memref_slice %arg3[%dma_start3A_122, %dma_start3A_123] : memref<10240x128xf32, #tpu.memory_space<hbm>> -> memref<10240x128xf32, #tpu.memory_space<hbm>>
    tpu.enqueue_indirect_dma source(%dma_start3A_124 : memref<10240x128xf32, #tpu.memory_space<hbm>>) target(%dma_start3A_118 : memref<128x128xf32, #tpu.memory_space<vmem>>) offsets(%dma_start3A_121 : memref<128xi32, #tpu.memory_space<vmem>>) semaphore(%arg14 : memref<!tpu.dma_semaphore, #tpu.memory_space<semaphore_mem>>)
    %mul3A_125 = arith.constant 640 : i32
    %mul3A_126 = arith.muli %arg1, %mul3A_125 : i32
    %add3A_127 = arith.constant 0 : i32
    %add3A_128 = arith.addi %mul3A_126, %add3A_127 : i32
    "tpu.region"() ({
      %run_scoped3A_160 = tpu.sem_alloc : memref<!tpu.dma_semaphore, #tpu.memory_space<semaphore_mem>>
      %dma_start3A_161 = arith.constant 0 : i32
      %dma_start3A_162 = tpu.memref_slice %arg12[%add3A_128, %dma_start3A_161] : memref<10240x128xf32, #tpu.memory_space<vmem_shared>> -> memref<128x128xf32, #tpu.memory_space<vmem_shared>>
      tpu.enqueue_dma source(%arg6 : memref<128x128xf32, #tpu.memory_space<hbm>>) target(%dma_start3A_162 : memref<128x128xf32, #tpu.memory_space<vmem_shared>>) target_semaphore(%run_scoped3A_160 : memref<!tpu.dma_semaphore, #tpu.memory_space<semaphore_mem>>)
      %dma_wait3A = arith.constant 0 : i32
      %dma_wait3A_163 = tpu.memref_slice %arg12[%add3A_128, %dma_wait3A] : memref<10240x128xf32, #tpu.memory_space<vmem_shared>> -> memref<128x128xf32, #tpu.memory_space<vmem_shared>>
      tpu.wait_dma2 semaphore(%run_scoped3A_160 : memref<!tpu.dma_semaphore, #tpu.memory_space<semaphore_mem>>) src(%arg6 : memref<128x128xf32, #tpu.memory_space<hbm>>) dst(%dma_wait3A_163 : memref<128x128xf32, #tpu.memory_space<vmem_shared>>)
      tpu.yield
    }) : () -> ()
    %mul3A_129 = arith.constant 640 : i32
    %mul3A_130 = arith.muli %arg1, %mul3A_129 : i32
    %add3A_131 = arith.constant 128 : i32
    %add3A_132 = arith.addi %mul3A_130, %add3A_131 : i32
    "tpu.region"() ({
      %run_scoped3A_160 = tpu.sem_alloc : memref<!tpu.dma_semaphore, #tpu.memory_space<semaphore_mem>>
      %dma_start3A_161 = arith.constant 0 : i32
      %dma_start3A_162 = tpu.memref_slice %arg12[%add3A_132, %dma_start3A_161] : memref<10240x128xf32, #tpu.memory_space<vmem_shared>> -> memref<128x128xf32, #tpu.memory_space<vmem_shared>>
      tpu.enqueue_dma source(%arg6 : memref<128x128xf32, #tpu.memory_space<hbm>>) target(%dma_start3A_162 : memref<128x128xf32, #tpu.memory_space<vmem_shared>>) target_semaphore(%run_scoped3A_160 : memref<!tpu.dma_semaphore, #tpu.memory_space<semaphore_mem>>)
      %dma_wait3A = arith.constant 0 : i32
      %dma_wait3A_163 = tpu.memref_slice %arg12[%add3A_132, %dma_wait3A] : memref<10240x128xf32, #tpu.memory_space<vmem_shared>> -> memref<128x128xf32, #tpu.memory_space<vmem_shared>>
      tpu.wait_dma2 semaphore(%run_scoped3A_160 : memref<!tpu.dma_semaphore, #tpu.memory_space<semaphore_mem>>) src(%arg6 : memref<128x128xf32, #tpu.memory_space<hbm>>) dst(%dma_wait3A_163 : memref<128x128xf32, #tpu.memory_space<vmem_shared>>)
      tpu.yield
    }) : () -> ()
    %mul3A_133 = arith.constant 640 : i32
    %mul3A_134 = arith.muli %arg1, %mul3A_133 : i32
    %add3A_135 = arith.constant 256 : i32
    %add3A_136 = arith.addi %mul3A_134, %add3A_135 : i32
    "tpu.region"() ({
      %run_scoped3A_160 = tpu.sem_alloc : memref<!tpu.dma_semaphore, #tpu.memory_space<semaphore_mem>>
      %dma_start3A_161 = arith.constant 0 : i32
      %dma_start3A_162 = tpu.memref_slice %arg12[%add3A_136, %dma_start3A_161] : memref<10240x128xf32, #tpu.memory_space<vmem_shared>> -> memref<128x128xf32, #tpu.memory_space<vmem_shared>>
      tpu.enqueue_dma source(%arg6 : memref<128x128xf32, #tpu.memory_space<hbm>>) target(%dma_start3A_162 : memref<128x128xf32, #tpu.memory_space<vmem_shared>>) target_semaphore(%run_scoped3A_160 : memref<!tpu.dma_semaphore, #tpu.memory_space<semaphore_mem>>)
      %dma_wait3A = arith.constant 0 : i32
      %dma_wait3A_163 = tpu.memref_slice %arg12[%add3A_136, %dma_wait3A] : memref<10240x128xf32, #tpu.memory_space<vmem_shared>> -> memref<128x128xf32, #tpu.memory_space<vmem_shared>>
      tpu.wait_dma2 semaphore(%run_scoped3A_160 : memref<!tpu.dma_semaphore, #tpu.memory_space<semaphore_mem>>) src(%arg6 : memref<128x128xf32, #tpu.memory_space<hbm>>) dst(%dma_wait3A_163 : memref<128x128xf32, #tpu.memory_space<vmem_shared>>)
      tpu.yield
    }) : () -> ()
    %mul3A_137 = arith.constant 640 : i32
    %mul3A_138 = arith.muli %arg1, %mul3A_137 : i32
    %add3A_139 = arith.constant 384 : i32
    %add3A_140 = arith.addi %mul3A_138, %add3A_139 : i32
    "tpu.region"() ({
      %run_scoped3A_160 = tpu.sem_alloc : memref<!tpu.dma_semaphore, #tpu.memory_space<semaphore_mem>>
      %dma_start3A_161 = arith.constant 0 : i32
      %dma_start3A_162 = tpu.memref_slice %arg12[%add3A_140, %dma_start3A_161] : memref<10240x128xf32, #tpu.memory_space<vmem_shared>> -> memref<128x128xf32, #tpu.memory_space<vmem_shared>>
      tpu.enqueue_dma source(%arg6 : memref<128x128xf32, #tpu.memory_space<hbm>>) target(%dma_start3A_162 : memref<128x128xf32, #tpu.memory_space<vmem_shared>>) target_semaphore(%run_scoped3A_160 : memref<!tpu.dma_semaphore, #tpu.memory_space<semaphore_mem>>)
      %dma_wait3A = arith.constant 0 : i32
      %dma_wait3A_163 = tpu.memref_slice %arg12[%add3A_140, %dma_wait3A] : memref<10240x128xf32, #tpu.memory_space<vmem_shared>> -> memref<128x128xf32, #tpu.memory_space<vmem_shared>>
      tpu.wait_dma2 semaphore(%run_scoped3A_160 : memref<!tpu.dma_semaphore, #tpu.memory_space<semaphore_mem>>) src(%arg6 : memref<128x128xf32, #tpu.memory_space<hbm>>) dst(%dma_wait3A_163 : memref<128x128xf32, #tpu.memory_space<vmem_shared>>)
      tpu.yield
    }) : () -> ()
    %mul3A_141 = arith.constant 640 : i32
    %mul3A_142 = arith.muli %arg1, %mul3A_141 : i32
    %add3A_143 = arith.constant 512 : i32
    %add3A_144 = arith.addi %mul3A_142, %add3A_143 : i32
    "tpu.region"() ({
      %run_scoped3A_160 = tpu.sem_alloc : memref<!tpu.dma_semaphore, #tpu.memory_space<semaphore_mem>>
      %dma_start3A_161 = arith.constant 0 : i32
      %dma_start3A_162 = tpu.memref_slice %arg12[%add3A_144, %dma_start3A_161] : memref<10240x128xf32, #tpu.memory_space<vmem_shared>> -> memref<128x128xf32, #tpu.memory_space<vmem_shared>>
      tpu.enqueue_dma source(%arg6 : memref<128x128xf32, #tpu.memory_space<hbm>>) target(%dma_start3A_162 : memref<128x128xf32, #tpu.memory_space<vmem_shared>>) target_semaphore(%run_scoped3A_160 : memref<!tpu.dma_semaphore, #tpu.memory_space<semaphore_mem>>)
      %dma_wait3A = arith.constant 0 : i32
      %dma_wait3A_163 = tpu.memref_slice %arg12[%add3A_144, %dma_wait3A] : memref<10240x128xf32, #tpu.memory_space<vmem_shared>> -> memref<128x128xf32, #tpu.memory_space<vmem_shared>>
      tpu.wait_dma2 semaphore(%run_scoped3A_160 : memref<!tpu.dma_semaphore, #tpu.memory_space<semaphore_mem>>) src(%arg6 : memref<128x128xf32, #tpu.memory_space<hbm>>) dst(%dma_wait3A_163 : memref<128x128xf32, #tpu.memory_space<vmem_shared>>)
      tpu.yield
    }) : () -> ()
    %barrier3A_145 = arith.constant 0 : index
    tpu.barrier barrier_id(%barrier3A_145)
    %scan3A_146 = arith.constant 0 : i32
    %scan3A_147 = arith.constant 0 : i32
    %scan3A_148 = arith.constant 20 : i32
    %scan3A_149 = arith.addi %scan3A_147, %scan3A_148 : i32
    %scan3A_150 = arith.constant 1 : i32
    %scan3A_151 = scf.for %scan3A_160 = %scan3A_147 to %scan3A_149 step %scan3A_150 iter_args(%scan3A_161 = %scan3A_146) -> (i32)  : i32 {
      %mul3A_162 = arith.constant 2 : i32
      %mul3A_163 = arith.muli %scan3A_160, %mul3A_162 : i32
      %add3A_164 = arith.constant 0 : i32
      %add3A_165 = arith.addi %mul3A_163, %add3A_164 : i32
      %dma_wait3A = arith.constant 0 : i32
      %dma_wait3A_166 = arith.constant 0 : i32
      %dma_wait3A_167 = arith.constant 0 : i32
      %dma_wait3A_168 = tpu.memref_slice %arg11[%dma_wait3A, %dma_wait3A_166, %dma_wait3A_167] : memref<2x128x128xf32, #tpu.memory_space<vmem>> -> memref<1x128x128xf32, #tpu.memory_space<vmem>>
      %dma_wait3A_169 = tpu.memref_squeeze %dma_wait3A_168 : memref<1x128x128xf32, #tpu.memory_space<vmem>> -> memref<128x128xf32, #tpu.memory_space<vmem>>
      %dma_wait3A_170 = arith.constant 0 : i32
      %dma_wait3A_171 = tpu.memref_slice %arg9[%add3A_165, %dma_wait3A_170] : memref<40x128xi32, #tpu.memory_space<vmem>> -> memref<1x128xi32, #tpu.memory_space<vmem>>
      %dma_wait3A_172 = tpu.memref_squeeze %dma_wait3A_171 : memref<1x128xi32, #tpu.memory_space<vmem>> -> memref<128xi32, #tpu.memory_space<vmem>>
      %dma_wait3A_173 = arith.constant 0 : i32
      %dma_wait3A_174 = arith.constant 0 : i32
      %dma_wait3A_175 = tpu.memref_slice %arg3[%dma_wait3A_173, %dma_wait3A_174] : memref<10240x128xf32, #tpu.memory_space<hbm>> -> memref<10240x128xf32, #tpu.memory_space<hbm>>
      tpu.wait_indirect_dma semaphore(%arg13 : memref<!tpu.dma_semaphore, #tpu.memory_space<semaphore_mem>>) src(%dma_wait3A_175 : memref<10240x128xf32, #tpu.memory_space<hbm>>) dst(%dma_wait3A_169 : memref<128x128xf32, #tpu.memory_space<vmem>>)
      %run_scoped3A_176 = arith.constant 0 : i32
      "tpu.region"() ({
        %run_scoped3A_205 = tpu.sem_alloc : memref<!tpu.dma_semaphore, #tpu.memory_space<semaphore_mem>>
        %dma_start3A_206 = arith.constant 0 : i32
        %dma_start3A_207 = arith.constant 0 : i32
        %dma_start3A_208 = tpu.memref_slice %arg11[%run_scoped3A_176, %dma_start3A_206, %dma_start3A_207] : memref<2x128x128xf32, #tpu.memory_space<vmem>> -> memref<1x128x128xf32, #tpu.memory_space<vmem>>
        %dma_start3A_209 = tpu.memref_squeeze %dma_start3A_208 : memref<1x128x128xf32, #tpu.memory_space<vmem>> -> memref<128x128xf32, #tpu.memory_space<vmem>>
        %dma_start3A_210 = arith.constant 0 : i32
        %dma_start3A_211 = tpu.memref_slice %arg10[%add3A_165, %dma_start3A_210] : memref<40x128xi32, #tpu.memory_space<vmem>> -> memref<1x128xi32, #tpu.memory_space<vmem>>
        %dma_start3A_212 = tpu.memref_squeeze %dma_start3A_211 : memref<1x128xi32, #tpu.memory_space<vmem>> -> memref<128xi32, #tpu.memory_space<vmem>>
        %dma_start3A_213 = arith.constant 0 : i32
        %dma_start3A_214 = arith.constant 0 : i32
        %dma_start3A_215 = tpu.memref_slice %arg12[%dma_start3A_213, %dma_start3A_214] : memref<10240x128xf32, #tpu.memory_space<vmem_shared>> -> memref<10240x128xf32, #tpu.memory_space<vmem_shared>>
        tpu.enqueue_indirect_dma source(%dma_start3A_209 : memref<128x128xf32, #tpu.memory_space<vmem>>) target(%dma_start3A_215 : memref<10240x128xf32, #tpu.memory_space<vmem_shared>>) offsets(%dma_start3A_212 : memref<128xi32, #tpu.memory_space<vmem>>) semaphore(%run_scoped3A_205 : memref<!tpu.dma_semaphore, #tpu.memory_space<semaphore_mem>>) {add = true}
        %dma_wait3A_216 = arith.constant 0 : i32
        %dma_wait3A_217 = arith.constant 0 : i32
        %dma_wait3A_218 = tpu.memref_slice %arg11[%run_scoped3A_176, %dma_wait3A_216, %dma_wait3A_217] : memref<2x128x128xf32, #tpu.memory_space<vmem>> -> memref<1x128x128xf32, #tpu.memory_space<vmem>>
        %dma_wait3A_219 = tpu.memref_squeeze %dma_wait3A_218 : memref<1x128x128xf32, #tpu.memory_space<vmem>> -> memref<128x128xf32, #tpu.memory_space<vmem>>
        %dma_wait3A_220 = arith.constant 0 : i32
        %dma_wait3A_221 = tpu.memref_slice %arg10[%add3A_165, %dma_wait3A_220] : memref<40x128xi32, #tpu.memory_space<vmem>> -> memref<1x128xi32, #tpu.memory_space<vmem>>
        %dma_wait3A_222 = tpu.memref_squeeze %dma_wait3A_221 : memref<1x128xi32, #tpu.memory_space<vmem>> -> memref<128xi32, #tpu.memory_space<vmem>>
        %dma_wait3A_223 = arith.constant 0 : i32
        %dma_wait3A_224 = arith.constant 0 : i32
        %dma_wait3A_225 = tpu.memref_slice %arg12[%dma_wait3A_223, %dma_wait3A_224] : memref<10240x128xf32, #tpu.memory_space<vmem_shared>> -> memref<10240x128xf32, #tpu.memory_space<vmem_shared>>
        tpu.wait_indirect_dma semaphore(%run_scoped3A_205 : memref<!tpu.dma_semaphore, #tpu.memory_space<semaphore_mem>>) src(%dma_wait3A_219 : memref<128x128xf32, #tpu.memory_space<vmem>>) dst(%dma_wait3A_225 : memref<10240x128xf32, #tpu.memory_space<vmem_shared>>)
        tpu.yield
      }) : () -> ()
      %add3A_177 = arith.constant 2 : i32
      %add3A_178 = arith.addi %add3A_165, %add3A_177 : i32
      %lt3A = arith.constant 40 : i32
      %lt3A_179 = arith.cmpi slt, %add3A_178, %lt3A : i32
      %convert_element_type3A = arith.extui %lt3A_179 : i1 to i32
      %cond3A = arith.constant 0 : i32
      %cond3A_180 = arith.cmpi ne, %convert_element_type3A, %cond3A : i32
      scf.if %cond3A_180 {
        %add3A_205 = arith.constant 2 : i32
        %add3A_206 = arith.addi %add3A_165, %add3A_205 : i32
        %dma_start3A_207 = arith.constant 0 : i32
        %dma_start3A_208 = arith.constant 0 : i32
        %dma_start3A_209 = arith.constant 0 : i32
        %dma_start3A_210 = tpu.memref_slice %arg11[%dma_start3A_207, %dma_start3A_208, %dma_start3A_209] : memref<2x128x128xf32, #tpu.memory_space<vmem>> -> memref<1x128x128xf32, #tpu.memory_space<vmem>>
        %dma_start3A_211 = tpu.memref_squeeze %dma_start3A_210 : memref<1x128x128xf32, #tpu.memory_space<vmem>> -> memref<128x128xf32, #tpu.memory_space<vmem>>
        %dma_start3A_212 = arith.constant 0 : i32
        %dma_start3A_213 = tpu.memref_slice %arg9[%add3A_206, %dma_start3A_212] : memref<40x128xi32, #tpu.memory_space<vmem>> -> memref<1x128xi32, #tpu.memory_space<vmem>>
        %dma_start3A_214 = tpu.memref_squeeze %dma_start3A_213 : memref<1x128xi32, #tpu.memory_space<vmem>> -> memref<128xi32, #tpu.memory_space<vmem>>
        %dma_start3A_215 = arith.constant 0 : i32
        %dma_start3A_216 = arith.constant 0 : i32
        %dma_start3A_217 = tpu.memref_slice %arg3[%dma_start3A_215, %dma_start3A_216] : memref<10240x128xf32, #tpu.memory_space<hbm>> -> memref<10240x128xf32, #tpu.memory_space<hbm>>
        tpu.enqueue_indirect_dma source(%dma_start3A_217 : memref<10240x128xf32, #tpu.memory_space<hbm>>) target(%dma_start3A_211 : memref<128x128xf32, #tpu.memory_space<vmem>>) offsets(%dma_start3A_214 : memref<128xi32, #tpu.memory_space<vmem>>) semaphore(%arg13 : memref<!tpu.dma_semaphore, #tpu.memory_space<semaphore_mem>>)
      } else {
      }
      %mul3A_181 = arith.constant 2 : i32
      %mul3A_182 = arith.muli %scan3A_160, %mul3A_181 : i32
      %add3A_183 = arith.constant 1 : i32
      %add3A_184 = arith.addi %mul3A_182, %add3A_183 : i32
      %dma_wait3A_185 = arith.constant 1 : i32
      %dma_wait3A_186 = arith.constant 0 : i32
      %dma_wait3A_187 = arith.constant 0 : i32
      %dma_wait3A_188 = tpu.memref_slice %arg11[%dma_wait3A_185, %dma_wait3A_186, %dma_wait3A_187] : memref<2x128x128xf32, #tpu.memory_space<vmem>> -> memref<1x128x128xf32, #tpu.memory_space<vmem>>
      %dma_wait3A_189 = tpu.memref_squeeze %dma_wait3A_188 : memref<1x128x128xf32, #tpu.memory_space<vmem>> -> memref<128x128xf32, #tpu.memory_space<vmem>>
      %dma_wait3A_190 = arith.constant 0 : i32
      %dma_wait3A_191 = tpu.memref_slice %arg9[%add3A_184, %dma_wait3A_190] : memref<40x128xi32, #tpu.memory_space<vmem>> -> memref<1x128xi32, #tpu.memory_space<vmem>>
      %dma_wait3A_192 = tpu.memref_squeeze %dma_wait3A_191 : memref<1x128xi32, #tpu.memory_space<vmem>> -> memref<128xi32, #tpu.memory_space<vmem>>
      %dma_wait3A_193 = arith.constant 0 : i32
      %dma_wait3A_194 = arith.constant 0 : i32
      %dma_wait3A_195 = tpu.memref_slice %arg3[%dma_wait3A_193, %dma_wait3A_194] : memref<10240x128xf32, #tpu.memory_space<hbm>> -> memref<10240x128xf32, #tpu.memory_space<hbm>>
      tpu.wait_indirect_dma semaphore(%arg14 : memref<!tpu.dma_semaphore, #tpu.memory_space<semaphore_mem>>) src(%dma_wait3A_195 : memref<10240x128xf32, #tpu.memory_space<hbm>>) dst(%dma_wait3A_189 : memref<128x128xf32, #tpu.memory_space<vmem>>)
      %run_scoped3A_196 = arith.constant 1 : i32
      "tpu.region"() ({
        %run_scoped3A_205 = tpu.sem_alloc : memref<!tpu.dma_semaphore, #tpu.memory_space<semaphore_mem>>
        %dma_start3A_206 = arith.constant 0 : i32
        %dma_start3A_207 = arith.constant 0 : i32
        %dma_start3A_208 = tpu.memref_slice %arg11[%run_scoped3A_196, %dma_start3A_206, %dma_start3A_207] : memref<2x128x128xf32, #tpu.memory_space<vmem>> -> memref<1x128x128xf32, #tpu.memory_space<vmem>>
        %dma_start3A_209 = tpu.memref_squeeze %dma_start3A_208 : memref<1x128x128xf32, #tpu.memory_space<vmem>> -> memref<128x128xf32, #tpu.memory_space<vmem>>
        %dma_start3A_210 = arith.constant 0 : i32
        %dma_start3A_211 = tpu.memref_slice %arg10[%add3A_184, %dma_start3A_210] : memref<40x128xi32, #tpu.memory_space<vmem>> -> memref<1x128xi32, #tpu.memory_space<vmem>>
        %dma_start3A_212 = tpu.memref_squeeze %dma_start3A_211 : memref<1x128xi32, #tpu.memory_space<vmem>> -> memref<128xi32, #tpu.memory_space<vmem>>
        %dma_start3A_213 = arith.constant 0 : i32
        %dma_start3A_214 = arith.constant 0 : i32
        %dma_start3A_215 = tpu.memref_slice %arg12[%dma_start3A_213, %dma_start3A_214] : memref<10240x128xf32, #tpu.memory_space<vmem_shared>> -> memref<10240x128xf32, #tpu.memory_space<vmem_shared>>
        tpu.enqueue_indirect_dma source(%dma_start3A_209 : memref<128x128xf32, #tpu.memory_space<vmem>>) target(%dma_start3A_215 : memref<10240x128xf32, #tpu.memory_space<vmem_shared>>) offsets(%dma_start3A_212 : memref<128xi32, #tpu.memory_space<vmem>>) semaphore(%run_scoped3A_205 : memref<!tpu.dma_semaphore, #tpu.memory_space<semaphore_mem>>) {add = true}
        %dma_wait3A_216 = arith.constant 0 : i32
        %dma_wait3A_217 = arith.constant 0 : i32
        %dma_wait3A_218 = tpu.memref_slice %arg11[%run_scoped3A_196, %dma_wait3A_216, %dma_wait3A_217] : memref<2x128x128xf32, #tpu.memory_space<vmem>> -> memref<1x128x128xf32, #tpu.memory_space<vmem>>
        %dma_wait3A_219 = tpu.memref_squeeze %dma_wait3A_218 : memref<1x128x128xf32, #tpu.memory_space<vmem>> -> memref<128x128xf32, #tpu.memory_space<vmem>>
        %dma_wait3A_220 = arith.constant 0 : i32
        %dma_wait3A_221 = tpu.memref_slice %arg10[%add3A_184, %dma_wait3A_220] : memref<40x128xi32, #tpu.memory_space<vmem>> -> memref<1x128xi32, #tpu.memory_space<vmem>>
        %dma_wait3A_222 = tpu.memref_squeeze %dma_wait3A_221 : memref<1x128xi32, #tpu.memory_space<vmem>> -> memref<128xi32, #tpu.memory_space<vmem>>
        %dma_wait3A_223 = arith.constant 0 : i32
        %dma_wait3A_224 = arith.constant 0 : i32
        %dma_wait3A_225 = tpu.memref_slice %arg12[%dma_wait3A_223, %dma_wait3A_224] : memref<10240x128xf32, #tpu.memory_space<vmem_shared>> -> memref<10240x128xf32, #tpu.memory_space<vmem_shared>>
        tpu.wait_indirect_dma semaphore(%run_scoped3A_205 : memref<!tpu.dma_semaphore, #tpu.memory_space<semaphore_mem>>) src(%dma_wait3A_219 : memref<128x128xf32, #tpu.memory_space<vmem>>) dst(%dma_wait3A_225 : memref<10240x128xf32, #tpu.memory_space<vmem_shared>>)
        tpu.yield
      }) : () -> ()
      %add3A_197 = arith.constant 2 : i32
      %add3A_198 = arith.addi %add3A_184, %add3A_197 : i32
      %lt3A_199 = arith.constant 40 : i32
      %lt3A_200 = arith.cmpi slt, %add3A_198, %lt3A_199 : i32
      %convert_element_type3A_201 = arith.extui %lt3A_200 : i1 to i32
      %cond3A_202 = arith.constant 0 : i32
      %cond3A_203 = arith.cmpi ne, %convert_element_type3A_201, %cond3A_202 : i32
      scf.if %cond3A_203 {
        %add3A_205 = arith.constant 2 : i32
        %add3A_206 = arith.addi %add3A_184, %add3A_205 : i32
        %dma_start3A_207 = arith.constant 1 : i32
        %dma_start3A_208 = arith.constant 0 : i32
        %dma_start3A_209 = arith.constant 0 : i32
        %dma_start3A_210 = tpu.memref_slice %arg11[%dma_start3A_207, %dma_start3A_208, %dma_start3A_209] : memref<2x128x128xf32, #tpu.memory_space<vmem>> -> memref<1x128x128xf32, #tpu.memory_space<vmem>>
        %dma_start3A_211 = tpu.memref_squeeze %dma_start3A_210 : memref<1x128x128xf32, #tpu.memory_space<vmem>> -> memref<128x128xf32, #tpu.memory_space<vmem>>
        %dma_start3A_212 = arith.constant 0 : i32
        %dma_start3A_213 = tpu.memref_slice %arg9[%add3A_206, %dma_start3A_212] : memref<40x128xi32, #tpu.memory_space<vmem>> -> memref<1x128xi32, #tpu.memory_space<vmem>>
        %dma_start3A_214 = tpu.memref_squeeze %dma_start3A_213 : memref<1x128xi32, #tpu.memory_space<vmem>> -> memref<128xi32, #tpu.memory_space<vmem>>
        %dma_start3A_215 = arith.constant 0 : i32
        %dma_start3A_216 = arith.constant 0 : i32
        %dma_start3A_217 = tpu.memref_slice %arg3[%dma_start3A_215, %dma_start3A_216] : memref<10240x128xf32, #tpu.memory_space<hbm>> -> memref<10240x128xf32, #tpu.memory_space<hbm>>
        tpu.enqueue_indirect_dma source(%dma_start3A_217 : memref<10240x128xf32, #tpu.memory_space<hbm>>) target(%dma_start3A_211 : memref<128x128xf32, #tpu.memory_space<vmem>>) offsets(%dma_start3A_214 : memref<128xi32, #tpu.memory_space<vmem>>) semaphore(%arg14 : memref<!tpu.dma_semaphore, #tpu.memory_space<semaphore_mem>>)
      } else {
      }
      %scan3A_204 = arith.constant 0 : i32
      scf.yield %scan3A_204 : i32
    }
    %scan3A_152 = arith.constant 20 : i32
    %barrier3A_153 = arith.constant 0 : index
    tpu.barrier barrier_id(%barrier3A_153)
    %mul3A_154 = arith.constant 640 : i32
    %mul3A_155 = arith.muli %arg1, %mul3A_154 : i32
    %mul3A_156 = arith.constant 640 : i32
    %mul3A_157 = arith.muli %arg1, %mul3A_156 : i32
    %run_scoped3A_158 = arith.constant 1 : i32
    "tpu.region"() ({
      %run_scoped3A_160 = tpu.sem_alloc : memref<!tpu.dma_semaphore, #tpu.memory_space<semaphore_mem>>
      %dma_start3A_161 = arith.constant 0 : i32
      %dma_start3A_162 = tpu.memref_slice %arg7[%run_scoped3A_158, %arg0, %mul3A_157, %dma_start3A_161] : memref<2x2x10240x128xf32, #tpu.memory_space<hbm>> -> memref<1x1x640x128xf32, #tpu.memory_space<hbm>>
      %dma_start3A_163 = tpu.memref_squeeze %dma_start3A_162 : memref<1x1x640x128xf32, #tpu.memory_space<hbm>> -> memref<640x128xf32, #tpu.memory_space<hbm>>
      %dma_start3A_164 = arith.constant 0 : i32
      %dma_start3A_165 = tpu.memref_slice %arg12[%mul3A_155, %dma_start3A_164] : memref<10240x128xf32, #tpu.memory_space<vmem_shared>> -> memref<640x128xf32, #tpu.memory_space<vmem_shared>>
      tpu.enqueue_dma source(%dma_start3A_165 : memref<640x128xf32, #tpu.memory_space<vmem_shared>>) target(%dma_start3A_163 : memref<640x128xf32, #tpu.memory_space<hbm>>) target_semaphore(%run_scoped3A_160 : memref<!tpu.dma_semaphore, #tpu.memory_space<semaphore_mem>>)
      %dma_wait3A = arith.constant 0 : i32
      %dma_wait3A_166 = tpu.memref_slice %arg7[%run_scoped3A_158, %arg0, %mul3A_157, %dma_wait3A] : memref<2x2x10240x128xf32, #tpu.memory_space<hbm>> -> memref<1x1x640x128xf32, #tpu.memory_space<hbm>>
      %dma_wait3A_167 = tpu.memref_squeeze %dma_wait3A_166 : memref<1x1x640x128xf32, #tpu.memory_space<hbm>> -> memref<640x128xf32, #tpu.memory_space<hbm>>
      %dma_wait3A_168 = arith.constant 0 : i32
      %dma_wait3A_169 = tpu.memref_slice %arg12[%mul3A_155, %dma_wait3A_168] : memref<10240x128xf32, #tpu.memory_space<vmem_shared>> -> memref<640x128xf32, #tpu.memory_space<vmem_shared>>
      tpu.wait_dma2 semaphore(%run_scoped3A_160 : memref<!tpu.dma_semaphore, #tpu.memory_space<semaphore_mem>>) src(%dma_wait3A_169 : memref<640x128xf32, #tpu.memory_space<vmem_shared>>) dst(%dma_wait3A_167 : memref<640x128xf32, #tpu.memory_space<hbm>>)
      tpu.yield
    }) : () -> ()
    %barrier3A_159 = arith.constant 0 : index
    tpu.barrier barrier_id(%barrier3A_159)
    return
  }
}

#map = affine_map<(d0, d1) -> (0, 0)>
#map1 = affine_map<(d0, d1) -> (0, 0, 0, 0)>
module attributes {stable_mosaic.version = 14 : i64} {
  func.func @sc_agg(%arg0: i32, %arg1: i32, %arg2: memref<10240x128xf32, #tpu.memory_space<hbm>>, %arg3: memref<10240x128xf32, #tpu.memory_space<hbm>>, %arg4: memref<10240x128xf32, #tpu.memory_space<hbm>>, %arg5: memref<10240x128xf32, #tpu.memory_space<hbm>>, %arg6: memref<1280x128xi32, #tpu.memory_space<hbm>>, %arg7: memref<1280x128xi32, #tpu.memory_space<hbm>>, %arg8: memref<128x128xf32, #tpu.memory_space<hbm>>, %arg9: memref<4x2x10240x128xf32, #tpu.memory_space<hbm>>, %arg10: memref<40x128xi32, #tpu.memory_space<vmem>>, %arg11: memref<40x128xi32, #tpu.memory_space<vmem>>, %arg12: memref<2x128x128xf32, #tpu.memory_space<vmem>>, %arg13: memref<10240x128xf32, #tpu.memory_space<vmem_shared>>, %arg14: memref<!tpu.dma_semaphore, #tpu.memory_space<semaphore_mem>>, %arg15: memref<!tpu.dma_semaphore, #tpu.memory_space<semaphore_mem>>) attributes {dimension_semantics = [#tpu.dimension_semantics<core_parallel>, #tpu.dimension_semantics<subcore_parallel>], iteration_bounds = array<i64: 2, 16>, scalar_prefetch = 0 : i64, scratch_operands = 6 : i64, tpu.core_type = #tpu.core_type<sc_vector_subcore>, window_params = [{transform_indices = #map}, {transform_indices = #map}, {transform_indices = #map}, {transform_indices = #map}, {transform_indices = #map}, {transform_indices = #map}, {transform_indices = #map}, {transform_indices = #map1}]} {
    %mul3A = arith.constant 16 : i32
    %mul3A_0 = arith.muli %arg0, %mul3A : i32
    %add3A = arith.addi %mul3A_0, %arg1 : i32
    %mul3A_1 = arith.constant 40 : i32
    %mul3A_2 = arith.muli %add3A, %mul3A_1 : i32
    "tpu.region"() ({
      %run_scoped3A_237 = tpu.sem_alloc : memref<!tpu.dma_semaphore, #tpu.memory_space<semaphore_mem>>
      %dma_start3A_238 = arith.constant 0 : i32
      %dma_start3A_239 = tpu.memref_slice %arg6[%mul3A_2, %dma_start3A_238] : memref<1280x128xi32, #tpu.memory_space<hbm>> -> memref<40x128xi32, #tpu.memory_space<hbm>>
      %dma_start3A_240 = arith.constant 0 : i32
      %dma_start3A_241 = tpu.memref_slice %arg6[%mul3A_2, %dma_start3A_240] : memref<1280x128xi32, #tpu.memory_space<hbm>> -> memref<40x128xi32, #tpu.memory_space<hbm>>
      tpu.enqueue_dma source(%dma_start3A_241 : memref<40x128xi32, #tpu.memory_space<hbm>>) target(%arg10 : memref<40x128xi32, #tpu.memory_space<vmem>>) target_semaphore(%run_scoped3A_237 : memref<!tpu.dma_semaphore, #tpu.memory_space<semaphore_mem>>)
      %dma_wait3A = arith.constant 0 : i32
      %dma_wait3A_242 = tpu.memref_slice %arg6[%mul3A_2, %dma_wait3A] : memref<1280x128xi32, #tpu.memory_space<hbm>> -> memref<40x128xi32, #tpu.memory_space<hbm>>
      %dma_wait3A_243 = arith.constant 0 : i32
      %dma_wait3A_244 = tpu.memref_slice %arg6[%mul3A_2, %dma_wait3A_243] : memref<1280x128xi32, #tpu.memory_space<hbm>> -> memref<40x128xi32, #tpu.memory_space<hbm>>
      tpu.wait_dma2 semaphore(%run_scoped3A_237 : memref<!tpu.dma_semaphore, #tpu.memory_space<semaphore_mem>>) src(%dma_wait3A_244 : memref<40x128xi32, #tpu.memory_space<hbm>>) dst(%arg10 : memref<40x128xi32, #tpu.memory_space<vmem>>)
      tpu.yield
    }) : () -> ()
    %mul3A_3 = arith.constant 40 : i32
    %mul3A_4 = arith.muli %add3A, %mul3A_3 : i32
    "tpu.region"() ({
      %run_scoped3A_237 = tpu.sem_alloc : memref<!tpu.dma_semaphore, #tpu.memory_space<semaphore_mem>>
      %dma_start3A_238 = arith.constant 0 : i32
      %dma_start3A_239 = tpu.memref_slice %arg7[%mul3A_4, %dma_start3A_238] : memref<1280x128xi32, #tpu.memory_space<hbm>> -> memref<40x128xi32, #tpu.memory_space<hbm>>
      %dma_start3A_240 = arith.constant 0 : i32
      %dma_start3A_241 = tpu.memref_slice %arg7[%mul3A_4, %dma_start3A_240] : memref<1280x128xi32, #tpu.memory_space<hbm>> -> memref<40x128xi32, #tpu.memory_space<hbm>>
      tpu.enqueue_dma source(%dma_start3A_241 : memref<40x128xi32, #tpu.memory_space<hbm>>) target(%arg11 : memref<40x128xi32, #tpu.memory_space<vmem>>) target_semaphore(%run_scoped3A_237 : memref<!tpu.dma_semaphore, #tpu.memory_space<semaphore_mem>>)
      %dma_wait3A = arith.constant 0 : i32
      %dma_wait3A_242 = tpu.memref_slice %arg7[%mul3A_4, %dma_wait3A] : memref<1280x128xi32, #tpu.memory_space<hbm>> -> memref<40x128xi32, #tpu.memory_space<hbm>>
      %dma_wait3A_243 = arith.constant 0 : i32
      %dma_wait3A_244 = tpu.memref_slice %arg7[%mul3A_4, %dma_wait3A_243] : memref<1280x128xi32, #tpu.memory_space<hbm>> -> memref<40x128xi32, #tpu.memory_space<hbm>>
      tpu.wait_dma2 semaphore(%run_scoped3A_237 : memref<!tpu.dma_semaphore, #tpu.memory_space<semaphore_mem>>) src(%dma_wait3A_244 : memref<40x128xi32, #tpu.memory_space<hbm>>) dst(%arg11 : memref<40x128xi32, #tpu.memory_space<vmem>>)
      tpu.yield
    }) : () -> ()
    %dma_start3A = arith.constant 0 : i32
    %dma_start3A_5 = arith.constant 0 : i32
    %dma_start3A_6 = arith.constant 0 : i32
    %dma_start3A_7 = arith.constant 0 : i32
    %dma_start3A_8 = tpu.memref_slice %arg12[%dma_start3A_5, %dma_start3A_6, %dma_start3A_7] : memref<2x128x128xf32, #tpu.memory_space<vmem>> -> memref<1x128x128xf32, #tpu.memory_space<vmem>>
    %dma_start3A_9 = tpu.memref_squeeze %dma_start3A_8 : memref<1x128x128xf32, #tpu.memory_space<vmem>> -> memref<128x128xf32, #tpu.memory_space<vmem>>
    %dma_start3A_10 = arith.constant 0 : i32
    %dma_start3A_11 = tpu.memref_slice %arg10[%dma_start3A, %dma_start3A_10] : memref<40x128xi32, #tpu.memory_space<vmem>> -> memref<1x128xi32, #tpu.memory_space<vmem>>
    %dma_start3A_12 = tpu.memref_squeeze %dma_start3A_11 : memref<1x128xi32, #tpu.memory_space<vmem>> -> memref<128xi32, #tpu.memory_space<vmem>>
    %dma_start3A_13 = arith.constant 0 : i32
    %dma_start3A_14 = arith.constant 0 : i32
    %dma_start3A_15 = tpu.memref_slice %arg2[%dma_start3A_13, %dma_start3A_14] : memref<10240x128xf32, #tpu.memory_space<hbm>> -> memref<10240x128xf32, #tpu.memory_space<hbm>>
    tpu.enqueue_indirect_dma source(%dma_start3A_15 : memref<10240x128xf32, #tpu.memory_space<hbm>>) target(%dma_start3A_9 : memref<128x128xf32, #tpu.memory_space<vmem>>) offsets(%dma_start3A_12 : memref<128xi32, #tpu.memory_space<vmem>>) semaphore(%arg14 : memref<!tpu.dma_semaphore, #tpu.memory_space<semaphore_mem>>)
    %dma_start3A_16 = arith.constant 1 : i32
    %dma_start3A_17 = arith.constant 1 : i32
    %dma_start3A_18 = arith.constant 0 : i32
    %dma_start3A_19 = arith.constant 0 : i32
    %dma_start3A_20 = tpu.memref_slice %arg12[%dma_start3A_17, %dma_start3A_18, %dma_start3A_19] : memref<2x128x128xf32, #tpu.memory_space<vmem>> -> memref<1x128x128xf32, #tpu.memory_space<vmem>>
    %dma_start3A_21 = tpu.memref_squeeze %dma_start3A_20 : memref<1x128x128xf32, #tpu.memory_space<vmem>> -> memref<128x128xf32, #tpu.memory_space<vmem>>
    %dma_start3A_22 = arith.constant 0 : i32
    %dma_start3A_23 = tpu.memref_slice %arg10[%dma_start3A_16, %dma_start3A_22] : memref<40x128xi32, #tpu.memory_space<vmem>> -> memref<1x128xi32, #tpu.memory_space<vmem>>
    %dma_start3A_24 = tpu.memref_squeeze %dma_start3A_23 : memref<1x128xi32, #tpu.memory_space<vmem>> -> memref<128xi32, #tpu.memory_space<vmem>>
    %dma_start3A_25 = arith.constant 0 : i32
    %dma_start3A_26 = arith.constant 0 : i32
    %dma_start3A_27 = tpu.memref_slice %arg2[%dma_start3A_25, %dma_start3A_26] : memref<10240x128xf32, #tpu.memory_space<hbm>> -> memref<10240x128xf32, #tpu.memory_space<hbm>>
    tpu.enqueue_indirect_dma source(%dma_start3A_27 : memref<10240x128xf32, #tpu.memory_space<hbm>>) target(%dma_start3A_21 : memref<128x128xf32, #tpu.memory_space<vmem>>) offsets(%dma_start3A_24 : memref<128xi32, #tpu.memory_space<vmem>>) semaphore(%arg15 : memref<!tpu.dma_semaphore, #tpu.memory_space<semaphore_mem>>)
    %mul3A_28 = arith.constant 640 : i32
    %mul3A_29 = arith.muli %arg1, %mul3A_28 : i32
    %add3A_30 = arith.constant 0 : i32
    %add3A_31 = arith.addi %mul3A_29, %add3A_30 : i32
    "tpu.region"() ({
      %run_scoped3A_237 = tpu.sem_alloc : memref<!tpu.dma_semaphore, #tpu.memory_space<semaphore_mem>>
      %dma_start3A_238 = arith.constant 0 : i32
      %dma_start3A_239 = tpu.memref_slice %arg13[%add3A_31, %dma_start3A_238] : memref<10240x128xf32, #tpu.memory_space<vmem_shared>> -> memref<128x128xf32, #tpu.memory_space<vmem_shared>>
      tpu.enqueue_dma source(%arg8 : memref<128x128xf32, #tpu.memory_space<hbm>>) target(%dma_start3A_239 : memref<128x128xf32, #tpu.memory_space<vmem_shared>>) target_semaphore(%run_scoped3A_237 : memref<!tpu.dma_semaphore, #tpu.memory_space<semaphore_mem>>)
      %dma_wait3A = arith.constant 0 : i32
      %dma_wait3A_240 = tpu.memref_slice %arg13[%add3A_31, %dma_wait3A] : memref<10240x128xf32, #tpu.memory_space<vmem_shared>> -> memref<128x128xf32, #tpu.memory_space<vmem_shared>>
      tpu.wait_dma2 semaphore(%run_scoped3A_237 : memref<!tpu.dma_semaphore, #tpu.memory_space<semaphore_mem>>) src(%arg8 : memref<128x128xf32, #tpu.memory_space<hbm>>) dst(%dma_wait3A_240 : memref<128x128xf32, #tpu.memory_space<vmem_shared>>)
      tpu.yield
    }) : () -> ()
    %mul3A_32 = arith.constant 640 : i32
    %mul3A_33 = arith.muli %arg1, %mul3A_32 : i32
    %add3A_34 = arith.constant 128 : i32
    %add3A_35 = arith.addi %mul3A_33, %add3A_34 : i32
    "tpu.region"() ({
      %run_scoped3A_237 = tpu.sem_alloc : memref<!tpu.dma_semaphore, #tpu.memory_space<semaphore_mem>>
      %dma_start3A_238 = arith.constant 0 : i32
      %dma_start3A_239 = tpu.memref_slice %arg13[%add3A_35, %dma_start3A_238] : memref<10240x128xf32, #tpu.memory_space<vmem_shared>> -> memref<128x128xf32, #tpu.memory_space<vmem_shared>>
      tpu.enqueue_dma source(%arg8 : memref<128x128xf32, #tpu.memory_space<hbm>>) target(%dma_start3A_239 : memref<128x128xf32, #tpu.memory_space<vmem_shared>>) target_semaphore(%run_scoped3A_237 : memref<!tpu.dma_semaphore, #tpu.memory_space<semaphore_mem>>)
      %dma_wait3A = arith.constant 0 : i32
      %dma_wait3A_240 = tpu.memref_slice %arg13[%add3A_35, %dma_wait3A] : memref<10240x128xf32, #tpu.memory_space<vmem_shared>> -> memref<128x128xf32, #tpu.memory_space<vmem_shared>>
      tpu.wait_dma2 semaphore(%run_scoped3A_237 : memref<!tpu.dma_semaphore, #tpu.memory_space<semaphore_mem>>) src(%arg8 : memref<128x128xf32, #tpu.memory_space<hbm>>) dst(%dma_wait3A_240 : memref<128x128xf32, #tpu.memory_space<vmem_shared>>)
      tpu.yield
    }) : () -> ()
    %mul3A_36 = arith.constant 640 : i32
    %mul3A_37 = arith.muli %arg1, %mul3A_36 : i32
    %add3A_38 = arith.constant 256 : i32
    %add3A_39 = arith.addi %mul3A_37, %add3A_38 : i32
    "tpu.region"() ({
      %run_scoped3A_237 = tpu.sem_alloc : memref<!tpu.dma_semaphore, #tpu.memory_space<semaphore_mem>>
      %dma_start3A_238 = arith.constant 0 : i32
      %dma_start3A_239 = tpu.memref_slice %arg13[%add3A_39, %dma_start3A_238] : memref<10240x128xf32, #tpu.memory_space<vmem_shared>> -> memref<128x128xf32, #tpu.memory_space<vmem_shared>>
      tpu.enqueue_dma source(%arg8 : memref<128x128xf32, #tpu.memory_space<hbm>>) target(%dma_start3A_239 : memref<128x128xf32, #tpu.memory_space<vmem_shared>>) target_semaphore(%run_scoped3A_237 : memref<!tpu.dma_semaphore, #tpu.memory_space<semaphore_mem>>)
      %dma_wait3A = arith.constant 0 : i32
      %dma_wait3A_240 = tpu.memref_slice %arg13[%add3A_39, %dma_wait3A] : memref<10240x128xf32, #tpu.memory_space<vmem_shared>> -> memref<128x128xf32, #tpu.memory_space<vmem_shared>>
      tpu.wait_dma2 semaphore(%run_scoped3A_237 : memref<!tpu.dma_semaphore, #tpu.memory_space<semaphore_mem>>) src(%arg8 : memref<128x128xf32, #tpu.memory_space<hbm>>) dst(%dma_wait3A_240 : memref<128x128xf32, #tpu.memory_space<vmem_shared>>)
      tpu.yield
    }) : () -> ()
    %mul3A_40 = arith.constant 640 : i32
    %mul3A_41 = arith.muli %arg1, %mul3A_40 : i32
    %add3A_42 = arith.constant 384 : i32
    %add3A_43 = arith.addi %mul3A_41, %add3A_42 : i32
    "tpu.region"() ({
      %run_scoped3A_237 = tpu.sem_alloc : memref<!tpu.dma_semaphore, #tpu.memory_space<semaphore_mem>>
      %dma_start3A_238 = arith.constant 0 : i32
      %dma_start3A_239 = tpu.memref_slice %arg13[%add3A_43, %dma_start3A_238] : memref<10240x128xf32, #tpu.memory_space<vmem_shared>> -> memref<128x128xf32, #tpu.memory_space<vmem_shared>>
      tpu.enqueue_dma source(%arg8 : memref<128x128xf32, #tpu.memory_space<hbm>>) target(%dma_start3A_239 : memref<128x128xf32, #tpu.memory_space<vmem_shared>>) target_semaphore(%run_scoped3A_237 : memref<!tpu.dma_semaphore, #tpu.memory_space<semaphore_mem>>)
      %dma_wait3A = arith.constant 0 : i32
      %dma_wait3A_240 = tpu.memref_slice %arg13[%add3A_43, %dma_wait3A] : memref<10240x128xf32, #tpu.memory_space<vmem_shared>> -> memref<128x128xf32, #tpu.memory_space<vmem_shared>>
      tpu.wait_dma2 semaphore(%run_scoped3A_237 : memref<!tpu.dma_semaphore, #tpu.memory_space<semaphore_mem>>) src(%arg8 : memref<128x128xf32, #tpu.memory_space<hbm>>) dst(%dma_wait3A_240 : memref<128x128xf32, #tpu.memory_space<vmem_shared>>)
      tpu.yield
    }) : () -> ()
    %mul3A_44 = arith.constant 640 : i32
    %mul3A_45 = arith.muli %arg1, %mul3A_44 : i32
    %add3A_46 = arith.constant 512 : i32
    %add3A_47 = arith.addi %mul3A_45, %add3A_46 : i32
    "tpu.region"() ({
      %run_scoped3A_237 = tpu.sem_alloc : memref<!tpu.dma_semaphore, #tpu.memory_space<semaphore_mem>>
      %dma_start3A_238 = arith.constant 0 : i32
      %dma_start3A_239 = tpu.memref_slice %arg13[%add3A_47, %dma_start3A_238] : memref<10240x128xf32, #tpu.memory_space<vmem_shared>> -> memref<128x128xf32, #tpu.memory_space<vmem_shared>>
      tpu.enqueue_dma source(%arg8 : memref<128x128xf32, #tpu.memory_space<hbm>>) target(%dma_start3A_239 : memref<128x128xf32, #tpu.memory_space<vmem_shared>>) target_semaphore(%run_scoped3A_237 : memref<!tpu.dma_semaphore, #tpu.memory_space<semaphore_mem>>)
      %dma_wait3A = arith.constant 0 : i32
      %dma_wait3A_240 = tpu.memref_slice %arg13[%add3A_47, %dma_wait3A] : memref<10240x128xf32, #tpu.memory_space<vmem_shared>> -> memref<128x128xf32, #tpu.memory_space<vmem_shared>>
      tpu.wait_dma2 semaphore(%run_scoped3A_237 : memref<!tpu.dma_semaphore, #tpu.memory_space<semaphore_mem>>) src(%arg8 : memref<128x128xf32, #tpu.memory_space<hbm>>) dst(%dma_wait3A_240 : memref<128x128xf32, #tpu.memory_space<vmem_shared>>)
      tpu.yield
    }) : () -> ()
    %barrier3A = arith.constant 0 : index
    tpu.barrier barrier_id(%barrier3A)
    %scan3A = arith.constant 0 : i32
    %scan3A_48 = arith.constant 0 : i32
    %scan3A_49 = arith.constant 20 : i32
    %scan3A_50 = arith.addi %scan3A_48, %scan3A_49 : i32
    %scan3A_51 = arith.constant 1 : i32
    %scan3A_52 = scf.for %scan3A_237 = %scan3A_48 to %scan3A_50 step %scan3A_51 iter_args(%scan3A_238 = %scan3A) -> (i32)  : i32 {
      %mul3A_239 = arith.constant 2 : i32
      %mul3A_240 = arith.muli %scan3A_237, %mul3A_239 : i32
      %add3A_241 = arith.constant 0 : i32
      %add3A_242 = arith.addi %mul3A_240, %add3A_241 : i32
      %dma_wait3A = arith.constant 0 : i32
      %dma_wait3A_243 = arith.constant 0 : i32
      %dma_wait3A_244 = arith.constant 0 : i32
      %dma_wait3A_245 = tpu.memref_slice %arg12[%dma_wait3A, %dma_wait3A_243, %dma_wait3A_244] : memref<2x128x128xf32, #tpu.memory_space<vmem>> -> memref<1x128x128xf32, #tpu.memory_space<vmem>>
      %dma_wait3A_246 = tpu.memref_squeeze %dma_wait3A_245 : memref<1x128x128xf32, #tpu.memory_space<vmem>> -> memref<128x128xf32, #tpu.memory_space<vmem>>
      %dma_wait3A_247 = arith.constant 0 : i32
      %dma_wait3A_248 = tpu.memref_slice %arg10[%add3A_242, %dma_wait3A_247] : memref<40x128xi32, #tpu.memory_space<vmem>> -> memref<1x128xi32, #tpu.memory_space<vmem>>
      %dma_wait3A_249 = tpu.memref_squeeze %dma_wait3A_248 : memref<1x128xi32, #tpu.memory_space<vmem>> -> memref<128xi32, #tpu.memory_space<vmem>>
      %dma_wait3A_250 = arith.constant 0 : i32
      %dma_wait3A_251 = arith.constant 0 : i32
      %dma_wait3A_252 = tpu.memref_slice %arg2[%dma_wait3A_250, %dma_wait3A_251] : memref<10240x128xf32, #tpu.memory_space<hbm>> -> memref<10240x128xf32, #tpu.memory_space<hbm>>
      tpu.wait_indirect_dma semaphore(%arg14 : memref<!tpu.dma_semaphore, #tpu.memory_space<semaphore_mem>>) src(%dma_wait3A_252 : memref<10240x128xf32, #tpu.memory_space<hbm>>) dst(%dma_wait3A_246 : memref<128x128xf32, #tpu.memory_space<vmem>>)
      %run_scoped3A_253 = arith.constant 0 : i32
      "tpu.region"() ({
        %run_scoped3A_282 = tpu.sem_alloc : memref<!tpu.dma_semaphore, #tpu.memory_space<semaphore_mem>>
        %dma_start3A_283 = arith.constant 0 : i32
        %dma_start3A_284 = arith.constant 0 : i32
        %dma_start3A_285 = tpu.memref_slice %arg12[%run_scoped3A_253, %dma_start3A_283, %dma_start3A_284] : memref<2x128x128xf32, #tpu.memory_space<vmem>> -> memref<1x128x128xf32, #tpu.memory_space<vmem>>
        %dma_start3A_286 = tpu.memref_squeeze %dma_start3A_285 : memref<1x128x128xf32, #tpu.memory_space<vmem>> -> memref<128x128xf32, #tpu.memory_space<vmem>>
        %dma_start3A_287 = arith.constant 0 : i32
        %dma_start3A_288 = tpu.memref_slice %arg11[%add3A_242, %dma_start3A_287] : memref<40x128xi32, #tpu.memory_space<vmem>> -> memref<1x128xi32, #tpu.memory_space<vmem>>
        %dma_start3A_289 = tpu.memref_squeeze %dma_start3A_288 : memref<1x128xi32, #tpu.memory_space<vmem>> -> memref<128xi32, #tpu.memory_space<vmem>>
        %dma_start3A_290 = arith.constant 0 : i32
        %dma_start3A_291 = arith.constant 0 : i32
        %dma_start3A_292 = tpu.memref_slice %arg13[%dma_start3A_290, %dma_start3A_291] : memref<10240x128xf32, #tpu.memory_space<vmem_shared>> -> memref<10240x128xf32, #tpu.memory_space<vmem_shared>>
        tpu.enqueue_indirect_dma source(%dma_start3A_286 : memref<128x128xf32, #tpu.memory_space<vmem>>) target(%dma_start3A_292 : memref<10240x128xf32, #tpu.memory_space<vmem_shared>>) offsets(%dma_start3A_289 : memref<128xi32, #tpu.memory_space<vmem>>) semaphore(%run_scoped3A_282 : memref<!tpu.dma_semaphore, #tpu.memory_space<semaphore_mem>>) {add = true}
        %dma_wait3A_293 = arith.constant 0 : i32
        %dma_wait3A_294 = arith.constant 0 : i32
        %dma_wait3A_295 = tpu.memref_slice %arg12[%run_scoped3A_253, %dma_wait3A_293, %dma_wait3A_294] : memref<2x128x128xf32, #tpu.memory_space<vmem>> -> memref<1x128x128xf32, #tpu.memory_space<vmem>>
        %dma_wait3A_296 = tpu.memref_squeeze %dma_wait3A_295 : memref<1x128x128xf32, #tpu.memory_space<vmem>> -> memref<128x128xf32, #tpu.memory_space<vmem>>
        %dma_wait3A_297 = arith.constant 0 : i32
        %dma_wait3A_298 = tpu.memref_slice %arg11[%add3A_242, %dma_wait3A_297] : memref<40x128xi32, #tpu.memory_space<vmem>> -> memref<1x128xi32, #tpu.memory_space<vmem>>
        %dma_wait3A_299 = tpu.memref_squeeze %dma_wait3A_298 : memref<1x128xi32, #tpu.memory_space<vmem>> -> memref<128xi32, #tpu.memory_space<vmem>>
        %dma_wait3A_300 = arith.constant 0 : i32
        %dma_wait3A_301 = arith.constant 0 : i32
        %dma_wait3A_302 = tpu.memref_slice %arg13[%dma_wait3A_300, %dma_wait3A_301] : memref<10240x128xf32, #tpu.memory_space<vmem_shared>> -> memref<10240x128xf32, #tpu.memory_space<vmem_shared>>
        tpu.wait_indirect_dma semaphore(%run_scoped3A_282 : memref<!tpu.dma_semaphore, #tpu.memory_space<semaphore_mem>>) src(%dma_wait3A_296 : memref<128x128xf32, #tpu.memory_space<vmem>>) dst(%dma_wait3A_302 : memref<10240x128xf32, #tpu.memory_space<vmem_shared>>)
        tpu.yield
      }) : () -> ()
      %add3A_254 = arith.constant 2 : i32
      %add3A_255 = arith.addi %add3A_242, %add3A_254 : i32
      %lt3A = arith.constant 40 : i32
      %lt3A_256 = arith.cmpi slt, %add3A_255, %lt3A : i32
      %convert_element_type3A = arith.extui %lt3A_256 : i1 to i32
      %cond3A = arith.constant 0 : i32
      %cond3A_257 = arith.cmpi ne, %convert_element_type3A, %cond3A : i32
      scf.if %cond3A_257 {
        %add3A_282 = arith.constant 2 : i32
        %add3A_283 = arith.addi %add3A_242, %add3A_282 : i32
        %dma_start3A_284 = arith.constant 0 : i32
        %dma_start3A_285 = arith.constant 0 : i32
        %dma_start3A_286 = arith.constant 0 : i32
        %dma_start3A_287 = tpu.memref_slice %arg12[%dma_start3A_284, %dma_start3A_285, %dma_start3A_286] : memref<2x128x128xf32, #tpu.memory_space<vmem>> -> memref<1x128x128xf32, #tpu.memory_space<vmem>>
        %dma_start3A_288 = tpu.memref_squeeze %dma_start3A_287 : memref<1x128x128xf32, #tpu.memory_space<vmem>> -> memref<128x128xf32, #tpu.memory_space<vmem>>
        %dma_start3A_289 = arith.constant 0 : i32
        %dma_start3A_290 = tpu.memref_slice %arg10[%add3A_283, %dma_start3A_289] : memref<40x128xi32, #tpu.memory_space<vmem>> -> memref<1x128xi32, #tpu.memory_space<vmem>>
        %dma_start3A_291 = tpu.memref_squeeze %dma_start3A_290 : memref<1x128xi32, #tpu.memory_space<vmem>> -> memref<128xi32, #tpu.memory_space<vmem>>
        %dma_start3A_292 = arith.constant 0 : i32
        %dma_start3A_293 = arith.constant 0 : i32
        %dma_start3A_294 = tpu.memref_slice %arg2[%dma_start3A_292, %dma_start3A_293] : memref<10240x128xf32, #tpu.memory_space<hbm>> -> memref<10240x128xf32, #tpu.memory_space<hbm>>
        tpu.enqueue_indirect_dma source(%dma_start3A_294 : memref<10240x128xf32, #tpu.memory_space<hbm>>) target(%dma_start3A_288 : memref<128x128xf32, #tpu.memory_space<vmem>>) offsets(%dma_start3A_291 : memref<128xi32, #tpu.memory_space<vmem>>) semaphore(%arg14 : memref<!tpu.dma_semaphore, #tpu.memory_space<semaphore_mem>>)
      } else {
      }
      %mul3A_258 = arith.constant 2 : i32
      %mul3A_259 = arith.muli %scan3A_237, %mul3A_258 : i32
      %add3A_260 = arith.constant 1 : i32
      %add3A_261 = arith.addi %mul3A_259, %add3A_260 : i32
      %dma_wait3A_262 = arith.constant 1 : i32
      %dma_wait3A_263 = arith.constant 0 : i32
      %dma_wait3A_264 = arith.constant 0 : i32
      %dma_wait3A_265 = tpu.memref_slice %arg12[%dma_wait3A_262, %dma_wait3A_263, %dma_wait3A_264] : memref<2x128x128xf32, #tpu.memory_space<vmem>> -> memref<1x128x128xf32, #tpu.memory_space<vmem>>
      %dma_wait3A_266 = tpu.memref_squeeze %dma_wait3A_265 : memref<1x128x128xf32, #tpu.memory_space<vmem>> -> memref<128x128xf32, #tpu.memory_space<vmem>>
      %dma_wait3A_267 = arith.constant 0 : i32
      %dma_wait3A_268 = tpu.memref_slice %arg10[%add3A_261, %dma_wait3A_267] : memref<40x128xi32, #tpu.memory_space<vmem>> -> memref<1x128xi32, #tpu.memory_space<vmem>>
      %dma_wait3A_269 = tpu.memref_squeeze %dma_wait3A_268 : memref<1x128xi32, #tpu.memory_space<vmem>> -> memref<128xi32, #tpu.memory_space<vmem>>
      %dma_wait3A_270 = arith.constant 0 : i32
      %dma_wait3A_271 = arith.constant 0 : i32
      %dma_wait3A_272 = tpu.memref_slice %arg2[%dma_wait3A_270, %dma_wait3A_271] : memref<10240x128xf32, #tpu.memory_space<hbm>> -> memref<10240x128xf32, #tpu.memory_space<hbm>>
      tpu.wait_indirect_dma semaphore(%arg15 : memref<!tpu.dma_semaphore, #tpu.memory_space<semaphore_mem>>) src(%dma_wait3A_272 : memref<10240x128xf32, #tpu.memory_space<hbm>>) dst(%dma_wait3A_266 : memref<128x128xf32, #tpu.memory_space<vmem>>)
      %run_scoped3A_273 = arith.constant 1 : i32
      "tpu.region"() ({
        %run_scoped3A_282 = tpu.sem_alloc : memref<!tpu.dma_semaphore, #tpu.memory_space<semaphore_mem>>
        %dma_start3A_283 = arith.constant 0 : i32
        %dma_start3A_284 = arith.constant 0 : i32
        %dma_start3A_285 = tpu.memref_slice %arg12[%run_scoped3A_273, %dma_start3A_283, %dma_start3A_284] : memref<2x128x128xf32, #tpu.memory_space<vmem>> -> memref<1x128x128xf32, #tpu.memory_space<vmem>>
        %dma_start3A_286 = tpu.memref_squeeze %dma_start3A_285 : memref<1x128x128xf32, #tpu.memory_space<vmem>> -> memref<128x128xf32, #tpu.memory_space<vmem>>
        %dma_start3A_287 = arith.constant 0 : i32
        %dma_start3A_288 = tpu.memref_slice %arg11[%add3A_261, %dma_start3A_287] : memref<40x128xi32, #tpu.memory_space<vmem>> -> memref<1x128xi32, #tpu.memory_space<vmem>>
        %dma_start3A_289 = tpu.memref_squeeze %dma_start3A_288 : memref<1x128xi32, #tpu.memory_space<vmem>> -> memref<128xi32, #tpu.memory_space<vmem>>
        %dma_start3A_290 = arith.constant 0 : i32
        %dma_start3A_291 = arith.constant 0 : i32
        %dma_start3A_292 = tpu.memref_slice %arg13[%dma_start3A_290, %dma_start3A_291] : memref<10240x128xf32, #tpu.memory_space<vmem_shared>> -> memref<10240x128xf32, #tpu.memory_space<vmem_shared>>
        tpu.enqueue_indirect_dma source(%dma_start3A_286 : memref<128x128xf32, #tpu.memory_space<vmem>>) target(%dma_start3A_292 : memref<10240x128xf32, #tpu.memory_space<vmem_shared>>) offsets(%dma_start3A_289 : memref<128xi32, #tpu.memory_space<vmem>>) semaphore(%run_scoped3A_282 : memref<!tpu.dma_semaphore, #tpu.memory_space<semaphore_mem>>) {add = true}
        %dma_wait3A_293 = arith.constant 0 : i32
        %dma_wait3A_294 = arith.constant 0 : i32
        %dma_wait3A_295 = tpu.memref_slice %arg12[%run_scoped3A_273, %dma_wait3A_293, %dma_wait3A_294] : memref<2x128x128xf32, #tpu.memory_space<vmem>> -> memref<1x128x128xf32, #tpu.memory_space<vmem>>
        %dma_wait3A_296 = tpu.memref_squeeze %dma_wait3A_295 : memref<1x128x128xf32, #tpu.memory_space<vmem>> -> memref<128x128xf32, #tpu.memory_space<vmem>>
        %dma_wait3A_297 = arith.constant 0 : i32
        %dma_wait3A_298 = tpu.memref_slice %arg11[%add3A_261, %dma_wait3A_297] : memref<40x128xi32, #tpu.memory_space<vmem>> -> memref<1x128xi32, #tpu.memory_space<vmem>>
        %dma_wait3A_299 = tpu.memref_squeeze %dma_wait3A_298 : memref<1x128xi32, #tpu.memory_space<vmem>> -> memref<128xi32, #tpu.memory_space<vmem>>
        %dma_wait3A_300 = arith.constant 0 : i32
        %dma_wait3A_301 = arith.constant 0 : i32
        %dma_wait3A_302 = tpu.memref_slice %arg13[%dma_wait3A_300, %dma_wait3A_301] : memref<10240x128xf32, #tpu.memory_space<vmem_shared>> -> memref<10240x128xf32, #tpu.memory_space<vmem_shared>>
        tpu.wait_indirect_dma semaphore(%run_scoped3A_282 : memref<!tpu.dma_semaphore, #tpu.memory_space<semaphore_mem>>) src(%dma_wait3A_296 : memref<128x128xf32, #tpu.memory_space<vmem>>) dst(%dma_wait3A_302 : memref<10240x128xf32, #tpu.memory_space<vmem_shared>>)
        tpu.yield
      }) : () -> ()
      %add3A_274 = arith.constant 2 : i32
      %add3A_275 = arith.addi %add3A_261, %add3A_274 : i32
      %lt3A_276 = arith.constant 40 : i32
      %lt3A_277 = arith.cmpi slt, %add3A_275, %lt3A_276 : i32
      %convert_element_type3A_278 = arith.extui %lt3A_277 : i1 to i32
      %cond3A_279 = arith.constant 0 : i32
      %cond3A_280 = arith.cmpi ne, %convert_element_type3A_278, %cond3A_279 : i32
      scf.if %cond3A_280 {
        %add3A_282 = arith.constant 2 : i32
        %add3A_283 = arith.addi %add3A_261, %add3A_282 : i32
        %dma_start3A_284 = arith.constant 1 : i32
        %dma_start3A_285 = arith.constant 0 : i32
        %dma_start3A_286 = arith.constant 0 : i32
        %dma_start3A_287 = tpu.memref_slice %arg12[%dma_start3A_284, %dma_start3A_285, %dma_start3A_286] : memref<2x128x128xf32, #tpu.memory_space<vmem>> -> memref<1x128x128xf32, #tpu.memory_space<vmem>>
        %dma_start3A_288 = tpu.memref_squeeze %dma_start3A_287 : memref<1x128x128xf32, #tpu.memory_space<vmem>> -> memref<128x128xf32, #tpu.memory_space<vmem>>
        %dma_start3A_289 = arith.constant 0 : i32
        %dma_start3A_290 = tpu.memref_slice %arg10[%add3A_283, %dma_start3A_289] : memref<40x128xi32, #tpu.memory_space<vmem>> -> memref<1x128xi32, #tpu.memory_space<vmem>>
        %dma_start3A_291 = tpu.memref_squeeze %dma_start3A_290 : memref<1x128xi32, #tpu.memory_space<vmem>> -> memref<128xi32, #tpu.memory_space<vmem>>
        %dma_start3A_292 = arith.constant 0 : i32
        %dma_start3A_293 = arith.constant 0 : i32
        %dma_start3A_294 = tpu.memref_slice %arg2[%dma_start3A_292, %dma_start3A_293] : memref<10240x128xf32, #tpu.memory_space<hbm>> -> memref<10240x128xf32, #tpu.memory_space<hbm>>
        tpu.enqueue_indirect_dma source(%dma_start3A_294 : memref<10240x128xf32, #tpu.memory_space<hbm>>) target(%dma_start3A_288 : memref<128x128xf32, #tpu.memory_space<vmem>>) offsets(%dma_start3A_291 : memref<128xi32, #tpu.memory_space<vmem>>) semaphore(%arg15 : memref<!tpu.dma_semaphore, #tpu.memory_space<semaphore_mem>>)
      } else {
      }
      %scan3A_281 = arith.constant 0 : i32
      scf.yield %scan3A_281 : i32
    }
    %scan3A_53 = arith.constant 20 : i32
    %barrier3A_54 = arith.constant 0 : index
    tpu.barrier barrier_id(%barrier3A_54)
    %mul3A_55 = arith.constant 640 : i32
    %mul3A_56 = arith.muli %arg1, %mul3A_55 : i32
    %mul3A_57 = arith.constant 640 : i32
    %mul3A_58 = arith.muli %arg1, %mul3A_57 : i32
    %run_scoped3A = arith.constant 0 : i32
    "tpu.region"() ({
      %run_scoped3A_237 = tpu.sem_alloc : memref<!tpu.dma_semaphore, #tpu.memory_space<semaphore_mem>>
      %dma_start3A_238 = arith.constant 0 : i32
      %dma_start3A_239 = tpu.memref_slice %arg9[%run_scoped3A, %arg0, %mul3A_58, %dma_start3A_238] : memref<4x2x10240x128xf32, #tpu.memory_space<hbm>> -> memref<1x1x640x128xf32, #tpu.memory_space<hbm>>
      %dma_start3A_240 = tpu.memref_squeeze %dma_start3A_239 : memref<1x1x640x128xf32, #tpu.memory_space<hbm>> -> memref<640x128xf32, #tpu.memory_space<hbm>>
      %dma_start3A_241 = arith.constant 0 : i32
      %dma_start3A_242 = tpu.memref_slice %arg13[%mul3A_56, %dma_start3A_241] : memref<10240x128xf32, #tpu.memory_space<vmem_shared>> -> memref<640x128xf32, #tpu.memory_space<vmem_shared>>
      tpu.enqueue_dma source(%dma_start3A_242 : memref<640x128xf32, #tpu.memory_space<vmem_shared>>) target(%dma_start3A_240 : memref<640x128xf32, #tpu.memory_space<hbm>>) target_semaphore(%run_scoped3A_237 : memref<!tpu.dma_semaphore, #tpu.memory_space<semaphore_mem>>)
      %dma_wait3A = arith.constant 0 : i32
      %dma_wait3A_243 = tpu.memref_slice %arg9[%run_scoped3A, %arg0, %mul3A_58, %dma_wait3A] : memref<4x2x10240x128xf32, #tpu.memory_space<hbm>> -> memref<1x1x640x128xf32, #tpu.memory_space<hbm>>
      %dma_wait3A_244 = tpu.memref_squeeze %dma_wait3A_243 : memref<1x1x640x128xf32, #tpu.memory_space<hbm>> -> memref<640x128xf32, #tpu.memory_space<hbm>>
      %dma_wait3A_245 = arith.constant 0 : i32
      %dma_wait3A_246 = tpu.memref_slice %arg13[%mul3A_56, %dma_wait3A_245] : memref<10240x128xf32, #tpu.memory_space<vmem_shared>> -> memref<640x128xf32, #tpu.memory_space<vmem_shared>>
      tpu.wait_dma2 semaphore(%run_scoped3A_237 : memref<!tpu.dma_semaphore, #tpu.memory_space<semaphore_mem>>) src(%dma_wait3A_246 : memref<640x128xf32, #tpu.memory_space<vmem_shared>>) dst(%dma_wait3A_244 : memref<640x128xf32, #tpu.memory_space<hbm>>)
      tpu.yield
    }) : () -> ()
    %barrier3A_59 = arith.constant 0 : index
    tpu.barrier barrier_id(%barrier3A_59)
    %dma_start3A_60 = arith.constant 0 : i32
    %dma_start3A_61 = arith.constant 0 : i32
    %dma_start3A_62 = arith.constant 0 : i32
    %dma_start3A_63 = arith.constant 0 : i32
    %dma_start3A_64 = tpu.memref_slice %arg12[%dma_start3A_61, %dma_start3A_62, %dma_start3A_63] : memref<2x128x128xf32, #tpu.memory_space<vmem>> -> memref<1x128x128xf32, #tpu.memory_space<vmem>>
    %dma_start3A_65 = tpu.memref_squeeze %dma_start3A_64 : memref<1x128x128xf32, #tpu.memory_space<vmem>> -> memref<128x128xf32, #tpu.memory_space<vmem>>
    %dma_start3A_66 = arith.constant 0 : i32
    %dma_start3A_67 = tpu.memref_slice %arg10[%dma_start3A_60, %dma_start3A_66] : memref<40x128xi32, #tpu.memory_space<vmem>> -> memref<1x128xi32, #tpu.memory_space<vmem>>
    %dma_start3A_68 = tpu.memref_squeeze %dma_start3A_67 : memref<1x128xi32, #tpu.memory_space<vmem>> -> memref<128xi32, #tpu.memory_space<vmem>>
    %dma_start3A_69 = arith.constant 0 : i32
    %dma_start3A_70 = arith.constant 0 : i32
    %dma_start3A_71 = tpu.memref_slice %arg3[%dma_start3A_69, %dma_start3A_70] : memref<10240x128xf32, #tpu.memory_space<hbm>> -> memref<10240x128xf32, #tpu.memory_space<hbm>>
    tpu.enqueue_indirect_dma source(%dma_start3A_71 : memref<10240x128xf32, #tpu.memory_space<hbm>>) target(%dma_start3A_65 : memref<128x128xf32, #tpu.memory_space<vmem>>) offsets(%dma_start3A_68 : memref<128xi32, #tpu.memory_space<vmem>>) semaphore(%arg14 : memref<!tpu.dma_semaphore, #tpu.memory_space<semaphore_mem>>)
    %dma_start3A_72 = arith.constant 1 : i32
    %dma_start3A_73 = arith.constant 1 : i32
    %dma_start3A_74 = arith.constant 0 : i32
    %dma_start3A_75 = arith.constant 0 : i32
    %dma_start3A_76 = tpu.memref_slice %arg12[%dma_start3A_73, %dma_start3A_74, %dma_start3A_75] : memref<2x128x128xf32, #tpu.memory_space<vmem>> -> memref<1x128x128xf32, #tpu.memory_space<vmem>>
    %dma_start3A_77 = tpu.memref_squeeze %dma_start3A_76 : memref<1x128x128xf32, #tpu.memory_space<vmem>> -> memref<128x128xf32, #tpu.memory_space<vmem>>
    %dma_start3A_78 = arith.constant 0 : i32
    %dma_start3A_79 = tpu.memref_slice %arg10[%dma_start3A_72, %dma_start3A_78] : memref<40x128xi32, #tpu.memory_space<vmem>> -> memref<1x128xi32, #tpu.memory_space<vmem>>
    %dma_start3A_80 = tpu.memref_squeeze %dma_start3A_79 : memref<1x128xi32, #tpu.memory_space<vmem>> -> memref<128xi32, #tpu.memory_space<vmem>>
    %dma_start3A_81 = arith.constant 0 : i32
    %dma_start3A_82 = arith.constant 0 : i32
    %dma_start3A_83 = tpu.memref_slice %arg3[%dma_start3A_81, %dma_start3A_82] : memref<10240x128xf32, #tpu.memory_space<hbm>> -> memref<10240x128xf32, #tpu.memory_space<hbm>>
    tpu.enqueue_indirect_dma source(%dma_start3A_83 : memref<10240x128xf32, #tpu.memory_space<hbm>>) target(%dma_start3A_77 : memref<128x128xf32, #tpu.memory_space<vmem>>) offsets(%dma_start3A_80 : memref<128xi32, #tpu.memory_space<vmem>>) semaphore(%arg15 : memref<!tpu.dma_semaphore, #tpu.memory_space<semaphore_mem>>)
    %mul3A_84 = arith.constant 640 : i32
    %mul3A_85 = arith.muli %arg1, %mul3A_84 : i32
    %add3A_86 = arith.constant 0 : i32
    %add3A_87 = arith.addi %mul3A_85, %add3A_86 : i32
    "tpu.region"() ({
      %run_scoped3A_237 = tpu.sem_alloc : memref<!tpu.dma_semaphore, #tpu.memory_space<semaphore_mem>>
      %dma_start3A_238 = arith.constant 0 : i32
      %dma_start3A_239 = tpu.memref_slice %arg13[%add3A_87, %dma_start3A_238] : memref<10240x128xf32, #tpu.memory_space<vmem_shared>> -> memref<128x128xf32, #tpu.memory_space<vmem_shared>>
      tpu.enqueue_dma source(%arg8 : memref<128x128xf32, #tpu.memory_space<hbm>>) target(%dma_start3A_239 : memref<128x128xf32, #tpu.memory_space<vmem_shared>>) target_semaphore(%run_scoped3A_237 : memref<!tpu.dma_semaphore, #tpu.memory_space<semaphore_mem>>)
      %dma_wait3A = arith.constant 0 : i32
      %dma_wait3A_240 = tpu.memref_slice %arg13[%add3A_87, %dma_wait3A] : memref<10240x128xf32, #tpu.memory_space<vmem_shared>> -> memref<128x128xf32, #tpu.memory_space<vmem_shared>>
      tpu.wait_dma2 semaphore(%run_scoped3A_237 : memref<!tpu.dma_semaphore, #tpu.memory_space<semaphore_mem>>) src(%arg8 : memref<128x128xf32, #tpu.memory_space<hbm>>) dst(%dma_wait3A_240 : memref<128x128xf32, #tpu.memory_space<vmem_shared>>)
      tpu.yield
    }) : () -> ()
    %mul3A_88 = arith.constant 640 : i32
    %mul3A_89 = arith.muli %arg1, %mul3A_88 : i32
    %add3A_90 = arith.constant 128 : i32
    %add3A_91 = arith.addi %mul3A_89, %add3A_90 : i32
    "tpu.region"() ({
      %run_scoped3A_237 = tpu.sem_alloc : memref<!tpu.dma_semaphore, #tpu.memory_space<semaphore_mem>>
      %dma_start3A_238 = arith.constant 0 : i32
      %dma_start3A_239 = tpu.memref_slice %arg13[%add3A_91, %dma_start3A_238] : memref<10240x128xf32, #tpu.memory_space<vmem_shared>> -> memref<128x128xf32, #tpu.memory_space<vmem_shared>>
      tpu.enqueue_dma source(%arg8 : memref<128x128xf32, #tpu.memory_space<hbm>>) target(%dma_start3A_239 : memref<128x128xf32, #tpu.memory_space<vmem_shared>>) target_semaphore(%run_scoped3A_237 : memref<!tpu.dma_semaphore, #tpu.memory_space<semaphore_mem>>)
      %dma_wait3A = arith.constant 0 : i32
      %dma_wait3A_240 = tpu.memref_slice %arg13[%add3A_91, %dma_wait3A] : memref<10240x128xf32, #tpu.memory_space<vmem_shared>> -> memref<128x128xf32, #tpu.memory_space<vmem_shared>>
      tpu.wait_dma2 semaphore(%run_scoped3A_237 : memref<!tpu.dma_semaphore, #tpu.memory_space<semaphore_mem>>) src(%arg8 : memref<128x128xf32, #tpu.memory_space<hbm>>) dst(%dma_wait3A_240 : memref<128x128xf32, #tpu.memory_space<vmem_shared>>)
      tpu.yield
    }) : () -> ()
    %mul3A_92 = arith.constant 640 : i32
    %mul3A_93 = arith.muli %arg1, %mul3A_92 : i32
    %add3A_94 = arith.constant 256 : i32
    %add3A_95 = arith.addi %mul3A_93, %add3A_94 : i32
    "tpu.region"() ({
      %run_scoped3A_237 = tpu.sem_alloc : memref<!tpu.dma_semaphore, #tpu.memory_space<semaphore_mem>>
      %dma_start3A_238 = arith.constant 0 : i32
      %dma_start3A_239 = tpu.memref_slice %arg13[%add3A_95, %dma_start3A_238] : memref<10240x128xf32, #tpu.memory_space<vmem_shared>> -> memref<128x128xf32, #tpu.memory_space<vmem_shared>>
      tpu.enqueue_dma source(%arg8 : memref<128x128xf32, #tpu.memory_space<hbm>>) target(%dma_start3A_239 : memref<128x128xf32, #tpu.memory_space<vmem_shared>>) target_semaphore(%run_scoped3A_237 : memref<!tpu.dma_semaphore, #tpu.memory_space<semaphore_mem>>)
      %dma_wait3A = arith.constant 0 : i32
      %dma_wait3A_240 = tpu.memref_slice %arg13[%add3A_95, %dma_wait3A] : memref<10240x128xf32, #tpu.memory_space<vmem_shared>> -> memref<128x128xf32, #tpu.memory_space<vmem_shared>>
      tpu.wait_dma2 semaphore(%run_scoped3A_237 : memref<!tpu.dma_semaphore, #tpu.memory_space<semaphore_mem>>) src(%arg8 : memref<128x128xf32, #tpu.memory_space<hbm>>) dst(%dma_wait3A_240 : memref<128x128xf32, #tpu.memory_space<vmem_shared>>)
      tpu.yield
    }) : () -> ()
    %mul3A_96 = arith.constant 640 : i32
    %mul3A_97 = arith.muli %arg1, %mul3A_96 : i32
    %add3A_98 = arith.constant 384 : i32
    %add3A_99 = arith.addi %mul3A_97, %add3A_98 : i32
    "tpu.region"() ({
      %run_scoped3A_237 = tpu.sem_alloc : memref<!tpu.dma_semaphore, #tpu.memory_space<semaphore_mem>>
      %dma_start3A_238 = arith.constant 0 : i32
      %dma_start3A_239 = tpu.memref_slice %arg13[%add3A_99, %dma_start3A_238] : memref<10240x128xf32, #tpu.memory_space<vmem_shared>> -> memref<128x128xf32, #tpu.memory_space<vmem_shared>>
      tpu.enqueue_dma source(%arg8 : memref<128x128xf32, #tpu.memory_space<hbm>>) target(%dma_start3A_239 : memref<128x128xf32, #tpu.memory_space<vmem_shared>>) target_semaphore(%run_scoped3A_237 : memref<!tpu.dma_semaphore, #tpu.memory_space<semaphore_mem>>)
      %dma_wait3A = arith.constant 0 : i32
      %dma_wait3A_240 = tpu.memref_slice %arg13[%add3A_99, %dma_wait3A] : memref<10240x128xf32, #tpu.memory_space<vmem_shared>> -> memref<128x128xf32, #tpu.memory_space<vmem_shared>>
      tpu.wait_dma2 semaphore(%run_scoped3A_237 : memref<!tpu.dma_semaphore, #tpu.memory_space<semaphore_mem>>) src(%arg8 : memref<128x128xf32, #tpu.memory_space<hbm>>) dst(%dma_wait3A_240 : memref<128x128xf32, #tpu.memory_space<vmem_shared>>)
      tpu.yield
    }) : () -> ()
    %mul3A_100 = arith.constant 640 : i32
    %mul3A_101 = arith.muli %arg1, %mul3A_100 : i32
    %add3A_102 = arith.constant 512 : i32
    %add3A_103 = arith.addi %mul3A_101, %add3A_102 : i32
    "tpu.region"() ({
      %run_scoped3A_237 = tpu.sem_alloc : memref<!tpu.dma_semaphore, #tpu.memory_space<semaphore_mem>>
      %dma_start3A_238 = arith.constant 0 : i32
      %dma_start3A_239 = tpu.memref_slice %arg13[%add3A_103, %dma_start3A_238] : memref<10240x128xf32, #tpu.memory_space<vmem_shared>> -> memref<128x128xf32, #tpu.memory_space<vmem_shared>>
      tpu.enqueue_dma source(%arg8 : memref<128x128xf32, #tpu.memory_space<hbm>>) target(%dma_start3A_239 : memref<128x128xf32, #tpu.memory_space<vmem_shared>>) target_semaphore(%run_scoped3A_237 : memref<!tpu.dma_semaphore, #tpu.memory_space<semaphore_mem>>)
      %dma_wait3A = arith.constant 0 : i32
      %dma_wait3A_240 = tpu.memref_slice %arg13[%add3A_103, %dma_wait3A] : memref<10240x128xf32, #tpu.memory_space<vmem_shared>> -> memref<128x128xf32, #tpu.memory_space<vmem_shared>>
      tpu.wait_dma2 semaphore(%run_scoped3A_237 : memref<!tpu.dma_semaphore, #tpu.memory_space<semaphore_mem>>) src(%arg8 : memref<128x128xf32, #tpu.memory_space<hbm>>) dst(%dma_wait3A_240 : memref<128x128xf32, #tpu.memory_space<vmem_shared>>)
      tpu.yield
    }) : () -> ()
    %barrier3A_104 = arith.constant 0 : index
    tpu.barrier barrier_id(%barrier3A_104)
    %scan3A_105 = arith.constant 0 : i32
    %scan3A_106 = arith.constant 0 : i32
    %scan3A_107 = arith.constant 20 : i32
    %scan3A_108 = arith.addi %scan3A_106, %scan3A_107 : i32
    %scan3A_109 = arith.constant 1 : i32
    %scan3A_110 = scf.for %scan3A_237 = %scan3A_106 to %scan3A_108 step %scan3A_109 iter_args(%scan3A_238 = %scan3A_105) -> (i32)  : i32 {
      %mul3A_239 = arith.constant 2 : i32
      %mul3A_240 = arith.muli %scan3A_237, %mul3A_239 : i32
      %add3A_241 = arith.constant 0 : i32
      %add3A_242 = arith.addi %mul3A_240, %add3A_241 : i32
      %dma_wait3A = arith.constant 0 : i32
      %dma_wait3A_243 = arith.constant 0 : i32
      %dma_wait3A_244 = arith.constant 0 : i32
      %dma_wait3A_245 = tpu.memref_slice %arg12[%dma_wait3A, %dma_wait3A_243, %dma_wait3A_244] : memref<2x128x128xf32, #tpu.memory_space<vmem>> -> memref<1x128x128xf32, #tpu.memory_space<vmem>>
      %dma_wait3A_246 = tpu.memref_squeeze %dma_wait3A_245 : memref<1x128x128xf32, #tpu.memory_space<vmem>> -> memref<128x128xf32, #tpu.memory_space<vmem>>
      %dma_wait3A_247 = arith.constant 0 : i32
      %dma_wait3A_248 = tpu.memref_slice %arg10[%add3A_242, %dma_wait3A_247] : memref<40x128xi32, #tpu.memory_space<vmem>> -> memref<1x128xi32, #tpu.memory_space<vmem>>
      %dma_wait3A_249 = tpu.memref_squeeze %dma_wait3A_248 : memref<1x128xi32, #tpu.memory_space<vmem>> -> memref<128xi32, #tpu.memory_space<vmem>>
      %dma_wait3A_250 = arith.constant 0 : i32
      %dma_wait3A_251 = arith.constant 0 : i32
      %dma_wait3A_252 = tpu.memref_slice %arg3[%dma_wait3A_250, %dma_wait3A_251] : memref<10240x128xf32, #tpu.memory_space<hbm>> -> memref<10240x128xf32, #tpu.memory_space<hbm>>
      tpu.wait_indirect_dma semaphore(%arg14 : memref<!tpu.dma_semaphore, #tpu.memory_space<semaphore_mem>>) src(%dma_wait3A_252 : memref<10240x128xf32, #tpu.memory_space<hbm>>) dst(%dma_wait3A_246 : memref<128x128xf32, #tpu.memory_space<vmem>>)
      %run_scoped3A_253 = arith.constant 0 : i32
      "tpu.region"() ({
        %run_scoped3A_282 = tpu.sem_alloc : memref<!tpu.dma_semaphore, #tpu.memory_space<semaphore_mem>>
        %dma_start3A_283 = arith.constant 0 : i32
        %dma_start3A_284 = arith.constant 0 : i32
        %dma_start3A_285 = tpu.memref_slice %arg12[%run_scoped3A_253, %dma_start3A_283, %dma_start3A_284] : memref<2x128x128xf32, #tpu.memory_space<vmem>> -> memref<1x128x128xf32, #tpu.memory_space<vmem>>
        %dma_start3A_286 = tpu.memref_squeeze %dma_start3A_285 : memref<1x128x128xf32, #tpu.memory_space<vmem>> -> memref<128x128xf32, #tpu.memory_space<vmem>>
        %dma_start3A_287 = arith.constant 0 : i32
        %dma_start3A_288 = tpu.memref_slice %arg11[%add3A_242, %dma_start3A_287] : memref<40x128xi32, #tpu.memory_space<vmem>> -> memref<1x128xi32, #tpu.memory_space<vmem>>
        %dma_start3A_289 = tpu.memref_squeeze %dma_start3A_288 : memref<1x128xi32, #tpu.memory_space<vmem>> -> memref<128xi32, #tpu.memory_space<vmem>>
        %dma_start3A_290 = arith.constant 0 : i32
        %dma_start3A_291 = arith.constant 0 : i32
        %dma_start3A_292 = tpu.memref_slice %arg13[%dma_start3A_290, %dma_start3A_291] : memref<10240x128xf32, #tpu.memory_space<vmem_shared>> -> memref<10240x128xf32, #tpu.memory_space<vmem_shared>>
        tpu.enqueue_indirect_dma source(%dma_start3A_286 : memref<128x128xf32, #tpu.memory_space<vmem>>) target(%dma_start3A_292 : memref<10240x128xf32, #tpu.memory_space<vmem_shared>>) offsets(%dma_start3A_289 : memref<128xi32, #tpu.memory_space<vmem>>) semaphore(%run_scoped3A_282 : memref<!tpu.dma_semaphore, #tpu.memory_space<semaphore_mem>>) {add = true}
        %dma_wait3A_293 = arith.constant 0 : i32
        %dma_wait3A_294 = arith.constant 0 : i32
        %dma_wait3A_295 = tpu.memref_slice %arg12[%run_scoped3A_253, %dma_wait3A_293, %dma_wait3A_294] : memref<2x128x128xf32, #tpu.memory_space<vmem>> -> memref<1x128x128xf32, #tpu.memory_space<vmem>>
        %dma_wait3A_296 = tpu.memref_squeeze %dma_wait3A_295 : memref<1x128x128xf32, #tpu.memory_space<vmem>> -> memref<128x128xf32, #tpu.memory_space<vmem>>
        %dma_wait3A_297 = arith.constant 0 : i32
        %dma_wait3A_298 = tpu.memref_slice %arg11[%add3A_242, %dma_wait3A_297] : memref<40x128xi32, #tpu.memory_space<vmem>> -> memref<1x128xi32, #tpu.memory_space<vmem>>
        %dma_wait3A_299 = tpu.memref_squeeze %dma_wait3A_298 : memref<1x128xi32, #tpu.memory_space<vmem>> -> memref<128xi32, #tpu.memory_space<vmem>>
        %dma_wait3A_300 = arith.constant 0 : i32
        %dma_wait3A_301 = arith.constant 0 : i32
        %dma_wait3A_302 = tpu.memref_slice %arg13[%dma_wait3A_300, %dma_wait3A_301] : memref<10240x128xf32, #tpu.memory_space<vmem_shared>> -> memref<10240x128xf32, #tpu.memory_space<vmem_shared>>
        tpu.wait_indirect_dma semaphore(%run_scoped3A_282 : memref<!tpu.dma_semaphore, #tpu.memory_space<semaphore_mem>>) src(%dma_wait3A_296 : memref<128x128xf32, #tpu.memory_space<vmem>>) dst(%dma_wait3A_302 : memref<10240x128xf32, #tpu.memory_space<vmem_shared>>)
        tpu.yield
      }) : () -> ()
      %add3A_254 = arith.constant 2 : i32
      %add3A_255 = arith.addi %add3A_242, %add3A_254 : i32
      %lt3A = arith.constant 40 : i32
      %lt3A_256 = arith.cmpi slt, %add3A_255, %lt3A : i32
      %convert_element_type3A = arith.extui %lt3A_256 : i1 to i32
      %cond3A = arith.constant 0 : i32
      %cond3A_257 = arith.cmpi ne, %convert_element_type3A, %cond3A : i32
      scf.if %cond3A_257 {
        %add3A_282 = arith.constant 2 : i32
        %add3A_283 = arith.addi %add3A_242, %add3A_282 : i32
        %dma_start3A_284 = arith.constant 0 : i32
        %dma_start3A_285 = arith.constant 0 : i32
        %dma_start3A_286 = arith.constant 0 : i32
        %dma_start3A_287 = tpu.memref_slice %arg12[%dma_start3A_284, %dma_start3A_285, %dma_start3A_286] : memref<2x128x128xf32, #tpu.memory_space<vmem>> -> memref<1x128x128xf32, #tpu.memory_space<vmem>>
        %dma_start3A_288 = tpu.memref_squeeze %dma_start3A_287 : memref<1x128x128xf32, #tpu.memory_space<vmem>> -> memref<128x128xf32, #tpu.memory_space<vmem>>
        %dma_start3A_289 = arith.constant 0 : i32
        %dma_start3A_290 = tpu.memref_slice %arg10[%add3A_283, %dma_start3A_289] : memref<40x128xi32, #tpu.memory_space<vmem>> -> memref<1x128xi32, #tpu.memory_space<vmem>>
        %dma_start3A_291 = tpu.memref_squeeze %dma_start3A_290 : memref<1x128xi32, #tpu.memory_space<vmem>> -> memref<128xi32, #tpu.memory_space<vmem>>
        %dma_start3A_292 = arith.constant 0 : i32
        %dma_start3A_293 = arith.constant 0 : i32
        %dma_start3A_294 = tpu.memref_slice %arg3[%dma_start3A_292, %dma_start3A_293] : memref<10240x128xf32, #tpu.memory_space<hbm>> -> memref<10240x128xf32, #tpu.memory_space<hbm>>
        tpu.enqueue_indirect_dma source(%dma_start3A_294 : memref<10240x128xf32, #tpu.memory_space<hbm>>) target(%dma_start3A_288 : memref<128x128xf32, #tpu.memory_space<vmem>>) offsets(%dma_start3A_291 : memref<128xi32, #tpu.memory_space<vmem>>) semaphore(%arg14 : memref<!tpu.dma_semaphore, #tpu.memory_space<semaphore_mem>>)
      } else {
      }
      %mul3A_258 = arith.constant 2 : i32
      %mul3A_259 = arith.muli %scan3A_237, %mul3A_258 : i32
      %add3A_260 = arith.constant 1 : i32
      %add3A_261 = arith.addi %mul3A_259, %add3A_260 : i32
      %dma_wait3A_262 = arith.constant 1 : i32
      %dma_wait3A_263 = arith.constant 0 : i32
      %dma_wait3A_264 = arith.constant 0 : i32
      %dma_wait3A_265 = tpu.memref_slice %arg12[%dma_wait3A_262, %dma_wait3A_263, %dma_wait3A_264] : memref<2x128x128xf32, #tpu.memory_space<vmem>> -> memref<1x128x128xf32, #tpu.memory_space<vmem>>
      %dma_wait3A_266 = tpu.memref_squeeze %dma_wait3A_265 : memref<1x128x128xf32, #tpu.memory_space<vmem>> -> memref<128x128xf32, #tpu.memory_space<vmem>>
      %dma_wait3A_267 = arith.constant 0 : i32
      %dma_wait3A_268 = tpu.memref_slice %arg10[%add3A_261, %dma_wait3A_267] : memref<40x128xi32, #tpu.memory_space<vmem>> -> memref<1x128xi32, #tpu.memory_space<vmem>>
      %dma_wait3A_269 = tpu.memref_squeeze %dma_wait3A_268 : memref<1x128xi32, #tpu.memory_space<vmem>> -> memref<128xi32, #tpu.memory_space<vmem>>
      %dma_wait3A_270 = arith.constant 0 : i32
      %dma_wait3A_271 = arith.constant 0 : i32
      %dma_wait3A_272 = tpu.memref_slice %arg3[%dma_wait3A_270, %dma_wait3A_271] : memref<10240x128xf32, #tpu.memory_space<hbm>> -> memref<10240x128xf32, #tpu.memory_space<hbm>>
      tpu.wait_indirect_dma semaphore(%arg15 : memref<!tpu.dma_semaphore, #tpu.memory_space<semaphore_mem>>) src(%dma_wait3A_272 : memref<10240x128xf32, #tpu.memory_space<hbm>>) dst(%dma_wait3A_266 : memref<128x128xf32, #tpu.memory_space<vmem>>)
      %run_scoped3A_273 = arith.constant 1 : i32
      "tpu.region"() ({
        %run_scoped3A_282 = tpu.sem_alloc : memref<!tpu.dma_semaphore, #tpu.memory_space<semaphore_mem>>
        %dma_start3A_283 = arith.constant 0 : i32
        %dma_start3A_284 = arith.constant 0 : i32
        %dma_start3A_285 = tpu.memref_slice %arg12[%run_scoped3A_273, %dma_start3A_283, %dma_start3A_284] : memref<2x128x128xf32, #tpu.memory_space<vmem>> -> memref<1x128x128xf32, #tpu.memory_space<vmem>>
        %dma_start3A_286 = tpu.memref_squeeze %dma_start3A_285 : memref<1x128x128xf32, #tpu.memory_space<vmem>> -> memref<128x128xf32, #tpu.memory_space<vmem>>
        %dma_start3A_287 = arith.constant 0 : i32
        %dma_start3A_288 = tpu.memref_slice %arg11[%add3A_261, %dma_start3A_287] : memref<40x128xi32, #tpu.memory_space<vmem>> -> memref<1x128xi32, #tpu.memory_space<vmem>>
        %dma_start3A_289 = tpu.memref_squeeze %dma_start3A_288 : memref<1x128xi32, #tpu.memory_space<vmem>> -> memref<128xi32, #tpu.memory_space<vmem>>
        %dma_start3A_290 = arith.constant 0 : i32
        %dma_start3A_291 = arith.constant 0 : i32
        %dma_start3A_292 = tpu.memref_slice %arg13[%dma_start3A_290, %dma_start3A_291] : memref<10240x128xf32, #tpu.memory_space<vmem_shared>> -> memref<10240x128xf32, #tpu.memory_space<vmem_shared>>
        tpu.enqueue_indirect_dma source(%dma_start3A_286 : memref<128x128xf32, #tpu.memory_space<vmem>>) target(%dma_start3A_292 : memref<10240x128xf32, #tpu.memory_space<vmem_shared>>) offsets(%dma_start3A_289 : memref<128xi32, #tpu.memory_space<vmem>>) semaphore(%run_scoped3A_282 : memref<!tpu.dma_semaphore, #tpu.memory_space<semaphore_mem>>) {add = true}
        %dma_wait3A_293 = arith.constant 0 : i32
        %dma_wait3A_294 = arith.constant 0 : i32
        %dma_wait3A_295 = tpu.memref_slice %arg12[%run_scoped3A_273, %dma_wait3A_293, %dma_wait3A_294] : memref<2x128x128xf32, #tpu.memory_space<vmem>> -> memref<1x128x128xf32, #tpu.memory_space<vmem>>
        %dma_wait3A_296 = tpu.memref_squeeze %dma_wait3A_295 : memref<1x128x128xf32, #tpu.memory_space<vmem>> -> memref<128x128xf32, #tpu.memory_space<vmem>>
        %dma_wait3A_297 = arith.constant 0 : i32
        %dma_wait3A_298 = tpu.memref_slice %arg11[%add3A_261, %dma_wait3A_297] : memref<40x128xi32, #tpu.memory_space<vmem>> -> memref<1x128xi32, #tpu.memory_space<vmem>>
        %dma_wait3A_299 = tpu.memref_squeeze %dma_wait3A_298 : memref<1x128xi32, #tpu.memory_space<vmem>> -> memref<128xi32, #tpu.memory_space<vmem>>
        %dma_wait3A_300 = arith.constant 0 : i32
        %dma_wait3A_301 = arith.constant 0 : i32
        %dma_wait3A_302 = tpu.memref_slice %arg13[%dma_wait3A_300, %dma_wait3A_301] : memref<10240x128xf32, #tpu.memory_space<vmem_shared>> -> memref<10240x128xf32, #tpu.memory_space<vmem_shared>>
        tpu.wait_indirect_dma semaphore(%run_scoped3A_282 : memref<!tpu.dma_semaphore, #tpu.memory_space<semaphore_mem>>) src(%dma_wait3A_296 : memref<128x128xf32, #tpu.memory_space<vmem>>) dst(%dma_wait3A_302 : memref<10240x128xf32, #tpu.memory_space<vmem_shared>>)
        tpu.yield
      }) : () -> ()
      %add3A_274 = arith.constant 2 : i32
      %add3A_275 = arith.addi %add3A_261, %add3A_274 : i32
      %lt3A_276 = arith.constant 40 : i32
      %lt3A_277 = arith.cmpi slt, %add3A_275, %lt3A_276 : i32
      %convert_element_type3A_278 = arith.extui %lt3A_277 : i1 to i32
      %cond3A_279 = arith.constant 0 : i32
      %cond3A_280 = arith.cmpi ne, %convert_element_type3A_278, %cond3A_279 : i32
      scf.if %cond3A_280 {
        %add3A_282 = arith.constant 2 : i32
        %add3A_283 = arith.addi %add3A_261, %add3A_282 : i32
        %dma_start3A_284 = arith.constant 1 : i32
        %dma_start3A_285 = arith.constant 0 : i32
        %dma_start3A_286 = arith.constant 0 : i32
        %dma_start3A_287 = tpu.memref_slice %arg12[%dma_start3A_284, %dma_start3A_285, %dma_start3A_286] : memref<2x128x128xf32, #tpu.memory_space<vmem>> -> memref<1x128x128xf32, #tpu.memory_space<vmem>>
        %dma_start3A_288 = tpu.memref_squeeze %dma_start3A_287 : memref<1x128x128xf32, #tpu.memory_space<vmem>> -> memref<128x128xf32, #tpu.memory_space<vmem>>
        %dma_start3A_289 = arith.constant 0 : i32
        %dma_start3A_290 = tpu.memref_slice %arg10[%add3A_283, %dma_start3A_289] : memref<40x128xi32, #tpu.memory_space<vmem>> -> memref<1x128xi32, #tpu.memory_space<vmem>>
        %dma_start3A_291 = tpu.memref_squeeze %dma_start3A_290 : memref<1x128xi32, #tpu.memory_space<vmem>> -> memref<128xi32, #tpu.memory_space<vmem>>
        %dma_start3A_292 = arith.constant 0 : i32
        %dma_start3A_293 = arith.constant 0 : i32
        %dma_start3A_294 = tpu.memref_slice %arg3[%dma_start3A_292, %dma_start3A_293] : memref<10240x128xf32, #tpu.memory_space<hbm>> -> memref<10240x128xf32, #tpu.memory_space<hbm>>
        tpu.enqueue_indirect_dma source(%dma_start3A_294 : memref<10240x128xf32, #tpu.memory_space<hbm>>) target(%dma_start3A_288 : memref<128x128xf32, #tpu.memory_space<vmem>>) offsets(%dma_start3A_291 : memref<128xi32, #tpu.memory_space<vmem>>) semaphore(%arg15 : memref<!tpu.dma_semaphore, #tpu.memory_space<semaphore_mem>>)
      } else {
      }
      %scan3A_281 = arith.constant 0 : i32
      scf.yield %scan3A_281 : i32
    }
    %scan3A_111 = arith.constant 20 : i32
    %barrier3A_112 = arith.constant 0 : index
    tpu.barrier barrier_id(%barrier3A_112)
    %mul3A_113 = arith.constant 640 : i32
    %mul3A_114 = arith.muli %arg1, %mul3A_113 : i32
    %mul3A_115 = arith.constant 640 : i32
    %mul3A_116 = arith.muli %arg1, %mul3A_115 : i32
    %run_scoped3A_117 = arith.constant 1 : i32
    "tpu.region"() ({
      %run_scoped3A_237 = tpu.sem_alloc : memref<!tpu.dma_semaphore, #tpu.memory_space<semaphore_mem>>
      %dma_start3A_238 = arith.constant 0 : i32
      %dma_start3A_239 = tpu.memref_slice %arg9[%run_scoped3A_117, %arg0, %mul3A_116, %dma_start3A_238] : memref<4x2x10240x128xf32, #tpu.memory_space<hbm>> -> memref<1x1x640x128xf32, #tpu.memory_space<hbm>>
      %dma_start3A_240 = tpu.memref_squeeze %dma_start3A_239 : memref<1x1x640x128xf32, #tpu.memory_space<hbm>> -> memref<640x128xf32, #tpu.memory_space<hbm>>
      %dma_start3A_241 = arith.constant 0 : i32
      %dma_start3A_242 = tpu.memref_slice %arg13[%mul3A_114, %dma_start3A_241] : memref<10240x128xf32, #tpu.memory_space<vmem_shared>> -> memref<640x128xf32, #tpu.memory_space<vmem_shared>>
      tpu.enqueue_dma source(%dma_start3A_242 : memref<640x128xf32, #tpu.memory_space<vmem_shared>>) target(%dma_start3A_240 : memref<640x128xf32, #tpu.memory_space<hbm>>) target_semaphore(%run_scoped3A_237 : memref<!tpu.dma_semaphore, #tpu.memory_space<semaphore_mem>>)
      %dma_wait3A = arith.constant 0 : i32
      %dma_wait3A_243 = tpu.memref_slice %arg9[%run_scoped3A_117, %arg0, %mul3A_116, %dma_wait3A] : memref<4x2x10240x128xf32, #tpu.memory_space<hbm>> -> memref<1x1x640x128xf32, #tpu.memory_space<hbm>>
      %dma_wait3A_244 = tpu.memref_squeeze %dma_wait3A_243 : memref<1x1x640x128xf32, #tpu.memory_space<hbm>> -> memref<640x128xf32, #tpu.memory_space<hbm>>
      %dma_wait3A_245 = arith.constant 0 : i32
      %dma_wait3A_246 = tpu.memref_slice %arg13[%mul3A_114, %dma_wait3A_245] : memref<10240x128xf32, #tpu.memory_space<vmem_shared>> -> memref<640x128xf32, #tpu.memory_space<vmem_shared>>
      tpu.wait_dma2 semaphore(%run_scoped3A_237 : memref<!tpu.dma_semaphore, #tpu.memory_space<semaphore_mem>>) src(%dma_wait3A_246 : memref<640x128xf32, #tpu.memory_space<vmem_shared>>) dst(%dma_wait3A_244 : memref<640x128xf32, #tpu.memory_space<hbm>>)
      tpu.yield
    }) : () -> ()
    %barrier3A_118 = arith.constant 0 : index
    tpu.barrier barrier_id(%barrier3A_118)
    %dma_start3A_119 = arith.constant 0 : i32
    %dma_start3A_120 = arith.constant 0 : i32
    %dma_start3A_121 = arith.constant 0 : i32
    %dma_start3A_122 = arith.constant 0 : i32
    %dma_start3A_123 = tpu.memref_slice %arg12[%dma_start3A_120, %dma_start3A_121, %dma_start3A_122] : memref<2x128x128xf32, #tpu.memory_space<vmem>> -> memref<1x128x128xf32, #tpu.memory_space<vmem>>
    %dma_start3A_124 = tpu.memref_squeeze %dma_start3A_123 : memref<1x128x128xf32, #tpu.memory_space<vmem>> -> memref<128x128xf32, #tpu.memory_space<vmem>>
    %dma_start3A_125 = arith.constant 0 : i32
    %dma_start3A_126 = tpu.memref_slice %arg10[%dma_start3A_119, %dma_start3A_125] : memref<40x128xi32, #tpu.memory_space<vmem>> -> memref<1x128xi32, #tpu.memory_space<vmem>>
    %dma_start3A_127 = tpu.memref_squeeze %dma_start3A_126 : memref<1x128xi32, #tpu.memory_space<vmem>> -> memref<128xi32, #tpu.memory_space<vmem>>
    %dma_start3A_128 = arith.constant 0 : i32
    %dma_start3A_129 = arith.constant 0 : i32
    %dma_start3A_130 = tpu.memref_slice %arg4[%dma_start3A_128, %dma_start3A_129] : memref<10240x128xf32, #tpu.memory_space<hbm>> -> memref<10240x128xf32, #tpu.memory_space<hbm>>
    tpu.enqueue_indirect_dma source(%dma_start3A_130 : memref<10240x128xf32, #tpu.memory_space<hbm>>) target(%dma_start3A_124 : memref<128x128xf32, #tpu.memory_space<vmem>>) offsets(%dma_start3A_127 : memref<128xi32, #tpu.memory_space<vmem>>) semaphore(%arg14 : memref<!tpu.dma_semaphore, #tpu.memory_space<semaphore_mem>>)
    %dma_start3A_131 = arith.constant 1 : i32
    %dma_start3A_132 = arith.constant 1 : i32
    %dma_start3A_133 = arith.constant 0 : i32
    %dma_start3A_134 = arith.constant 0 : i32
    %dma_start3A_135 = tpu.memref_slice %arg12[%dma_start3A_132, %dma_start3A_133, %dma_start3A_134] : memref<2x128x128xf32, #tpu.memory_space<vmem>> -> memref<1x128x128xf32, #tpu.memory_space<vmem>>
    %dma_start3A_136 = tpu.memref_squeeze %dma_start3A_135 : memref<1x128x128xf32, #tpu.memory_space<vmem>> -> memref<128x128xf32, #tpu.memory_space<vmem>>
    %dma_start3A_137 = arith.constant 0 : i32
    %dma_start3A_138 = tpu.memref_slice %arg10[%dma_start3A_131, %dma_start3A_137] : memref<40x128xi32, #tpu.memory_space<vmem>> -> memref<1x128xi32, #tpu.memory_space<vmem>>
    %dma_start3A_139 = tpu.memref_squeeze %dma_start3A_138 : memref<1x128xi32, #tpu.memory_space<vmem>> -> memref<128xi32, #tpu.memory_space<vmem>>
    %dma_start3A_140 = arith.constant 0 : i32
    %dma_start3A_141 = arith.constant 0 : i32
    %dma_start3A_142 = tpu.memref_slice %arg4[%dma_start3A_140, %dma_start3A_141] : memref<10240x128xf32, #tpu.memory_space<hbm>> -> memref<10240x128xf32, #tpu.memory_space<hbm>>
    tpu.enqueue_indirect_dma source(%dma_start3A_142 : memref<10240x128xf32, #tpu.memory_space<hbm>>) target(%dma_start3A_136 : memref<128x128xf32, #tpu.memory_space<vmem>>) offsets(%dma_start3A_139 : memref<128xi32, #tpu.memory_space<vmem>>) semaphore(%arg15 : memref<!tpu.dma_semaphore, #tpu.memory_space<semaphore_mem>>)
    %mul3A_143 = arith.constant 640 : i32
    %mul3A_144 = arith.muli %arg1, %mul3A_143 : i32
    %add3A_145 = arith.constant 0 : i32
    %add3A_146 = arith.addi %mul3A_144, %add3A_145 : i32
    "tpu.region"() ({
      %run_scoped3A_237 = tpu.sem_alloc : memref<!tpu.dma_semaphore, #tpu.memory_space<semaphore_mem>>
      %dma_start3A_238 = arith.constant 0 : i32
      %dma_start3A_239 = tpu.memref_slice %arg13[%add3A_146, %dma_start3A_238] : memref<10240x128xf32, #tpu.memory_space<vmem_shared>> -> memref<128x128xf32, #tpu.memory_space<vmem_shared>>
      tpu.enqueue_dma source(%arg8 : memref<128x128xf32, #tpu.memory_space<hbm>>) target(%dma_start3A_239 : memref<128x128xf32, #tpu.memory_space<vmem_shared>>) target_semaphore(%run_scoped3A_237 : memref<!tpu.dma_semaphore, #tpu.memory_space<semaphore_mem>>)
      %dma_wait3A = arith.constant 0 : i32
      %dma_wait3A_240 = tpu.memref_slice %arg13[%add3A_146, %dma_wait3A] : memref<10240x128xf32, #tpu.memory_space<vmem_shared>> -> memref<128x128xf32, #tpu.memory_space<vmem_shared>>
      tpu.wait_dma2 semaphore(%run_scoped3A_237 : memref<!tpu.dma_semaphore, #tpu.memory_space<semaphore_mem>>) src(%arg8 : memref<128x128xf32, #tpu.memory_space<hbm>>) dst(%dma_wait3A_240 : memref<128x128xf32, #tpu.memory_space<vmem_shared>>)
      tpu.yield
    }) : () -> ()
    %mul3A_147 = arith.constant 640 : i32
    %mul3A_148 = arith.muli %arg1, %mul3A_147 : i32
    %add3A_149 = arith.constant 128 : i32
    %add3A_150 = arith.addi %mul3A_148, %add3A_149 : i32
    "tpu.region"() ({
      %run_scoped3A_237 = tpu.sem_alloc : memref<!tpu.dma_semaphore, #tpu.memory_space<semaphore_mem>>
      %dma_start3A_238 = arith.constant 0 : i32
      %dma_start3A_239 = tpu.memref_slice %arg13[%add3A_150, %dma_start3A_238] : memref<10240x128xf32, #tpu.memory_space<vmem_shared>> -> memref<128x128xf32, #tpu.memory_space<vmem_shared>>
      tpu.enqueue_dma source(%arg8 : memref<128x128xf32, #tpu.memory_space<hbm>>) target(%dma_start3A_239 : memref<128x128xf32, #tpu.memory_space<vmem_shared>>) target_semaphore(%run_scoped3A_237 : memref<!tpu.dma_semaphore, #tpu.memory_space<semaphore_mem>>)
      %dma_wait3A = arith.constant 0 : i32
      %dma_wait3A_240 = tpu.memref_slice %arg13[%add3A_150, %dma_wait3A] : memref<10240x128xf32, #tpu.memory_space<vmem_shared>> -> memref<128x128xf32, #tpu.memory_space<vmem_shared>>
      tpu.wait_dma2 semaphore(%run_scoped3A_237 : memref<!tpu.dma_semaphore, #tpu.memory_space<semaphore_mem>>) src(%arg8 : memref<128x128xf32, #tpu.memory_space<hbm>>) dst(%dma_wait3A_240 : memref<128x128xf32, #tpu.memory_space<vmem_shared>>)
      tpu.yield
    }) : () -> ()
    %mul3A_151 = arith.constant 640 : i32
    %mul3A_152 = arith.muli %arg1, %mul3A_151 : i32
    %add3A_153 = arith.constant 256 : i32
    %add3A_154 = arith.addi %mul3A_152, %add3A_153 : i32
    "tpu.region"() ({
      %run_scoped3A_237 = tpu.sem_alloc : memref<!tpu.dma_semaphore, #tpu.memory_space<semaphore_mem>>
      %dma_start3A_238 = arith.constant 0 : i32
      %dma_start3A_239 = tpu.memref_slice %arg13[%add3A_154, %dma_start3A_238] : memref<10240x128xf32, #tpu.memory_space<vmem_shared>> -> memref<128x128xf32, #tpu.memory_space<vmem_shared>>
      tpu.enqueue_dma source(%arg8 : memref<128x128xf32, #tpu.memory_space<hbm>>) target(%dma_start3A_239 : memref<128x128xf32, #tpu.memory_space<vmem_shared>>) target_semaphore(%run_scoped3A_237 : memref<!tpu.dma_semaphore, #tpu.memory_space<semaphore_mem>>)
      %dma_wait3A = arith.constant 0 : i32
      %dma_wait3A_240 = tpu.memref_slice %arg13[%add3A_154, %dma_wait3A] : memref<10240x128xf32, #tpu.memory_space<vmem_shared>> -> memref<128x128xf32, #tpu.memory_space<vmem_shared>>
      tpu.wait_dma2 semaphore(%run_scoped3A_237 : memref<!tpu.dma_semaphore, #tpu.memory_space<semaphore_mem>>) src(%arg8 : memref<128x128xf32, #tpu.memory_space<hbm>>) dst(%dma_wait3A_240 : memref<128x128xf32, #tpu.memory_space<vmem_shared>>)
      tpu.yield
    }) : () -> ()
    %mul3A_155 = arith.constant 640 : i32
    %mul3A_156 = arith.muli %arg1, %mul3A_155 : i32
    %add3A_157 = arith.constant 384 : i32
    %add3A_158 = arith.addi %mul3A_156, %add3A_157 : i32
    "tpu.region"() ({
      %run_scoped3A_237 = tpu.sem_alloc : memref<!tpu.dma_semaphore, #tpu.memory_space<semaphore_mem>>
      %dma_start3A_238 = arith.constant 0 : i32
      %dma_start3A_239 = tpu.memref_slice %arg13[%add3A_158, %dma_start3A_238] : memref<10240x128xf32, #tpu.memory_space<vmem_shared>> -> memref<128x128xf32, #tpu.memory_space<vmem_shared>>
      tpu.enqueue_dma source(%arg8 : memref<128x128xf32, #tpu.memory_space<hbm>>) target(%dma_start3A_239 : memref<128x128xf32, #tpu.memory_space<vmem_shared>>) target_semaphore(%run_scoped3A_237 : memref<!tpu.dma_semaphore, #tpu.memory_space<semaphore_mem>>)
      %dma_wait3A = arith.constant 0 : i32
      %dma_wait3A_240 = tpu.memref_slice %arg13[%add3A_158, %dma_wait3A] : memref<10240x128xf32, #tpu.memory_space<vmem_shared>> -> memref<128x128xf32, #tpu.memory_space<vmem_shared>>
      tpu.wait_dma2 semaphore(%run_scoped3A_237 : memref<!tpu.dma_semaphore, #tpu.memory_space<semaphore_mem>>) src(%arg8 : memref<128x128xf32, #tpu.memory_space<hbm>>) dst(%dma_wait3A_240 : memref<128x128xf32, #tpu.memory_space<vmem_shared>>)
      tpu.yield
    }) : () -> ()
    %mul3A_159 = arith.constant 640 : i32
    %mul3A_160 = arith.muli %arg1, %mul3A_159 : i32
    %add3A_161 = arith.constant 512 : i32
    %add3A_162 = arith.addi %mul3A_160, %add3A_161 : i32
    "tpu.region"() ({
      %run_scoped3A_237 = tpu.sem_alloc : memref<!tpu.dma_semaphore, #tpu.memory_space<semaphore_mem>>
      %dma_start3A_238 = arith.constant 0 : i32
      %dma_start3A_239 = tpu.memref_slice %arg13[%add3A_162, %dma_start3A_238] : memref<10240x128xf32, #tpu.memory_space<vmem_shared>> -> memref<128x128xf32, #tpu.memory_space<vmem_shared>>
      tpu.enqueue_dma source(%arg8 : memref<128x128xf32, #tpu.memory_space<hbm>>) target(%dma_start3A_239 : memref<128x128xf32, #tpu.memory_space<vmem_shared>>) target_semaphore(%run_scoped3A_237 : memref<!tpu.dma_semaphore, #tpu.memory_space<semaphore_mem>>)
      %dma_wait3A = arith.constant 0 : i32
      %dma_wait3A_240 = tpu.memref_slice %arg13[%add3A_162, %dma_wait3A] : memref<10240x128xf32, #tpu.memory_space<vmem_shared>> -> memref<128x128xf32, #tpu.memory_space<vmem_shared>>
      tpu.wait_dma2 semaphore(%run_scoped3A_237 : memref<!tpu.dma_semaphore, #tpu.memory_space<semaphore_mem>>) src(%arg8 : memref<128x128xf32, #tpu.memory_space<hbm>>) dst(%dma_wait3A_240 : memref<128x128xf32, #tpu.memory_space<vmem_shared>>)
      tpu.yield
    }) : () -> ()
    %barrier3A_163 = arith.constant 0 : index
    tpu.barrier barrier_id(%barrier3A_163)
    %scan3A_164 = arith.constant 0 : i32
    %scan3A_165 = arith.constant 0 : i32
    %scan3A_166 = arith.constant 20 : i32
    %scan3A_167 = arith.addi %scan3A_165, %scan3A_166 : i32
    %scan3A_168 = arith.constant 1 : i32
    %scan3A_169 = scf.for %scan3A_237 = %scan3A_165 to %scan3A_167 step %scan3A_168 iter_args(%scan3A_238 = %scan3A_164) -> (i32)  : i32 {
      %mul3A_239 = arith.constant 2 : i32
      %mul3A_240 = arith.muli %scan3A_237, %mul3A_239 : i32
      %add3A_241 = arith.constant 0 : i32
      %add3A_242 = arith.addi %mul3A_240, %add3A_241 : i32
      %dma_wait3A = arith.constant 0 : i32
      %dma_wait3A_243 = arith.constant 0 : i32
      %dma_wait3A_244 = arith.constant 0 : i32
      %dma_wait3A_245 = tpu.memref_slice %arg12[%dma_wait3A, %dma_wait3A_243, %dma_wait3A_244] : memref<2x128x128xf32, #tpu.memory_space<vmem>> -> memref<1x128x128xf32, #tpu.memory_space<vmem>>
      %dma_wait3A_246 = tpu.memref_squeeze %dma_wait3A_245 : memref<1x128x128xf32, #tpu.memory_space<vmem>> -> memref<128x128xf32, #tpu.memory_space<vmem>>
      %dma_wait3A_247 = arith.constant 0 : i32
      %dma_wait3A_248 = tpu.memref_slice %arg10[%add3A_242, %dma_wait3A_247] : memref<40x128xi32, #tpu.memory_space<vmem>> -> memref<1x128xi32, #tpu.memory_space<vmem>>
      %dma_wait3A_249 = tpu.memref_squeeze %dma_wait3A_248 : memref<1x128xi32, #tpu.memory_space<vmem>> -> memref<128xi32, #tpu.memory_space<vmem>>
      %dma_wait3A_250 = arith.constant 0 : i32
      %dma_wait3A_251 = arith.constant 0 : i32
      %dma_wait3A_252 = tpu.memref_slice %arg4[%dma_wait3A_250, %dma_wait3A_251] : memref<10240x128xf32, #tpu.memory_space<hbm>> -> memref<10240x128xf32, #tpu.memory_space<hbm>>
      tpu.wait_indirect_dma semaphore(%arg14 : memref<!tpu.dma_semaphore, #tpu.memory_space<semaphore_mem>>) src(%dma_wait3A_252 : memref<10240x128xf32, #tpu.memory_space<hbm>>) dst(%dma_wait3A_246 : memref<128x128xf32, #tpu.memory_space<vmem>>)
      %run_scoped3A_253 = arith.constant 0 : i32
      "tpu.region"() ({
        %run_scoped3A_282 = tpu.sem_alloc : memref<!tpu.dma_semaphore, #tpu.memory_space<semaphore_mem>>
        %dma_start3A_283 = arith.constant 0 : i32
        %dma_start3A_284 = arith.constant 0 : i32
        %dma_start3A_285 = tpu.memref_slice %arg12[%run_scoped3A_253, %dma_start3A_283, %dma_start3A_284] : memref<2x128x128xf32, #tpu.memory_space<vmem>> -> memref<1x128x128xf32, #tpu.memory_space<vmem>>
        %dma_start3A_286 = tpu.memref_squeeze %dma_start3A_285 : memref<1x128x128xf32, #tpu.memory_space<vmem>> -> memref<128x128xf32, #tpu.memory_space<vmem>>
        %dma_start3A_287 = arith.constant 0 : i32
        %dma_start3A_288 = tpu.memref_slice %arg11[%add3A_242, %dma_start3A_287] : memref<40x128xi32, #tpu.memory_space<vmem>> -> memref<1x128xi32, #tpu.memory_space<vmem>>
        %dma_start3A_289 = tpu.memref_squeeze %dma_start3A_288 : memref<1x128xi32, #tpu.memory_space<vmem>> -> memref<128xi32, #tpu.memory_space<vmem>>
        %dma_start3A_290 = arith.constant 0 : i32
        %dma_start3A_291 = arith.constant 0 : i32
        %dma_start3A_292 = tpu.memref_slice %arg13[%dma_start3A_290, %dma_start3A_291] : memref<10240x128xf32, #tpu.memory_space<vmem_shared>> -> memref<10240x128xf32, #tpu.memory_space<vmem_shared>>
        tpu.enqueue_indirect_dma source(%dma_start3A_286 : memref<128x128xf32, #tpu.memory_space<vmem>>) target(%dma_start3A_292 : memref<10240x128xf32, #tpu.memory_space<vmem_shared>>) offsets(%dma_start3A_289 : memref<128xi32, #tpu.memory_space<vmem>>) semaphore(%run_scoped3A_282 : memref<!tpu.dma_semaphore, #tpu.memory_space<semaphore_mem>>) {add = true}
        %dma_wait3A_293 = arith.constant 0 : i32
        %dma_wait3A_294 = arith.constant 0 : i32
        %dma_wait3A_295 = tpu.memref_slice %arg12[%run_scoped3A_253, %dma_wait3A_293, %dma_wait3A_294] : memref<2x128x128xf32, #tpu.memory_space<vmem>> -> memref<1x128x128xf32, #tpu.memory_space<vmem>>
        %dma_wait3A_296 = tpu.memref_squeeze %dma_wait3A_295 : memref<1x128x128xf32, #tpu.memory_space<vmem>> -> memref<128x128xf32, #tpu.memory_space<vmem>>
        %dma_wait3A_297 = arith.constant 0 : i32
        %dma_wait3A_298 = tpu.memref_slice %arg11[%add3A_242, %dma_wait3A_297] : memref<40x128xi32, #tpu.memory_space<vmem>> -> memref<1x128xi32, #tpu.memory_space<vmem>>
        %dma_wait3A_299 = tpu.memref_squeeze %dma_wait3A_298 : memref<1x128xi32, #tpu.memory_space<vmem>> -> memref<128xi32, #tpu.memory_space<vmem>>
        %dma_wait3A_300 = arith.constant 0 : i32
        %dma_wait3A_301 = arith.constant 0 : i32
        %dma_wait3A_302 = tpu.memref_slice %arg13[%dma_wait3A_300, %dma_wait3A_301] : memref<10240x128xf32, #tpu.memory_space<vmem_shared>> -> memref<10240x128xf32, #tpu.memory_space<vmem_shared>>
        tpu.wait_indirect_dma semaphore(%run_scoped3A_282 : memref<!tpu.dma_semaphore, #tpu.memory_space<semaphore_mem>>) src(%dma_wait3A_296 : memref<128x128xf32, #tpu.memory_space<vmem>>) dst(%dma_wait3A_302 : memref<10240x128xf32, #tpu.memory_space<vmem_shared>>)
        tpu.yield
      }) : () -> ()
      %add3A_254 = arith.constant 2 : i32
      %add3A_255 = arith.addi %add3A_242, %add3A_254 : i32
      %lt3A = arith.constant 40 : i32
      %lt3A_256 = arith.cmpi slt, %add3A_255, %lt3A : i32
      %convert_element_type3A = arith.extui %lt3A_256 : i1 to i32
      %cond3A = arith.constant 0 : i32
      %cond3A_257 = arith.cmpi ne, %convert_element_type3A, %cond3A : i32
      scf.if %cond3A_257 {
        %add3A_282 = arith.constant 2 : i32
        %add3A_283 = arith.addi %add3A_242, %add3A_282 : i32
        %dma_start3A_284 = arith.constant 0 : i32
        %dma_start3A_285 = arith.constant 0 : i32
        %dma_start3A_286 = arith.constant 0 : i32
        %dma_start3A_287 = tpu.memref_slice %arg12[%dma_start3A_284, %dma_start3A_285, %dma_start3A_286] : memref<2x128x128xf32, #tpu.memory_space<vmem>> -> memref<1x128x128xf32, #tpu.memory_space<vmem>>
        %dma_start3A_288 = tpu.memref_squeeze %dma_start3A_287 : memref<1x128x128xf32, #tpu.memory_space<vmem>> -> memref<128x128xf32, #tpu.memory_space<vmem>>
        %dma_start3A_289 = arith.constant 0 : i32
        %dma_start3A_290 = tpu.memref_slice %arg10[%add3A_283, %dma_start3A_289] : memref<40x128xi32, #tpu.memory_space<vmem>> -> memref<1x128xi32, #tpu.memory_space<vmem>>
        %dma_start3A_291 = tpu.memref_squeeze %dma_start3A_290 : memref<1x128xi32, #tpu.memory_space<vmem>> -> memref<128xi32, #tpu.memory_space<vmem>>
        %dma_start3A_292 = arith.constant 0 : i32
        %dma_start3A_293 = arith.constant 0 : i32
        %dma_start3A_294 = tpu.memref_slice %arg4[%dma_start3A_292, %dma_start3A_293] : memref<10240x128xf32, #tpu.memory_space<hbm>> -> memref<10240x128xf32, #tpu.memory_space<hbm>>
        tpu.enqueue_indirect_dma source(%dma_start3A_294 : memref<10240x128xf32, #tpu.memory_space<hbm>>) target(%dma_start3A_288 : memref<128x128xf32, #tpu.memory_space<vmem>>) offsets(%dma_start3A_291 : memref<128xi32, #tpu.memory_space<vmem>>) semaphore(%arg14 : memref<!tpu.dma_semaphore, #tpu.memory_space<semaphore_mem>>)
      } else {
      }
      %mul3A_258 = arith.constant 2 : i32
      %mul3A_259 = arith.muli %scan3A_237, %mul3A_258 : i32
      %add3A_260 = arith.constant 1 : i32
      %add3A_261 = arith.addi %mul3A_259, %add3A_260 : i32
      %dma_wait3A_262 = arith.constant 1 : i32
      %dma_wait3A_263 = arith.constant 0 : i32
      %dma_wait3A_264 = arith.constant 0 : i32
      %dma_wait3A_265 = tpu.memref_slice %arg12[%dma_wait3A_262, %dma_wait3A_263, %dma_wait3A_264] : memref<2x128x128xf32, #tpu.memory_space<vmem>> -> memref<1x128x128xf32, #tpu.memory_space<vmem>>
      %dma_wait3A_266 = tpu.memref_squeeze %dma_wait3A_265 : memref<1x128x128xf32, #tpu.memory_space<vmem>> -> memref<128x128xf32, #tpu.memory_space<vmem>>
      %dma_wait3A_267 = arith.constant 0 : i32
      %dma_wait3A_268 = tpu.memref_slice %arg10[%add3A_261, %dma_wait3A_267] : memref<40x128xi32, #tpu.memory_space<vmem>> -> memref<1x128xi32, #tpu.memory_space<vmem>>
      %dma_wait3A_269 = tpu.memref_squeeze %dma_wait3A_268 : memref<1x128xi32, #tpu.memory_space<vmem>> -> memref<128xi32, #tpu.memory_space<vmem>>
      %dma_wait3A_270 = arith.constant 0 : i32
      %dma_wait3A_271 = arith.constant 0 : i32
      %dma_wait3A_272 = tpu.memref_slice %arg4[%dma_wait3A_270, %dma_wait3A_271] : memref<10240x128xf32, #tpu.memory_space<hbm>> -> memref<10240x128xf32, #tpu.memory_space<hbm>>
      tpu.wait_indirect_dma semaphore(%arg15 : memref<!tpu.dma_semaphore, #tpu.memory_space<semaphore_mem>>) src(%dma_wait3A_272 : memref<10240x128xf32, #tpu.memory_space<hbm>>) dst(%dma_wait3A_266 : memref<128x128xf32, #tpu.memory_space<vmem>>)
      %run_scoped3A_273 = arith.constant 1 : i32
      "tpu.region"() ({
        %run_scoped3A_282 = tpu.sem_alloc : memref<!tpu.dma_semaphore, #tpu.memory_space<semaphore_mem>>
        %dma_start3A_283 = arith.constant 0 : i32
        %dma_start3A_284 = arith.constant 0 : i32
        %dma_start3A_285 = tpu.memref_slice %arg12[%run_scoped3A_273, %dma_start3A_283, %dma_start3A_284] : memref<2x128x128xf32, #tpu.memory_space<vmem>> -> memref<1x128x128xf32, #tpu.memory_space<vmem>>
        %dma_start3A_286 = tpu.memref_squeeze %dma_start3A_285 : memref<1x128x128xf32, #tpu.memory_space<vmem>> -> memref<128x128xf32, #tpu.memory_space<vmem>>
        %dma_start3A_287 = arith.constant 0 : i32
        %dma_start3A_288 = tpu.memref_slice %arg11[%add3A_261, %dma_start3A_287] : memref<40x128xi32, #tpu.memory_space<vmem>> -> memref<1x128xi32, #tpu.memory_space<vmem>>
        %dma_start3A_289 = tpu.memref_squeeze %dma_start3A_288 : memref<1x128xi32, #tpu.memory_space<vmem>> -> memref<128xi32, #tpu.memory_space<vmem>>
        %dma_start3A_290 = arith.constant 0 : i32
        %dma_start3A_291 = arith.constant 0 : i32
        %dma_start3A_292 = tpu.memref_slice %arg13[%dma_start3A_290, %dma_start3A_291] : memref<10240x128xf32, #tpu.memory_space<vmem_shared>> -> memref<10240x128xf32, #tpu.memory_space<vmem_shared>>
        tpu.enqueue_indirect_dma source(%dma_start3A_286 : memref<128x128xf32, #tpu.memory_space<vmem>>) target(%dma_start3A_292 : memref<10240x128xf32, #tpu.memory_space<vmem_shared>>) offsets(%dma_start3A_289 : memref<128xi32, #tpu.memory_space<vmem>>) semaphore(%run_scoped3A_282 : memref<!tpu.dma_semaphore, #tpu.memory_space<semaphore_mem>>) {add = true}
        %dma_wait3A_293 = arith.constant 0 : i32
        %dma_wait3A_294 = arith.constant 0 : i32
        %dma_wait3A_295 = tpu.memref_slice %arg12[%run_scoped3A_273, %dma_wait3A_293, %dma_wait3A_294] : memref<2x128x128xf32, #tpu.memory_space<vmem>> -> memref<1x128x128xf32, #tpu.memory_space<vmem>>
        %dma_wait3A_296 = tpu.memref_squeeze %dma_wait3A_295 : memref<1x128x128xf32, #tpu.memory_space<vmem>> -> memref<128x128xf32, #tpu.memory_space<vmem>>
        %dma_wait3A_297 = arith.constant 0 : i32
        %dma_wait3A_298 = tpu.memref_slice %arg11[%add3A_261, %dma_wait3A_297] : memref<40x128xi32, #tpu.memory_space<vmem>> -> memref<1x128xi32, #tpu.memory_space<vmem>>
        %dma_wait3A_299 = tpu.memref_squeeze %dma_wait3A_298 : memref<1x128xi32, #tpu.memory_space<vmem>> -> memref<128xi32, #tpu.memory_space<vmem>>
        %dma_wait3A_300 = arith.constant 0 : i32
        %dma_wait3A_301 = arith.constant 0 : i32
        %dma_wait3A_302 = tpu.memref_slice %arg13[%dma_wait3A_300, %dma_wait3A_301] : memref<10240x128xf32, #tpu.memory_space<vmem_shared>> -> memref<10240x128xf32, #tpu.memory_space<vmem_shared>>
        tpu.wait_indirect_dma semaphore(%run_scoped3A_282 : memref<!tpu.dma_semaphore, #tpu.memory_space<semaphore_mem>>) src(%dma_wait3A_296 : memref<128x128xf32, #tpu.memory_space<vmem>>) dst(%dma_wait3A_302 : memref<10240x128xf32, #tpu.memory_space<vmem_shared>>)
        tpu.yield
      }) : () -> ()
      %add3A_274 = arith.constant 2 : i32
      %add3A_275 = arith.addi %add3A_261, %add3A_274 : i32
      %lt3A_276 = arith.constant 40 : i32
      %lt3A_277 = arith.cmpi slt, %add3A_275, %lt3A_276 : i32
      %convert_element_type3A_278 = arith.extui %lt3A_277 : i1 to i32
      %cond3A_279 = arith.constant 0 : i32
      %cond3A_280 = arith.cmpi ne, %convert_element_type3A_278, %cond3A_279 : i32
      scf.if %cond3A_280 {
        %add3A_282 = arith.constant 2 : i32
        %add3A_283 = arith.addi %add3A_261, %add3A_282 : i32
        %dma_start3A_284 = arith.constant 1 : i32
        %dma_start3A_285 = arith.constant 0 : i32
        %dma_start3A_286 = arith.constant 0 : i32
        %dma_start3A_287 = tpu.memref_slice %arg12[%dma_start3A_284, %dma_start3A_285, %dma_start3A_286] : memref<2x128x128xf32, #tpu.memory_space<vmem>> -> memref<1x128x128xf32, #tpu.memory_space<vmem>>
        %dma_start3A_288 = tpu.memref_squeeze %dma_start3A_287 : memref<1x128x128xf32, #tpu.memory_space<vmem>> -> memref<128x128xf32, #tpu.memory_space<vmem>>
        %dma_start3A_289 = arith.constant 0 : i32
        %dma_start3A_290 = tpu.memref_slice %arg10[%add3A_283, %dma_start3A_289] : memref<40x128xi32, #tpu.memory_space<vmem>> -> memref<1x128xi32, #tpu.memory_space<vmem>>
        %dma_start3A_291 = tpu.memref_squeeze %dma_start3A_290 : memref<1x128xi32, #tpu.memory_space<vmem>> -> memref<128xi32, #tpu.memory_space<vmem>>
        %dma_start3A_292 = arith.constant 0 : i32
        %dma_start3A_293 = arith.constant 0 : i32
        %dma_start3A_294 = tpu.memref_slice %arg4[%dma_start3A_292, %dma_start3A_293] : memref<10240x128xf32, #tpu.memory_space<hbm>> -> memref<10240x128xf32, #tpu.memory_space<hbm>>
        tpu.enqueue_indirect_dma source(%dma_start3A_294 : memref<10240x128xf32, #tpu.memory_space<hbm>>) target(%dma_start3A_288 : memref<128x128xf32, #tpu.memory_space<vmem>>) offsets(%dma_start3A_291 : memref<128xi32, #tpu.memory_space<vmem>>) semaphore(%arg15 : memref<!tpu.dma_semaphore, #tpu.memory_space<semaphore_mem>>)
      } else {
      }
      %scan3A_281 = arith.constant 0 : i32
      scf.yield %scan3A_281 : i32
    }
    %scan3A_170 = arith.constant 20 : i32
    %barrier3A_171 = arith.constant 0 : index
    tpu.barrier barrier_id(%barrier3A_171)
    %mul3A_172 = arith.constant 640 : i32
    %mul3A_173 = arith.muli %arg1, %mul3A_172 : i32
    %mul3A_174 = arith.constant 640 : i32
    %mul3A_175 = arith.muli %arg1, %mul3A_174 : i32
    %run_scoped3A_176 = arith.constant 2 : i32
    "tpu.region"() ({
      %run_scoped3A_237 = tpu.sem_alloc : memref<!tpu.dma_semaphore, #tpu.memory_space<semaphore_mem>>
      %dma_start3A_238 = arith.constant 0 : i32
      %dma_start3A_239 = tpu.memref_slice %arg9[%run_scoped3A_176, %arg0, %mul3A_175, %dma_start3A_238] : memref<4x2x10240x128xf32, #tpu.memory_space<hbm>> -> memref<1x1x640x128xf32, #tpu.memory_space<hbm>>
      %dma_start3A_240 = tpu.memref_squeeze %dma_start3A_239 : memref<1x1x640x128xf32, #tpu.memory_space<hbm>> -> memref<640x128xf32, #tpu.memory_space<hbm>>
      %dma_start3A_241 = arith.constant 0 : i32
      %dma_start3A_242 = tpu.memref_slice %arg13[%mul3A_173, %dma_start3A_241] : memref<10240x128xf32, #tpu.memory_space<vmem_shared>> -> memref<640x128xf32, #tpu.memory_space<vmem_shared>>
      tpu.enqueue_dma source(%dma_start3A_242 : memref<640x128xf32, #tpu.memory_space<vmem_shared>>) target(%dma_start3A_240 : memref<640x128xf32, #tpu.memory_space<hbm>>) target_semaphore(%run_scoped3A_237 : memref<!tpu.dma_semaphore, #tpu.memory_space<semaphore_mem>>)
      %dma_wait3A = arith.constant 0 : i32
      %dma_wait3A_243 = tpu.memref_slice %arg9[%run_scoped3A_176, %arg0, %mul3A_175, %dma_wait3A] : memref<4x2x10240x128xf32, #tpu.memory_space<hbm>> -> memref<1x1x640x128xf32, #tpu.memory_space<hbm>>
      %dma_wait3A_244 = tpu.memref_squeeze %dma_wait3A_243 : memref<1x1x640x128xf32, #tpu.memory_space<hbm>> -> memref<640x128xf32, #tpu.memory_space<hbm>>
      %dma_wait3A_245 = arith.constant 0 : i32
      %dma_wait3A_246 = tpu.memref_slice %arg13[%mul3A_173, %dma_wait3A_245] : memref<10240x128xf32, #tpu.memory_space<vmem_shared>> -> memref<640x128xf32, #tpu.memory_space<vmem_shared>>
      tpu.wait_dma2 semaphore(%run_scoped3A_237 : memref<!tpu.dma_semaphore, #tpu.memory_space<semaphore_mem>>) src(%dma_wait3A_246 : memref<640x128xf32, #tpu.memory_space<vmem_shared>>) dst(%dma_wait3A_244 : memref<640x128xf32, #tpu.memory_space<hbm>>)
      tpu.yield
    }) : () -> ()
    %barrier3A_177 = arith.constant 0 : index
    tpu.barrier barrier_id(%barrier3A_177)
    %dma_start3A_178 = arith.constant 0 : i32
    %dma_start3A_179 = arith.constant 0 : i32
    %dma_start3A_180 = arith.constant 0 : i32
    %dma_start3A_181 = arith.constant 0 : i32
    %dma_start3A_182 = tpu.memref_slice %arg12[%dma_start3A_179, %dma_start3A_180, %dma_start3A_181] : memref<2x128x128xf32, #tpu.memory_space<vmem>> -> memref<1x128x128xf32, #tpu.memory_space<vmem>>
    %dma_start3A_183 = tpu.memref_squeeze %dma_start3A_182 : memref<1x128x128xf32, #tpu.memory_space<vmem>> -> memref<128x128xf32, #tpu.memory_space<vmem>>
    %dma_start3A_184 = arith.constant 0 : i32
    %dma_start3A_185 = tpu.memref_slice %arg10[%dma_start3A_178, %dma_start3A_184] : memref<40x128xi32, #tpu.memory_space<vmem>> -> memref<1x128xi32, #tpu.memory_space<vmem>>
    %dma_start3A_186 = tpu.memref_squeeze %dma_start3A_185 : memref<1x128xi32, #tpu.memory_space<vmem>> -> memref<128xi32, #tpu.memory_space<vmem>>
    %dma_start3A_187 = arith.constant 0 : i32
    %dma_start3A_188 = arith.constant 0 : i32
    %dma_start3A_189 = tpu.memref_slice %arg5[%dma_start3A_187, %dma_start3A_188] : memref<10240x128xf32, #tpu.memory_space<hbm>> -> memref<10240x128xf32, #tpu.memory_space<hbm>>
    tpu.enqueue_indirect_dma source(%dma_start3A_189 : memref<10240x128xf32, #tpu.memory_space<hbm>>) target(%dma_start3A_183 : memref<128x128xf32, #tpu.memory_space<vmem>>) offsets(%dma_start3A_186 : memref<128xi32, #tpu.memory_space<vmem>>) semaphore(%arg14 : memref<!tpu.dma_semaphore, #tpu.memory_space<semaphore_mem>>)
    %dma_start3A_190 = arith.constant 1 : i32
    %dma_start3A_191 = arith.constant 1 : i32
    %dma_start3A_192 = arith.constant 0 : i32
    %dma_start3A_193 = arith.constant 0 : i32
    %dma_start3A_194 = tpu.memref_slice %arg12[%dma_start3A_191, %dma_start3A_192, %dma_start3A_193] : memref<2x128x128xf32, #tpu.memory_space<vmem>> -> memref<1x128x128xf32, #tpu.memory_space<vmem>>
    %dma_start3A_195 = tpu.memref_squeeze %dma_start3A_194 : memref<1x128x128xf32, #tpu.memory_space<vmem>> -> memref<128x128xf32, #tpu.memory_space<vmem>>
    %dma_start3A_196 = arith.constant 0 : i32
    %dma_start3A_197 = tpu.memref_slice %arg10[%dma_start3A_190, %dma_start3A_196] : memref<40x128xi32, #tpu.memory_space<vmem>> -> memref<1x128xi32, #tpu.memory_space<vmem>>
    %dma_start3A_198 = tpu.memref_squeeze %dma_start3A_197 : memref<1x128xi32, #tpu.memory_space<vmem>> -> memref<128xi32, #tpu.memory_space<vmem>>
    %dma_start3A_199 = arith.constant 0 : i32
    %dma_start3A_200 = arith.constant 0 : i32
    %dma_start3A_201 = tpu.memref_slice %arg5[%dma_start3A_199, %dma_start3A_200] : memref<10240x128xf32, #tpu.memory_space<hbm>> -> memref<10240x128xf32, #tpu.memory_space<hbm>>
    tpu.enqueue_indirect_dma source(%dma_start3A_201 : memref<10240x128xf32, #tpu.memory_space<hbm>>) target(%dma_start3A_195 : memref<128x128xf32, #tpu.memory_space<vmem>>) offsets(%dma_start3A_198 : memref<128xi32, #tpu.memory_space<vmem>>) semaphore(%arg15 : memref<!tpu.dma_semaphore, #tpu.memory_space<semaphore_mem>>)
    %mul3A_202 = arith.constant 640 : i32
    %mul3A_203 = arith.muli %arg1, %mul3A_202 : i32
    %add3A_204 = arith.constant 0 : i32
    %add3A_205 = arith.addi %mul3A_203, %add3A_204 : i32
    "tpu.region"() ({
      %run_scoped3A_237 = tpu.sem_alloc : memref<!tpu.dma_semaphore, #tpu.memory_space<semaphore_mem>>
      %dma_start3A_238 = arith.constant 0 : i32
      %dma_start3A_239 = tpu.memref_slice %arg13[%add3A_205, %dma_start3A_238] : memref<10240x128xf32, #tpu.memory_space<vmem_shared>> -> memref<128x128xf32, #tpu.memory_space<vmem_shared>>
      tpu.enqueue_dma source(%arg8 : memref<128x128xf32, #tpu.memory_space<hbm>>) target(%dma_start3A_239 : memref<128x128xf32, #tpu.memory_space<vmem_shared>>) target_semaphore(%run_scoped3A_237 : memref<!tpu.dma_semaphore, #tpu.memory_space<semaphore_mem>>)
      %dma_wait3A = arith.constant 0 : i32
      %dma_wait3A_240 = tpu.memref_slice %arg13[%add3A_205, %dma_wait3A] : memref<10240x128xf32, #tpu.memory_space<vmem_shared>> -> memref<128x128xf32, #tpu.memory_space<vmem_shared>>
      tpu.wait_dma2 semaphore(%run_scoped3A_237 : memref<!tpu.dma_semaphore, #tpu.memory_space<semaphore_mem>>) src(%arg8 : memref<128x128xf32, #tpu.memory_space<hbm>>) dst(%dma_wait3A_240 : memref<128x128xf32, #tpu.memory_space<vmem_shared>>)
      tpu.yield
    }) : () -> ()
    %mul3A_206 = arith.constant 640 : i32
    %mul3A_207 = arith.muli %arg1, %mul3A_206 : i32
    %add3A_208 = arith.constant 128 : i32
    %add3A_209 = arith.addi %mul3A_207, %add3A_208 : i32
    "tpu.region"() ({
      %run_scoped3A_237 = tpu.sem_alloc : memref<!tpu.dma_semaphore, #tpu.memory_space<semaphore_mem>>
      %dma_start3A_238 = arith.constant 0 : i32
      %dma_start3A_239 = tpu.memref_slice %arg13[%add3A_209, %dma_start3A_238] : memref<10240x128xf32, #tpu.memory_space<vmem_shared>> -> memref<128x128xf32, #tpu.memory_space<vmem_shared>>
      tpu.enqueue_dma source(%arg8 : memref<128x128xf32, #tpu.memory_space<hbm>>) target(%dma_start3A_239 : memref<128x128xf32, #tpu.memory_space<vmem_shared>>) target_semaphore(%run_scoped3A_237 : memref<!tpu.dma_semaphore, #tpu.memory_space<semaphore_mem>>)
      %dma_wait3A = arith.constant 0 : i32
      %dma_wait3A_240 = tpu.memref_slice %arg13[%add3A_209, %dma_wait3A] : memref<10240x128xf32, #tpu.memory_space<vmem_shared>> -> memref<128x128xf32, #tpu.memory_space<vmem_shared>>
      tpu.wait_dma2 semaphore(%run_scoped3A_237 : memref<!tpu.dma_semaphore, #tpu.memory_space<semaphore_mem>>) src(%arg8 : memref<128x128xf32, #tpu.memory_space<hbm>>) dst(%dma_wait3A_240 : memref<128x128xf32, #tpu.memory_space<vmem_shared>>)
      tpu.yield
    }) : () -> ()
    %mul3A_210 = arith.constant 640 : i32
    %mul3A_211 = arith.muli %arg1, %mul3A_210 : i32
    %add3A_212 = arith.constant 256 : i32
    %add3A_213 = arith.addi %mul3A_211, %add3A_212 : i32
    "tpu.region"() ({
      %run_scoped3A_237 = tpu.sem_alloc : memref<!tpu.dma_semaphore, #tpu.memory_space<semaphore_mem>>
      %dma_start3A_238 = arith.constant 0 : i32
      %dma_start3A_239 = tpu.memref_slice %arg13[%add3A_213, %dma_start3A_238] : memref<10240x128xf32, #tpu.memory_space<vmem_shared>> -> memref<128x128xf32, #tpu.memory_space<vmem_shared>>
      tpu.enqueue_dma source(%arg8 : memref<128x128xf32, #tpu.memory_space<hbm>>) target(%dma_start3A_239 : memref<128x128xf32, #tpu.memory_space<vmem_shared>>) target_semaphore(%run_scoped3A_237 : memref<!tpu.dma_semaphore, #tpu.memory_space<semaphore_mem>>)
      %dma_wait3A = arith.constant 0 : i32
      %dma_wait3A_240 = tpu.memref_slice %arg13[%add3A_213, %dma_wait3A] : memref<10240x128xf32, #tpu.memory_space<vmem_shared>> -> memref<128x128xf32, #tpu.memory_space<vmem_shared>>
      tpu.wait_dma2 semaphore(%run_scoped3A_237 : memref<!tpu.dma_semaphore, #tpu.memory_space<semaphore_mem>>) src(%arg8 : memref<128x128xf32, #tpu.memory_space<hbm>>) dst(%dma_wait3A_240 : memref<128x128xf32, #tpu.memory_space<vmem_shared>>)
      tpu.yield
    }) : () -> ()
    %mul3A_214 = arith.constant 640 : i32
    %mul3A_215 = arith.muli %arg1, %mul3A_214 : i32
    %add3A_216 = arith.constant 384 : i32
    %add3A_217 = arith.addi %mul3A_215, %add3A_216 : i32
    "tpu.region"() ({
      %run_scoped3A_237 = tpu.sem_alloc : memref<!tpu.dma_semaphore, #tpu.memory_space<semaphore_mem>>
      %dma_start3A_238 = arith.constant 0 : i32
      %dma_start3A_239 = tpu.memref_slice %arg13[%add3A_217, %dma_start3A_238] : memref<10240x128xf32, #tpu.memory_space<vmem_shared>> -> memref<128x128xf32, #tpu.memory_space<vmem_shared>>
      tpu.enqueue_dma source(%arg8 : memref<128x128xf32, #tpu.memory_space<hbm>>) target(%dma_start3A_239 : memref<128x128xf32, #tpu.memory_space<vmem_shared>>) target_semaphore(%run_scoped3A_237 : memref<!tpu.dma_semaphore, #tpu.memory_space<semaphore_mem>>)
      %dma_wait3A = arith.constant 0 : i32
      %dma_wait3A_240 = tpu.memref_slice %arg13[%add3A_217, %dma_wait3A] : memref<10240x128xf32, #tpu.memory_space<vmem_shared>> -> memref<128x128xf32, #tpu.memory_space<vmem_shared>>
      tpu.wait_dma2 semaphore(%run_scoped3A_237 : memref<!tpu.dma_semaphore, #tpu.memory_space<semaphore_mem>>) src(%arg8 : memref<128x128xf32, #tpu.memory_space<hbm>>) dst(%dma_wait3A_240 : memref<128x128xf32, #tpu.memory_space<vmem_shared>>)
      tpu.yield
    }) : () -> ()
    %mul3A_218 = arith.constant 640 : i32
    %mul3A_219 = arith.muli %arg1, %mul3A_218 : i32
    %add3A_220 = arith.constant 512 : i32
    %add3A_221 = arith.addi %mul3A_219, %add3A_220 : i32
    "tpu.region"() ({
      %run_scoped3A_237 = tpu.sem_alloc : memref<!tpu.dma_semaphore, #tpu.memory_space<semaphore_mem>>
      %dma_start3A_238 = arith.constant 0 : i32
      %dma_start3A_239 = tpu.memref_slice %arg13[%add3A_221, %dma_start3A_238] : memref<10240x128xf32, #tpu.memory_space<vmem_shared>> -> memref<128x128xf32, #tpu.memory_space<vmem_shared>>
      tpu.enqueue_dma source(%arg8 : memref<128x128xf32, #tpu.memory_space<hbm>>) target(%dma_start3A_239 : memref<128x128xf32, #tpu.memory_space<vmem_shared>>) target_semaphore(%run_scoped3A_237 : memref<!tpu.dma_semaphore, #tpu.memory_space<semaphore_mem>>)
      %dma_wait3A = arith.constant 0 : i32
      %dma_wait3A_240 = tpu.memref_slice %arg13[%add3A_221, %dma_wait3A] : memref<10240x128xf32, #tpu.memory_space<vmem_shared>> -> memref<128x128xf32, #tpu.memory_space<vmem_shared>>
      tpu.wait_dma2 semaphore(%run_scoped3A_237 : memref<!tpu.dma_semaphore, #tpu.memory_space<semaphore_mem>>) src(%arg8 : memref<128x128xf32, #tpu.memory_space<hbm>>) dst(%dma_wait3A_240 : memref<128x128xf32, #tpu.memory_space<vmem_shared>>)
      tpu.yield
    }) : () -> ()
    %barrier3A_222 = arith.constant 0 : index
    tpu.barrier barrier_id(%barrier3A_222)
    %scan3A_223 = arith.constant 0 : i32
    %scan3A_224 = arith.constant 0 : i32
    %scan3A_225 = arith.constant 20 : i32
    %scan3A_226 = arith.addi %scan3A_224, %scan3A_225 : i32
    %scan3A_227 = arith.constant 1 : i32
    %scan3A_228 = scf.for %scan3A_237 = %scan3A_224 to %scan3A_226 step %scan3A_227 iter_args(%scan3A_238 = %scan3A_223) -> (i32)  : i32 {
      %mul3A_239 = arith.constant 2 : i32
      %mul3A_240 = arith.muli %scan3A_237, %mul3A_239 : i32
      %add3A_241 = arith.constant 0 : i32
      %add3A_242 = arith.addi %mul3A_240, %add3A_241 : i32
      %dma_wait3A = arith.constant 0 : i32
      %dma_wait3A_243 = arith.constant 0 : i32
      %dma_wait3A_244 = arith.constant 0 : i32
      %dma_wait3A_245 = tpu.memref_slice %arg12[%dma_wait3A, %dma_wait3A_243, %dma_wait3A_244] : memref<2x128x128xf32, #tpu.memory_space<vmem>> -> memref<1x128x128xf32, #tpu.memory_space<vmem>>
      %dma_wait3A_246 = tpu.memref_squeeze %dma_wait3A_245 : memref<1x128x128xf32, #tpu.memory_space<vmem>> -> memref<128x128xf32, #tpu.memory_space<vmem>>
      %dma_wait3A_247 = arith.constant 0 : i32
      %dma_wait3A_248 = tpu.memref_slice %arg10[%add3A_242, %dma_wait3A_247] : memref<40x128xi32, #tpu.memory_space<vmem>> -> memref<1x128xi32, #tpu.memory_space<vmem>>
      %dma_wait3A_249 = tpu.memref_squeeze %dma_wait3A_248 : memref<1x128xi32, #tpu.memory_space<vmem>> -> memref<128xi32, #tpu.memory_space<vmem>>
      %dma_wait3A_250 = arith.constant 0 : i32
      %dma_wait3A_251 = arith.constant 0 : i32
      %dma_wait3A_252 = tpu.memref_slice %arg5[%dma_wait3A_250, %dma_wait3A_251] : memref<10240x128xf32, #tpu.memory_space<hbm>> -> memref<10240x128xf32, #tpu.memory_space<hbm>>
      tpu.wait_indirect_dma semaphore(%arg14 : memref<!tpu.dma_semaphore, #tpu.memory_space<semaphore_mem>>) src(%dma_wait3A_252 : memref<10240x128xf32, #tpu.memory_space<hbm>>) dst(%dma_wait3A_246 : memref<128x128xf32, #tpu.memory_space<vmem>>)
      %run_scoped3A_253 = arith.constant 0 : i32
      "tpu.region"() ({
        %run_scoped3A_282 = tpu.sem_alloc : memref<!tpu.dma_semaphore, #tpu.memory_space<semaphore_mem>>
        %dma_start3A_283 = arith.constant 0 : i32
        %dma_start3A_284 = arith.constant 0 : i32
        %dma_start3A_285 = tpu.memref_slice %arg12[%run_scoped3A_253, %dma_start3A_283, %dma_start3A_284] : memref<2x128x128xf32, #tpu.memory_space<vmem>> -> memref<1x128x128xf32, #tpu.memory_space<vmem>>
        %dma_start3A_286 = tpu.memref_squeeze %dma_start3A_285 : memref<1x128x128xf32, #tpu.memory_space<vmem>> -> memref<128x128xf32, #tpu.memory_space<vmem>>
        %dma_start3A_287 = arith.constant 0 : i32
        %dma_start3A_288 = tpu.memref_slice %arg11[%add3A_242, %dma_start3A_287] : memref<40x128xi32, #tpu.memory_space<vmem>> -> memref<1x128xi32, #tpu.memory_space<vmem>>
        %dma_start3A_289 = tpu.memref_squeeze %dma_start3A_288 : memref<1x128xi32, #tpu.memory_space<vmem>> -> memref<128xi32, #tpu.memory_space<vmem>>
        %dma_start3A_290 = arith.constant 0 : i32
        %dma_start3A_291 = arith.constant 0 : i32
        %dma_start3A_292 = tpu.memref_slice %arg13[%dma_start3A_290, %dma_start3A_291] : memref<10240x128xf32, #tpu.memory_space<vmem_shared>> -> memref<10240x128xf32, #tpu.memory_space<vmem_shared>>
        tpu.enqueue_indirect_dma source(%dma_start3A_286 : memref<128x128xf32, #tpu.memory_space<vmem>>) target(%dma_start3A_292 : memref<10240x128xf32, #tpu.memory_space<vmem_shared>>) offsets(%dma_start3A_289 : memref<128xi32, #tpu.memory_space<vmem>>) semaphore(%run_scoped3A_282 : memref<!tpu.dma_semaphore, #tpu.memory_space<semaphore_mem>>) {add = true}
        %dma_wait3A_293 = arith.constant 0 : i32
        %dma_wait3A_294 = arith.constant 0 : i32
        %dma_wait3A_295 = tpu.memref_slice %arg12[%run_scoped3A_253, %dma_wait3A_293, %dma_wait3A_294] : memref<2x128x128xf32, #tpu.memory_space<vmem>> -> memref<1x128x128xf32, #tpu.memory_space<vmem>>
        %dma_wait3A_296 = tpu.memref_squeeze %dma_wait3A_295 : memref<1x128x128xf32, #tpu.memory_space<vmem>> -> memref<128x128xf32, #tpu.memory_space<vmem>>
        %dma_wait3A_297 = arith.constant 0 : i32
        %dma_wait3A_298 = tpu.memref_slice %arg11[%add3A_242, %dma_wait3A_297] : memref<40x128xi32, #tpu.memory_space<vmem>> -> memref<1x128xi32, #tpu.memory_space<vmem>>
        %dma_wait3A_299 = tpu.memref_squeeze %dma_wait3A_298 : memref<1x128xi32, #tpu.memory_space<vmem>> -> memref<128xi32, #tpu.memory_space<vmem>>
        %dma_wait3A_300 = arith.constant 0 : i32
        %dma_wait3A_301 = arith.constant 0 : i32
        %dma_wait3A_302 = tpu.memref_slice %arg13[%dma_wait3A_300, %dma_wait3A_301] : memref<10240x128xf32, #tpu.memory_space<vmem_shared>> -> memref<10240x128xf32, #tpu.memory_space<vmem_shared>>
        tpu.wait_indirect_dma semaphore(%run_scoped3A_282 : memref<!tpu.dma_semaphore, #tpu.memory_space<semaphore_mem>>) src(%dma_wait3A_296 : memref<128x128xf32, #tpu.memory_space<vmem>>) dst(%dma_wait3A_302 : memref<10240x128xf32, #tpu.memory_space<vmem_shared>>)
        tpu.yield
      }) : () -> ()
      %add3A_254 = arith.constant 2 : i32
      %add3A_255 = arith.addi %add3A_242, %add3A_254 : i32
      %lt3A = arith.constant 40 : i32
      %lt3A_256 = arith.cmpi slt, %add3A_255, %lt3A : i32
      %convert_element_type3A = arith.extui %lt3A_256 : i1 to i32
      %cond3A = arith.constant 0 : i32
      %cond3A_257 = arith.cmpi ne, %convert_element_type3A, %cond3A : i32
      scf.if %cond3A_257 {
        %add3A_282 = arith.constant 2 : i32
        %add3A_283 = arith.addi %add3A_242, %add3A_282 : i32
        %dma_start3A_284 = arith.constant 0 : i32
        %dma_start3A_285 = arith.constant 0 : i32
        %dma_start3A_286 = arith.constant 0 : i32
        %dma_start3A_287 = tpu.memref_slice %arg12[%dma_start3A_284, %dma_start3A_285, %dma_start3A_286] : memref<2x128x128xf32, #tpu.memory_space<vmem>> -> memref<1x128x128xf32, #tpu.memory_space<vmem>>
        %dma_start3A_288 = tpu.memref_squeeze %dma_start3A_287 : memref<1x128x128xf32, #tpu.memory_space<vmem>> -> memref<128x128xf32, #tpu.memory_space<vmem>>
        %dma_start3A_289 = arith.constant 0 : i32
        %dma_start3A_290 = tpu.memref_slice %arg10[%add3A_283, %dma_start3A_289] : memref<40x128xi32, #tpu.memory_space<vmem>> -> memref<1x128xi32, #tpu.memory_space<vmem>>
        %dma_start3A_291 = tpu.memref_squeeze %dma_start3A_290 : memref<1x128xi32, #tpu.memory_space<vmem>> -> memref<128xi32, #tpu.memory_space<vmem>>
        %dma_start3A_292 = arith.constant 0 : i32
        %dma_start3A_293 = arith.constant 0 : i32
        %dma_start3A_294 = tpu.memref_slice %arg5[%dma_start3A_292, %dma_start3A_293] : memref<10240x128xf32, #tpu.memory_space<hbm>> -> memref<10240x128xf32, #tpu.memory_space<hbm>>
        tpu.enqueue_indirect_dma source(%dma_start3A_294 : memref<10240x128xf32, #tpu.memory_space<hbm>>) target(%dma_start3A_288 : memref<128x128xf32, #tpu.memory_space<vmem>>) offsets(%dma_start3A_291 : memref<128xi32, #tpu.memory_space<vmem>>) semaphore(%arg14 : memref<!tpu.dma_semaphore, #tpu.memory_space<semaphore_mem>>)
      } else {
      }
      %mul3A_258 = arith.constant 2 : i32
      %mul3A_259 = arith.muli %scan3A_237, %mul3A_258 : i32
      %add3A_260 = arith.constant 1 : i32
      %add3A_261 = arith.addi %mul3A_259, %add3A_260 : i32
      %dma_wait3A_262 = arith.constant 1 : i32
      %dma_wait3A_263 = arith.constant 0 : i32
      %dma_wait3A_264 = arith.constant 0 : i32
      %dma_wait3A_265 = tpu.memref_slice %arg12[%dma_wait3A_262, %dma_wait3A_263, %dma_wait3A_264] : memref<2x128x128xf32, #tpu.memory_space<vmem>> -> memref<1x128x128xf32, #tpu.memory_space<vmem>>
      %dma_wait3A_266 = tpu.memref_squeeze %dma_wait3A_265 : memref<1x128x128xf32, #tpu.memory_space<vmem>> -> memref<128x128xf32, #tpu.memory_space<vmem>>
      %dma_wait3A_267 = arith.constant 0 : i32
      %dma_wait3A_268 = tpu.memref_slice %arg10[%add3A_261, %dma_wait3A_267] : memref<40x128xi32, #tpu.memory_space<vmem>> -> memref<1x128xi32, #tpu.memory_space<vmem>>
      %dma_wait3A_269 = tpu.memref_squeeze %dma_wait3A_268 : memref<1x128xi32, #tpu.memory_space<vmem>> -> memref<128xi32, #tpu.memory_space<vmem>>
      %dma_wait3A_270 = arith.constant 0 : i32
      %dma_wait3A_271 = arith.constant 0 : i32
      %dma_wait3A_272 = tpu.memref_slice %arg5[%dma_wait3A_270, %dma_wait3A_271] : memref<10240x128xf32, #tpu.memory_space<hbm>> -> memref<10240x128xf32, #tpu.memory_space<hbm>>
      tpu.wait_indirect_dma semaphore(%arg15 : memref<!tpu.dma_semaphore, #tpu.memory_space<semaphore_mem>>) src(%dma_wait3A_272 : memref<10240x128xf32, #tpu.memory_space<hbm>>) dst(%dma_wait3A_266 : memref<128x128xf32, #tpu.memory_space<vmem>>)
      %run_scoped3A_273 = arith.constant 1 : i32
      "tpu.region"() ({
        %run_scoped3A_282 = tpu.sem_alloc : memref<!tpu.dma_semaphore, #tpu.memory_space<semaphore_mem>>
        %dma_start3A_283 = arith.constant 0 : i32
        %dma_start3A_284 = arith.constant 0 : i32
        %dma_start3A_285 = tpu.memref_slice %arg12[%run_scoped3A_273, %dma_start3A_283, %dma_start3A_284] : memref<2x128x128xf32, #tpu.memory_space<vmem>> -> memref<1x128x128xf32, #tpu.memory_space<vmem>>
        %dma_start3A_286 = tpu.memref_squeeze %dma_start3A_285 : memref<1x128x128xf32, #tpu.memory_space<vmem>> -> memref<128x128xf32, #tpu.memory_space<vmem>>
        %dma_start3A_287 = arith.constant 0 : i32
        %dma_start3A_288 = tpu.memref_slice %arg11[%add3A_261, %dma_start3A_287] : memref<40x128xi32, #tpu.memory_space<vmem>> -> memref<1x128xi32, #tpu.memory_space<vmem>>
        %dma_start3A_289 = tpu.memref_squeeze %dma_start3A_288 : memref<1x128xi32, #tpu.memory_space<vmem>> -> memref<128xi32, #tpu.memory_space<vmem>>
        %dma_start3A_290 = arith.constant 0 : i32
        %dma_start3A_291 = arith.constant 0 : i32
        %dma_start3A_292 = tpu.memref_slice %arg13[%dma_start3A_290, %dma_start3A_291] : memref<10240x128xf32, #tpu.memory_space<vmem_shared>> -> memref<10240x128xf32, #tpu.memory_space<vmem_shared>>
        tpu.enqueue_indirect_dma source(%dma_start3A_286 : memref<128x128xf32, #tpu.memory_space<vmem>>) target(%dma_start3A_292 : memref<10240x128xf32, #tpu.memory_space<vmem_shared>>) offsets(%dma_start3A_289 : memref<128xi32, #tpu.memory_space<vmem>>) semaphore(%run_scoped3A_282 : memref<!tpu.dma_semaphore, #tpu.memory_space<semaphore_mem>>) {add = true}
        %dma_wait3A_293 = arith.constant 0 : i32
        %dma_wait3A_294 = arith.constant 0 : i32
        %dma_wait3A_295 = tpu.memref_slice %arg12[%run_scoped3A_273, %dma_wait3A_293, %dma_wait3A_294] : memref<2x128x128xf32, #tpu.memory_space<vmem>> -> memref<1x128x128xf32, #tpu.memory_space<vmem>>
        %dma_wait3A_296 = tpu.memref_squeeze %dma_wait3A_295 : memref<1x128x128xf32, #tpu.memory_space<vmem>> -> memref<128x128xf32, #tpu.memory_space<vmem>>
        %dma_wait3A_297 = arith.constant 0 : i32
        %dma_wait3A_298 = tpu.memref_slice %arg11[%add3A_261, %dma_wait3A_297] : memref<40x128xi32, #tpu.memory_space<vmem>> -> memref<1x128xi32, #tpu.memory_space<vmem>>
        %dma_wait3A_299 = tpu.memref_squeeze %dma_wait3A_298 : memref<1x128xi32, #tpu.memory_space<vmem>> -> memref<128xi32, #tpu.memory_space<vmem>>
        %dma_wait3A_300 = arith.constant 0 : i32
        %dma_wait3A_301 = arith.constant 0 : i32
        %dma_wait3A_302 = tpu.memref_slice %arg13[%dma_wait3A_300, %dma_wait3A_301] : memref<10240x128xf32, #tpu.memory_space<vmem_shared>> -> memref<10240x128xf32, #tpu.memory_space<vmem_shared>>
        tpu.wait_indirect_dma semaphore(%run_scoped3A_282 : memref<!tpu.dma_semaphore, #tpu.memory_space<semaphore_mem>>) src(%dma_wait3A_296 : memref<128x128xf32, #tpu.memory_space<vmem>>) dst(%dma_wait3A_302 : memref<10240x128xf32, #tpu.memory_space<vmem_shared>>)
        tpu.yield
      }) : () -> ()
      %add3A_274 = arith.constant 2 : i32
      %add3A_275 = arith.addi %add3A_261, %add3A_274 : i32
      %lt3A_276 = arith.constant 40 : i32
      %lt3A_277 = arith.cmpi slt, %add3A_275, %lt3A_276 : i32
      %convert_element_type3A_278 = arith.extui %lt3A_277 : i1 to i32
      %cond3A_279 = arith.constant 0 : i32
      %cond3A_280 = arith.cmpi ne, %convert_element_type3A_278, %cond3A_279 : i32
      scf.if %cond3A_280 {
        %add3A_282 = arith.constant 2 : i32
        %add3A_283 = arith.addi %add3A_261, %add3A_282 : i32
        %dma_start3A_284 = arith.constant 1 : i32
        %dma_start3A_285 = arith.constant 0 : i32
        %dma_start3A_286 = arith.constant 0 : i32
        %dma_start3A_287 = tpu.memref_slice %arg12[%dma_start3A_284, %dma_start3A_285, %dma_start3A_286] : memref<2x128x128xf32, #tpu.memory_space<vmem>> -> memref<1x128x128xf32, #tpu.memory_space<vmem>>
        %dma_start3A_288 = tpu.memref_squeeze %dma_start3A_287 : memref<1x128x128xf32, #tpu.memory_space<vmem>> -> memref<128x128xf32, #tpu.memory_space<vmem>>
        %dma_start3A_289 = arith.constant 0 : i32
        %dma_start3A_290 = tpu.memref_slice %arg10[%add3A_283, %dma_start3A_289] : memref<40x128xi32, #tpu.memory_space<vmem>> -> memref<1x128xi32, #tpu.memory_space<vmem>>
        %dma_start3A_291 = tpu.memref_squeeze %dma_start3A_290 : memref<1x128xi32, #tpu.memory_space<vmem>> -> memref<128xi32, #tpu.memory_space<vmem>>
        %dma_start3A_292 = arith.constant 0 : i32
        %dma_start3A_293 = arith.constant 0 : i32
        %dma_start3A_294 = tpu.memref_slice %arg5[%dma_start3A_292, %dma_start3A_293] : memref<10240x128xf32, #tpu.memory_space<hbm>> -> memref<10240x128xf32, #tpu.memory_space<hbm>>
        tpu.enqueue_indirect_dma source(%dma_start3A_294 : memref<10240x128xf32, #tpu.memory_space<hbm>>) target(%dma_start3A_288 : memref<128x128xf32, #tpu.memory_space<vmem>>) offsets(%dma_start3A_291 : memref<128xi32, #tpu.memory_space<vmem>>) semaphore(%arg15 : memref<!tpu.dma_semaphore, #tpu.memory_space<semaphore_mem>>)
      } else {
      }
      %scan3A_281 = arith.constant 0 : i32
      scf.yield %scan3A_281 : i32
    }
    %scan3A_229 = arith.constant 20 : i32
    %barrier3A_230 = arith.constant 0 : index
    tpu.barrier barrier_id(%barrier3A_230)
    %mul3A_231 = arith.constant 640 : i32
    %mul3A_232 = arith.muli %arg1, %mul3A_231 : i32
    %mul3A_233 = arith.constant 640 : i32
    %mul3A_234 = arith.muli %arg1, %mul3A_233 : i32
    %run_scoped3A_235 = arith.constant 3 : i32
    "tpu.region"() ({
      %run_scoped3A_237 = tpu.sem_alloc : memref<!tpu.dma_semaphore, #tpu.memory_space<semaphore_mem>>
      %dma_start3A_238 = arith.constant 0 : i32
      %dma_start3A_239 = tpu.memref_slice %arg9[%run_scoped3A_235, %arg0, %mul3A_234, %dma_start3A_238] : memref<4x2x10240x128xf32, #tpu.memory_space<hbm>> -> memref<1x1x640x128xf32, #tpu.memory_space<hbm>>
      %dma_start3A_240 = tpu.memref_squeeze %dma_start3A_239 : memref<1x1x640x128xf32, #tpu.memory_space<hbm>> -> memref<640x128xf32, #tpu.memory_space<hbm>>
      %dma_start3A_241 = arith.constant 0 : i32
      %dma_start3A_242 = tpu.memref_slice %arg13[%mul3A_232, %dma_start3A_241] : memref<10240x128xf32, #tpu.memory_space<vmem_shared>> -> memref<640x128xf32, #tpu.memory_space<vmem_shared>>
      tpu.enqueue_dma source(%dma_start3A_242 : memref<640x128xf32, #tpu.memory_space<vmem_shared>>) target(%dma_start3A_240 : memref<640x128xf32, #tpu.memory_space<hbm>>) target_semaphore(%run_scoped3A_237 : memref<!tpu.dma_semaphore, #tpu.memory_space<semaphore_mem>>)
      %dma_wait3A = arith.constant 0 : i32
      %dma_wait3A_243 = tpu.memref_slice %arg9[%run_scoped3A_235, %arg0, %mul3A_234, %dma_wait3A] : memref<4x2x10240x128xf32, #tpu.memory_space<hbm>> -> memref<1x1x640x128xf32, #tpu.memory_space<hbm>>
      %dma_wait3A_244 = tpu.memref_squeeze %dma_wait3A_243 : memref<1x1x640x128xf32, #tpu.memory_space<hbm>> -> memref<640x128xf32, #tpu.memory_space<hbm>>
      %dma_wait3A_245 = arith.constant 0 : i32
      %dma_wait3A_246 = tpu.memref_slice %arg13[%mul3A_232, %dma_wait3A_245] : memref<10240x128xf32, #tpu.memory_space<vmem_shared>> -> memref<640x128xf32, #tpu.memory_space<vmem_shared>>
      tpu.wait_dma2 semaphore(%run_scoped3A_237 : memref<!tpu.dma_semaphore, #tpu.memory_space<semaphore_mem>>) src(%dma_wait3A_246 : memref<640x128xf32, #tpu.memory_space<vmem_shared>>) dst(%dma_wait3A_244 : memref<640x128xf32, #tpu.memory_space<hbm>>)
      tpu.yield
    }) : () -> ()
    %barrier3A_236 = arith.constant 0 : index
    tpu.barrier barrier_id(%barrier3A_236)
    return
  }
}

module attributes {stable_mosaic.version = 14 : i64} {
  func.func @_matmul_body(%arg0: i32, %arg1: memref<512x256xf32, #tpu.memory_space<vmem>>, %arg2: memref<256x512xf32, #tpu.memory_space<vmem>>, %arg3: memref<512x512xf32, #tpu.memory_space<vmem>>) attributes {dimension_semantics = [#tpu.dimension_semantics<arbitrary>], iteration_bounds = array<i64: 20>, scalar_prefetch = 0 : i64, scratch_operands = 0 : i64, tpu.core_type = #tpu.core_type<tc>, window_params = [{transform_indices = @transform_0, window_bounds = array<i64: 512, 256>}, {pipeline_mode = #tpu.pipeline_mode<synchronous>, transform_indices = @transform_1, window_bounds = array<i64: 256, 512>}, {transform_indices = @transform_2, window_bounds = array<i64: 512, 512>}]} {
    %get3A = arith.constant 0 : index
    %get3A_0 = arith.constant 0 : index
    %get3A_1 = vector.load %arg1[%get3A, %get3A_0] : memref<512x256xf32, #tpu.memory_space<vmem>>, vector<512x256xf32>
    %get3A_2 = arith.constant 0 : index
    %get3A_3 = arith.constant 0 : index
    %get3A_4 = vector.load %arg2[%get3A_2, %get3A_3] : memref<256x512xf32, #tpu.memory_space<vmem>>, vector<256x512xf32>
    %convert_element_type3A = arith.truncf %get3A_1 : vector<512x256xf32> to vector<512x256xbf16>
    %convert_element_type3A_5 = arith.truncf %get3A_4 : vector<256x512xf32> to vector<256x512xbf16>
    %dot_general3A = arith.constant dense<0.000000e+00> : vector<512x512xf32>
    %dot_general3A_6 = tpu.matmul %convert_element_type3A, %convert_element_type3A_5, %dot_general3A {dimension_numbers = #tpu.dot_dimension_numbers<[1], [0], [0], [1], [0, 0, 1, 1], [], []>, transpose_lhs_hint = false} : vector<512x256xbf16>, vector<256x512xbf16>, vector<512x512xf32> -> vector<512x512xf32>
    %swap3A = arith.constant 0 : index
    %swap3A_7 = arith.constant 0 : index
    %swap3A_8 = vector.load %arg3[%swap3A, %swap3A_7] : memref<512x512xf32, #tpu.memory_space<vmem>>, vector<512x512xf32>
    tpu.vector_store %arg3[%swap3A, %swap3A_7], %dot_general3A_6 {strides = array<i32>} : memref<512x512xf32, #tpu.memory_space<vmem>>, vector<512x512xf32>,
    return
  }
  func.func @transform_0(%arg0: i32) -> (i32, i32) {
    %c0_i32 = arith.constant 0 : i32
    %c0_i32_0 = arith.constant 0 : i32
    return %arg0, %c0_i32 : i32, i32
  }
  func.func @transform_1(%arg0: i32) -> (i32, i32) {
    %c0_i32 = arith.constant 0 : i32
    %c0_i32_0 = arith.constant 0 : i32
    %c0_i32_1 = arith.constant 0 : i32
    return %c0_i32, %c0_i32_0 : i32, i32
  }
  func.func @transform_2(%arg0: i32) -> (i32, i32) {
    %c0_i32 = arith.constant 0 : i32
    %c0_i32_0 = arith.constant 0 : i32
    return %arg0, %c0_i32 : i32, i32
  }
}

module attributes {stable_mosaic.version = 14 : i64} {
  func.func @_mm_stats_body(%arg0: i32, %arg1: memref<2x2x512x128xf32, #tpu.memory_space<vmem>>, %arg2: memref<2x512x128xf32, #tpu.memory_space<vmem>>, %arg3: memref<512x512xf32, #tpu.memory_space<vmem>>, %arg4: memref<256x512xf32, #tpu.memory_space<vmem>>, %arg5: memref<1x512xf32, #tpu.memory_space<vmem>>, %arg6: memref<512x512xf32, #tpu.memory_space<vmem>>, %arg7: memref<1x512xf32, #tpu.memory_space<vmem>>, %arg8: memref<1x512xf32, #tpu.memory_space<vmem>>) attributes {dimension_semantics = [#tpu.dimension_semantics<arbitrary>], iteration_bounds = array<i64: 20>, scalar_prefetch = 0 : i64, scratch_operands = 0 : i64, tpu.core_type = #tpu.core_type<tc>, window_params = [{transform_indices = @transform_0, window_bounds = array<i64: 2, 2, 512, 128>}, {transform_indices = @transform_1, window_bounds = array<i64: 2, 512, 128>}, {transform_indices = @transform_2, window_bounds = array<i64: 512, 512>}, {pipeline_mode = #tpu.pipeline_mode<synchronous>, transform_indices = @transform_3, window_bounds = array<i64: 256, 512>}, {pipeline_mode = #tpu.pipeline_mode<synchronous>, transform_indices = @transform_4, window_bounds = array<i64: 1, 512>}, {transform_indices = @transform_5, window_bounds = array<i64: 512, 512>}, {pipeline_mode = #tpu.pipeline_mode<synchronous>, transform_indices = @transform_6, window_bounds = array<i64: 1, 512>}, {pipeline_mode = #tpu.pipeline_mode<synchronous>, transform_indices = @transform_7, window_bounds = array<i64: 1, 512>}]} {
    %get3A = arith.constant 0 : index
    %get3A_0 = arith.constant 0 : index
    %get3A_1 = arith.constant 0 : index
    %get3A_2 = vector.load %arg2[%get3A, %get3A_0, %get3A_1] : memref<2x512x128xf32, #tpu.memory_space<vmem>>, vector<1x512x128xf32>
    %get3A_3 = vector.shape_cast %get3A_2 : vector<1x512x128xf32> to vector<512x128xf32>
    %get3A_4 = arith.constant 1 : index
    %get3A_5 = arith.constant 0 : index
    %get3A_6 = arith.constant 0 : index
    %get3A_7 = vector.load %arg2[%get3A_4, %get3A_5, %get3A_6] : memref<2x512x128xf32, #tpu.memory_space<vmem>>, vector<1x512x128xf32>
    %get3A_8 = vector.shape_cast %get3A_7 : vector<1x512x128xf32> to vector<512x128xf32>
    %add3A = arith.addf %get3A_3, %get3A_8 : vector<512x128xf32>
    %slice3A = vector.extract_strided_slice %add3A {offsets = [0, 0], sizes = [512, 1], strides = [1, 1]} : vector<512x128xf32> to vector<512x1xf32>
    %max3A = arith.constant 1.000000e+00 : f32
    %max3A_9 = vector.broadcast %max3A : f32 to vector<512x1xf32>
    %max3A_10 = arith.maximumf %slice3A, %max3A_9 : vector<512x1xf32>
    %div3A = arith.constant 1.000000e+00 : f32
    %div3A_11 = vector.broadcast %div3A : f32 to vector<512x1xf32>
    %div3A_12 = arith.divf %div3A_11, %max3A_10 : vector<512x1xf32>
    %get3A_13 = arith.constant 0 : index
    %get3A_14 = arith.constant 0 : index
    %get3A_15 = vector.load %arg3[%get3A_13, %get3A_14] : memref<512x512xf32, #tpu.memory_space<vmem>>, vector<512x512xf32>
    %get3A_16 = arith.constant 0 : index
    %get3A_17 = arith.constant 0 : index
    %get3A_18 = vector.load %arg5[%get3A_16, %get3A_17] : memref<1x512xf32, #tpu.memory_space<vmem>>, vector<1x512xf32>
    %add3A_19 = vector.broadcast %get3A_18 : vector<1x512xf32> to vector<512x512xf32>
    %add3A_20 = arith.addf %get3A_15, %add3A_19 : vector<512x512xf32>
    %get3A_21 = arith.constant 0 : index
    %get3A_22 = arith.constant 0 : index
    %get3A_23 = arith.constant 0 : index
    %get3A_24 = arith.constant 0 : index
    %get3A_25 = vector.load %arg1[%get3A_21, %get3A_22, %get3A_23, %get3A_24] : memref<2x2x512x128xf32, #tpu.memory_space<vmem>>, vector<1x1x512x128xf32>
    %get3A_26 = vector.shape_cast %get3A_25 : vector<1x1x512x128xf32> to vector<512x128xf32>
    %get3A_27 = arith.constant 0 : index
    %get3A_28 = arith.constant 1 : index
    %get3A_29 = arith.constant 0 : index
    %get3A_30 = arith.constant 0 : index
    %get3A_31 = vector.load %arg1[%get3A_27, %get3A_28, %get3A_29, %get3A_30] : memref<2x2x512x128xf32, #tpu.memory_space<vmem>>, vector<1x1x512x128xf32>
    %get3A_32 = vector.shape_cast %get3A_31 : vector<1x1x512x128xf32> to vector<512x128xf32>
    %add3A_33 = arith.addf %get3A_26, %get3A_32 : vector<512x128xf32>
    %mul3A = vector.broadcast %div3A_12 : vector<512x1xf32> to vector<512x128xf32>
    %mul3A_34 = arith.mulf %add3A_33, %mul3A : vector<512x128xf32>
    %get3A_35 = arith.constant 0 : index
    %get3A_36 = arith.constant 0 : index
    %get3A_37 = vector.load %arg4[%get3A_35, %get3A_36] : memref<256x512xf32, #tpu.memory_space<vmem>>, vector<128x512xf32>
    %convert_element_type3A = arith.truncf %mul3A_34 : vector<512x128xf32> to vector<512x128xbf16>
    %convert_element_type3A_38 = arith.truncf %get3A_37 : vector<128x512xf32> to vector<128x512xbf16>
    %dot_general3A = arith.constant dense<0.000000e+00> : vector<512x512xf32>
    %dot_general3A_39 = tpu.matmul %convert_element_type3A, %convert_element_type3A_38, %dot_general3A {dimension_numbers = #tpu.dot_dimension_numbers<[1], [0], [0], [1], [0, 0, 1, 1], [], []>, transpose_lhs_hint = false} : vector<512x128xbf16>, vector<128x512xbf16>, vector<512x512xf32> -> vector<512x512xf32>
    %add3A_40 = arith.addf %add3A_20, %dot_general3A_39 : vector<512x512xf32>
    %get3A_41 = arith.constant 1 : index
    %get3A_42 = arith.constant 0 : index
    %get3A_43 = arith.constant 0 : index
    %get3A_44 = arith.constant 0 : index
    %get3A_45 = vector.load %arg1[%get3A_41, %get3A_42, %get3A_43, %get3A_44] : memref<2x2x512x128xf32, #tpu.memory_space<vmem>>, vector<1x1x512x128xf32>
    %get3A_46 = vector.shape_cast %get3A_45 : vector<1x1x512x128xf32> to vector<512x128xf32>
    %get3A_47 = arith.constant 1 : index
    %get3A_48 = arith.constant 1 : index
    %get3A_49 = arith.constant 0 : index
    %get3A_50 = arith.constant 0 : index
    %get3A_51 = vector.load %arg1[%get3A_47, %get3A_48, %get3A_49, %get3A_50] : memref<2x2x512x128xf32, #tpu.memory_space<vmem>>, vector<1x1x512x128xf32>
    %get3A_52 = vector.shape_cast %get3A_51 : vector<1x1x512x128xf32> to vector<512x128xf32>
    %add3A_53 = arith.addf %get3A_46, %get3A_52 : vector<512x128xf32>
    %mul3A_54 = vector.broadcast %div3A_12 : vector<512x1xf32> to vector<512x128xf32>
    %mul3A_55 = arith.mulf %add3A_53, %mul3A_54 : vector<512x128xf32>
    %get3A_56 = arith.constant 128 : index
    %get3A_57 = arith.constant 0 : index
    %get3A_58 = vector.load %arg4[%get3A_56, %get3A_57] : memref<256x512xf32, #tpu.memory_space<vmem>>, vector<128x512xf32>
    %convert_element_type3A_59 = arith.truncf %mul3A_55 : vector<512x128xf32> to vector<512x128xbf16>
    %convert_element_type3A_60 = arith.truncf %get3A_58 : vector<128x512xf32> to vector<128x512xbf16>
    %dot_general3A_61 = arith.constant dense<0.000000e+00> : vector<512x512xf32>
    %dot_general3A_62 = tpu.matmul %convert_element_type3A_59, %convert_element_type3A_60, %dot_general3A_61 {dimension_numbers = #tpu.dot_dimension_numbers<[1], [0], [0], [1], [0, 0, 1, 1], [], []>, transpose_lhs_hint = false} : vector<512x128xbf16>, vector<128x512xbf16>, vector<512x512xf32> -> vector<512x512xf32>
    %add3A_63 = arith.addf %add3A_40, %dot_general3A_62 : vector<512x512xf32>
    %swap3A = arith.constant 0 : index
    %swap3A_64 = arith.constant 0 : index
    %swap3A_65 = vector.load %arg6[%swap3A, %swap3A_64] : memref<512x512xf32, #tpu.memory_space<vmem>>, vector<512x512xf32>
    tpu.vector_store %arg6[%swap3A, %swap3A_64], %add3A_63 {strides = array<i32>} : memref<512x512xf32, #tpu.memory_space<vmem>>, vector<512x512xf32>,
    %iota3A = tpu.iota {dimensions = array<i32: 0>} : vector<512x1xi32>
    %mul3A_66 = arith.constant 512 : i32
    %mul3A_67 = arith.muli %arg0, %mul3A_66 : i32
    %add3A_68 = vector.broadcast %mul3A_67 : i32 to vector<512x1xi32>
    %add3A_69 = arith.addi %iota3A, %add3A_68 : vector<512x1xi32>
    %lt3A = arith.constant 10000 : i32
    %lt3A_70 = vector.broadcast %lt3A : i32 to vector<512x1xi32>
    %lt3A_71 = arith.cmpi slt, %add3A_69, %lt3A_70 : vector<512x1xi32>
    %jit3A = arith.constant 0.000000e+00 : f32
    %broadcast_in_dim3A = vector.shape_cast %lt3A_71 : vector<512x1xi1> to vector<512x1xi1>
    %broadcast_in_dim3A_72 = vector.broadcast %broadcast_in_dim3A : vector<512x1xi1> to vector<512x512xi1>
    %broadcast_in_dim3A_73 = vector.broadcast %jit3A : f32 to vector<512x512xf32>
    %select_n3A = arith.select %broadcast_in_dim3A_72, %add3A_63, %broadcast_in_dim3A_73 : vector<512x512xi1>, vector<512x512xf32>
    %eq3A = arith.constant 0 : i32
    %eq3A_74 = arith.cmpi eq, %arg0, %eq3A : i32
    %convert_element_type3A_75 = arith.extui %eq3A_74 : i1 to i32
    %cond3A = arith.constant 0 : i32
    %cond3A_76 = arith.cmpi ne, %convert_element_type3A_75, %cond3A : i32
    scf.if %cond3A_76 {
      %broadcast_in_dim3A_97 = arith.constant 0.000000e+00 : f32
      %broadcast_in_dim3A_98 = vector.broadcast %broadcast_in_dim3A_97 : f32 to vector<1x512xf32>
      %swap3A_99 = arith.constant 0 : index
      %swap3A_100 = arith.constant 0 : index
      %swap3A_101 = vector.load %arg7[%swap3A_99, %swap3A_100] : memref<1x512xf32, #tpu.memory_space<vmem>>, vector<1x512xf32>
      tpu.vector_store %arg7[%swap3A_99, %swap3A_100], %broadcast_in_dim3A_98 {strides = array<i32>} : memref<1x512xf32, #tpu.memory_space<vmem>>, vector<1x512xf32>,
      %broadcast_in_dim3A_102 = arith.constant 0.000000e+00 : f32
      %broadcast_in_dim3A_103 = vector.broadcast %broadcast_in_dim3A_102 : f32 to vector<1x512xf32>
      %swap3A_104 = arith.constant 0 : index
      %swap3A_105 = arith.constant 0 : index
      %swap3A_106 = vector.load %arg8[%swap3A_104, %swap3A_105] : memref<1x512xf32, #tpu.memory_space<vmem>>, vector<1x512xf32>
      tpu.vector_store %arg8[%swap3A_104, %swap3A_105], %broadcast_in_dim3A_103 {strides = array<i32>} : memref<1x512xf32, #tpu.memory_space<vmem>>, vector<1x512xf32>,
    } else {
    }
    %get3A_77 = arith.constant 0 : index
    %get3A_78 = arith.constant 0 : index
    %get3A_79 = vector.load %arg7[%get3A_77, %get3A_78] : memref<1x512xf32, #tpu.memory_space<vmem>>, vector<1x512xf32>
    %reduce_sum3A = arith.constant dense<0.000000e+00> : vector<512xf32>
    %reduce_sum3A_80 = vector.multi_reduction <add>, %select_n3A, %reduce_sum3A [0] : vector<512x512xf32> to vector<512xf32>
    %broadcast_in_dim3A_81 = vector.shape_cast %reduce_sum3A_80 : vector<512xf32> to vector<1x512xf32>
    %add3A_82 = arith.addf %get3A_79, %broadcast_in_dim3A_81 : vector<1x512xf32>
    %swap3A_83 = arith.constant 0 : index
    %swap3A_84 = arith.constant 0 : index
    %swap3A_85 = vector.load %arg7[%swap3A_83, %swap3A_84] : memref<1x512xf32, #tpu.memory_space<vmem>>, vector<1x512xf32>
    tpu.vector_store %arg7[%swap3A_83, %swap3A_84], %add3A_82 {strides = array<i32>} : memref<1x512xf32, #tpu.memory_space<vmem>>, vector<1x512xf32>,
    %get3A_86 = arith.constant 0 : index
    %get3A_87 = arith.constant 0 : index
    %get3A_88 = vector.load %arg8[%get3A_86, %get3A_87] : memref<1x512xf32, #tpu.memory_space<vmem>>, vector<1x512xf32>
    %mul3A_89 = arith.mulf %select_n3A, %select_n3A : vector<512x512xf32>
    %reduce_sum3A_90 = arith.constant dense<0.000000e+00> : vector<512xf32>
    %reduce_sum3A_91 = vector.multi_reduction <add>, %mul3A_89, %reduce_sum3A_90 [0] : vector<512x512xf32> to vector<512xf32>
    %broadcast_in_dim3A_92 = vector.shape_cast %reduce_sum3A_91 : vector<512xf32> to vector<1x512xf32>
    %add3A_93 = arith.addf %get3A_88, %broadcast_in_dim3A_92 : vector<1x512xf32>
    %swap3A_94 = arith.constant 0 : index
    %swap3A_95 = arith.constant 0 : index
    %swap3A_96 = vector.load %arg8[%swap3A_94, %swap3A_95] : memref<1x512xf32, #tpu.memory_space<vmem>>, vector<1x512xf32>
    tpu.vector_store %arg8[%swap3A_94, %swap3A_95], %add3A_93 {strides = array<i32>} : memref<1x512xf32, #tpu.memory_space<vmem>>, vector<1x512xf32>,
    return
  }
  func.func @transform_0(%arg0: i32) -> (i32, i32, i32, i32) {
    %c0_i32 = arith.constant 0 : i32
    %c0_i32_0 = arith.constant 0 : i32
    %c0_i32_1 = arith.constant 0 : i32
    %c0_i32_2 = arith.constant 0 : i32
    return %c0_i32, %c0_i32_0, %arg0, %c0_i32_1 : i32, i32, i32, i32
  }
  func.func @transform_1(%arg0: i32) -> (i32, i32, i32) {
    %c0_i32 = arith.constant 0 : i32
    %c0_i32_0 = arith.constant 0 : i32
    %c0_i32_1 = arith.constant 0 : i32
    return %c0_i32, %arg0, %c0_i32_0 : i32, i32, i32
  }
  func.func @transform_2(%arg0: i32) -> (i32, i32) {
    %c0_i32 = arith.constant 0 : i32
    %c0_i32_0 = arith.constant 0 : i32
    return %arg0, %c0_i32 : i32, i32
  }
  func.func @transform_3(%arg0: i32) -> (i32, i32) {
    %c0_i32 = arith.constant 0 : i32
    %c0_i32_0 = arith.constant 0 : i32
    %c0_i32_1 = arith.constant 0 : i32
    return %c0_i32, %c0_i32_0 : i32, i32
  }
  func.func @transform_4(%arg0: i32) -> (i32, i32) {
    %c0_i32 = arith.constant 0 : i32
    %c0_i32_0 = arith.constant 0 : i32
    %c0_i32_1 = arith.constant 0 : i32
    return %c0_i32, %c0_i32_0 : i32, i32
  }
  func.func @transform_5(%arg0: i32) -> (i32, i32) {
    %c0_i32 = arith.constant 0 : i32
    %c0_i32_0 = arith.constant 0 : i32
    return %arg0, %c0_i32 : i32, i32
  }
  func.func @transform_6(%arg0: i32) -> (i32, i32) {
    %c0_i32 = arith.constant 0 : i32
    %c0_i32_0 = arith.constant 0 : i32
    %c0_i32_1 = arith.constant 0 : i32
    return %c0_i32, %c0_i32_0 : i32, i32
  }
  func.func @transform_7(%arg0: i32) -> (i32, i32) {
    %c0_i32 = arith.constant 0 : i32
    %c0_i32_0 = arith.constant 0 : i32
    %c0_i32_1 = arith.constant 0 : i32
    return %c0_i32, %c0_i32_0 : i32, i32
  }
}

module attributes {stable_mosaic.version = 14 : i64} {
  func.func @_bn_relu_body(%arg0: i32, %arg1: memref<512x512xf32, #tpu.memory_space<vmem>>, %arg2: memref<1x512xf32, #tpu.memory_space<vmem>>, %arg3: memref<1x512xf32, #tpu.memory_space<vmem>>, %arg4: memref<1x512xf32, #tpu.memory_space<vmem>>, %arg5: memref<1x512xf32, #tpu.memory_space<vmem>>, %arg6: memref<512x512xf32, #tpu.memory_space<vmem>>, %arg7: memref<512x512xf32, #tpu.memory_space<vmem>>, %arg8: memref<512x512xf32, #tpu.memory_space<vmem>>) attributes {dimension_semantics = [#tpu.dimension_semantics<arbitrary>], iteration_bounds = array<i64: 20>, scalar_prefetch = 0 : i64, scratch_operands = 0 : i64, tpu.core_type = #tpu.core_type<tc>, window_params = [{transform_indices = @transform_0, window_bounds = array<i64: 512, 512>}, {pipeline_mode = #tpu.pipeline_mode<synchronous>, transform_indices = @transform_1, window_bounds = array<i64: 1, 512>}, {pipeline_mode = #tpu.pipeline_mode<synchronous>, transform_indices = @transform_2, window_bounds = array<i64: 1, 512>}, {pipeline_mode = #tpu.pipeline_mode<synchronous>, transform_indices = @transform_3, window_bounds = array<i64: 1, 512>}, {pipeline_mode = #tpu.pipeline_mode<synchronous>, transform_indices = @transform_4, window_bounds = array<i64: 1, 512>}, {pipeline_mode = #tpu.pipeline_mode<synchronous>, transform_indices = @transform_5, window_bounds = array<i64: 512, 512>}, {transform_indices = @transform_6, window_bounds = array<i64: 512, 512>}, {transform_indices = @transform_7, window_bounds = array<i64: 512, 512>}]} {
    %get3A = arith.constant 0 : index
    %get3A_0 = arith.constant 0 : index
    %get3A_1 = vector.load %arg2[%get3A, %get3A_0] : memref<1x512xf32, #tpu.memory_space<vmem>>, vector<1x512xf32>
    %div3A = arith.constant 1.000000e+04 : f32
    %div3A_2 = vector.broadcast %div3A : f32 to vector<1x512xf32>
    %div3A_3 = arith.divf %get3A_1, %div3A_2 : vector<1x512xf32>
    %get3A_4 = arith.constant 0 : index
    %get3A_5 = arith.constant 0 : index
    %get3A_6 = vector.load %arg3[%get3A_4, %get3A_5] : memref<1x512xf32, #tpu.memory_space<vmem>>, vector<1x512xf32>
    %div3A_7 = arith.constant 1.000000e+04 : f32
    %div3A_8 = vector.broadcast %div3A_7 : f32 to vector<1x512xf32>
    %div3A_9 = arith.divf %get3A_6, %div3A_8 : vector<1x512xf32>
    %mul3A = arith.mulf %div3A_3, %div3A_3 : vector<1x512xf32>
    %sub3A = arith.subf %div3A_9, %mul3A : vector<1x512xf32>
    %get3A_10 = arith.constant 0 : index
    %get3A_11 = arith.constant 0 : index
    %get3A_12 = vector.load %arg4[%get3A_10, %get3A_11] : memref<1x512xf32, #tpu.memory_space<vmem>>, vector<1x512xf32>
    %add3A = arith.constant 9.99999974E-6 : f32
    %add3A_13 = vector.broadcast %add3A : f32 to vector<1x512xf32>
    %add3A_14 = arith.addf %sub3A, %add3A_13 : vector<1x512xf32>
    %rsqrt3A = math.rsqrt %add3A_14 : vector<1x512xf32>
    %mul3A_15 = arith.mulf %get3A_12, %rsqrt3A : vector<1x512xf32>
    %get3A_16 = arith.constant 0 : index
    %get3A_17 = arith.constant 0 : index
    %get3A_18 = vector.load %arg1[%get3A_16, %get3A_17] : memref<512x512xf32, #tpu.memory_space<vmem>>, vector<512x512xf32>
    %sub3A_19 = vector.broadcast %div3A_3 : vector<1x512xf32> to vector<512x512xf32>
    %sub3A_20 = arith.subf %get3A_18, %sub3A_19 : vector<512x512xf32>
    %mul3A_21 = vector.broadcast %mul3A_15 : vector<1x512xf32> to vector<512x512xf32>
    %mul3A_22 = arith.mulf %sub3A_20, %mul3A_21 : vector<512x512xf32>
    %get3A_23 = arith.constant 0 : index
    %get3A_24 = arith.constant 0 : index
    %get3A_25 = vector.load %arg5[%get3A_23, %get3A_24] : memref<1x512xf32, #tpu.memory_space<vmem>>, vector<1x512xf32>
    %add3A_26 = vector.broadcast %get3A_25 : vector<1x512xf32> to vector<512x512xf32>
    %add3A_27 = arith.addf %mul3A_22, %add3A_26 : vector<512x512xf32>
    %max3A = arith.constant 0.000000e+00 : f32
    %max3A_28 = vector.broadcast %max3A : f32 to vector<512x512xf32>
    %max3A_29 = arith.maximumf %add3A_27, %max3A_28 : vector<512x512xf32>
    %swap3A = arith.constant 0 : index
    %swap3A_30 = arith.constant 0 : index
    %swap3A_31 = vector.load %arg7[%swap3A, %swap3A_30] : memref<512x512xf32, #tpu.memory_space<vmem>>, vector<512x512xf32>
    tpu.vector_store %arg7[%swap3A, %swap3A_30], %max3A_29 {strides = array<i32>} : memref<512x512xf32, #tpu.memory_space<vmem>>, vector<512x512xf32>,
    %get3A_32 = arith.constant 0 : index
    %get3A_33 = arith.constant 0 : index
    %get3A_34 = vector.load %arg6[%get3A_32, %get3A_33] : memref<512x512xf32, #tpu.memory_space<vmem>>, vector<512x512xf32>
    %convert_element_type3A = arith.truncf %max3A_29 : vector<512x512xf32> to vector<512x512xbf16>
    %convert_element_type3A_35 = arith.truncf %get3A_34 : vector<512x512xf32> to vector<512x512xbf16>
    %dot_general3A = arith.constant dense<0.000000e+00> : vector<512x512xf32>
    %dot_general3A_36 = tpu.matmul %convert_element_type3A, %convert_element_type3A_35, %dot_general3A {dimension_numbers = #tpu.dot_dimension_numbers<[1], [0], [0], [1], [0, 0, 1, 1], [], []>, transpose_lhs_hint = false} : vector<512x512xbf16>, vector<512x512xbf16>, vector<512x512xf32> -> vector<512x512xf32>
    %swap3A_37 = arith.constant 0 : index
    %swap3A_38 = arith.constant 0 : index
    %swap3A_39 = vector.load %arg8[%swap3A_37, %swap3A_38] : memref<512x512xf32, #tpu.memory_space<vmem>>, vector<512x512xf32>
    tpu.vector_store %arg8[%swap3A_37, %swap3A_38], %dot_general3A_36 {strides = array<i32>} : memref<512x512xf32, #tpu.memory_space<vmem>>, vector<512x512xf32>,
    return
  }
  func.func @transform_0(%arg0: i32) -> (i32, i32) {
    %c0_i32 = arith.constant 0 : i32
    %c0_i32_0 = arith.constant 0 : i32
    return %arg0, %c0_i32 : i32, i32
  }
  func.func @transform_1(%arg0: i32) -> (i32, i32) {
    %c0_i32 = arith.constant 0 : i32
    %c0_i32_0 = arith.constant 0 : i32
    %c0_i32_1 = arith.constant 0 : i32
    return %c0_i32, %c0_i32_0 : i32, i32
  }
  func.func @transform_2(%arg0: i32) -> (i32, i32) {
    %c0_i32 = arith.constant 0 : i32
    %c0_i32_0 = arith.constant 0 : i32
    %c0_i32_1 = arith.constant 0 : i32
    return %c0_i32, %c0_i32_0 : i32, i32
  }
  func.func @transform_3(%arg0: i32) -> (i32, i32) {
    %c0_i32 = arith.constant 0 : i32
    %c0_i32_0 = arith.constant 0 : i32
    %c0_i32_1 = arith.constant 0 : i32
    return %c0_i32, %c0_i32_0 : i32, i32
  }
  func.func @transform_4(%arg0: i32) -> (i32, i32) {
    %c0_i32 = arith.constant 0 : i32
    %c0_i32_0 = arith.constant 0 : i32
    %c0_i32_1 = arith.constant 0 : i32
    return %c0_i32, %c0_i32_0 : i32, i32
  }
  func.func @transform_5(%arg0: i32) -> (i32, i32) {
    %c0_i32 = arith.constant 0 : i32
    %c0_i32_0 = arith.constant 0 : i32
    %c0_i32_1 = arith.constant 0 : i32
    return %c0_i32, %c0_i32_0 : i32, i32
  }
  func.func @transform_6(%arg0: i32) -> (i32, i32) {
    %c0_i32 = arith.constant 0 : i32
    %c0_i32_0 = arith.constant 0 : i32
    return %arg0, %c0_i32 : i32, i32
  }
  func.func @transform_7(%arg0: i32) -> (i32, i32) {
    %c0_i32 = arith.constant 0 : i32
    %c0_i32_0 = arith.constant 0 : i32
    return %arg0, %c0_i32 : i32, i32
  }
}

module attributes {stable_mosaic.version = 14 : i64} {
  func.func @_mm_stats_body(%arg0: i32, %arg1: memref<4x2x512x128xf32, #tpu.memory_space<vmem>>, %arg2: memref<2x512x128xf32, #tpu.memory_space<vmem>>, %arg3: memref<512x512xf32, #tpu.memory_space<vmem>>, %arg4: memref<512x512xf32, #tpu.memory_space<vmem>>, %arg5: memref<1x512xf32, #tpu.memory_space<vmem>>, %arg6: memref<512x512xf32, #tpu.memory_space<vmem>>, %arg7: memref<1x512xf32, #tpu.memory_space<vmem>>, %arg8: memref<1x512xf32, #tpu.memory_space<vmem>>) attributes {dimension_semantics = [#tpu.dimension_semantics<arbitrary>], iteration_bounds = array<i64: 20>, scalar_prefetch = 0 : i64, scratch_operands = 0 : i64, tpu.core_type = #tpu.core_type<tc>, window_params = [{transform_indices = @transform_0, window_bounds = array<i64: 4, 2, 512, 128>}, {transform_indices = @transform_1, window_bounds = array<i64: 2, 512, 128>}, {transform_indices = @transform_2, window_bounds = array<i64: 512, 512>}, {pipeline_mode = #tpu.pipeline_mode<synchronous>, transform_indices = @transform_3, window_bounds = array<i64: 512, 512>}, {pipeline_mode = #tpu.pipeline_mode<synchronous>, transform_indices = @transform_4, window_bounds = array<i64: 1, 512>}, {transform_indices = @transform_5, window_bounds = array<i64: 512, 512>}, {pipeline_mode = #tpu.pipeline_mode<synchronous>, transform_indices = @transform_6, window_bounds = array<i64: 1, 512>}, {pipeline_mode = #tpu.pipeline_mode<synchronous>, transform_indices = @transform_7, window_bounds = array<i64: 1, 512>}]} {
    %get3A = arith.constant 0 : index
    %get3A_0 = arith.constant 0 : index
    %get3A_1 = arith.constant 0 : index
    %get3A_2 = vector.load %arg2[%get3A, %get3A_0, %get3A_1] : memref<2x512x128xf32, #tpu.memory_space<vmem>>, vector<1x512x128xf32>
    %get3A_3 = vector.shape_cast %get3A_2 : vector<1x512x128xf32> to vector<512x128xf32>
    %get3A_4 = arith.constant 1 : index
    %get3A_5 = arith.constant 0 : index
    %get3A_6 = arith.constant 0 : index
    %get3A_7 = vector.load %arg2[%get3A_4, %get3A_5, %get3A_6] : memref<2x512x128xf32, #tpu.memory_space<vmem>>, vector<1x512x128xf32>
    %get3A_8 = vector.shape_cast %get3A_7 : vector<1x512x128xf32> to vector<512x128xf32>
    %add3A = arith.addf %get3A_3, %get3A_8 : vector<512x128xf32>
    %slice3A = vector.extract_strided_slice %add3A {offsets = [0, 0], sizes = [512, 1], strides = [1, 1]} : vector<512x128xf32> to vector<512x1xf32>
    %max3A = arith.constant 1.000000e+00 : f32
    %max3A_9 = vector.broadcast %max3A : f32 to vector<512x1xf32>
    %max3A_10 = arith.maximumf %slice3A, %max3A_9 : vector<512x1xf32>
    %div3A = arith.constant 1.000000e+00 : f32
    %div3A_11 = vector.broadcast %div3A : f32 to vector<512x1xf32>
    %div3A_12 = arith.divf %div3A_11, %max3A_10 : vector<512x1xf32>
    %get3A_13 = arith.constant 0 : index
    %get3A_14 = arith.constant 0 : index
    %get3A_15 = vector.load %arg3[%get3A_13, %get3A_14] : memref<512x512xf32, #tpu.memory_space<vmem>>, vector<512x512xf32>
    %get3A_16 = arith.constant 0 : index
    %get3A_17 = arith.constant 0 : index
    %get3A_18 = vector.load %arg5[%get3A_16, %get3A_17] : memref<1x512xf32, #tpu.memory_space<vmem>>, vector<1x512xf32>
    %add3A_19 = vector.broadcast %get3A_18 : vector<1x512xf32> to vector<512x512xf32>
    %add3A_20 = arith.addf %get3A_15, %add3A_19 : vector<512x512xf32>
    %get3A_21 = arith.constant 0 : index
    %get3A_22 = arith.constant 0 : index
    %get3A_23 = arith.constant 0 : index
    %get3A_24 = arith.constant 0 : index
    %get3A_25 = vector.load %arg1[%get3A_21, %get3A_22, %get3A_23, %get3A_24] : memref<4x2x512x128xf32, #tpu.memory_space<vmem>>, vector<1x1x512x128xf32>
    %get3A_26 = vector.shape_cast %get3A_25 : vector<1x1x512x128xf32> to vector<512x128xf32>
    %get3A_27 = arith.constant 0 : index
    %get3A_28 = arith.constant 1 : index
    %get3A_29 = arith.constant 0 : index
    %get3A_30 = arith.constant 0 : index
    %get3A_31 = vector.load %arg1[%get3A_27, %get3A_28, %get3A_29, %get3A_30] : memref<4x2x512x128xf32, #tpu.memory_space<vmem>>, vector<1x1x512x128xf32>
    %get3A_32 = vector.shape_cast %get3A_31 : vector<1x1x512x128xf32> to vector<512x128xf32>
    %add3A_33 = arith.addf %get3A_26, %get3A_32 : vector<512x128xf32>
    %mul3A = vector.broadcast %div3A_12 : vector<512x1xf32> to vector<512x128xf32>
    %mul3A_34 = arith.mulf %add3A_33, %mul3A : vector<512x128xf32>
    %get3A_35 = arith.constant 0 : index
    %get3A_36 = arith.constant 0 : index
    %get3A_37 = vector.load %arg4[%get3A_35, %get3A_36] : memref<512x512xf32, #tpu.memory_space<vmem>>, vector<128x512xf32>
    %convert_element_type3A = arith.truncf %mul3A_34 : vector<512x128xf32> to vector<512x128xbf16>
    %convert_element_type3A_38 = arith.truncf %get3A_37 : vector<128x512xf32> to vector<128x512xbf16>
    %dot_general3A = arith.constant dense<0.000000e+00> : vector<512x512xf32>
    %dot_general3A_39 = tpu.matmul %convert_element_type3A, %convert_element_type3A_38, %dot_general3A {dimension_numbers = #tpu.dot_dimension_numbers<[1], [0], [0], [1], [0, 0, 1, 1], [], []>, transpose_lhs_hint = false} : vector<512x128xbf16>, vector<128x512xbf16>, vector<512x512xf32> -> vector<512x512xf32>
    %add3A_40 = arith.addf %add3A_20, %dot_general3A_39 : vector<512x512xf32>
    %get3A_41 = arith.constant 1 : index
    %get3A_42 = arith.constant 0 : index
    %get3A_43 = arith.constant 0 : index
    %get3A_44 = arith.constant 0 : index
    %get3A_45 = vector.load %arg1[%get3A_41, %get3A_42, %get3A_43, %get3A_44] : memref<4x2x512x128xf32, #tpu.memory_space<vmem>>, vector<1x1x512x128xf32>
    %get3A_46 = vector.shape_cast %get3A_45 : vector<1x1x512x128xf32> to vector<512x128xf32>
    %get3A_47 = arith.constant 1 : index
    %get3A_48 = arith.constant 1 : index
    %get3A_49 = arith.constant 0 : index
    %get3A_50 = arith.constant 0 : index
    %get3A_51 = vector.load %arg1[%get3A_47, %get3A_48, %get3A_49, %get3A_50] : memref<4x2x512x128xf32, #tpu.memory_space<vmem>>, vector<1x1x512x128xf32>
    %get3A_52 = vector.shape_cast %get3A_51 : vector<1x1x512x128xf32> to vector<512x128xf32>
    %add3A_53 = arith.addf %get3A_46, %get3A_52 : vector<512x128xf32>
    %mul3A_54 = vector.broadcast %div3A_12 : vector<512x1xf32> to vector<512x128xf32>
    %mul3A_55 = arith.mulf %add3A_53, %mul3A_54 : vector<512x128xf32>
    %get3A_56 = arith.constant 128 : index
    %get3A_57 = arith.constant 0 : index
    %get3A_58 = vector.load %arg4[%get3A_56, %get3A_57] : memref<512x512xf32, #tpu.memory_space<vmem>>, vector<128x512xf32>
    %convert_element_type3A_59 = arith.truncf %mul3A_55 : vector<512x128xf32> to vector<512x128xbf16>
    %convert_element_type3A_60 = arith.truncf %get3A_58 : vector<128x512xf32> to vector<128x512xbf16>
    %dot_general3A_61 = arith.constant dense<0.000000e+00> : vector<512x512xf32>
    %dot_general3A_62 = tpu.matmul %convert_element_type3A_59, %convert_element_type3A_60, %dot_general3A_61 {dimension_numbers = #tpu.dot_dimension_numbers<[1], [0], [0], [1], [0, 0, 1, 1], [], []>, transpose_lhs_hint = false} : vector<512x128xbf16>, vector<128x512xbf16>, vector<512x512xf32> -> vector<512x512xf32>
    %add3A_63 = arith.addf %add3A_40, %dot_general3A_62 : vector<512x512xf32>
    %get3A_64 = arith.constant 2 : index
    %get3A_65 = arith.constant 0 : index
    %get3A_66 = arith.constant 0 : index
    %get3A_67 = arith.constant 0 : index
    %get3A_68 = vector.load %arg1[%get3A_64, %get3A_65, %get3A_66, %get3A_67] : memref<4x2x512x128xf32, #tpu.memory_space<vmem>>, vector<1x1x512x128xf32>
    %get3A_69 = vector.shape_cast %get3A_68 : vector<1x1x512x128xf32> to vector<512x128xf32>
    %get3A_70 = arith.constant 2 : index
    %get3A_71 = arith.constant 1 : index
    %get3A_72 = arith.constant 0 : index
    %get3A_73 = arith.constant 0 : index
    %get3A_74 = vector.load %arg1[%get3A_70, %get3A_71, %get3A_72, %get3A_73] : memref<4x2x512x128xf32, #tpu.memory_space<vmem>>, vector<1x1x512x128xf32>
    %get3A_75 = vector.shape_cast %get3A_74 : vector<1x1x512x128xf32> to vector<512x128xf32>
    %add3A_76 = arith.addf %get3A_69, %get3A_75 : vector<512x128xf32>
    %mul3A_77 = vector.broadcast %div3A_12 : vector<512x1xf32> to vector<512x128xf32>
    %mul3A_78 = arith.mulf %add3A_76, %mul3A_77 : vector<512x128xf32>
    %get3A_79 = arith.constant 256 : index
    %get3A_80 = arith.constant 0 : index
    %get3A_81 = vector.load %arg4[%get3A_79, %get3A_80] : memref<512x512xf32, #tpu.memory_space<vmem>>, vector<128x512xf32>
    %convert_element_type3A_82 = arith.truncf %mul3A_78 : vector<512x128xf32> to vector<512x128xbf16>
    %convert_element_type3A_83 = arith.truncf %get3A_81 : vector<128x512xf32> to vector<128x512xbf16>
    %dot_general3A_84 = arith.constant dense<0.000000e+00> : vector<512x512xf32>
    %dot_general3A_85 = tpu.matmul %convert_element_type3A_82, %convert_element_type3A_83, %dot_general3A_84 {dimension_numbers = #tpu.dot_dimension_numbers<[1], [0], [0], [1], [0, 0, 1, 1], [], []>, transpose_lhs_hint = false} : vector<512x128xbf16>, vector<128x512xbf16>, vector<512x512xf32> -> vector<512x512xf32>
    %add3A_86 = arith.addf %add3A_63, %dot_general3A_85 : vector<512x512xf32>
    %get3A_87 = arith.constant 3 : index
    %get3A_88 = arith.constant 0 : index
    %get3A_89 = arith.constant 0 : index
    %get3A_90 = arith.constant 0 : index
    %get3A_91 = vector.load %arg1[%get3A_87, %get3A_88, %get3A_89, %get3A_90] : memref<4x2x512x128xf32, #tpu.memory_space<vmem>>, vector<1x1x512x128xf32>
    %get3A_92 = vector.shape_cast %get3A_91 : vector<1x1x512x128xf32> to vector<512x128xf32>
    %get3A_93 = arith.constant 3 : index
    %get3A_94 = arith.constant 1 : index
    %get3A_95 = arith.constant 0 : index
    %get3A_96 = arith.constant 0 : index
    %get3A_97 = vector.load %arg1[%get3A_93, %get3A_94, %get3A_95, %get3A_96] : memref<4x2x512x128xf32, #tpu.memory_space<vmem>>, vector<1x1x512x128xf32>
    %get3A_98 = vector.shape_cast %get3A_97 : vector<1x1x512x128xf32> to vector<512x128xf32>
    %add3A_99 = arith.addf %get3A_92, %get3A_98 : vector<512x128xf32>
    %mul3A_100 = vector.broadcast %div3A_12 : vector<512x1xf32> to vector<512x128xf32>
    %mul3A_101 = arith.mulf %add3A_99, %mul3A_100 : vector<512x128xf32>
    %get3A_102 = arith.constant 384 : index
    %get3A_103 = arith.constant 0 : index
    %get3A_104 = vector.load %arg4[%get3A_102, %get3A_103] : memref<512x512xf32, #tpu.memory_space<vmem>>, vector<128x512xf32>
    %convert_element_type3A_105 = arith.truncf %mul3A_101 : vector<512x128xf32> to vector<512x128xbf16>
    %convert_element_type3A_106 = arith.truncf %get3A_104 : vector<128x512xf32> to vector<128x512xbf16>
    %dot_general3A_107 = arith.constant dense<0.000000e+00> : vector<512x512xf32>
    %dot_general3A_108 = tpu.matmul %convert_element_type3A_105, %convert_element_type3A_106, %dot_general3A_107 {dimension_numbers = #tpu.dot_dimension_numbers<[1], [0], [0], [1], [0, 0, 1, 1], [], []>, transpose_lhs_hint = false} : vector<512x128xbf16>, vector<128x512xbf16>, vector<512x512xf32> -> vector<512x512xf32>
    %add3A_109 = arith.addf %add3A_86, %dot_general3A_108 : vector<512x512xf32>
    %swap3A = arith.constant 0 : index
    %swap3A_110 = arith.constant 0 : index
    %swap3A_111 = vector.load %arg6[%swap3A, %swap3A_110] : memref<512x512xf32, #tpu.memory_space<vmem>>, vector<512x512xf32>
    tpu.vector_store %arg6[%swap3A, %swap3A_110], %add3A_109 {strides = array<i32>} : memref<512x512xf32, #tpu.memory_space<vmem>>, vector<512x512xf32>,
    %iota3A = tpu.iota {dimensions = array<i32: 0>} : vector<512x1xi32>
    %mul3A_112 = arith.constant 512 : i32
    %mul3A_113 = arith.muli %arg0, %mul3A_112 : i32
    %add3A_114 = vector.broadcast %mul3A_113 : i32 to vector<512x1xi32>
    %add3A_115 = arith.addi %iota3A, %add3A_114 : vector<512x1xi32>
    %lt3A = arith.constant 10000 : i32
    %lt3A_116 = vector.broadcast %lt3A : i32 to vector<512x1xi32>
    %lt3A_117 = arith.cmpi slt, %add3A_115, %lt3A_116 : vector<512x1xi32>
    %jit3A = arith.constant 0.000000e+00 : f32
    %broadcast_in_dim3A = vector.shape_cast %lt3A_117 : vector<512x1xi1> to vector<512x1xi1>
    %broadcast_in_dim3A_118 = vector.broadcast %broadcast_in_dim3A : vector<512x1xi1> to vector<512x512xi1>
    %broadcast_in_dim3A_119 = vector.broadcast %jit3A : f32 to vector<512x512xf32>
    %select_n3A = arith.select %broadcast_in_dim3A_118, %add3A_109, %broadcast_in_dim3A_119 : vector<512x512xi1>, vector<512x512xf32>
    %eq3A = arith.constant 0 : i32
    %eq3A_120 = arith.cmpi eq, %arg0, %eq3A : i32
    %convert_element_type3A_121 = arith.extui %eq3A_120 : i1 to i32
    %cond3A = arith.constant 0 : i32
    %cond3A_122 = arith.cmpi ne, %convert_element_type3A_121, %cond3A : i32
    scf.if %cond3A_122 {
      %broadcast_in_dim3A_143 = arith.constant 0.000000e+00 : f32
      %broadcast_in_dim3A_144 = vector.broadcast %broadcast_in_dim3A_143 : f32 to vector<1x512xf32>
      %swap3A_145 = arith.constant 0 : index
      %swap3A_146 = arith.constant 0 : index
      %swap3A_147 = vector.load %arg7[%swap3A_145, %swap3A_146] : memref<1x512xf32, #tpu.memory_space<vmem>>, vector<1x512xf32>
      tpu.vector_store %arg7[%swap3A_145, %swap3A_146], %broadcast_in_dim3A_144 {strides = array<i32>} : memref<1x512xf32, #tpu.memory_space<vmem>>, vector<1x512xf32>,
      %broadcast_in_dim3A_148 = arith.constant 0.000000e+00 : f32
      %broadcast_in_dim3A_149 = vector.broadcast %broadcast_in_dim3A_148 : f32 to vector<1x512xf32>
      %swap3A_150 = arith.constant 0 : index
      %swap3A_151 = arith.constant 0 : index
      %swap3A_152 = vector.load %arg8[%swap3A_150, %swap3A_151] : memref<1x512xf32, #tpu.memory_space<vmem>>, vector<1x512xf32>
      tpu.vector_store %arg8[%swap3A_150, %swap3A_151], %broadcast_in_dim3A_149 {strides = array<i32>} : memref<1x512xf32, #tpu.memory_space<vmem>>, vector<1x512xf32>,
    } else {
    }
    %get3A_123 = arith.constant 0 : index
    %get3A_124 = arith.constant 0 : index
    %get3A_125 = vector.load %arg7[%get3A_123, %get3A_124] : memref<1x512xf32, #tpu.memory_space<vmem>>, vector<1x512xf32>
    %reduce_sum3A = arith.constant dense<0.000000e+00> : vector<512xf32>
    %reduce_sum3A_126 = vector.multi_reduction <add>, %select_n3A, %reduce_sum3A [0] : vector<512x512xf32> to vector<512xf32>
    %broadcast_in_dim3A_127 = vector.shape_cast %reduce_sum3A_126 : vector<512xf32> to vector<1x512xf32>
    %add3A_128 = arith.addf %get3A_125, %broadcast_in_dim3A_127 : vector<1x512xf32>
    %swap3A_129 = arith.constant 0 : index
    %swap3A_130 = arith.constant 0 : index
    %swap3A_131 = vector.load %arg7[%swap3A_129, %swap3A_130] : memref<1x512xf32, #tpu.memory_space<vmem>>, vector<1x512xf32>
    tpu.vector_store %arg7[%swap3A_129, %swap3A_130], %add3A_128 {strides = array<i32>} : memref<1x512xf32, #tpu.memory_space<vmem>>, vector<1x512xf32>,
    %get3A_132 = arith.constant 0 : index
    %get3A_133 = arith.constant 0 : index
    %get3A_134 = vector.load %arg8[%get3A_132, %get3A_133] : memref<1x512xf32, #tpu.memory_space<vmem>>, vector<1x512xf32>
    %mul3A_135 = arith.mulf %select_n3A, %select_n3A : vector<512x512xf32>
    %reduce_sum3A_136 = arith.constant dense<0.000000e+00> : vector<512xf32>
    %reduce_sum3A_137 = vector.multi_reduction <add>, %mul3A_135, %reduce_sum3A_136 [0] : vector<512x512xf32> to vector<512xf32>
    %broadcast_in_dim3A_138 = vector.shape_cast %reduce_sum3A_137 : vector<512xf32> to vector<1x512xf32>
    %add3A_139 = arith.addf %get3A_134, %broadcast_in_dim3A_138 : vector<1x512xf32>
    %swap3A_140 = arith.constant 0 : index
    %swap3A_141 = arith.constant 0 : index
    %swap3A_142 = vector.load %arg8[%swap3A_140, %swap3A_141] : memref<1x512xf32, #tpu.memory_space<vmem>>, vector<1x512xf32>
    tpu.vector_store %arg8[%swap3A_140, %swap3A_141], %add3A_139 {strides = array<i32>} : memref<1x512xf32, #tpu.memory_space<vmem>>, vector<1x512xf32>,
    return
  }
  func.func @transform_0(%arg0: i32) -> (i32, i32, i32, i32) {
    %c0_i32 = arith.constant 0 : i32
    %c0_i32_0 = arith.constant 0 : i32
    %c0_i32_1 = arith.constant 0 : i32
    %c0_i32_2 = arith.constant 0 : i32
    return %c0_i32, %c0_i32_0, %arg0, %c0_i32_1 : i32, i32, i32, i32
  }
  func.func @transform_1(%arg0: i32) -> (i32, i32, i32) {
    %c0_i32 = arith.constant 0 : i32
    %c0_i32_0 = arith.constant 0 : i32
    %c0_i32_1 = arith.constant 0 : i32
    return %c0_i32, %arg0, %c0_i32_0 : i32, i32, i32
  }
  func.func @transform_2(%arg0: i32) -> (i32, i32) {
    %c0_i32 = arith.constant 0 : i32
    %c0_i32_0 = arith.constant 0 : i32
    return %arg0, %c0_i32 : i32, i32
  }
  func.func @transform_3(%arg0: i32) -> (i32, i32) {
    %c0_i32 = arith.constant 0 : i32
    %c0_i32_0 = arith.constant 0 : i32
    %c0_i32_1 = arith.constant 0 : i32
    return %c0_i32, %c0_i32_0 : i32, i32
  }
  func.func @transform_4(%arg0: i32) -> (i32, i32) {
    %c0_i32 = arith.constant 0 : i32
    %c0_i32_0 = arith.constant 0 : i32
    %c0_i32_1 = arith.constant 0 : i32
    return %c0_i32, %c0_i32_0 : i32, i32
  }
  func.func @transform_5(%arg0: i32) -> (i32, i32) {
    %c0_i32 = arith.constant 0 : i32
    %c0_i32_0 = arith.constant 0 : i32
    return %arg0, %c0_i32 : i32, i32
  }
  func.func @transform_6(%arg0: i32) -> (i32, i32) {
    %c0_i32 = arith.constant 0 : i32
    %c0_i32_0 = arith.constant 0 : i32
    %c0_i32_1 = arith.constant 0 : i32
    return %c0_i32, %c0_i32_0 : i32, i32
  }
  func.func @transform_7(%arg0: i32) -> (i32, i32) {
    %c0_i32 = arith.constant 0 : i32
    %c0_i32_0 = arith.constant 0 : i32
    %c0_i32_1 = arith.constant 0 : i32
    return %c0_i32, %c0_i32_0 : i32, i32
  }
}

module attributes {stable_mosaic.version = 14 : i64} {
  func.func @_bn_relu_body(%arg0: i32, %arg1: memref<512x512xf32, #tpu.memory_space<vmem>>, %arg2: memref<1x512xf32, #tpu.memory_space<vmem>>, %arg3: memref<1x512xf32, #tpu.memory_space<vmem>>, %arg4: memref<1x512xf32, #tpu.memory_space<vmem>>, %arg5: memref<1x512xf32, #tpu.memory_space<vmem>>, %arg6: memref<512x256xf32, #tpu.memory_space<vmem>>, %arg7: memref<512x256xf32, #tpu.memory_space<vmem>>, %arg8: memref<512x512xf32, #tpu.memory_space<vmem>>, %arg9: memref<512x256xf32, #tpu.memory_space<vmem>>, %arg10: memref<512x256xf32, #tpu.memory_space<vmem>>) attributes {dimension_semantics = [#tpu.dimension_semantics<arbitrary>], iteration_bounds = array<i64: 20>, scalar_prefetch = 0 : i64, scratch_operands = 0 : i64, tpu.core_type = #tpu.core_type<tc>, window_params = [{transform_indices = @transform_0, window_bounds = array<i64: 512, 512>}, {pipeline_mode = #tpu.pipeline_mode<synchronous>, transform_indices = @transform_1, window_bounds = array<i64: 1, 512>}, {pipeline_mode = #tpu.pipeline_mode<synchronous>, transform_indices = @transform_2, window_bounds = array<i64: 1, 512>}, {pipeline_mode = #tpu.pipeline_mode<synchronous>, transform_indices = @transform_3, window_bounds = array<i64: 1, 512>}, {pipeline_mode = #tpu.pipeline_mode<synchronous>, transform_indices = @transform_4, window_bounds = array<i64: 1, 512>}, {pipeline_mode = #tpu.pipeline_mode<synchronous>, transform_indices = @transform_5, window_bounds = array<i64: 512, 256>}, {pipeline_mode = #tpu.pipeline_mode<synchronous>, transform_indices = @transform_6, window_bounds = array<i64: 512, 256>}, {transform_indices = @transform_7, window_bounds = array<i64: 512, 512>}, {transform_indices = @transform_8, window_bounds = array<i64: 512, 256>}, {transform_indices = @transform_9, window_bounds = array<i64: 512, 256>}]} {
    %get3A = arith.constant 0 : index
    %get3A_0 = arith.constant 0 : index
    %get3A_1 = vector.load %arg2[%get3A, %get3A_0] : memref<1x512xf32, #tpu.memory_space<vmem>>, vector<1x512xf32>
    %div3A = arith.constant 1.000000e+04 : f32
    %div3A_2 = vector.broadcast %div3A : f32 to vector<1x512xf32>
    %div3A_3 = arith.divf %get3A_1, %div3A_2 : vector<1x512xf32>
    %get3A_4 = arith.constant 0 : index
    %get3A_5 = arith.constant 0 : index
    %get3A_6 = vector.load %arg3[%get3A_4, %get3A_5] : memref<1x512xf32, #tpu.memory_space<vmem>>, vector<1x512xf32>
    %div3A_7 = arith.constant 1.000000e+04 : f32
    %div3A_8 = vector.broadcast %div3A_7 : f32 to vector<1x512xf32>
    %div3A_9 = arith.divf %get3A_6, %div3A_8 : vector<1x512xf32>
    %mul3A = arith.mulf %div3A_3, %div3A_3 : vector<1x512xf32>
    %sub3A = arith.subf %div3A_9, %mul3A : vector<1x512xf32>
    %get3A_10 = arith.constant 0 : index
    %get3A_11 = arith.constant 0 : index
    %get3A_12 = vector.load %arg4[%get3A_10, %get3A_11] : memref<1x512xf32, #tpu.memory_space<vmem>>, vector<1x512xf32>
    %add3A = arith.constant 9.99999974E-6 : f32
    %add3A_13 = vector.broadcast %add3A : f32 to vector<1x512xf32>
    %add3A_14 = arith.addf %sub3A, %add3A_13 : vector<1x512xf32>
    %rsqrt3A = math.rsqrt %add3A_14 : vector<1x512xf32>
    %mul3A_15 = arith.mulf %get3A_12, %rsqrt3A : vector<1x512xf32>
    %get3A_16 = arith.constant 0 : index
    %get3A_17 = arith.constant 0 : index
    %get3A_18 = vector.load %arg1[%get3A_16, %get3A_17] : memref<512x512xf32, #tpu.memory_space<vmem>>, vector<512x512xf32>
    %sub3A_19 = vector.broadcast %div3A_3 : vector<1x512xf32> to vector<512x512xf32>
    %sub3A_20 = arith.subf %get3A_18, %sub3A_19 : vector<512x512xf32>
    %mul3A_21 = vector.broadcast %mul3A_15 : vector<1x512xf32> to vector<512x512xf32>
    %mul3A_22 = arith.mulf %sub3A_20, %mul3A_21 : vector<512x512xf32>
    %get3A_23 = arith.constant 0 : index
    %get3A_24 = arith.constant 0 : index
    %get3A_25 = vector.load %arg5[%get3A_23, %get3A_24] : memref<1x512xf32, #tpu.memory_space<vmem>>, vector<1x512xf32>
    %add3A_26 = vector.broadcast %get3A_25 : vector<1x512xf32> to vector<512x512xf32>
    %add3A_27 = arith.addf %mul3A_22, %add3A_26 : vector<512x512xf32>
    %max3A = arith.constant 0.000000e+00 : f32
    %max3A_28 = vector.broadcast %max3A : f32 to vector<512x512xf32>
    %max3A_29 = arith.maximumf %add3A_27, %max3A_28 : vector<512x512xf32>
    %swap3A = arith.constant 0 : index
    %swap3A_30 = arith.constant 0 : index
    %swap3A_31 = vector.load %arg8[%swap3A, %swap3A_30] : memref<512x512xf32, #tpu.memory_space<vmem>>, vector<512x512xf32>
    tpu.vector_store %arg8[%swap3A, %swap3A_30], %max3A_29 {strides = array<i32>} : memref<512x512xf32, #tpu.memory_space<vmem>>, vector<512x512xf32>,
    %get3A_32 = arith.constant 0 : index
    %get3A_33 = arith.constant 0 : index
    %get3A_34 = vector.load %arg6[%get3A_32, %get3A_33] : memref<512x256xf32, #tpu.memory_space<vmem>>, vector<512x256xf32>
    %convert_element_type3A = arith.truncf %max3A_29 : vector<512x512xf32> to vector<512x512xbf16>
    %convert_element_type3A_35 = arith.truncf %get3A_34 : vector<512x256xf32> to vector<512x256xbf16>
    %dot_general3A = arith.constant dense<0.000000e+00> : vector<512x256xf32>
    %dot_general3A_36 = tpu.matmul %convert_element_type3A, %convert_element_type3A_35, %dot_general3A {dimension_numbers = #tpu.dot_dimension_numbers<[1], [0], [0], [1], [0, 0, 1, 1], [], []>, transpose_lhs_hint = false} : vector<512x512xbf16>, vector<512x256xbf16>, vector<512x256xf32> -> vector<512x256xf32>
    %swap3A_37 = arith.constant 0 : index
    %swap3A_38 = arith.constant 0 : index
    %swap3A_39 = vector.load %arg9[%swap3A_37, %swap3A_38] : memref<512x256xf32, #tpu.memory_space<vmem>>, vector<512x256xf32>
    tpu.vector_store %arg9[%swap3A_37, %swap3A_38], %dot_general3A_36 {strides = array<i32>} : memref<512x256xf32, #tpu.memory_space<vmem>>, vector<512x256xf32>,
    %get3A_40 = arith.constant 0 : index
    %get3A_41 = arith.constant 0 : index
    %get3A_42 = vector.load %arg7[%get3A_40, %get3A_41] : memref<512x256xf32, #tpu.memory_space<vmem>>, vector<512x256xf32>
    %convert_element_type3A_43 = arith.truncf %max3A_29 : vector<512x512xf32> to vector<512x512xbf16>
    %convert_element_type3A_44 = arith.truncf %get3A_42 : vector<512x256xf32> to vector<512x256xbf16>
    %dot_general3A_45 = arith.constant dense<0.000000e+00> : vector<512x256xf32>
    %dot_general3A_46 = tpu.matmul %convert_element_type3A_43, %convert_element_type3A_44, %dot_general3A_45 {dimension_numbers = #tpu.dot_dimension_numbers<[1], [0], [0], [1], [0, 0, 1, 1], [], []>, transpose_lhs_hint = false} : vector<512x512xbf16>, vector<512x256xbf16>, vector<512x256xf32> -> vector<512x256xf32>
    %swap3A_47 = arith.constant 0 : index
    %swap3A_48 = arith.constant 0 : index
    %swap3A_49 = vector.load %arg10[%swap3A_47, %swap3A_48] : memref<512x256xf32, #tpu.memory_space<vmem>>, vector<512x256xf32>
    tpu.vector_store %arg10[%swap3A_47, %swap3A_48], %dot_general3A_46 {strides = array<i32>} : memref<512x256xf32, #tpu.memory_space<vmem>>, vector<512x256xf32>,
    return
  }
  func.func @transform_0(%arg0: i32) -> (i32, i32) {
    %c0_i32 = arith.constant 0 : i32
    %c0_i32_0 = arith.constant 0 : i32
    return %arg0, %c0_i32 : i32, i32
  }
  func.func @transform_1(%arg0: i32) -> (i32, i32) {
    %c0_i32 = arith.constant 0 : i32
    %c0_i32_0 = arith.constant 0 : i32
    %c0_i32_1 = arith.constant 0 : i32
    return %c0_i32, %c0_i32_0 : i32, i32
  }
  func.func @transform_2(%arg0: i32) -> (i32, i32) {
    %c0_i32 = arith.constant 0 : i32
    %c0_i32_0 = arith.constant 0 : i32
    %c0_i32_1 = arith.constant 0 : i32
    return %c0_i32, %c0_i32_0 : i32, i32
  }
  func.func @transform_3(%arg0: i32) -> (i32, i32) {
    %c0_i32 = arith.constant 0 : i32
    %c0_i32_0 = arith.constant 0 : i32
    %c0_i32_1 = arith.constant 0 : i32
    return %c0_i32, %c0_i32_0 : i32, i32
  }
  func.func @transform_4(%arg0: i32) -> (i32, i32) {
    %c0_i32 = arith.constant 0 : i32
    %c0_i32_0 = arith.constant 0 : i32
    %c0_i32_1 = arith.constant 0 : i32
    return %c0_i32, %c0_i32_0 : i32, i32
  }
  func.func @transform_5(%arg0: i32) -> (i32, i32) {
    %c0_i32 = arith.constant 0 : i32
    %c0_i32_0 = arith.constant 0 : i32
    %c0_i32_1 = arith.constant 0 : i32
    return %c0_i32, %c0_i32_0 : i32, i32
  }
  func.func @transform_6(%arg0: i32) -> (i32, i32) {
    %c0_i32 = arith.constant 0 : i32
    %c0_i32_0 = arith.constant 0 : i32
    %c0_i32_1 = arith.constant 0 : i32
    return %c0_i32, %c0_i32_0 : i32, i32
  }
  func.func @transform_7(%arg0: i32) -> (i32, i32) {
    %c0_i32 = arith.constant 0 : i32
    %c0_i32_0 = arith.constant 0 : i32
    return %arg0, %c0_i32 : i32, i32
  }
  func.func @transform_8(%arg0: i32) -> (i32, i32) {
    %c0_i32 = arith.constant 0 : i32
    %c0_i32_0 = arith.constant 0 : i32
    return %arg0, %c0_i32 : i32, i32
  }
  func.func @transform_9(%arg0: i32) -> (i32, i32) {
    %c0_i32 = arith.constant 0 : i32
    %c0_i32_0 = arith.constant 0 : i32
    return %arg0, %c0_i32 : i32, i32
  }
}

module attributes {stable_mosaic.version = 14 : i64} {
  func.func @_final_body2(%arg0: i32, %arg1: memref<2x2x512x128xf32, #tpu.memory_space<vmem>>, %arg2: memref<2x512x128xf32, #tpu.memory_space<vmem>>, %arg3: memref<512x256xf32, #tpu.memory_space<vmem>>, %arg4: memref<1x256xf32, #tpu.memory_space<vmem>>, %arg5: memref<512x256xf32, #tpu.memory_space<vmem>>) attributes {dimension_semantics = [#tpu.dimension_semantics<arbitrary>], iteration_bounds = array<i64: 20>, scalar_prefetch = 0 : i64, scratch_operands = 0 : i64, tpu.core_type = #tpu.core_type<tc>, window_params = [{transform_indices = @transform_0, window_bounds = array<i64: 2, 2, 512, 128>}, {transform_indices = @transform_1, window_bounds = array<i64: 2, 512, 128>}, {transform_indices = @transform_2, window_bounds = array<i64: 512, 256>}, {pipeline_mode = #tpu.pipeline_mode<synchronous>, transform_indices = @transform_3, window_bounds = array<i64: 1, 256>}, {transform_indices = @transform_4, window_bounds = array<i64: 512, 256>}]} {
    %get3A = arith.constant 0 : index
    %get3A_0 = arith.constant 0 : index
    %get3A_1 = arith.constant 0 : index
    %get3A_2 = vector.load %arg2[%get3A, %get3A_0, %get3A_1] : memref<2x512x128xf32, #tpu.memory_space<vmem>>, vector<1x512x128xf32>
    %get3A_3 = vector.shape_cast %get3A_2 : vector<1x512x128xf32> to vector<512x128xf32>
    %get3A_4 = arith.constant 1 : index
    %get3A_5 = arith.constant 0 : index
    %get3A_6 = arith.constant 0 : index
    %get3A_7 = vector.load %arg2[%get3A_4, %get3A_5, %get3A_6] : memref<2x512x128xf32, #tpu.memory_space<vmem>>, vector<1x512x128xf32>
    %get3A_8 = vector.shape_cast %get3A_7 : vector<1x512x128xf32> to vector<512x128xf32>
    %add3A = arith.addf %get3A_3, %get3A_8 : vector<512x128xf32>
    %slice3A = vector.extract_strided_slice %add3A {offsets = [0, 0], sizes = [512, 1], strides = [1, 1]} : vector<512x128xf32> to vector<512x1xf32>
    %max3A = arith.constant 1.000000e+00 : f32
    %max3A_9 = vector.broadcast %max3A : f32 to vector<512x1xf32>
    %max3A_10 = arith.maximumf %slice3A, %max3A_9 : vector<512x1xf32>
    %div3A = arith.constant 1.000000e+00 : f32
    %div3A_11 = vector.broadcast %div3A : f32 to vector<512x1xf32>
    %div3A_12 = arith.divf %div3A_11, %max3A_10 : vector<512x1xf32>
    %get3A_13 = arith.constant 0 : index
    %get3A_14 = arith.constant 0 : index
    %get3A_15 = arith.constant 0 : index
    %get3A_16 = arith.constant 0 : index
    %get3A_17 = vector.load %arg1[%get3A_13, %get3A_14, %get3A_15, %get3A_16] : memref<2x2x512x128xf32, #tpu.memory_space<vmem>>, vector<1x1x512x128xf32>
    %get3A_18 = vector.shape_cast %get3A_17 : vector<1x1x512x128xf32> to vector<512x128xf32>
    %get3A_19 = arith.constant 0 : index
    %get3A_20 = arith.constant 1 : index
    %get3A_21 = arith.constant 0 : index
    %get3A_22 = arith.constant 0 : index
    %get3A_23 = vector.load %arg1[%get3A_19, %get3A_20, %get3A_21, %get3A_22] : memref<2x2x512x128xf32, #tpu.memory_space<vmem>>, vector<1x1x512x128xf32>
    %get3A_24 = vector.shape_cast %get3A_23 : vector<1x1x512x128xf32> to vector<512x128xf32>
    %add3A_25 = arith.addf %get3A_18, %get3A_24 : vector<512x128xf32>
    %mul3A = vector.broadcast %div3A_12 : vector<512x1xf32> to vector<512x128xf32>
    %mul3A_26 = arith.mulf %add3A_25, %mul3A : vector<512x128xf32>
    %get3A_27 = arith.constant 1 : index
    %get3A_28 = arith.constant 0 : index
    %get3A_29 = arith.constant 0 : index
    %get3A_30 = arith.constant 0 : index
    %get3A_31 = vector.load %arg1[%get3A_27, %get3A_28, %get3A_29, %get3A_30] : memref<2x2x512x128xf32, #tpu.memory_space<vmem>>, vector<1x1x512x128xf32>
    %get3A_32 = vector.shape_cast %get3A_31 : vector<1x1x512x128xf32> to vector<512x128xf32>
    %get3A_33 = arith.constant 1 : index
    %get3A_34 = arith.constant 1 : index
    %get3A_35 = arith.constant 0 : index
    %get3A_36 = arith.constant 0 : index
    %get3A_37 = vector.load %arg1[%get3A_33, %get3A_34, %get3A_35, %get3A_36] : memref<2x2x512x128xf32, #tpu.memory_space<vmem>>, vector<1x1x512x128xf32>
    %get3A_38 = vector.shape_cast %get3A_37 : vector<1x1x512x128xf32> to vector<512x128xf32>
    %add3A_39 = arith.addf %get3A_32, %get3A_38 : vector<512x128xf32>
    %mul3A_40 = vector.broadcast %div3A_12 : vector<512x1xf32> to vector<512x128xf32>
    %mul3A_41 = arith.mulf %add3A_39, %mul3A_40 : vector<512x128xf32>
    %concatenate3A = tpu.concatenate %mul3A_26, %mul3A_41 in 1 : vector<512x128xf32>, vector<512x128xf32> -> vector<512x256xf32>
    %get3A_42 = arith.constant 0 : index
    %get3A_43 = arith.constant 0 : index
    %get3A_44 = vector.load %arg3[%get3A_42, %get3A_43] : memref<512x256xf32, #tpu.memory_space<vmem>>, vector<512x256xf32>
    %add3A_45 = arith.addf %concatenate3A, %get3A_44 : vector<512x256xf32>
    %get3A_46 = arith.constant 0 : index
    %get3A_47 = arith.constant 0 : index
    %get3A_48 = vector.load %arg4[%get3A_46, %get3A_47] : memref<1x256xf32, #tpu.memory_space<vmem>>, vector<1x256xf32>
    %add3A_49 = vector.broadcast %get3A_48 : vector<1x256xf32> to vector<512x256xf32>
    %add3A_50 = arith.addf %add3A_45, %add3A_49 : vector<512x256xf32>
    %reduce_max3A = arith.constant dense<0xFF800000> : vector<512xf32>
    %reduce_max3A_51 = vector.multi_reduction <maximumf>, %add3A_50, %reduce_max3A [1] : vector<512x256xf32> to vector<512xf32>
    %broadcast_in_dim3A = vector.shape_cast %reduce_max3A_51 : vector<512xf32> to vector<512x1xf32>
    %sub3A = vector.broadcast %broadcast_in_dim3A : vector<512x1xf32> to vector<512x256xf32>
    %sub3A_52 = arith.subf %add3A_50, %sub3A : vector<512x256xf32>
    %exp3A = math.exp %sub3A_52 : vector<512x256xf32>
    %reduce_sum3A = arith.constant dense<0.000000e+00> : vector<512xf32>
    %reduce_sum3A_53 = vector.multi_reduction <add>, %exp3A, %reduce_sum3A [1] : vector<512x256xf32> to vector<512xf32>
    %broadcast_in_dim3A_54 = vector.shape_cast %reduce_sum3A_53 : vector<512xf32> to vector<512x1xf32>
    %sub3A_55 = vector.broadcast %broadcast_in_dim3A : vector<512x1xf32> to vector<512x256xf32>
    %sub3A_56 = arith.subf %add3A_50, %sub3A_55 : vector<512x256xf32>
    %log3A = math.log %broadcast_in_dim3A_54 : vector<512x1xf32>
    %sub3A_57 = vector.broadcast %log3A : vector<512x1xf32> to vector<512x256xf32>
    %sub3A_58 = arith.subf %sub3A_56, %sub3A_57 : vector<512x256xf32>
    %swap3A = arith.constant 0 : index
    %swap3A_59 = arith.constant 0 : index
    %swap3A_60 = vector.load %arg5[%swap3A, %swap3A_59] : memref<512x256xf32, #tpu.memory_space<vmem>>, vector<512x256xf32>
    tpu.vector_store %arg5[%swap3A, %swap3A_59], %sub3A_58 {strides = array<i32>} : memref<512x256xf32, #tpu.memory_space<vmem>>, vector<512x256xf32>,
    return
  }
  func.func @transform_0(%arg0: i32) -> (i32, i32, i32, i32) {
    %c0_i32 = arith.constant 0 : i32
    %c0_i32_0 = arith.constant 0 : i32
    %c0_i32_1 = arith.constant 0 : i32
    %c0_i32_2 = arith.constant 0 : i32
    return %c0_i32, %c0_i32_0, %arg0, %c0_i32_1 : i32, i32, i32, i32
  }
  func.func @transform_1(%arg0: i32) -> (i32, i32, i32) {
    %c0_i32 = arith.constant 0 : i32
    %c0_i32_0 = arith.constant 0 : i32
    %c0_i32_1 = arith.constant 0 : i32
    return %c0_i32, %arg0, %c0_i32_0 : i32, i32, i32
  }
  func.func @transform_2(%arg0: i32) -> (i32, i32) {
    %c0_i32 = arith.constant 0 : i32
    %c0_i32_0 = arith.constant 0 : i32
    return %arg0, %c0_i32 : i32, i32
  }
  func.func @transform_3(%arg0: i32) -> (i32, i32) {
    %c0_i32 = arith.constant 0 : i32
    %c0_i32_0 = arith.constant 0 : i32
    %c0_i32_1 = arith.constant 0 : i32
    return %c0_i32, %c0_i32_0 : i32, i32
  }
  func.func @transform_4(%arg0: i32) -> (i32, i32) {
    %c0_i32 = arith.constant 0 : i32
    %c0_i32_0 = arith.constant 0 : i32
    return %arg0, %c0_i32 : i32, i32
  }
}

</mosaic_0001>

<sc_bundles>
// kernel: kernel.11.cloned.1.call-start
scs
__scs_entry_jumppad:
0x0: {  	(pc) =	sbr.rel $0x88, $3  }
0x1: {  	(tag) =	ssettag $0x0;
	lr =	simm.s32 $0x1  }
0x2: {  	[smem:$0x3F92] =	sst lr;
	_ =	strace $0xD0000000  }
0x3: {  	_ = 	snop  }
0x4: {  	_ = 	snop  }
0x5: {  	_ = 	snop  }
0x6: {  	_ = 	snop  }
0x7: {  	_ = 	snop  }
__scs_overlays_trampoline_lowered:
0x8: {  	[smem:$0x3FA1] =	sst s0  }
0x9: {  	[smem:$0x3FA2] =	sst s1  }
0xa: {  	[smem:$0x3FA3] =	sst s2  }
0xb: {  	[smem:$0x3FA4] =	sst s3  }
0xc: {  	[smem:$0x3FA5] =	sst s4  }
0xd: {  	[smem:$0x3FA6] =	sst s5  }
0xe: {  	[smem:$0x3FA7] =	sst s6  }
0xf: {  	[smem:$0x3FA8] =	sst s7  }
0x10: {  	[smem:$0x3FA9] =	sst s8  }
0x11: {  	[smem:$0x3FAA] =	sst s9;
	s0 =	simm.s32 @!p0 $0x0  }
0x12: {  	s1 =	sld [smem:$0x3F90];
	s0 =	simm.s32 @p0 $0x1  }
0x13: {  	[smem:$0x3FAB] =	sst s0;
	s0 =	simm.s32 @!p1 $0x0  }
0x14: {  	s2 =	sld [smem:$0x3F8F];
	s0 =	simm.s32 @p1 $0x1  }
0x15: {  	[smem:$0x3FAC] =	sst s0;
	s0 =	simm.s32 @!p2 $0x0  }
0x16: {  	s3 =	sld [smem:$0x3FDB];
	s0 =	simm.s32 @p2 $0x1  }
0x17: {  	s4 =	simm.s32 $0x1BF5;
	[smem:$0x3FAE] =	sst s0  }
0x18: {  	s0 =	sld [smem:$0x3F91];
	_ =	swait.ge [sflag:s4], $0x0  }
0x19: {  	s7 =	sld [smem:$0x3F92]  }
0x1a: {  	s8 =	sadd.s32 $0xFFFFE003, lr  }
0x1b: {  	s9 =	sadd.s32 $0xFFFFFEF7, lr;
	s5 =	simm.s32 $0xFFFFFFFF;
	p2 =	slt.u32 s8, $0xFFFFF086  }
0x1c: {  	p1 =	slt.u32 s9, $0xF7A;
	s5 =	simm.s32 @!p2 $0x0  }
0x1d: {  	s5 =	simm.s32 @p1 $0x1;
	p0 =	seq.s32 s7, s2  }
0x1e: {  	s7 =	smul.u32 @!p0 $0xF7A, s2;
	p2 =	seq.s32 @!p0 s5, $0x0  }
0x1f: {  	s9 =	smul.u32 $0xF7A, s1;
	s8 =	simm.s32 @!p0 $0x1BF5;
	p2 =	por !p2, p0  }
0x20: {  	[sflag:s8] =	ssyncset.s32 @!p0 $0xFFFFF086;
	s6 =	sadd.s32 @!p0 s3, s7;
	s7 =	simm.s32 @!p0 $0x108  }
0x21: {  	s3 =	sadd.s32 s3, s9;
	s6 =	sadd.s32 @!p0 $0x88, s6;
	s7 =	simm.s32 @p2 $0x1082  }
0x22: {  	[simem:s7], [sflag:s8] =	dma.local @!p0 [hbm:s6], $0xF7A  }
0x23: {  	s9 =	sor.u32 $0xD0000000, s2;
	s6 =	simm.s32 $0x108;
	_ =	swait.ge @!p0 [sflag:s8], $0x0  }
0x24: {  	s3 =	sadd.s32 $0x88, s3;
	s6 =	simm.s32 @!p1 $0x1082;
	[sflag:s4] =	ssyncset.s32 $0xFFFFF086  }
0x25: {  	[simem:s6], [sflag:s4] =	dma.local [hbm:s3], $0xF7A  }
0x26: {  	[smem:$0x3F92] =	sst s1;
	(tag) =	ssettag s2;
	_ =	strace s9  }
0x27: {  	s1 =	sld [smem:$0x3FA2]  }
0x28: {  	s2 =	sld [smem:$0x3FA3]  }
0x29: {  	s4 =	sld [smem:$0x3FA5]  }
0x2a: {  	p0 =	seq.s32 s5, $0x0;
	s5 =	sld [smem:$0x3FA6]  }
0x2b: {  	s6 =	sld [smem:$0x3FA7]  }
0x2c: {  	s7 =	sld [smem:$0x3FA8]  }
0x2d: {  	s3 =	simm.s32 $0x108;
	s8 =	sld [smem:$0x3FA9]  }
0x2e: {  	s3 =	simm.s32 @!p0 $0x1082;
	s9 =	sld [smem:$0x3FAA]  }
0x2f: {  	lr =	sadd.s32 s0, s3;
	s0 =	sld [smem:$0x3FA1]  }
0x30: {  	s3 =	sld [smem:$0x3FA4]  }
0x31: {  	[smem:$0x3FAD] =	sst s10  }
0x32: {  	s10 =	sld [smem:$0x3FAB];
	_ =	sdelay $0x3  }
0x33: {  	p0 =	seq.s32 s10, $0x1;
	s10 =	sld [smem:$0x3FAD];
	_ =	sdelay $0x3  }
0x34: {  	[smem:$0x3FAD] =	sst s10  }
0x35: {  	s10 =	sld [smem:$0x3FAC];
	_ =	sdelay $0x3  }
0x36: {  	p1 =	seq.s32 s10, $0x1;
	s10 =	sld [smem:$0x3FAD];
	_ =	sdelay $0x3  }
0x37: {  	[smem:$0x3FAD] =	sst s10  }
0x38: {  	s10 =	sld [smem:$0x3FAE]  }
0x39: {  	_ = 	snop;
	(pc) =	sbr.ind lr, $3  }
0x3a: {  	_ = 	snop  }
0x3b: {  	_ = 	snop  }
0x3c: {  	p2 =	seq.s32 s10, $0x1;
	s10 =	sld [smem:$0x3FAD]  }
0x3d: {  	_ =	shalt  }
0x3e: {  	_ =	shalt  }
0x3f: {  	_ =	shalt  }
0x40: {  	_ =	shalt  }
0x41: {  	_ =	shalt  }
0x42: {  	_ =	shalt  }
0x43: {  	_ =	shalt  }
0x44: {  	_ =	shalt  }
0x45: {  	_ =	shalt  }
0x46: {  	_ =	shalt  }
0x47: {  	_ =	shalt  }
0x48: {  	_ =	shalt  }
0x49: {  	_ =	shalt  }
0x4a: {  	_ =	shalt  }
0x4b: {  	_ =	shalt  }
0x4c: {  	_ =	shalt  }
0x4d: {  	_ =	shalt  }
0x4e: {  	_ =	shalt  }
0x4f: {  	_ =	shalt  }
0x50: {  	_ =	shalt  }
0x51: {  	_ =	shalt  }
0x52: {  	_ =	shalt  }
0x53: {  	_ =	shalt  }
0x54: {  	_ =	shalt  }
0x55: {  	_ =	shalt  }
0x56: {  	_ =	shalt  }
0x57: {  	_ =	shalt  }
0x58: {  	_ =	shalt  }
0x59: {  	_ =	shalt  }
0x5a: {  	_ =	shalt  }
0x5b: {  	_ =	shalt  }
0x5c: {  	_ =	shalt  }
0x5d: {  	_ =	shalt  }
0x5e: {  	_ =	shalt  }
0x5f: {  	_ =	shalt  }
0x60: {  	_ =	shalt  }
0x61: {  	_ =	shalt  }
0x62: {  	_ =	shalt  }
0x63: {  	_ =	shalt  }
0x64: {  	_ =	shalt  }
0x65: {  	_ =	shalt  }
0x66: {  	_ =	shalt  }
0x67: {  	_ =	shalt  }
0x68: {  	_ =	shalt  }
0x69: {  	_ =	shalt  }
0x6a: {  	_ =	shalt  }
0x6b: {  	_ =	shalt  }
0x6c: {  	_ =	shalt  }
0x6d: {  	_ =	shalt  }
0x6e: {  	_ =	shalt  }
0x6f: {  	_ =	shalt  }
0x70: {  	_ =	shalt  }
0x71: {  	_ =	shalt  }
0x72: {  	_ =	shalt  }
0x73: {  	_ =	shalt  }
0x74: {  	_ =	shalt  }
0x75: {  	_ =	shalt  }
0x76: {  	_ =	shalt  }
0x77: {  	_ =	shalt  }
0x78: {  	_ =	shalt  }
0x79: {  	_ =	shalt  }
0x7a: {  	_ =	shalt  }
0x7b: {  	_ =	shalt  }
0x7c: {  	_ =	shalt  }
0x7d: {  	_ =	shalt  }
0x7e: {  	_ =	shalt  }
0x7f: {  	_ =	shalt  }
0x80: {  	_ =	shalt  }
0x81: {  	_ =	shalt  }
0x82: {  	_ =	shalt  }
0x83: {  	_ =	shalt  }
0x84: {  	_ =	shalt  }
0x85: {  	_ =	shalt  }
0x86: {  	_ =	shalt  }
0x87: {  	_ =	shalt  }
.Lfunc_end0:
.L_simem_size_0:
called_computation_lowered:
.L_overlay_start_0:
0x88: {  	s2 =	sld [smem:$0x3FD9]  }
0x89: {  	s3 =	sld [smem:$0x3FFE];
	_ =	sdelay $0x1  }
0x8a: {  	s1 =	srdreg.scid  }
0x8b: {  	s0 =	sand.u32 $0x1, s1  }
0x8c: {  	s17 =	sshll.u32 s0, $0xA;
	s2 =	sadd.s32 s3, s2  }
0x8d: {  	s2 =	sadd.s32 s2, s17  }
0x8e: {  	[smem:$0x3FB9] =	sst s2  }
0x8f: {  	_ = 	snop  }
0x90: {  	s2 =	sld [smem:$0x3FD0];
	(tm) =	ssettm $0x1  }
0x91: {  	s18 =	sld [smem:$0x3FFB];
	_ =	sdelay $0x3  }
0x92: {  	_ =	strace s18  }
0x93: {  	s3 =	sld [smem:$0x3FFC];
	_ =	sdelay $0x3  }
0x94: {  	_ =	strace s3  }
0x95: {  	s3 =	sld [smem:$0x3FFD];
	_ =	sdelay $0x3  }
0x96: {  	_ =	strace s3  }
0x97: {  	_ =	strace $0x8FFFFFFF  }
0x98: {  	s19 =	sld [smem:$0x3FDB];
	_ =	sdelay $0x1  }
0x99: {  	s4 =	simm.s32 $_scs_section_size  }
0x9a: {  	s5 =	simm.s32 $_size__tile_overlayer_lowered;
	s6 =	simm.s32 $_tile_overlayer_lowered  }
0x9b: {  	s22 =	simm.s32 $0x1BFF;
	s21 =	sshll.u32 s6, $0x1;
	s3 =	sadd.s32 s4, s19  }
0x9c: {  	s7 =	simm.s32 $0x0;
	s20 =	sshll.u32 s5, $0x1;
	s5 =	sadd.s32 s21, s3  }
0x9d: {  	[timem:s7], [sflag:s22] =	dma.local [hbm:s5], s20  }
0x9e: {  	_ =	swait.ge [sflag:s22], s20  }
0x9f: {  	s4 =	ssub.s32 $0x0, s20;
	[sflag:s22] =	ssyncset.done $0x0  }
0xa0: {  	[sflag:s22] =	ssyncadd.s32 s4;
	_ =	sdelay $0x1  }
0xa1: {  	s23 =	simm.s32 $0x1B8B  }
0xa2: {  	_ =	swait.ge [sflag:s23], $0x1  }
0xa3: {  	[sflag:s23] =	ssyncset.done $0x0  }
0xa4: {  	s25 =	simm.s32 $0x1B8E;
	s24 =	sld [smem:$0x3FFE];
	[sflag:s23] =	ssyncadd.s32 $0xFFFFFFFF  }
0xa5: {  	s26 =	simm.s32 $execute0_lowered;
	[smem:$0x3FD2] =	sst s25  }
0xa6: {  	s5 =	sshll.u32 s26, $0x1;
	_ =	strace $0x80000046;
	[dreg:$0x1] =	wrdreg $0xFFFFFFFF  }
0xa7: {  	s28 =	simm.s32 $_size_execute0_lowered;
	s3 =	sadd.s32 s3, s5;
	[dreg:$0x0] =	wrdreg $0x0  }
0xa8: {  	s5 =	sshll.u32 s28, $0x1;
	[dreg:$0x2] =	wrdreg s3  }
0xa9: {  	[dreg:$0x3] =	wrdreg s5  }
0xaa: {  	[dreg:$0x4] =	wrdreg $0xC0  }
0xab: {  	_ =	task [dreg:s7], $0x5FFFF  }
0xac: {  	[dreg:$0x1] =	wrdreg $0xFFFFFFFF  }
0xad: {  	[dreg:$0x0] =	wrdreg $0x60  }
0xae: {  	[dreg:$0x2] =	wrdreg s24  }
0xaf: {  	[dreg:$0x3] =	wrdreg s2  }
0xb0: {  	[dreg:$0x4] =	wrdreg $0xA8000  }
0xb1: {  	[dreg:$0x5] =	wrdreg $0x9  }
0xb2: {  	_ =	task.clear_ibuf [dreg:s7], $0x6FFFF;
	_ =	strace $0x90000046  }
0xb3: {  	s29 =	simm.s32 $0x9;
	_ =	strace $0x80000048  }
0xb4: {  	_ =	swait.ge [sflag:s29], $0x1  }
0xb5: {  	[sflag:s29] =	ssyncadd.s32 $0xFFFFFFFF  }
0xb6: {  	_ =	strace $0x90000048  }
0xb7: {  	_ =	sfence  }
0xb8: {  	s30 =	sld [smem:$0x0];
	_ =	sdelay $0x2  }
0xb9: {  	s31 =	sshll.u32 s1, $0xD;
	s1 =	sshrl.u32 s1, $0x2  }
0xba: {  	s3 =	sand.u32 $0x4000, s31;
	s1 =	sadd.s32 s1, s30  }
0xbb: {  	s0 =	sor.u32 s3, s0;
	s1 =	sshll.u32 s1, $0x11  }
0xbc: {  	s0 =	sor.u32 s1, s0  }
0xbd: {  	s0 =	sadd.s32 $0x8F2B, s0  }
0xbe: {  	[sflag:s0] =	ssyncadd.remote.s32 $0x1  }
0xbf: {  	_ =	sfence.sel $0xFFFF  }
0xc0: {  	[dreg:$0x0] =	wrdreg $0xFFFFFFFF;
	(pc) =	sbr.abs _section_cstart, $3  }
0xc1: {  	[dreg:$0x1] =	wrdreg $0xFFFFFFFF  }
0xc2: {  	_ =	task.clear_ibuf [dreg:s7], $0x2FFFF;
	_ =	strace $0x9FFFFFFF  }
0xc3: {  	(tm) =	ssettm $0x7FFFFFFF  }
tec
execute0_lowered:
.L_overlay_start_1:
0x0: {  	(tag) =	ssettag $0x1  }
0x1: {  	s0 =	srdreg.scid;
	s1 =	rddreg [dreg:$0x0]  }
0x2: {  	s16 =	stileid.u32;
	s2 =	rddreg [dreg:$0x1];
	s15 =	simm.s32 $0x3  }
0x3: {  	s21 =	simm.s32 $0x80;
	s22 =	simm.s32 $0x2800;
	s23 =	simm.s32 $0x6800  }
0x4: {  	s24 =	simm.s32 $0x1;
	s25 =	simm.s32 $0x2;
	s28 =	simm.s32 $0x2780  }
0x5: {  	s29 =	simm.s32 $0x0;
	s0 =	sand.u32 $0x1, s0;
	s8 =	smul.u32 $0x14000, s16  }
0x6: {  	s5 =	sadd.s32 $0x4E00, s1;
	s26 =	smul.u32 $0x50000, s16;
	s31 =	sshll.u32 s16, $0x6  }
0x7: {  	s3 =	sshll.u32 s0, $0x4;
	s7 =	smul.u32 $0x140000, s0;
	s0 =	ssub.s32 $0x2, s0  }
0x8: {  	s17 =	sor.u32 $0x1C03, s31;
	s4 =	sor.u32 s16, s3;
	s3 =	rddreg [dreg:$0x2]  }
0x9: {  	s30 =	sshrl.u32 s0, $0x1;
	s6 =	smul.u32 $0x280, s4;
	s4 =	simm.s32 $0x0  }
0xa: {  	s7 =	sadd.s32 s8, s7;
	s8 =	sshrl.u32 s26, $0x2;
	s0 =	ssub.s32 s0, s30  }
0xb: {  	s26 =	simm.s32 $0x2700;
	[smem:$0x7FF] =	sst s4;
	s7 =	sshrl.u32 s7, $0x3  }
0xc: {  	s18 =	sadd.s32 s8, s3;
	s14 =	smax.u32 s0, $0x1;
	_ =	strace $0x80000047  }
0xd: {  	s9 =	sadd.s32 s6, s1;
	s6 =	sadd.s32 $0x36E00, s1;
	s1 =	sadd.s32 s7, s1  }
0xe: {  	s19 =	sadd.s32 $0x4000, s18;
	s20 =	sadd.s32 $0x8000, s18;
	s10 =	sadd.s32 $0x10000, s18  }
0xf: {  	s7 =	sadd.s32 $0x31E00, s9;
	s8 =	sadd.s32 $0x2CE00, s9;
	s9 =	sadd.s32 $0xC000, s18  }
0x10: {  	s11 =	sadd.s32 $0xD7600, s1;
	s12 =	sadd.s32 $0x37600, s1;
	s13 =	sadd.s32 $0x87600, s1  }
0x11: {  	v0 =	vimm.f32 $1.000000000e+00;
	s18 =	sshrl.u32 s18, $0x3;
	s19 =	sshrl.u32 s19, $0x3;
	s20 =	sshrl.u32 s20, $0x3  }
.LBB2_1:
0x12: {  	[tilespmem:s4], [sflag:$0x3] =	stream.linear.gather [hbm4b:s7+s4], $0x1400, $0x38;
	[tilespmem:$0x1E800] =	vst v63  }
0x13: {  	_ =	swait.ge [sflag:s15], $0x1400  }
0x14: {  	[sflag:s15] =	ssyncset.done $0x0  }
0x15: {  	s0 =	simm.s32 $0x1400;
	[sflag:s15] =	ssyncadd.s32 $0xFFFFEC00  }
0x16: {  	[tilespmem:s0], [sflag:$0x3] =	stream.linear.gather [hbm4b:s8+s4], $0x1400, $0x38;
	[tilespmem:$0x1E800] =	vst v63  }
0x17: {  	_ =	swait.ge [sflag:s15], $0x1400  }
0x18: {  	[sflag:s15] =	ssyncset.done $0x0  }
0x19: {  	s1 =	simm.s32 $0x0;
	s30 =	simm.s32 $0x200;
	[sflag:s15] =	ssyncadd.s32 $0xFFFFEC00  }
.LBB2_2:
0x1a: {  	p0 =	sne.s32 s30, $0xFE00;
	[tilespmem:s1+$0x2870] =	vst v0  }
0x1b: {  	[tilespmem:s1+$0x2800] =	vst v0  }
0x1c: {  	[tilespmem:s1+$0x2810] =	vst v0  }
.Ltmp0:
0x1d: {  	[tilespmem:s1+$0x2820] =	vst v0;
	(pc) =	sbr.rel @p0 .LBB2_2-.Ltmp0, $4  }
0x1e: {  	[tilespmem:s1+$0x2830] =	vst v0  }
0x1f: {  	[tilespmem:s1+$0x2840] =	vst v0  }
0x20: {  	[tilespmem:s1+$0x2850] =	vst v0  }
0x21: {  	[tilespmem:s1+$0x2860] =	vst v0;
	s1 =	sshra.s32 s30, $0x2;
	s30 =	sadd.s32 $0x200, s30  }
0x22: {  	[tilespmem:s1+$0x2870] =	vst v0  }
0x23: {  	[tilespmem:s1+$0x2800] =	vst v0  }
0x24: {  	[tilespmem:s1+$0x2810] =	vst v0  }
0x25: {  	[tilespmem:s1+$0x2820] =	vst v0  }
0x26: {  	[tilespmem:s1+$0x2830] =	vst v0  }
0x27: {  	[tilespmem:s1+$0x2840] =	vst v0  }
0x28: {  	[tilespmem:s1+$0x2850] =	vst v0  }
0x29: {  	[tilespmem:s1+$0x2860] =	vst v0  }
0x2a: {  	[spmem:s18], [sflag:s17] =	dma.local [hbm:s6], $0x800  }
0x2b: {  	_ =	swait.ge [sflag:s15], $0x800  }
0x2c: {  	[sflag:s15] =	ssyncset.done $0x0  }
0x2d: {  	[sflag:s15] =	ssyncadd.s32 $0xFFFFF800  }
0x2e: {  	[spmem:s19], [sflag:s17] =	dma.local [hbm:s6], $0x800  }
0x2f: {  	_ =	swait.ge [sflag:s15], $0x800  }
0x30: {  	[sflag:s15] =	ssyncset.done $0x0  }
0x31: {  	[sflag:s15] =	ssyncadd.s32 $0xFFFFF800  }
0x32: {  	[spmem:s20], [sflag:s17] =	dma.local [hbm:s6], $0x800  }
0x33: {  	_ =	swait.ge [sflag:s15], $0x800  }
0x34: {  	[sflag:s15] =	ssyncset.done $0x0  }
0x35: {  	s30 =	sshrl.u32 s9, $0x3;
	[sflag:s15] =	ssyncadd.s32 $0xFFFFF800  }
0x36: {  	[spmem:s30], [sflag:s17] =	dma.local [hbm:s6], $0x800  }
0x37: {  	_ =	swait.ge [sflag:s15], $0x800  }
0x38: {  	[sflag:s15] =	ssyncset.done $0x0  }
0x39: {  	s31 =	sshrl.u32 s10, $0x3;
	[sflag:s15] =	ssyncadd.s32 $0xFFFFF800  }
0x3a: {  	[spmem:s31], [sflag:s17] =	dma.local [hbm:s6], $0x800  }
0x3b: {  	_ =	swait.ge [sflag:s15], $0x800  }
0x3c: {  	[sflag:s15] =	ssyncset.done $0x0  }
0x3d: {  	[sflag:s15] =	ssyncadd.s32 $0xFFFFF800  }
0x3e: {  	s0 =	simm.s32 $0x1400;
	[bflag:$0x0] =	sbarrier.arrive $0xFFFF  }
0x3f: {  	[spmem:s3] =	stream.indirect.scatter.add.f32 [tilespmem:s22], [sflag:$0x3], $0x80, s0, s21, $0xb8;
	[tilespmem:$0x1E800] =	vst v63  }
0x40: {  	s1 =	simm.s32 $0x200;
	_ =	swait.ge [sflag:s15], $0x4000  }
.LBB2_4:
0x41: {  	s0 =	sshra.s32 s1, $0x2;
	[sflag:s15] =	ssyncset.done $0x0;
	p0 =	sne.s32 s1, $0x4E00  }
.Ltmp1:
0x42: {  	s0 =	sadd.s32 $0x1400, s0;
	[sflag:s15] =	ssyncadd.s32 $0xFFFFC000;
	(pc) =	sbr.rel @p0 .LBB2_4-.Ltmp1, $3  }
0x43: {  	[spmem:s3] =	stream.indirect.scatter.add.f32 [tilespmem:s22], [sflag:$0x3], $0x80, s0, s21, $0xb8;
	[tilespmem:$0x1E800] =	vst v63  }
0x44: {  	s1 =	sadd.s32 $0x200, s1;
	_ =	sdelay $0x1  }
0x45: {  	_ =	swait.ge [sflag:s15], $0x4000  }
0x46: {  	[sflag:s15] =	ssyncset.done $0x0  }
0x47: {  	[sflag:s15] =	ssyncadd.s32 $0xFFFFC000  }
0x48: {  	[bflag:$0x0] =	sbarrier.arrive $0xFFFF  }
0x49: {  	[hbm:s11], [sflag:s17] =	dma.local [spmem:s18], $0x2800  }
0x4a: {  	_ =	swait.ge [sflag:s15], $0x2800  }
0x4b: {  	[sflag:s15] =	ssyncset.done $0x0  }
0x4c: {  	[sflag:s15] =	ssyncadd.s32 $0xFFFFD800  }
0x4d: {  	s0 =	simm.s32 $0x0;
	[bflag:$0x0] =	sbarrier.arrive $0xFFFF  }
0x4e: {  	[tilespmem:s22], [sflag:$0x1] =	stream.indirect.gather [hbm4b:s5+s21], $0x80, s0, s21, $0xb8;
	[tilespmem:$0x1E800] =	vst v63  }
0x4f: {  	_ = 	snop  }
0x50: {  	[tilespmem:s23], [sflag:$0x2] =	stream.indirect.gather [hbm4b:s5+s21], $0x80, s21, s21, $0xb8;
	[tilespmem:$0x1E800] =	vst v63  }
0x51: {  	[spmem:s18], [sflag:s17] =	dma.local [hbm:s6], $0x800  }
0x52: {  	_ =	swait.ge [sflag:s15], $0x800  }
0x53: {  	[sflag:s15] =	ssyncset.done $0x0  }
0x54: {  	[sflag:s15] =	ssyncadd.s32 $0xFFFFF800  }
0x55: {  	[spmem:s19], [sflag:s17] =	dma.local [hbm:s6], $0x800  }
0x56: {  	_ =	swait.ge [sflag:s15], $0x800  }
0x57: {  	[sflag:s15] =	ssyncset.done $0x0  }
0x58: {  	[sflag:s15] =	ssyncadd.s32 $0xFFFFF800  }
0x59: {  	[spmem:s20], [sflag:s17] =	dma.local [hbm:s6], $0x800  }
0x5a: {  	_ =	swait.ge [sflag:s15], $0x800  }
0x5b: {  	[sflag:s15] =	ssyncset.done $0x0  }
0x5c: {  	[sflag:s15] =	ssyncadd.s32 $0xFFFFF800  }
0x5d: {  	[spmem:s30], [sflag:s17] =	dma.local [hbm:s6], $0x800  }
0x5e: {  	_ =	swait.ge [sflag:s15], $0x800  }
0x5f: {  	[sflag:s15] =	ssyncset.done $0x0  }
0x60: {  	[sflag:s15] =	ssyncadd.s32 $0xFFFFF800  }
0x61: {  	[spmem:s31], [sflag:s17] =	dma.local [hbm:s6], $0x800  }
0x62: {  	_ =	swait.ge [sflag:s15], $0x800  }
0x63: {  	[sflag:s15] =	ssyncset.done $0x0  }
0x64: {  	[sflag:s15] =	ssyncadd.s32 $0xFFFFF800  }
0x65: {  	[bflag:$0x0] =	sbarrier.arrive $0xFFFF  }
0x66: {  	_ =	swait.ge [sflag:s24], $0x4000  }
0x67: {  	[sflag:s24] =	ssyncset.done $0x0  }
0x68: {  	s16 =	simm.s32 $0x1400;
	[sflag:s24] =	ssyncadd.s32 $0xFFFFC000  }
0x69: {  	[spmem:s3] =	stream.indirect.scatter.add.f32 [tilespmem:s22], [sflag:$0x3], $0x80, s16, s21, $0xb8;
	[tilespmem:$0x1E800] =	vst v63  }
0x6a: {  	_ =	swait.ge [sflag:s15], $0x4000  }
0x6b: {  	[sflag:s15] =	ssyncset.done $0x0  }
0x6c: {  	s1 =	simm.s32 $0x100;
	[sflag:s15] =	ssyncadd.s32 $0xFFFFC000  }
0x6d: {  	[tilespmem:s22], [sflag:$0x1] =	stream.indirect.gather [hbm4b:s5+s21], $0x80, s1, s21, $0xb8;
	[tilespmem:$0x1E800] =	vst v63  }
0x6e: {  	_ =	swait.ge [sflag:s25], $0x4000  }
0x6f: {  	[sflag:s25] =	ssyncset.done $0x0  }
0x70: {  	s16 =	simm.s32 $0x1480;
	[sflag:s25] =	ssyncadd.s32 $0xFFFFC000  }
0x71: {  	[spmem:s3] =	stream.indirect.scatter.add.f32 [tilespmem:s23], [sflag:$0x3], $0x80, s16, s21, $0xb8;
	[tilespmem:$0x1E800] =	vst v63  }
0x72: {  	_ =	swait.ge [sflag:s15], $0x4000  }
0x73: {  	[sflag:s15] =	ssyncset.done $0x0  }
0x74: {  	s0 =	simm.s32 $0x180;
	s1 =	simm.s32 $0x400;
	[sflag:s15] =	ssyncadd.s32 $0xFFFFC000  }
.LBB2_6:
0x75: {  	[tilespmem:s23], [sflag:$0x2] =	stream.indirect.gather [hbm4b:s5+s21], $0x80, s0, s21, $0xb8;
	[tilespmem:$0x1E800] =	vst v63  }
0x76: {  	s0 =	smov.u32 s1  }
0x77: {  	p0 =	sne.s32 s1, $0x4800;
	s1 =	sadd.s32 $0x400, s1;
	_ =	swait.ge [sflag:s24], $0x4000  }
0x78: {  	s0 =	sshra.s32 s0, $0x2;
	[sflag:s24] =	ssyncset.done $0x0  }
0x79: {  	s16 =	sadd.s32 $0x1400, s0;
	[sflag:s24] =	ssyncadd.s32 $0xFFFFC000  }
0x7a: {  	[spmem:s3] =	stream.indirect.scatter.add.f32 [tilespmem:s22], [sflag:$0x3], $0x80, s16, s21, $0xb8;
	[tilespmem:$0x1E800] =	vst v63  }
0x7b: {  	_ =	swait.ge [sflag:s15], $0x4000  }
0x7c: {  	[sflag:s15] =	ssyncset.done $0x0  }
0x7d: {  	s16 =	sadd.s32 $0x100, s0;
	[sflag:s15] =	ssyncadd.s32 $0xFFFFC000  }
0x7e: {  	[tilespmem:s22], [sflag:$0x1] =	stream.indirect.gather [hbm4b:s5+s21], $0x80, s16, s21, $0xb8;
	[tilespmem:$0x1E800] =	vst v63  }
0x7f: {  	_ =	swait.ge [sflag:s25], $0x4000  }
0x80: {  	[sflag:s25] =	ssyncset.done $0x0  }
.Ltmp2:
0x81: {  	s16 =	sadd.s32 $0x1480, s0;
	[sflag:s25] =	ssyncadd.s32 $0xFFFFC000;
	(pc) =	sbr.rel @p0 .LBB2_6-.Ltmp2, $4  }
0x82: {  	[spmem:s3] =	stream.indirect.scatter.add.f32 [tilespmem:s23], [sflag:$0x3], $0x80, s16, s21, $0xb8;
	[tilespmem:$0x1E800] =	vst v63  }
0x83: {  	_ =	swait.ge [sflag:s15], $0x4000  }
0x84: {  	[sflag:s15] =	ssyncset.done $0x0  }
0x85: {  	s0 =	sadd.s32 $0x180, s0;
	[sflag:s15] =	ssyncadd.s32 $0xFFFFC000  }
0x86: {  	[tilespmem:s23], [sflag:$0x2] =	stream.indirect.gather [hbm4b:s5+s21], $0x80, s0, s21, $0xb8;
	[tilespmem:$0x1E800] =	vst v63  }
0x87: {  	_ =	swait.ge [sflag:s24], $0x4000  }
0x88: {  	[sflag:s24] =	ssyncset.done $0x0  }
0x89: {  	[sflag:s24] =	ssyncadd.s32 $0xFFFFC000  }
0x8a: {  	[spmem:s3] =	stream.indirect.scatter.add.f32 [tilespmem:s22], [sflag:$0x3], $0x80, s26, s21, $0xb8;
	[tilespmem:$0x1E800] =	vst v63  }
0x8b: {  	_ =	swait.ge [sflag:s15], $0x4000  }
0x8c: {  	[sflag:s15] =	ssyncset.done $0x0  }
0x8d: {  	[sflag:s15] =	ssyncadd.s32 $0xFFFFC000  }
0x8e: {  	_ =	swait.ge [sflag:s25], $0x4000  }
0x8f: {  	[sflag:s25] =	ssyncset.done $0x0  }
0x90: {  	[sflag:s25] =	ssyncadd.s32 $0xFFFFC000  }
0x91: {  	[spmem:s3] =	stream.indirect.scatter.add.f32 [tilespmem:s23], [sflag:$0x3], $0x80, s28, s21, $0xb8;
	[tilespmem:$0x1E800] =	vst v63  }
0x92: {  	_ =	swait.ge [sflag:s15], $0x4000  }
0x93: {  	[sflag:s15] =	ssyncset.done $0x0  }
0x94: {  	[sflag:s15] =	ssyncadd.s32 $0xFFFFC000  }
0x95: {  	[bflag:$0x0] =	sbarrier.arrive $0xFFFF  }
0x96: {  	[hbm:s12], [sflag:s17] =	dma.local [spmem:s18], $0x2800  }
0x97: {  	_ =	swait.ge [sflag:s15], $0x2800  }
0x98: {  	[sflag:s15] =	ssyncset.done $0x0  }
0x99: {  	[sflag:s15] =	ssyncadd.s32 $0xFFFFD800  }
0x9a: {  	s1 =	simm.s32 $0x0;
	[bflag:$0x0] =	sbarrier.arrive $0xFFFF  }
0x9b: {  	[tilespmem:s22], [sflag:$0x1] =	stream.indirect.gather [hbm4b:s2+s21], $0x80, s1, s21, $0xb8;
	[tilespmem:$0x1E800] =	vst v63  }
0x9c: {  	_ = 	snop  }
0x9d: {  	[tilespmem:s23], [sflag:$0x2] =	stream.indirect.gather [hbm4b:s2+s21], $0x80, s21, s21, $0xb8;
	[tilespmem:$0x1E800] =	vst v63  }
0x9e: {  	[spmem:s18], [sflag:s17] =	dma.local [hbm:s6], $0x800  }
0x9f: {  	_ =	swait.ge [sflag:s15], $0x800  }
0xa0: {  	[sflag:s15] =	ssyncset.done $0x0  }
0xa1: {  	[sflag:s15] =	ssyncadd.s32 $0xFFFFF800  }
0xa2: {  	[spmem:s19], [sflag:s17] =	dma.local [hbm:s6], $0x800  }
0xa3: {  	_ =	swait.ge [sflag:s15], $0x800  }
0xa4: {  	[sflag:s15] =	ssyncset.done $0x0  }
0xa5: {  	[sflag:s15] =	ssyncadd.s32 $0xFFFFF800  }
0xa6: {  	[spmem:s20], [sflag:s17] =	dma.local [hbm:s6], $0x800  }
0xa7: {  	_ =	swait.ge [sflag:s15], $0x800  }
0xa8: {  	[sflag:s15] =	ssyncset.done $0x0  }
0xa9: {  	[sflag:s15] =	ssyncadd.s32 $0xFFFFF800  }
0xaa: {  	[spmem:s30], [sflag:s17] =	dma.local [hbm:s6], $0x800  }
0xab: {  	_ =	swait.ge [sflag:s15], $0x800  }
0xac: {  	[sflag:s15] =	ssyncset.done $0x0  }
0xad: {  	[sflag:s15] =	ssyncadd.s32 $0xFFFFF800  }
0xae: {  	[spmem:s31], [sflag:s17] =	dma.local [hbm:s6], $0x800  }
0xaf: {  	_ =	swait.ge [sflag:s15], $0x800  }
0xb0: {  	[sflag:s15] =	ssyncset.done $0x0  }
0xb1: {  	[sflag:s15] =	ssyncadd.s32 $0xFFFFF800  }
0xb2: {  	[bflag:$0x0] =	sbarrier.arrive $0xFFFF  }
0xb3: {  	_ =	swait.ge [sflag:s24], $0x4000  }
0xb4: {  	[sflag:s24] =	ssyncset.done $0x0  }
0xb5: {  	s16 =	simm.s32 $0x1400;
	[sflag:s24] =	ssyncadd.s32 $0xFFFFC000  }
0xb6: {  	[spmem:s3] =	stream.indirect.scatter.add.f32 [tilespmem:s22], [sflag:$0x3], $0x80, s16, s21, $0xb8;
	[tilespmem:$0x1E800] =	vst v63  }
0xb7: {  	_ =	swait.ge [sflag:s15], $0x4000  }
0xb8: {  	[sflag:s15] =	ssyncset.done $0x0  }
0xb9: {  	s30 =	simm.s32 $0x100;
	[sflag:s15] =	ssyncadd.s32 $0xFFFFC000  }
0xba: {  	[tilespmem:s22], [sflag:$0x1] =	stream.indirect.gather [hbm4b:s2+s21], $0x80, s30, s21, $0xb8;
	[tilespmem:$0x1E800] =	vst v63  }
0xbb: {  	_ =	swait.ge [sflag:s25], $0x4000  }
0xbc: {  	[sflag:s25] =	ssyncset.done $0x0  }
0xbd: {  	s31 =	simm.s32 $0x1480;
	[sflag:s25] =	ssyncadd.s32 $0xFFFFC000  }
0xbe: {  	[spmem:s3] =	stream.indirect.scatter.add.f32 [tilespmem:s23], [sflag:$0x3], $0x80, s31, s21, $0xb8;
	[tilespmem:$0x1E800] =	vst v63  }
0xbf: {  	_ =	swait.ge [sflag:s15], $0x4000  }
0xc0: {  	[sflag:s15] =	ssyncset.done $0x0  }
0xc1: {  	s0 =	simm.s32 $0x180;
	s1 =	simm.s32 $0x400;
	[sflag:s15] =	ssyncadd.s32 $0xFFFFC000  }
.LBB2_8:
0xc2: {  	[tilespmem:s23], [sflag:$0x2] =	stream.indirect.gather [hbm4b:s2+s21], $0x80, s0, s21, $0xb8;
	[tilespmem:$0x1E800] =	vst v63  }
0xc3: {  	s0 =	smov.u32 s1  }
0xc4: {  	p0 =	sne.s32 s1, $0x4800;
	s1 =	sadd.s32 $0x400, s1;
	_ =	swait.ge [sflag:s24], $0x4000  }
0xc5: {  	s0 =	sshra.s32 s0, $0x2;
	[sflag:s24] =	ssyncset.done $0x0  }
0xc6: {  	s16 =	sadd.s32 $0x1400, s0;
	[sflag:s24] =	ssyncadd.s32 $0xFFFFC000  }
0xc7: {  	[spmem:s3] =	stream.indirect.scatter.add.f32 [tilespmem:s22], [sflag:$0x3], $0x80, s16, s21, $0xb8;
	[tilespmem:$0x1E800] =	vst v63  }
0xc8: {  	_ =	swait.ge [sflag:s15], $0x4000  }
0xc9: {  	[sflag:s15] =	ssyncset.done $0x0  }
0xca: {  	s16 =	sadd.s32 $0x100, s0;
	[sflag:s15] =	ssyncadd.s32 $0xFFFFC000  }
0xcb: {  	[tilespmem:s22], [sflag:$0x1] =	stream.indirect.gather [hbm4b:s2+s21], $0x80, s16, s21, $0xb8;
	[tilespmem:$0x1E800] =	vst v63  }
0xcc: {  	_ =	swait.ge [sflag:s25], $0x4000  }
0xcd: {  	[sflag:s25] =	ssyncset.done $0x0  }
.Ltmp3:
0xce: {  	s16 =	sadd.s32 $0x1480, s0;
	[sflag:s25] =	ssyncadd.s32 $0xFFFFC000;
	(pc) =	sbr.rel @p0 .LBB2_8-.Ltmp3, $4  }
0xcf: {  	[spmem:s3] =	stream.indirect.scatter.add.f32 [tilespmem:s23], [sflag:$0x3], $0x80, s16, s21, $0xb8;
	[tilespmem:$0x1E800] =	vst v63  }
0xd0: {  	_ =	swait.ge [sflag:s15], $0x4000  }
0xd1: {  	[sflag:s15] =	ssyncset.done $0x0  }
0xd2: {  	s0 =	sadd.s32 $0x180, s0;
	[sflag:s15] =	ssyncadd.s32 $0xFFFFC000  }
0xd3: {  	[tilespmem:s23], [sflag:$0x2] =	stream.indirect.gather [hbm4b:s2+s21], $0x80, s0, s21, $0xb8;
	[tilespmem:$0x1E800] =	vst v63  }
0xd4: {  	_ =	swait.ge [sflag:s24], $0x4000  }
0xd5: {  	[sflag:s24] =	ssyncset.done $0x0  }
0xd6: {  	[sflag:s24] =	ssyncadd.s32 $0xFFFFC000  }
0xd7: {  	[spmem:s3] =	stream.indirect.scatter.add.f32 [tilespmem:s22], [sflag:$0x3], $0x80, s26, s21, $0xb8;
	[tilespmem:$0x1E800] =	vst v63  }
0xd8: {  	_ =	swait.ge [sflag:s15], $0x4000  }
0xd9: {  	[sflag:s15] =	ssyncset.done $0x0  }
0xda: {  	[sflag:s15] =	ssyncadd.s32 $0xFFFFC000  }
0xdb: {  	_ =	swait.ge [sflag:s25], $0x4000  }
0xdc: {  	[sflag:s25] =	ssyncset.done $0x0  }
0xdd: {  	[sflag:s25] =	ssyncadd.s32 $0xFFFFC000  }
0xde: {  	[spmem:s3] =	stream.indirect.scatter.add.f32 [tilespmem:s23], [sflag:$0x3], $0x80, s28, s21, $0xb8;
	[tilespmem:$0x1E800] =	vst v63  }
0xdf: {  	_ =	swait.ge [sflag:s15], $0x4000  }
0xe0: {  	[sflag:s15] =	ssyncset.done $0x0  }
0xe1: {  	s29 =	sadd.s32 $0x1, s29;
	[sflag:s15] =	ssyncadd.s32 $0xFFFFC000  }
0xe2: {  	p0 =	sne.s32 s29, s14;
	[bflag:$0x0] =	sbarrier.arrive $0xFFFF  }
0xe3: {  	[hbm:s13], [sflag:s17] =	dma.local [spmem:s18], $0x2800  }
.Ltmp4:
0xe4: {  	_ =	swait.ge [sflag:s15], $0x2800;
	(pc) =	sbr.rel @p0 .LBB2_1-.Ltmp4, $3  }
0xe5: {  	[sflag:s15] =	ssyncset.done $0x0  }
0xe6: {  	[sflag:s15] =	ssyncadd.s32 $0xFFFFD800  }
0xe7: {  	[bflag:$0x0] =	sbarrier.arrive $0xFFFF;
	_ =	sdelay $0x1  }
0xe8: {  	_ =	sfence.sel $0x180000  }
0xe9: {  	[bflag:$0x0] =	sbarrier.arrive $0xFFFF  }
0xea: {  	_ =	strace $0x90000047  }
0xeb: {  	s0 =	stileid.u32;
	[bflag:$0x2] =	sbarrier.arrive $0xFFFF  }
0xec: {  	p0 =	sne.s32 s0, $0x0;
	s0 =	rddreg [dreg:$0x3]  }
0xed: {  	s0 =	sadd.s32 @!p0 $0x100000, s0  }
0xee: {  	[sflag:s0] =	ssyncadd.tile.s32 @!p0 $0x1;
	_ =	shalt  }
.Lfunc_end2:
_tile_overlayer_lowered:
.L_overlay_start_2:
0xef: {  	(tag) =	ssettag $0x2  }
0xf0: {  	s0 =	rddreg [dreg:$0x0];
	s2 =	stileid.u32  }
0xf1: {  	s1 =	rddreg [dreg:$0x1];
	p0 =	sne.s32 s2, $0x0  }
0xf2: {  	s3 =	rddreg [dreg:$0x2];
	[bflag:$0x3] =	sbarrier.arrive $0xFFFF;
	s2 =	simm.s32 @!p0 $0x1C03  }
0xf3: {  	[timem:s3], [sflag:s2] =	dma.local @!p0 [hbm:s0], s1  }
0xf4: {  	s0 =	simm.s32 @!p0 $0x3  }
0xf5: {  	_ =	swait.ge @!p0 [sflag:s0], s1  }
0xf6: {  	s1 =	ssub.s32 @!p0 $0x0, s1;
	[sflag:s0] =	ssyncset.done @!p0 $0x0  }
0xf7: {  	[sflag:s0] =	ssyncadd.s32 @!p0 s1  }
0xf8: {  	[bflag:$0x3] =	sbarrier.arrive $0xFFFF  }
0xf9: {  	_ =	shalt  }

// kernel: kernel.14.cloned.1.call-start
scs
__scs_entry_jumppad:
0x0: {  	(pc) =	sbr.rel $0x88, $3  }
0x1: {  	(tag) =	ssettag $0x0;
	lr =	simm.s32 $0x1  }
0x2: {  	[smem:$0x3F92] =	sst lr;
	_ =	strace $0xD0000000  }
0x3: {  	_ = 	snop  }
0x4: {  	_ = 	snop  }
0x5: {  	_ = 	snop  }
0x6: {  	_ = 	snop  }
0x7: {  	_ = 	snop  }
__scs_overlays_trampoline_lowered:
0x8: {  	[smem:$0x3FA1] =	sst s0  }
0x9: {  	[smem:$0x3FA2] =	sst s1  }
0xa: {  	[smem:$0x3FA3] =	sst s2  }
0xb: {  	[smem:$0x3FA4] =	sst s3  }
0xc: {  	[smem:$0x3FA5] =	sst s4  }
0xd: {  	[smem:$0x3FA6] =	sst s5  }
0xe: {  	[smem:$0x3FA7] =	sst s6  }
0xf: {  	[smem:$0x3FA8] =	sst s7  }
0x10: {  	[smem:$0x3FA9] =	sst s8  }
0x11: {  	[smem:$0x3FAA] =	sst s9;
	s0 =	simm.s32 @!p0 $0x0  }
0x12: {  	s1 =	sld [smem:$0x3F90];
	s0 =	simm.s32 @p0 $0x1  }
0x13: {  	[smem:$0x3FAB] =	sst s0;
	s0 =	simm.s32 @!p1 $0x0  }
0x14: {  	s2 =	sld [smem:$0x3F8F];
	s0 =	simm.s32 @p1 $0x1  }
0x15: {  	[smem:$0x3FAC] =	sst s0;
	s0 =	simm.s32 @!p2 $0x0  }
0x16: {  	s3 =	sld [smem:$0x3FDB];
	s0 =	simm.s32 @p2 $0x1  }
0x17: {  	s4 =	simm.s32 $0x1BF5;
	[smem:$0x3FAE] =	sst s0  }
0x18: {  	s0 =	sld [smem:$0x3F91];
	_ =	swait.ge [sflag:s4], $0x0  }
0x19: {  	s7 =	sld [smem:$0x3F92]  }
0x1a: {  	s8 =	sadd.s32 $0xFFFFE003, lr  }
0x1b: {  	s9 =	sadd.s32 $0xFFFFFEF7, lr;
	s5 =	simm.s32 $0xFFFFFFFF;
	p2 =	slt.u32 s8, $0xFFFFF086  }
0x1c: {  	p1 =	slt.u32 s9, $0xF7A;
	s5 =	simm.s32 @!p2 $0x0  }
0x1d: {  	s5 =	simm.s32 @p1 $0x1;
	p0 =	seq.s32 s7, s2  }
0x1e: {  	s7 =	smul.u32 @!p0 $0xF7A, s2;
	p2 =	seq.s32 @!p0 s5, $0x0  }
0x1f: {  	s9 =	smul.u32 $0xF7A, s1;
	s8 =	simm.s32 @!p0 $0x1BF5;
	p2 =	por !p2, p0  }
0x20: {  	[sflag:s8] =	ssyncset.s32 @!p0 $0xFFFFF086;
	s6 =	sadd.s32 @!p0 s3, s7;
	s7 =	simm.s32 @!p0 $0x108  }
0x21: {  	s3 =	sadd.s32 s3, s9;
	s6 =	sadd.s32 @!p0 $0x88, s6;
	s7 =	simm.s32 @p2 $0x1082  }
0x22: {  	[simem:s7], [sflag:s8] =	dma.local @!p0 [hbm:s6], $0xF7A  }
0x23: {  	s9 =	sor.u32 $0xD0000000, s2;
	s6 =	simm.s32 $0x108;
	_ =	swait.ge @!p0 [sflag:s8], $0x0  }
0x24: {  	s3 =	sadd.s32 $0x88, s3;
	s6 =	simm.s32 @!p1 $0x1082;
	[sflag:s4] =	ssyncset.s32 $0xFFFFF086  }
0x25: {  	[simem:s6], [sflag:s4] =	dma.local [hbm:s3], $0xF7A  }
0x26: {  	[smem:$0x3F92] =	sst s1;
	(tag) =	ssettag s2;
	_ =	strace s9  }
0x27: {  	s1 =	sld [smem:$0x3FA2]  }
0x28: {  	s2 =	sld [smem:$0x3FA3]  }
0x29: {  	s4 =	sld [smem:$0x3FA5]  }
0x2a: {  	p0 =	seq.s32 s5, $0x0;
	s5 =	sld [smem:$0x3FA6]  }
0x2b: {  	s6 =	sld [smem:$0x3FA7]  }
0x2c: {  	s7 =	sld [smem:$0x3FA8]  }
0x2d: {  	s3 =	simm.s32 $0x108;
	s8 =	sld [smem:$0x3FA9]  }
0x2e: {  	s3 =	simm.s32 @!p0 $0x1082;
	s9 =	sld [smem:$0x3FAA]  }
0x2f: {  	lr =	sadd.s32 s0, s3;
	s0 =	sld [smem:$0x3FA1]  }
0x30: {  	s3 =	sld [smem:$0x3FA4]  }
0x31: {  	[smem:$0x3FAD] =	sst s10  }
0x32: {  	s10 =	sld [smem:$0x3FAB];
	_ =	sdelay $0x3  }
0x33: {  	p0 =	seq.s32 s10, $0x1;
	s10 =	sld [smem:$0x3FAD];
	_ =	sdelay $0x3  }
0x34: {  	[smem:$0x3FAD] =	sst s10  }
0x35: {  	s10 =	sld [smem:$0x3FAC];
	_ =	sdelay $0x3  }
0x36: {  	p1 =	seq.s32 s10, $0x1;
	s10 =	sld [smem:$0x3FAD];
	_ =	sdelay $0x3  }
0x37: {  	[smem:$0x3FAD] =	sst s10  }
0x38: {  	s10 =	sld [smem:$0x3FAE]  }
0x39: {  	_ = 	snop;
	(pc) =	sbr.ind lr, $3  }
0x3a: {  	_ = 	snop  }
0x3b: {  	_ = 	snop  }
0x3c: {  	p2 =	seq.s32 s10, $0x1;
	s10 =	sld [smem:$0x3FAD]  }
0x3d: {  	_ =	shalt  }
0x3e: {  	_ =	shalt  }
0x3f: {  	_ =	shalt  }
0x40: {  	_ =	shalt  }
0x41: {  	_ =	shalt  }
0x42: {  	_ =	shalt  }
0x43: {  	_ =	shalt  }
0x44: {  	_ =	shalt  }
0x45: {  	_ =	shalt  }
0x46: {  	_ =	shalt  }
0x47: {  	_ =	shalt  }
0x48: {  	_ =	shalt  }
0x49: {  	_ =	shalt  }
0x4a: {  	_ =	shalt  }
0x4b: {  	_ =	shalt  }
0x4c: {  	_ =	shalt  }
0x4d: {  	_ =	shalt  }
0x4e: {  	_ =	shalt  }
0x4f: {  	_ =	shalt  }
0x50: {  	_ =	shalt  }
0x51: {  	_ =	shalt  }
0x52: {  	_ =	shalt  }
0x53: {  	_ =	shalt  }
0x54: {  	_ =	shalt  }
0x55: {  	_ =	shalt  }
0x56: {  	_ =	shalt  }
0x57: {  	_ =	shalt  }
0x58: {  	_ =	shalt  }
0x59: {  	_ =	shalt  }
0x5a: {  	_ =	shalt  }
0x5b: {  	_ =	shalt  }
0x5c: {  	_ =	shalt  }
0x5d: {  	_ =	shalt  }
0x5e: {  	_ =	shalt  }
0x5f: {  	_ =	shalt  }
0x60: {  	_ =	shalt  }
0x61: {  	_ =	shalt  }
0x62: {  	_ =	shalt  }
0x63: {  	_ =	shalt  }
0x64: {  	_ =	shalt  }
0x65: {  	_ =	shalt  }
0x66: {  	_ =	shalt  }
0x67: {  	_ =	shalt  }
0x68: {  	_ =	shalt  }
0x69: {  	_ =	shalt  }
0x6a: {  	_ =	shalt  }
0x6b: {  	_ =	shalt  }
0x6c: {  	_ =	shalt  }
0x6d: {  	_ =	shalt  }
0x6e: {  	_ =	shalt  }
0x6f: {  	_ =	shalt  }
0x70: {  	_ =	shalt  }
0x71: {  	_ =	shalt  }
0x72: {  	_ =	shalt  }
0x73: {  	_ =	shalt  }
0x74: {  	_ =	shalt  }
0x75: {  	_ =	shalt  }
0x76: {  	_ =	shalt  }
0x77: {  	_ =	shalt  }
0x78: {  	_ =	shalt  }
0x79: {  	_ =	shalt  }
0x7a: {  	_ =	shalt  }
0x7b: {  	_ =	shalt  }
0x7c: {  	_ =	shalt  }
0x7d: {  	_ =	shalt  }
0x7e: {  	_ =	shalt  }
0x7f: {  	_ =	shalt  }
0x80: {  	_ =	shalt  }
0x81: {  	_ =	shalt  }
0x82: {  	_ =	shalt  }
0x83: {  	_ =	shalt  }
0x84: {  	_ =	shalt  }
0x85: {  	_ =	shalt  }
0x86: {  	_ =	shalt  }
0x87: {  	_ =	shalt  }
.Lfunc_end0:
.L_simem_size_0:
called_computation.1_lowered:
.L_overlay_start_0:
0x88: {  	s2 =	sld [smem:$0x3FD9]  }
0x89: {  	s3 =	sld [smem:$0x3FFE];
	_ =	sdelay $0x1  }
0x8a: {  	s1 =	srdreg.scid  }
0x8b: {  	s0 =	sand.u32 $0x1, s1  }
0x8c: {  	s17 =	sshll.u32 s0, $0xA;
	s2 =	sadd.s32 s3, s2  }
0x8d: {  	s2 =	sadd.s32 s2, s17  }
0x8e: {  	[smem:$0x3FB9] =	sst s2  }
0x8f: {  	_ = 	snop  }
0x90: {  	s2 =	sld [smem:$0x3FD0];
	(tm) =	ssettm $0x1  }
0x91: {  	s18 =	sld [smem:$0x3FFB];
	_ =	sdelay $0x3  }
0x92: {  	_ =	strace s18  }
0x93: {  	s3 =	sld [smem:$0x3FFC];
	_ =	sdelay $0x3  }
0x94: {  	_ =	strace s3  }
0x95: {  	s3 =	sld [smem:$0x3FFD];
	_ =	sdelay $0x3  }
0x96: {  	_ =	strace s3  }
0x97: {  	_ =	strace $0x8FFFFFFF  }
0x98: {  	s19 =	sld [smem:$0x3FDB];
	_ =	sdelay $0x1  }
0x99: {  	s4 =	simm.s32 $_scs_section_size  }
0x9a: {  	s5 =	simm.s32 $_size__tile_overlayer_lowered;
	s6 =	simm.s32 $_tile_overlayer_lowered  }
0x9b: {  	s22 =	simm.s32 $0x1BFF;
	s21 =	sshll.u32 s6, $0x1;
	s3 =	sadd.s32 s4, s19  }
0x9c: {  	s7 =	simm.s32 $0x0;
	s20 =	sshll.u32 s5, $0x1;
	s5 =	sadd.s32 s21, s3  }
0x9d: {  	[timem:s7], [sflag:s22] =	dma.local [hbm:s5], s20  }
0x9e: {  	_ =	swait.ge [sflag:s22], s20  }
0x9f: {  	s4 =	ssub.s32 $0x0, s20;
	[sflag:s22] =	ssyncset.done $0x0  }
0xa0: {  	[sflag:s22] =	ssyncadd.s32 s4;
	_ =	sdelay $0x1  }
0xa1: {  	s23 =	simm.s32 $0x1B8B  }
0xa2: {  	_ =	swait.ge [sflag:s23], $0x1  }
0xa3: {  	[sflag:s23] =	ssyncset.done $0x0  }
0xa4: {  	s25 =	simm.s32 $0x1B8E;
	s24 =	sld [smem:$0x3FFE];
	[sflag:s23] =	ssyncadd.s32 $0xFFFFFFFF  }
0xa5: {  	s26 =	simm.s32 $execute0_lowered;
	[smem:$0x3FD2] =	sst s25  }
0xa6: {  	s5 =	sshll.u32 s26, $0x1;
	_ =	strace $0x80000049;
	[dreg:$0x1] =	wrdreg $0xFFFFFFFF  }
0xa7: {  	s28 =	simm.s32 $_size_execute0_lowered;
	s3 =	sadd.s32 s3, s5;
	[dreg:$0x0] =	wrdreg $0x0  }
0xa8: {  	s5 =	sshll.u32 s28, $0x1;
	[dreg:$0x2] =	wrdreg s3  }
0xa9: {  	[dreg:$0x3] =	wrdreg s5  }
0xaa: {  	[dreg:$0x4] =	wrdreg $0xC0  }
0xab: {  	_ =	task [dreg:s7], $0x5FFFF  }
0xac: {  	[dreg:$0x1] =	wrdreg $0xFFFFFFFF  }
0xad: {  	[dreg:$0x0] =	wrdreg $0x60  }
0xae: {  	[dreg:$0x2] =	wrdreg s24  }
0xaf: {  	[dreg:$0x3] =	wrdreg s2  }
0xb0: {  	[dreg:$0x4] =	wrdreg $0xA8000  }
0xb1: {  	[dreg:$0x5] =	wrdreg $0x9  }
0xb2: {  	_ =	task.clear_ibuf [dreg:s7], $0x6FFFF;
	_ =	strace $0x90000049  }
0xb3: {  	s29 =	simm.s32 $0x9;
	_ =	strace $0x8000004B  }
0xb4: {  	_ =	swait.ge [sflag:s29], $0x1  }
0xb5: {  	[sflag:s29] =	ssyncadd.s32 $0xFFFFFFFF  }
0xb6: {  	_ =	strace $0x9000004B  }
0xb7: {  	_ =	sfence  }
0xb8: {  	s30 =	sld [smem:$0x0];
	_ =	sdelay $0x2  }
0xb9: {  	s31 =	sshll.u32 s1, $0xD;
	s1 =	sshrl.u32 s1, $0x2  }
0xba: {  	s3 =	sand.u32 $0x4000, s31;
	s1 =	sadd.s32 s1, s30  }
0xbb: {  	s0 =	sor.u32 s3, s0;
	s1 =	sshll.u32 s1, $0x11  }
0xbc: {  	s0 =	sor.u32 s1, s0  }
0xbd: {  	s0 =	sadd.s32 $0x8F2B, s0  }
0xbe: {  	[sflag:s0] =	ssyncadd.remote.s32 $0x1  }
0xbf: {  	_ =	sfence.sel $0xFFFF  }
0xc0: {  	[dreg:$0x0] =	wrdreg $0xFFFFFFFF;
	(pc) =	sbr.abs _section_cstart, $3  }
0xc1: {  	[dreg:$0x1] =	wrdreg $0xFFFFFFFF  }
0xc2: {  	_ =	task.clear_ibuf [dreg:s7], $0x2FFFF;
	_ =	strace $0x9FFFFFFF  }
0xc3: {  	(tm) =	ssettm $0x7FFFFFFF  }
tec
execute0_lowered:
.L_overlay_start_1:
0x0: {  	(tag) =	ssettag $0x1  }
0x1: {  	s0 =	rddreg [dreg:$0x0]  }
0x2: {  	s1 =	rddreg [dreg:$0x1]  }
0x3: {  	s2 =	rddreg [dreg:$0x2]  }
0x4: {  	s3 =	simm.s32 $0x0;
	s4 =	srdreg.scid;
	s11 =	stileid.u32  }
0x5: {  	s28 =	simm.s32 $0x2;
	s29 =	simm.s32 $0x2700;
	s30 =	simm.s32 $0x2780  }
0x6: {  	s31 =	simm.s32 $0x0;
	[smem:$0x7FF] =	sst s3;
	s5 =	sadd.s32 $0x14F600, s0  }
0x7: {  	s4 =	sand.u32 $0x1, s4;
	s9 =	smul.u32 $0x14000, s11;
	_ =	strace $0x8000004A  }
0x8: {  	s6 =	sshll.u32 s4, $0x4;
	s8 =	smul.u32 $0x140000, s4;
	s4 =	ssub.s32 $0x2, s4  }
0x9: {  	s7 =	sor.u32 s11, s6;
	s6 =	sadd.s32 $0x127600, s0;
	s11 =	smul.u32 $0x50000, s11  }
0xa: {  	s21 =	sshrl.u32 s4, $0x1;
	s10 =	smul.u32 $0x280, s7;
	s7 =	sadd.s32 $0x4E00, s0  }
0xb: {  	s9 =	sadd.s32 s9, s8;
	s8 =	sadd.s32 $0x36E00, s0;
	s4 =	ssub.s32 s4, s21  }
0xc: {  	s21 =	simm.s32 $0x3;
	s9 =	sshrl.u32 s9, $0x3;
	s12 =	sadd.s32 s10, s0  }
0xd: {  	s20 =	sshrl.u32 s11, $0x2;
	s0 =	sadd.s32 s9, s0;
	s10 =	sadd.s32 $0x31E00, s12  }
0xe: {  	s22 =	sadd.s32 $0x2CE00, s12;
	[dreg:$0x4] =	wrdreg s10;
	s10 =	sadd.s32 s20, s2  }
0xf: {  	s16 =	sadd.s32 $0x177600, s0;
	[dreg:$0x5] =	wrdreg s22;
	s23 =	sadd.s32 $0x4000, s10  }
0x10: {  	s17 =	sadd.s32 $0x1C7600, s0;
	s24 =	sadd.s32 $0x8000, s10;
	[dreg:$0x6] =	wrdreg s23  }
0x11: {  	s18 =	sadd.s32 $0x217600, s0;
	s25 =	sadd.s32 $0xC000, s10;
	[dreg:$0x7] =	wrdreg s24  }
0x12: {  	s19 =	sadd.s32 $0x267600, s0;
	s26 =	sadd.s32 $0x10000, s10;
	[dreg:$0x8] =	wrdreg s25  }
0x13: {  	s20 =	smax.u32 s4, $0x1;
	[dreg:$0x9] =	wrdreg s26;
	s23 =	simm.s32 $0x80  }
0x14: {  	s24 =	simm.s32 $0x2800;
	s25 =	simm.s32 $0x6800;
	s26 =	simm.s32 $0x1  }
.LBB2_1:
0x15: {  	s0 =	rddreg [dreg:$0x4]  }
0x16: {  	[tilespmem:s3], [sflag:$0x3] =	stream.linear.gather [hbm4b:s0+s3], $0x1400, $0x38;
	[tilespmem:$0x1E800] =	vst v63  }
0x17: {  	_ =	swait.ge [sflag:s21], $0x1400  }
0x18: {  	[sflag:s21] =	ssyncset.done $0x0  }
0x19: {  	s4 =	simm.s32 $0x1400;
	s11 =	rddreg [dreg:$0x5];
	[sflag:s21] =	ssyncadd.s32 $0xFFFFEC00  }
0x1a: {  	[tilespmem:s4], [sflag:$0x3] =	stream.linear.gather [hbm4b:s11+s3], $0x1400, $0x38;
	[tilespmem:$0x1E800] =	vst v63  }
0x1b: {  	_ =	swait.ge [sflag:s21], $0x1400  }
0x1c: {  	s12 =	stileid.u32;
	[sflag:s21] =	ssyncset.done $0x0  }
0x1d: {  	s0 =	sshll.u32 s12, $0x6;
	[sflag:s21] =	ssyncadd.s32 $0xFFFFEC00  }
0x1e: {  	[tilespmem:s24], [sflag:$0x1] =	stream.indirect.gather [hbm4b:s5+s23], $0x80, s3, s23, $0xb8;
	[tilespmem:$0x1E800] =	vst v63  }
0x1f: {  	s22 =	sshrl.u32 s10, $0x3;
	s0 =	sor.u32 $0x1C03, s0  }
0x20: {  	[tilespmem:s25], [sflag:$0x2] =	stream.indirect.gather [hbm4b:s5+s23], $0x80, s23, s23, $0xb8;
	[tilespmem:$0x1E800] =	vst v63  }
0x21: {  	[spmem:s22], [sflag:s0] =	dma.local [hbm:s8], $0x800  }
0x22: {  	_ =	swait.ge [sflag:s21], $0x800  }
0x23: {  	[sflag:s21] =	ssyncset.done $0x0;
	s13 =	rddreg [dreg:$0x6]  }
0x24: {  	[sflag:s21] =	ssyncadd.s32 $0xFFFFF800;
	s4 =	sshrl.u32 s13, $0x3  }
0x25: {  	[spmem:s4], [sflag:s0] =	dma.local [hbm:s8], $0x800  }
0x26: {  	_ =	swait.ge [sflag:s21], $0x800  }
0x27: {  	[sflag:s21] =	ssyncset.done $0x0;
	s9 =	rddreg [dreg:$0x7]  }
0x28: {  	[sflag:s21] =	ssyncadd.s32 $0xFFFFF800;
	s9 =	sshrl.u32 s9, $0x3  }
0x29: {  	[spmem:s9], [sflag:s0] =	dma.local [hbm:s8], $0x800  }
0x2a: {  	_ =	swait.ge [sflag:s21], $0x800  }
0x2b: {  	[sflag:s21] =	ssyncset.done $0x0;
	s11 =	rddreg [dreg:$0x8]  }
0x2c: {  	[sflag:s21] =	ssyncadd.s32 $0xFFFFF800;
	s11 =	sshrl.u32 s11, $0x3  }
0x2d: {  	[spmem:s11], [sflag:s0] =	dma.local [hbm:s8], $0x800  }
0x2e: {  	_ =	swait.ge [sflag:s21], $0x800  }
0x2f: {  	[sflag:s21] =	ssyncset.done $0x0;
	s12 =	rddreg [dreg:$0x9]  }
0x30: {  	[sflag:s21] =	ssyncadd.s32 $0xFFFFF800;
	s12 =	sshrl.u32 s12, $0x3  }
0x31: {  	[spmem:s12], [sflag:s0] =	dma.local [hbm:s8], $0x800  }
0x32: {  	_ =	swait.ge [sflag:s21], $0x800  }
0x33: {  	[sflag:s21] =	ssyncset.done $0x0  }
0x34: {  	[sflag:s21] =	ssyncadd.s32 $0xFFFFF800  }
0x35: {  	[bflag:$0x0] =	sbarrier.arrive $0xFFFF  }
0x36: {  	_ =	swait.ge [sflag:s26], $0x4000  }
0x37: {  	[sflag:s26] =	ssyncset.done $0x0  }
0x38: {  	s13 =	simm.s32 $0x1400;
	[sflag:s26] =	ssyncadd.s32 $0xFFFFC000  }
0x39: {  	[spmem:s2] =	stream.indirect.scatter.add.f32 [tilespmem:s24], [sflag:$0x3], $0x80, s13, s23, $0xb8;
	[tilespmem:$0x1E800] =	vst v63  }
0x3a: {  	_ =	swait.ge [sflag:s21], $0x4000  }
0x3b: {  	[sflag:s21] =	ssyncset.done $0x0  }
0x3c: {  	s14 =	simm.s32 $0x100;
	[sflag:s21] =	ssyncadd.s32 $0xFFFFC000  }
0x3d: {  	[tilespmem:s24], [sflag:$0x1] =	stream.indirect.gather [hbm4b:s5+s23], $0x80, s14, s23, $0xb8;
	[tilespmem:$0x1E800] =	vst v63  }
0x3e: {  	_ =	swait.ge [sflag:s28], $0x4000  }
0x3f: {  	[sflag:s28] =	ssyncset.done $0x0  }
0x40: {  	s15 =	simm.s32 $0x1480;
	[sflag:s28] =	ssyncadd.s32 $0xFFFFC000  }
0x41: {  	[spmem:s2] =	stream.indirect.scatter.add.f32 [tilespmem:s25], [sflag:$0x3], $0x80, s15, s23, $0xb8;
	[tilespmem:$0x1E800] =	vst v63  }
0x42: {  	_ =	swait.ge [sflag:s21], $0x4000  }
0x43: {  	[sflag:s21] =	ssyncset.done $0x0  }
0x44: {  	s13 =	simm.s32 $0x400;
	s14 =	simm.s32 $0x180;
	[sflag:s21] =	ssyncadd.s32 $0xFFFFC000  }
.LBB2_2:
0x45: {  	[tilespmem:s25], [sflag:$0x2] =	stream.indirect.gather [hbm4b:s5+s23], $0x80, s14, s23, $0xb8;
	[tilespmem:$0x1E800] =	vst v63  }
0x46: {  	s14 =	smov.u32 s13  }
0x47: {  	p0 =	sne.s32 s13, $0x4800;
	s13 =	sadd.s32 $0x400, s13;
	_ =	swait.ge [sflag:s26], $0x4000  }
0x48: {  	s14 =	sshra.s32 s14, $0x2;
	[sflag:s26] =	ssyncset.done $0x0  }
0x49: {  	s15 =	sadd.s32 $0x1400, s14;
	[sflag:s26] =	ssyncadd.s32 $0xFFFFC000  }
0x4a: {  	[spmem:s2] =	stream.indirect.scatter.add.f32 [tilespmem:s24], [sflag:$0x3], $0x80, s15, s23, $0xb8;
	[tilespmem:$0x1E800] =	vst v63  }
0x4b: {  	_ =	swait.ge [sflag:s21], $0x4000  }
0x4c: {  	[sflag:s21] =	ssyncset.done $0x0  }
0x4d: {  	s15 =	sadd.s32 $0x100, s14;
	[sflag:s21] =	ssyncadd.s32 $0xFFFFC000  }
0x4e: {  	[tilespmem:s24], [sflag:$0x1] =	stream.indirect.gather [hbm4b:s5+s23], $0x80, s15, s23, $0xb8;
	[tilespmem:$0x1E800] =	vst v63  }
0x4f: {  	_ =	swait.ge [sflag:s28], $0x4000  }
0x50: {  	[sflag:s28] =	ssyncset.done $0x0  }
.Ltmp0:
0x51: {  	s15 =	sadd.s32 $0x1480, s14;
	[sflag:s28] =	ssyncadd.s32 $0xFFFFC000;
	(pc) =	sbr.rel @p0 .LBB2_2-.Ltmp0, $4  }
0x52: {  	[spmem:s2] =	stream.indirect.scatter.add.f32 [tilespmem:s25], [sflag:$0x3], $0x80, s15, s23, $0xb8;
	[tilespmem:$0x1E800] =	vst v63  }
0x53: {  	_ =	swait.ge [sflag:s21], $0x4000  }
0x54: {  	[sflag:s21] =	ssyncset.done $0x0  }
0x55: {  	s14 =	sadd.s32 $0x180, s14;
	[sflag:s21] =	ssyncadd.s32 $0xFFFFC000  }
0x56: {  	[tilespmem:s25], [sflag:$0x2] =	stream.indirect.gather [hbm4b:s5+s23], $0x80, s14, s23, $0xb8;
	[tilespmem:$0x1E800] =	vst v63  }
0x57: {  	_ =	swait.ge [sflag:s26], $0x4000  }
0x58: {  	[sflag:s26] =	ssyncset.done $0x0  }
0x59: {  	[sflag:s26] =	ssyncadd.s32 $0xFFFFC000  }
0x5a: {  	[spmem:s2] =	stream.indirect.scatter.add.f32 [tilespmem:s24], [sflag:$0x3], $0x80, s29, s23, $0xb8;
	[tilespmem:$0x1E800] =	vst v63  }
0x5b: {  	_ =	swait.ge [sflag:s21], $0x4000  }
0x5c: {  	[sflag:s21] =	ssyncset.done $0x0  }
0x5d: {  	[sflag:s21] =	ssyncadd.s32 $0xFFFFC000  }
0x5e: {  	_ =	swait.ge [sflag:s28], $0x4000  }
0x5f: {  	[sflag:s28] =	ssyncset.done $0x0  }
0x60: {  	[sflag:s28] =	ssyncadd.s32 $0xFFFFC000  }
0x61: {  	[spmem:s2] =	stream.indirect.scatter.add.f32 [tilespmem:s25], [sflag:$0x3], $0x80, s30, s23, $0xb8;
	[tilespmem:$0x1E800] =	vst v63  }
0x62: {  	_ =	swait.ge [sflag:s21], $0x4000  }
0x63: {  	[sflag:s21] =	ssyncset.done $0x0  }
0x64: {  	[sflag:s21] =	ssyncadd.s32 $0xFFFFC000  }
0x65: {  	[bflag:$0x0] =	sbarrier.arrive $0xFFFF  }
0x66: {  	[hbm:s16], [sflag:s0] =	dma.local [spmem:s22], $0x2800  }
0x67: {  	_ =	swait.ge [sflag:s21], $0x2800  }
0x68: {  	[sflag:s21] =	ssyncset.done $0x0  }
0x69: {  	[sflag:s21] =	ssyncadd.s32 $0xFFFFD800  }
0x6a: {  	s13 =	simm.s32 $0x0;
	[bflag:$0x0] =	sbarrier.arrive $0xFFFF  }
0x6b: {  	[tilespmem:s24], [sflag:$0x1] =	stream.indirect.gather [hbm4b:s6+s23], $0x80, s13, s23, $0xb8;
	[tilespmem:$0x1E800] =	vst v63  }
0x6c: {  	_ = 	snop  }
0x6d: {  	[tilespmem:s25], [sflag:$0x2] =	stream.indirect.gather [hbm4b:s6+s23], $0x80, s23, s23, $0xb8;
	[tilespmem:$0x1E800] =	vst v63  }
0x6e: {  	[spmem:s22], [sflag:s0] =	dma.local [hbm:s8], $0x800  }
0x6f: {  	_ =	swait.ge [sflag:s21], $0x800  }
0x70: {  	[sflag:s21] =	ssyncset.done $0x0  }
0x71: {  	[sflag:s21] =	ssyncadd.s32 $0xFFFFF800  }
0x72: {  	[spmem:s4], [sflag:s0] =	dma.local [hbm:s8], $0x800  }
0x73: {  	_ =	swait.ge [sflag:s21], $0x800  }
0x74: {  	[sflag:s21] =	ssyncset.done $0x0  }
0x75: {  	[sflag:s21] =	ssyncadd.s32 $0xFFFFF800  }
0x76: {  	[spmem:s9], [sflag:s0] =	dma.local [hbm:s8], $0x800  }
0x77: {  	_ =	swait.ge [sflag:s21], $0x800  }
0x78: {  	[sflag:s21] =	ssyncset.done $0x0  }
0x79: {  	[sflag:s21] =	ssyncadd.s32 $0xFFFFF800  }
0x7a: {  	[spmem:s11], [sflag:s0] =	dma.local [hbm:s8], $0x800  }
0x7b: {  	_ =	swait.ge [sflag:s21], $0x800  }
0x7c: {  	[sflag:s21] =	ssyncset.done $0x0  }
0x7d: {  	[sflag:s21] =	ssyncadd.s32 $0xFFFFF800  }
0x7e: {  	[spmem:s12], [sflag:s0] =	dma.local [hbm:s8], $0x800  }
0x7f: {  	_ =	swait.ge [sflag:s21], $0x800  }
0x80: {  	[sflag:s21] =	ssyncset.done $0x0  }
0x81: {  	[sflag:s21] =	ssyncadd.s32 $0xFFFFF800  }
0x82: {  	[bflag:$0x0] =	sbarrier.arrive $0xFFFF  }
0x83: {  	_ =	swait.ge [sflag:s26], $0x4000  }
0x84: {  	[sflag:s26] =	ssyncset.done $0x0  }
0x85: {  	s15 =	simm.s32 $0x1400;
	[sflag:s26] =	ssyncadd.s32 $0xFFFFC000  }
0x86: {  	[spmem:s2] =	stream.indirect.scatter.add.f32 [tilespmem:s24], [sflag:$0x3], $0x80, s15, s23, $0xb8;
	[tilespmem:$0x1E800] =	vst v63  }
0x87: {  	_ =	swait.ge [sflag:s21], $0x4000  }
0x88: {  	[sflag:s21] =	ssyncset.done $0x0  }
0x89: {  	s14 =	simm.s32 $0x100;
	[sflag:s21] =	ssyncadd.s32 $0xFFFFC000  }
0x8a: {  	[tilespmem:s24], [sflag:$0x1] =	stream.indirect.gather [hbm4b:s6+s23], $0x80, s14, s23, $0xb8;
	[tilespmem:$0x1E800] =	vst v63  }
0x8b: {  	_ =	swait.ge [sflag:s28], $0x4000  }
0x8c: {  	[sflag:s28] =	ssyncset.done $0x0  }
0x8d: {  	s15 =	simm.s32 $0x1480;
	[sflag:s28] =	ssyncadd.s32 $0xFFFFC000  }
0x8e: {  	[spmem:s2] =	stream.indirect.scatter.add.f32 [tilespmem:s25], [sflag:$0x3], $0x80, s15, s23, $0xb8;
	[tilespmem:$0x1E800] =	vst v63  }
0x8f: {  	_ =	swait.ge [sflag:s21], $0x4000  }
0x90: {  	[sflag:s21] =	ssyncset.done $0x0  }
0x91: {  	s13 =	simm.s32 $0x400;
	s14 =	simm.s32 $0x180;
	[sflag:s21] =	ssyncadd.s32 $0xFFFFC000  }
.LBB2_4:
0x92: {  	[tilespmem:s25], [sflag:$0x2] =	stream.indirect.gather [hbm4b:s6+s23], $0x80, s14, s23, $0xb8;
	[tilespmem:$0x1E800] =	vst v63  }
0x93: {  	s14 =	smov.u32 s13  }
0x94: {  	p0 =	sne.s32 s13, $0x4800;
	s13 =	sadd.s32 $0x400, s13;
	_ =	swait.ge [sflag:s26], $0x4000  }
0x95: {  	s14 =	sshra.s32 s14, $0x2;
	[sflag:s26] =	ssyncset.done $0x0  }
0x96: {  	s15 =	sadd.s32 $0x1400, s14;
	[sflag:s26] =	ssyncadd.s32 $0xFFFFC000  }
0x97: {  	[spmem:s2] =	stream.indirect.scatter.add.f32 [tilespmem:s24], [sflag:$0x3], $0x80, s15, s23, $0xb8;
	[tilespmem:$0x1E800] =	vst v63  }
0x98: {  	_ =	swait.ge [sflag:s21], $0x4000  }
0x99: {  	[sflag:s21] =	ssyncset.done $0x0  }
0x9a: {  	s15 =	sadd.s32 $0x100, s14;
	[sflag:s21] =	ssyncadd.s32 $0xFFFFC000  }
0x9b: {  	[tilespmem:s24], [sflag:$0x1] =	stream.indirect.gather [hbm4b:s6+s23], $0x80, s15, s23, $0xb8;
	[tilespmem:$0x1E800] =	vst v63  }
0x9c: {  	_ =	swait.ge [sflag:s28], $0x4000  }
0x9d: {  	[sflag:s28] =	ssyncset.done $0x0  }
.Ltmp1:
0x9e: {  	s15 =	sadd.s32 $0x1480, s14;
	[sflag:s28] =	ssyncadd.s32 $0xFFFFC000;
	(pc) =	sbr.rel @p0 .LBB2_4-.Ltmp1, $4  }
0x9f: {  	[spmem:s2] =	stream.indirect.scatter.add.f32 [tilespmem:s25], [sflag:$0x3], $0x80, s15, s23, $0xb8;
	[tilespmem:$0x1E800] =	vst v63  }
0xa0: {  	_ =	swait.ge [sflag:s21], $0x4000  }
0xa1: {  	[sflag:s21] =	ssyncset.done $0x0  }
0xa2: {  	s14 =	sadd.s32 $0x180, s14;
	[sflag:s21] =	ssyncadd.s32 $0xFFFFC000  }
0xa3: {  	[tilespmem:s25], [sflag:$0x2] =	stream.indirect.gather [hbm4b:s6+s23], $0x80, s14, s23, $0xb8;
	[tilespmem:$0x1E800] =	vst v63  }
0xa4: {  	_ =	swait.ge [sflag:s26], $0x4000  }
0xa5: {  	[sflag:s26] =	ssyncset.done $0x0  }
0xa6: {  	[sflag:s26] =	ssyncadd.s32 $0xFFFFC000  }
0xa7: {  	[spmem:s2] =	stream.indirect.scatter.add.f32 [tilespmem:s24], [sflag:$0x3], $0x80, s29, s23, $0xb8;
	[tilespmem:$0x1E800] =	vst v63  }
0xa8: {  	_ =	swait.ge [sflag:s21], $0x4000  }
0xa9: {  	[sflag:s21] =	ssyncset.done $0x0  }
0xaa: {  	[sflag:s21] =	ssyncadd.s32 $0xFFFFC000  }
0xab: {  	_ =	swait.ge [sflag:s28], $0x4000  }
0xac: {  	[sflag:s28] =	ssyncset.done $0x0  }
0xad: {  	[sflag:s28] =	ssyncadd.s32 $0xFFFFC000  }
0xae: {  	[spmem:s2] =	stream.indirect.scatter.add.f32 [tilespmem:s25], [sflag:$0x3], $0x80, s30, s23, $0xb8;
	[tilespmem:$0x1E800] =	vst v63  }
0xaf: {  	_ =	swait.ge [sflag:s21], $0x4000  }
0xb0: {  	[sflag:s21] =	ssyncset.done $0x0  }
0xb1: {  	[sflag:s21] =	ssyncadd.s32 $0xFFFFC000  }
0xb2: {  	[bflag:$0x0] =	sbarrier.arrive $0xFFFF  }
0xb3: {  	[hbm:s17], [sflag:s0] =	dma.local [spmem:s22], $0x2800  }
0xb4: {  	_ =	swait.ge [sflag:s21], $0x2800  }
0xb5: {  	[sflag:s21] =	ssyncset.done $0x0  }
0xb6: {  	[sflag:s21] =	ssyncadd.s32 $0xFFFFD800  }
0xb7: {  	s13 =	simm.s32 $0x0;
	[bflag:$0x0] =	sbarrier.arrive $0xFFFF  }
0xb8: {  	[tilespmem:s24], [sflag:$0x1] =	stream.indirect.gather [hbm4b:s7+s23], $0x80, s13, s23, $0xb8;
	[tilespmem:$0x1E800] =	vst v63  }
0xb9: {  	_ = 	snop  }
0xba: {  	[tilespmem:s25], [sflag:$0x2] =	stream.indirect.gather [hbm4b:s7+s23], $0x80, s23, s23, $0xb8;
	[tilespmem:$0x1E800] =	vst v63  }
0xbb: {  	[spmem:s22], [sflag:s0] =	dma.local [hbm:s8], $0x800  }
0xbc: {  	_ =	swait.ge [sflag:s21], $0x800  }
0xbd: {  	[sflag:s21] =	ssyncset.done $0x0  }
0xbe: {  	[sflag:s21] =	ssyncadd.s32 $0xFFFFF800  }
0xbf: {  	[spmem:s4], [sflag:s0] =	dma.local [hbm:s8], $0x800  }
0xc0: {  	_ =	swait.ge [sflag:s21], $0x800  }
0xc1: {  	[sflag:s21] =	ssyncset.done $0x0  }
0xc2: {  	[sflag:s21] =	ssyncadd.s32 $0xFFFFF800  }
0xc3: {  	[spmem:s9], [sflag:s0] =	dma.local [hbm:s8], $0x800  }
0xc4: {  	_ =	swait.ge [sflag:s21], $0x800  }
0xc5: {  	[sflag:s21] =	ssyncset.done $0x0  }
0xc6: {  	[sflag:s21] =	ssyncadd.s32 $0xFFFFF800  }
0xc7: {  	[spmem:s11], [sflag:s0] =	dma.local [hbm:s8], $0x800  }
0xc8: {  	_ =	swait.ge [sflag:s21], $0x800  }
0xc9: {  	[sflag:s21] =	ssyncset.done $0x0  }
0xca: {  	[sflag:s21] =	ssyncadd.s32 $0xFFFFF800  }
0xcb: {  	[spmem:s12], [sflag:s0] =	dma.local [hbm:s8], $0x800  }
0xcc: {  	_ =	swait.ge [sflag:s21], $0x800  }
0xcd: {  	[sflag:s21] =	ssyncset.done $0x0  }
0xce: {  	[sflag:s21] =	ssyncadd.s32 $0xFFFFF800  }
0xcf: {  	[bflag:$0x0] =	sbarrier.arrive $0xFFFF  }
0xd0: {  	_ =	swait.ge [sflag:s26], $0x4000  }
0xd1: {  	[sflag:s26] =	ssyncset.done $0x0  }
0xd2: {  	s15 =	simm.s32 $0x1400;
	[sflag:s26] =	ssyncadd.s32 $0xFFFFC000  }
0xd3: {  	[spmem:s2] =	stream.indirect.scatter.add.f32 [tilespmem:s24], [sflag:$0x3], $0x80, s15, s23, $0xb8;
	[tilespmem:$0x1E800] =	vst v63  }
0xd4: {  	_ =	swait.ge [sflag:s21], $0x4000  }
0xd5: {  	[sflag:s21] =	ssyncset.done $0x0  }
0xd6: {  	s14 =	simm.s32 $0x100;
	[sflag:s21] =	ssyncadd.s32 $0xFFFFC000  }
0xd7: {  	[tilespmem:s24], [sflag:$0x1] =	stream.indirect.gather [hbm4b:s7+s23], $0x80, s14, s23, $0xb8;
	[tilespmem:$0x1E800] =	vst v63  }
0xd8: {  	_ =	swait.ge [sflag:s28], $0x4000  }
0xd9: {  	[sflag:s28] =	ssyncset.done $0x0  }
0xda: {  	s15 =	simm.s32 $0x1480;
	[sflag:s28] =	ssyncadd.s32 $0xFFFFC000  }
0xdb: {  	[spmem:s2] =	stream.indirect.scatter.add.f32 [tilespmem:s25], [sflag:$0x3], $0x80, s15, s23, $0xb8;
	[tilespmem:$0x1E800] =	vst v63  }
0xdc: {  	_ =	swait.ge [sflag:s21], $0x4000  }
0xdd: {  	[sflag:s21] =	ssyncset.done $0x0  }
0xde: {  	s13 =	simm.s32 $0x400;
	s14 =	simm.s32 $0x180;
	[sflag:s21] =	ssyncadd.s32 $0xFFFFC000  }
.LBB2_6:
0xdf: {  	[tilespmem:s25], [sflag:$0x2] =	stream.indirect.gather [hbm4b:s7+s23], $0x80, s14, s23, $0xb8;
	[tilespmem:$0x1E800] =	vst v63  }
0xe0: {  	s14 =	smov.u32 s13  }
0xe1: {  	p0 =	sne.s32 s13, $0x4800;
	s13 =	sadd.s32 $0x400, s13;
	_ =	swait.ge [sflag:s26], $0x4000  }
0xe2: {  	s14 =	sshra.s32 s14, $0x2;
	[sflag:s26] =	ssyncset.done $0x0  }
0xe3: {  	s15 =	sadd.s32 $0x1400, s14;
	[sflag:s26] =	ssyncadd.s32 $0xFFFFC000  }
0xe4: {  	[spmem:s2] =	stream.indirect.scatter.add.f32 [tilespmem:s24], [sflag:$0x3], $0x80, s15, s23, $0xb8;
	[tilespmem:$0x1E800] =	vst v63  }
0xe5: {  	_ =	swait.ge [sflag:s21], $0x4000  }
0xe6: {  	[sflag:s21] =	ssyncset.done $0x0  }
0xe7: {  	s15 =	sadd.s32 $0x100, s14;
	[sflag:s21] =	ssyncadd.s32 $0xFFFFC000  }
0xe8: {  	[tilespmem:s24], [sflag:$0x1] =	stream.indirect.gather [hbm4b:s7+s23], $0x80, s15, s23, $0xb8;
	[tilespmem:$0x1E800] =	vst v63  }
0xe9: {  	_ =	swait.ge [sflag:s28], $0x4000  }
0xea: {  	[sflag:s28] =	ssyncset.done $0x0  }
.Ltmp2:
0xeb: {  	s15 =	sadd.s32 $0x1480, s14;
	[sflag:s28] =	ssyncadd.s32 $0xFFFFC000;
	(pc) =	sbr.rel @p0 .LBB2_6-.Ltmp2, $4  }
0xec: {  	[spmem:s2] =	stream.indirect.scatter.add.f32 [tilespmem:s25], [sflag:$0x3], $0x80, s15, s23, $0xb8;
	[tilespmem:$0x1E800] =	vst v63  }
0xed: {  	_ =	swait.ge [sflag:s21], $0x4000  }
0xee: {  	[sflag:s21] =	ssyncset.done $0x0  }
0xef: {  	s14 =	sadd.s32 $0x180, s14;
	[sflag:s21] =	ssyncadd.s32 $0xFFFFC000  }
0xf0: {  	[tilespmem:s25], [sflag:$0x2] =	stream.indirect.gather [hbm4b:s7+s23], $0x80, s14, s23, $0xb8;
	[tilespmem:$0x1E800] =	vst v63  }
0xf1: {  	_ =	swait.ge [sflag:s26], $0x4000  }
0xf2: {  	[sflag:s26] =	ssyncset.done $0x0  }
0xf3: {  	[sflag:s26] =	ssyncadd.s32 $0xFFFFC000  }
0xf4: {  	[spmem:s2] =	stream.indirect.scatter.add.f32 [tilespmem:s24], [sflag:$0x3], $0x80, s29, s23, $0xb8;
	[tilespmem:$0x1E800] =	vst v63  }
0xf5: {  	_ =	swait.ge [sflag:s21], $0x4000  }
0xf6: {  	[sflag:s21] =	ssyncset.done $0x0  }
0xf7: {  	[sflag:s21] =	ssyncadd.s32 $0xFFFFC000  }
0xf8: {  	_ =	swait.ge [sflag:s28], $0x4000  }
0xf9: {  	[sflag:s28] =	ssyncset.done $0x0  }
0xfa: {  	[sflag:s28] =	ssyncadd.s32 $0xFFFFC000  }
0xfb: {  	[spmem:s2] =	stream.indirect.scatter.add.f32 [tilespmem:s25], [sflag:$0x3], $0x80, s30, s23, $0xb8;
	[tilespmem:$0x1E800] =	vst v63  }
0xfc: {  	_ =	swait.ge [sflag:s21], $0x4000  }
0xfd: {  	[sflag:s21] =	ssyncset.done $0x0  }
0xfe: {  	[sflag:s21] =	ssyncadd.s32 $0xFFFFC000  }
0xff: {  	[bflag:$0x0] =	sbarrier.arrive $0xFFFF  }
0x100: {  	[hbm:s18], [sflag:s0] =	dma.local [spmem:s22], $0x2800  }
0x101: {  	_ =	swait.ge [sflag:s21], $0x2800  }
0x102: {  	[sflag:s21] =	ssyncset.done $0x0  }
0x103: {  	[sflag:s21] =	ssyncadd.s32 $0xFFFFD800  }
0x104: {  	s13 =	simm.s32 $0x0;
	[bflag:$0x0] =	sbarrier.arrive $0xFFFF  }
0x105: {  	[tilespmem:s24], [sflag:$0x1] =	stream.indirect.gather [hbm4b:s1+s23], $0x80, s13, s23, $0xb8;
	[tilespmem:$0x1E800] =	vst v63  }
0x106: {  	_ = 	snop  }
0x107: {  	[tilespmem:s25], [sflag:$0x2] =	stream.indirect.gather [hbm4b:s1+s23], $0x80, s23, s23, $0xb8;
	[tilespmem:$0x1E800] =	vst v63  }
0x108: {  	[spmem:s22], [sflag:s0] =	dma.local [hbm:s8], $0x800  }
0x109: {  	_ =	swait.ge [sflag:s21], $0x800  }
0x10a: {  	[sflag:s21] =	ssyncset.done $0x0  }
0x10b: {  	[sflag:s21] =	ssyncadd.s32 $0xFFFFF800  }
0x10c: {  	[spmem:s4], [sflag:s0] =	dma.local [hbm:s8], $0x800  }
0x10d: {  	_ =	swait.ge [sflag:s21], $0x800  }
0x10e: {  	[sflag:s21] =	ssyncset.done $0x0  }
0x10f: {  	[sflag:s21] =	ssyncadd.s32 $0xFFFFF800  }
0x110: {  	[spmem:s9], [sflag:s0] =	dma.local [hbm:s8], $0x800  }
0x111: {  	_ =	swait.ge [sflag:s21], $0x800  }
0x112: {  	[sflag:s21] =	ssyncset.done $0x0  }
0x113: {  	[sflag:s21] =	ssyncadd.s32 $0xFFFFF800  }
0x114: {  	[spmem:s11], [sflag:s0] =	dma.local [hbm:s8], $0x800  }
0x115: {  	_ =	swait.ge [sflag:s21], $0x800  }
0x116: {  	[sflag:s21] =	ssyncset.done $0x0  }
0x117: {  	[sflag:s21] =	ssyncadd.s32 $0xFFFFF800  }
0x118: {  	[spmem:s12], [sflag:s0] =	dma.local [hbm:s8], $0x800  }
0x119: {  	_ =	swait.ge [sflag:s21], $0x800  }
0x11a: {  	[sflag:s21] =	ssyncset.done $0x0  }
0x11b: {  	[sflag:s21] =	ssyncadd.s32 $0xFFFFF800  }
0x11c: {  	[bflag:$0x0] =	sbarrier.arrive $0xFFFF  }
0x11d: {  	_ =	swait.ge [sflag:s26], $0x4000  }
0x11e: {  	[sflag:s26] =	ssyncset.done $0x0  }
0x11f: {  	s13 =	simm.s32 $0x1400;
	[sflag:s26] =	ssyncadd.s32 $0xFFFFC000  }
0x120: {  	[spmem:s2] =	stream.indirect.scatter.add.f32 [tilespmem:s24], [sflag:$0x3], $0x80, s13, s23, $0xb8;
	[tilespmem:$0x1E800] =	vst v63  }
0x121: {  	_ =	swait.ge [sflag:s21], $0x4000  }
0x122: {  	[sflag:s21] =	ssyncset.done $0x0  }
0x123: {  	s14 =	simm.s32 $0x100;
	[sflag:s21] =	ssyncadd.s32 $0xFFFFC000  }
0x124: {  	[tilespmem:s24], [sflag:$0x1] =	stream.indirect.gather [hbm4b:s1+s23], $0x80, s14, s23, $0xb8;
	[tilespmem:$0x1E800] =	vst v63  }
0x125: {  	_ =	swait.ge [sflag:s28], $0x4000  }
0x126: {  	[sflag:s28] =	ssyncset.done $0x0  }
0x127: {  	s15 =	simm.s32 $0x1480;
	[sflag:s28] =	ssyncadd.s32 $0xFFFFC000  }
0x128: {  	[spmem:s2] =	stream.indirect.scatter.add.f32 [tilespmem:s25], [sflag:$0x3], $0x80, s15, s23, $0xb8;
	[tilespmem:$0x1E800] =	vst v63  }
0x129: {  	_ =	swait.ge [sflag:s21], $0x4000  }
0x12a: {  	[sflag:s21] =	ssyncset.done $0x0  }
0x12b: {  	s4 =	simm.s32 $0x400;
	s9 =	simm.s32 $0x180;
	[sflag:s21] =	ssyncadd.s32 $0xFFFFC000  }
.LBB2_8:
0x12c: {  	[tilespmem:s25], [sflag:$0x2] =	stream.indirect.gather [hbm4b:s1+s23], $0x80, s9, s23, $0xb8;
	[tilespmem:$0x1E800] =	vst v63  }
0x12d: {  	s9 =	smov.u32 s4  }
0x12e: {  	p0 =	sne.s32 s4, $0x4800;
	s4 =	sadd.s32 $0x400, s4;
	_ =	swait.ge [sflag:s26], $0x4000  }
0x12f: {  	s9 =	sshra.s32 s9, $0x2;
	[sflag:s26] =	ssyncset.done $0x0  }
0x130: {  	s11 =	sadd.s32 $0x1400, s9;
	[sflag:s26] =	ssyncadd.s32 $0xFFFFC000  }
0x131: {  	[spmem:s2] =	stream.indirect.scatter.add.f32 [tilespmem:s24], [sflag:$0x3], $0x80, s11, s23, $0xb8;
	[tilespmem:$0x1E800] =	vst v63  }
0x132: {  	_ =	swait.ge [sflag:s21], $0x4000  }
0x133: {  	[sflag:s21] =	ssyncset.done $0x0  }
0x134: {  	s11 =	sadd.s32 $0x100, s9;
	[sflag:s21] =	ssyncadd.s32 $0xFFFFC000  }
0x135: {  	[tilespmem:s24], [sflag:$0x1] =	stream.indirect.gather [hbm4b:s1+s23], $0x80, s11, s23, $0xb8;
	[tilespmem:$0x1E800] =	vst v63  }
0x136: {  	_ =	swait.ge [sflag:s28], $0x4000  }
0x137: {  	[sflag:s28] =	ssyncset.done $0x0  }
.Ltmp3:
0x138: {  	s11 =	sadd.s32 $0x1480, s9;
	[sflag:s28] =	ssyncadd.s32 $0xFFFFC000;
	(pc) =	sbr.rel @p0 .LBB2_8-.Ltmp3, $4  }
0x139: {  	[spmem:s2] =	stream.indirect.scatter.add.f32 [tilespmem:s25], [sflag:$0x3], $0x80, s11, s23, $0xb8;
	[tilespmem:$0x1E800] =	vst v63  }
0x13a: {  	_ =	swait.ge [sflag:s21], $0x4000  }
0x13b: {  	[sflag:s21] =	ssyncset.done $0x0  }
0x13c: {  	s9 =	sadd.s32 $0x180, s9;
	[sflag:s21] =	ssyncadd.s32 $0xFFFFC000  }
0x13d: {  	[tilespmem:s25], [sflag:$0x2] =	stream.indirect.gather [hbm4b:s1+s23], $0x80, s9, s23, $0xb8;
	[tilespmem:$0x1E800] =	vst v63  }
0x13e: {  	_ =	swait.ge [sflag:s26], $0x4000  }
0x13f: {  	[sflag:s26] =	ssyncset.done $0x0  }
0x140: {  	[sflag:s26] =	ssyncadd.s32 $0xFFFFC000  }
0x141: {  	[spmem:s2] =	stream.indirect.scatter.add.f32 [tilespmem:s24], [sflag:$0x3], $0x80, s29, s23, $0xb8;
	[tilespmem:$0x1E800] =	vst v63  }
0x142: {  	_ =	swait.ge [sflag:s21], $0x4000  }
0x143: {  	[sflag:s21] =	ssyncset.done $0x0  }
0x144: {  	[sflag:s21] =	ssyncadd.s32 $0xFFFFC000  }
0x145: {  	_ =	swait.ge [sflag:s28], $0x4000  }
0x146: {  	[sflag:s28] =	ssyncset.done $0x0  }
0x147: {  	[sflag:s28] =	ssyncadd.s32 $0xFFFFC000  }
0x148: {  	[spmem:s2] =	stream.indirect.scatter.add.f32 [tilespmem:s25], [sflag:$0x3], $0x80, s30, s23, $0xb8;
	[tilespmem:$0x1E800] =	vst v63  }
0x149: {  	_ =	swait.ge [sflag:s21], $0x4000  }
0x14a: {  	[sflag:s21] =	ssyncset.done $0x0  }
0x14b: {  	s31 =	sadd.s32 $0x1, s31;
	[sflag:s21] =	ssyncadd.s32 $0xFFFFC000  }
0x14c: {  	p0 =	sne.s32 s31, s20;
	[bflag:$0x0] =	sbarrier.arrive $0xFFFF  }
0x14d: {  	[hbm:s19], [sflag:s0] =	dma.local [spmem:s22], $0x2800  }
.Ltmp4:
0x14e: {  	_ =	swait.ge [sflag:s21], $0x2800;
	(pc) =	sbr.rel @p0 .LBB2_1-.Ltmp4, $3  }
0x14f: {  	[sflag:s21] =	ssyncset.done $0x0  }
0x150: {  	[sflag:s21] =	ssyncadd.s32 $0xFFFFD800  }
0x151: {  	[bflag:$0x0] =	sbarrier.arrive $0xFFFF;
	_ =	sdelay $0x1  }
0x152: {  	_ =	sfence.sel $0x180000  }
0x153: {  	[bflag:$0x0] =	sbarrier.arrive $0xFFFF  }
0x154: {  	_ =	strace $0x9000004A  }
0x155: {  	s0 =	stileid.u32;
	[bflag:$0x2] =	sbarrier.arrive $0xFFFF  }
0x156: {  	p0 =	sne.s32 s0, $0x0;
	s0 =	rddreg [dreg:$0x3]  }
0x157: {  	s0 =	sadd.s32 @!p0 $0x100000, s0  }
0x158: {  	[sflag:s0] =	ssyncadd.tile.s32 @!p0 $0x1;
	_ =	shalt  }
.Lfunc_end2:
_tile_overlayer_lowered:
.L_overlay_start_2:
0x159: {  	(tag) =	ssettag $0x2  }
0x15a: {  	s0 =	rddreg [dreg:$0x0];
	s2 =	stileid.u32  }
0x15b: {  	s1 =	rddreg [dreg:$0x1];
	p0 =	sne.s32 s2, $0x0  }
0x15c: {  	s3 =	rddreg [dreg:$0x2];
	[bflag:$0x3] =	sbarrier.arrive $0xFFFF;
	s2 =	simm.s32 @!p0 $0x1C03  }
0x15d: {  	[timem:s3], [sflag:s2] =	dma.local @!p0 [hbm:s0], s1  }
0x15e: {  	s0 =	simm.s32 @!p0 $0x3  }
0x15f: {  	_ =	swait.ge @!p0 [sflag:s0], s1  }
0x160: {  	s1 =	ssub.s32 @!p0 $0x0, s1;
	[sflag:s0] =	ssyncset.done @!p0 $0x0  }
0x161: {  	[sflag:s0] =	ssyncadd.s32 @!p0 s1  }
0x162: {  	[bflag:$0x3] =	sbarrier.arrive $0xFFFF  }
0x163: {  	_ =	shalt  }

// kernel: kernel.17.cloned.1.call-start
scs
__scs_entry_jumppad:
0x0: {  	(pc) =	sbr.rel $0x88, $3  }
0x1: {  	(tag) =	ssettag $0x0;
	lr =	simm.s32 $0x1  }
0x2: {  	[smem:$0x3F92] =	sst lr;
	_ =	strace $0xD0000000  }
0x3: {  	_ = 	snop  }
0x4: {  	_ = 	snop  }
0x5: {  	_ = 	snop  }
0x6: {  	_ = 	snop  }
0x7: {  	_ = 	snop  }
__scs_overlays_trampoline_lowered:
0x8: {  	[smem:$0x3FA1] =	sst s0  }
0x9: {  	[smem:$0x3FA2] =	sst s1  }
0xa: {  	[smem:$0x3FA3] =	sst s2  }
0xb: {  	[smem:$0x3FA4] =	sst s3  }
0xc: {  	[smem:$0x3FA5] =	sst s4  }
0xd: {  	[smem:$0x3FA6] =	sst s5  }
0xe: {  	[smem:$0x3FA7] =	sst s6  }
0xf: {  	[smem:$0x3FA8] =	sst s7  }
0x10: {  	[smem:$0x3FA9] =	sst s8  }
0x11: {  	[smem:$0x3FAA] =	sst s9;
	s0 =	simm.s32 @!p0 $0x0  }
0x12: {  	s1 =	sld [smem:$0x3F90];
	s0 =	simm.s32 @p0 $0x1  }
0x13: {  	[smem:$0x3FAB] =	sst s0;
	s0 =	simm.s32 @!p1 $0x0  }
0x14: {  	s2 =	sld [smem:$0x3F8F];
	s0 =	simm.s32 @p1 $0x1  }
0x15: {  	[smem:$0x3FAC] =	sst s0;
	s0 =	simm.s32 @!p2 $0x0  }
0x16: {  	s3 =	sld [smem:$0x3FDB];
	s0 =	simm.s32 @p2 $0x1  }
0x17: {  	s4 =	simm.s32 $0x1BF5;
	[smem:$0x3FAE] =	sst s0  }
0x18: {  	s0 =	sld [smem:$0x3F91];
	_ =	swait.ge [sflag:s4], $0x0  }
0x19: {  	s7 =	sld [smem:$0x3F92]  }
0x1a: {  	s8 =	sadd.s32 $0xFFFFE003, lr  }
0x1b: {  	s9 =	sadd.s32 $0xFFFFFEF7, lr;
	s5 =	simm.s32 $0xFFFFFFFF;
	p2 =	slt.u32 s8, $0xFFFFF086  }
0x1c: {  	p1 =	slt.u32 s9, $0xF7A;
	s5 =	simm.s32 @!p2 $0x0  }
0x1d: {  	s5 =	simm.s32 @p1 $0x1;
	p0 =	seq.s32 s7, s2  }
0x1e: {  	s7 =	smul.u32 @!p0 $0xF7A, s2;
	p2 =	seq.s32 @!p0 s5, $0x0  }
0x1f: {  	s9 =	smul.u32 $0xF7A, s1;
	s8 =	simm.s32 @!p0 $0x1BF5;
	p2 =	por !p2, p0  }
0x20: {  	[sflag:s8] =	ssyncset.s32 @!p0 $0xFFFFF086;
	s6 =	sadd.s32 @!p0 s3, s7;
	s7 =	simm.s32 @!p0 $0x108  }
0x21: {  	s3 =	sadd.s32 s3, s9;
	s6 =	sadd.s32 @!p0 $0x88, s6;
	s7 =	simm.s32 @p2 $0x1082  }
0x22: {  	[simem:s7], [sflag:s8] =	dma.local @!p0 [hbm:s6], $0xF7A  }
0x23: {  	s9 =	sor.u32 $0xD0000000, s2;
	s6 =	simm.s32 $0x108;
	_ =	swait.ge @!p0 [sflag:s8], $0x0  }
0x24: {  	s3 =	sadd.s32 $0x88, s3;
	s6 =	simm.s32 @!p1 $0x1082;
	[sflag:s4] =	ssyncset.s32 $0xFFFFF086  }
0x25: {  	[simem:s6], [sflag:s4] =	dma.local [hbm:s3], $0xF7A  }
0x26: {  	[smem:$0x3F92] =	sst s1;
	(tag) =	ssettag s2;
	_ =	strace s9  }
0x27: {  	s1 =	sld [smem:$0x3FA2]  }
0x28: {  	s2 =	sld [smem:$0x3FA3]  }
0x29: {  	s4 =	sld [smem:$0x3FA5]  }
0x2a: {  	p0 =	seq.s32 s5, $0x0;
	s5 =	sld [smem:$0x3FA6]  }
0x2b: {  	s6 =	sld [smem:$0x3FA7]  }
0x2c: {  	s7 =	sld [smem:$0x3FA8]  }
0x2d: {  	s3 =	simm.s32 $0x108;
	s8 =	sld [smem:$0x3FA9]  }
0x2e: {  	s3 =	simm.s32 @!p0 $0x1082;
	s9 =	sld [smem:$0x3FAA]  }
0x2f: {  	lr =	sadd.s32 s0, s3;
	s0 =	sld [smem:$0x3FA1]  }
0x30: {  	s3 =	sld [smem:$0x3FA4]  }
0x31: {  	[smem:$0x3FAD] =	sst s10  }
0x32: {  	s10 =	sld [smem:$0x3FAB];
	_ =	sdelay $0x3  }
0x33: {  	p0 =	seq.s32 s10, $0x1;
	s10 =	sld [smem:$0x3FAD];
	_ =	sdelay $0x3  }
0x34: {  	[smem:$0x3FAD] =	sst s10  }
0x35: {  	s10 =	sld [smem:$0x3FAC];
	_ =	sdelay $0x3  }
0x36: {  	p1 =	seq.s32 s10, $0x1;
	s10 =	sld [smem:$0x3FAD];
	_ =	sdelay $0x3  }
0x37: {  	[smem:$0x3FAD] =	sst s10  }
0x38: {  	s10 =	sld [smem:$0x3FAE]  }
0x39: {  	_ = 	snop;
	(pc) =	sbr.ind lr, $3  }
0x3a: {  	_ = 	snop  }
0x3b: {  	_ = 	snop  }
0x3c: {  	p2 =	seq.s32 s10, $0x1;
	s10 =	sld [smem:$0x3FAD]  }
0x3d: {  	_ =	shalt  }
0x3e: {  	_ =	shalt  }
0x3f: {  	_ =	shalt  }
0x40: {  	_ =	shalt  }
0x41: {  	_ =	shalt  }
0x42: {  	_ =	shalt  }
0x43: {  	_ =	shalt  }
0x44: {  	_ =	shalt  }
0x45: {  	_ =	shalt  }
0x46: {  	_ =	shalt  }
0x47: {  	_ =	shalt  }
0x48: {  	_ =	shalt  }
0x49: {  	_ =	shalt  }
0x4a: {  	_ =	shalt  }
0x4b: {  	_ =	shalt  }
0x4c: {  	_ =	shalt  }
0x4d: {  	_ =	shalt  }
0x4e: {  	_ =	shalt  }
0x4f: {  	_ =	shalt  }
0x50: {  	_ =	shalt  }
0x51: {  	_ =	shalt  }
0x52: {  	_ =	shalt  }
0x53: {  	_ =	shalt  }
0x54: {  	_ =	shalt  }
0x55: {  	_ =	shalt  }
0x56: {  	_ =	shalt  }
0x57: {  	_ =	shalt  }
0x58: {  	_ =	shalt  }
0x59: {  	_ =	shalt  }
0x5a: {  	_ =	shalt  }
0x5b: {  	_ =	shalt  }
0x5c: {  	_ =	shalt  }
0x5d: {  	_ =	shalt  }
0x5e: {  	_ =	shalt  }
0x5f: {  	_ =	shalt  }
0x60: {  	_ =	shalt  }
0x61: {  	_ =	shalt  }
0x62: {  	_ =	shalt  }
0x63: {  	_ =	shalt  }
0x64: {  	_ =	shalt  }
0x65: {  	_ =	shalt  }
0x66: {  	_ =	shalt  }
0x67: {  	_ =	shalt  }
0x68: {  	_ =	shalt  }
0x69: {  	_ =	shalt  }
0x6a: {  	_ =	shalt  }
0x6b: {  	_ =	shalt  }
0x6c: {  	_ =	shalt  }
0x6d: {  	_ =	shalt  }
0x6e: {  	_ =	shalt  }
0x6f: {  	_ =	shalt  }
0x70: {  	_ =	shalt  }
0x71: {  	_ =	shalt  }
0x72: {  	_ =	shalt  }
0x73: {  	_ =	shalt  }
0x74: {  	_ =	shalt  }
0x75: {  	_ =	shalt  }
0x76: {  	_ =	shalt  }
0x77: {  	_ =	shalt  }
0x78: {  	_ =	shalt  }
0x79: {  	_ =	shalt  }
0x7a: {  	_ =	shalt  }
0x7b: {  	_ =	shalt  }
0x7c: {  	_ =	shalt  }
0x7d: {  	_ =	shalt  }
0x7e: {  	_ =	shalt  }
0x7f: {  	_ =	shalt  }
0x80: {  	_ =	shalt  }
0x81: {  	_ =	shalt  }
0x82: {  	_ =	shalt  }
0x83: {  	_ =	shalt  }
0x84: {  	_ =	shalt  }
0x85: {  	_ =	shalt  }
0x86: {  	_ =	shalt  }
0x87: {  	_ =	shalt  }
.Lfunc_end0:
.L_simem_size_0:
called_computation.2_lowered:
.L_overlay_start_0:
0x88: {  	s2 =	sld [smem:$0x3FD9]  }
0x89: {  	s3 =	sld [smem:$0x3FFE];
	_ =	sdelay $0x1  }
0x8a: {  	s1 =	srdreg.scid  }
0x8b: {  	s0 =	sand.u32 $0x1, s1  }
0x8c: {  	s17 =	sshll.u32 s0, $0xA;
	s2 =	sadd.s32 s3, s2  }
0x8d: {  	s2 =	sadd.s32 s2, s17  }
0x8e: {  	[smem:$0x3FB9] =	sst s2  }
0x8f: {  	_ = 	snop  }
0x90: {  	s2 =	sld [smem:$0x3FD0];
	(tm) =	ssettm $0x1  }
0x91: {  	s18 =	sld [smem:$0x3FFB];
	_ =	sdelay $0x3  }
0x92: {  	_ =	strace s18  }
0x93: {  	s3 =	sld [smem:$0x3FFC];
	_ =	sdelay $0x3  }
0x94: {  	_ =	strace s3  }
0x95: {  	s3 =	sld [smem:$0x3FFD];
	_ =	sdelay $0x3  }
0x96: {  	_ =	strace s3  }
0x97: {  	_ =	strace $0x8FFFFFFF  }
0x98: {  	s19 =	sld [smem:$0x3FDB];
	_ =	sdelay $0x1  }
0x99: {  	s4 =	simm.s32 $_scs_section_size  }
0x9a: {  	s5 =	simm.s32 $_size__tile_overlayer_lowered;
	s6 =	simm.s32 $_tile_overlayer_lowered  }
0x9b: {  	s22 =	simm.s32 $0x1BFF;
	s21 =	sshll.u32 s6, $0x1;
	s3 =	sadd.s32 s4, s19  }
0x9c: {  	s7 =	simm.s32 $0x0;
	s20 =	sshll.u32 s5, $0x1;
	s5 =	sadd.s32 s21, s3  }
0x9d: {  	[timem:s7], [sflag:s22] =	dma.local [hbm:s5], s20  }
0x9e: {  	_ =	swait.ge [sflag:s22], s20  }
0x9f: {  	s4 =	ssub.s32 $0x0, s20;
	[sflag:s22] =	ssyncset.done $0x0  }
0xa0: {  	[sflag:s22] =	ssyncadd.s32 s4;
	_ =	sdelay $0x1  }
0xa1: {  	s23 =	simm.s32 $0x1B8B  }
0xa2: {  	_ =	swait.ge [sflag:s23], $0x1  }
0xa3: {  	[sflag:s23] =	ssyncset.done $0x0  }
0xa4: {  	s25 =	simm.s32 $0x1B8E;
	s24 =	sld [smem:$0x3FFE];
	[sflag:s23] =	ssyncadd.s32 $0xFFFFFFFF  }
0xa5: {  	s26 =	simm.s32 $execute0_lowered;
	[smem:$0x3FD2] =	sst s25  }
0xa6: {  	s5 =	sshll.u32 s26, $0x1;
	_ =	strace $0x8000004C;
	[dreg:$0x1] =	wrdreg $0xFFFFFFFF  }
0xa7: {  	s28 =	simm.s32 $_size_execute0_lowered;
	s3 =	sadd.s32 s3, s5;
	[dreg:$0x0] =	wrdreg $0x0  }
0xa8: {  	s5 =	sshll.u32 s28, $0x1;
	[dreg:$0x2] =	wrdreg s3  }
0xa9: {  	[dreg:$0x3] =	wrdreg s5  }
0xaa: {  	[dreg:$0x4] =	wrdreg $0xC0  }
0xab: {  	_ =	task [dreg:s7], $0x5FFFF  }
0xac: {  	[dreg:$0x1] =	wrdreg $0xFFFFFFFF  }
0xad: {  	[dreg:$0x0] =	wrdreg $0x60  }
0xae: {  	[dreg:$0x2] =	wrdreg s24  }
0xaf: {  	[dreg:$0x3] =	wrdreg s2  }
0xb0: {  	[dreg:$0x4] =	wrdreg $0xA8000  }
0xb1: {  	[dreg:$0x5] =	wrdreg $0x9  }
0xb2: {  	_ =	task.clear_ibuf [dreg:s7], $0x6FFFF;
	_ =	strace $0x9000004C  }
0xb3: {  	s29 =	simm.s32 $0x9;
	_ =	strace $0x8000004E  }
0xb4: {  	_ =	swait.ge [sflag:s29], $0x1  }
0xb5: {  	[sflag:s29] =	ssyncadd.s32 $0xFFFFFFFF  }
0xb6: {  	_ =	strace $0x9000004E  }
0xb7: {  	_ =	sfence  }
0xb8: {  	s30 =	sld [smem:$0x0];
	_ =	sdelay $0x2  }
0xb9: {  	s31 =	sshll.u32 s1, $0xD;
	s1 =	sshrl.u32 s1, $0x2  }
0xba: {  	s3 =	sand.u32 $0x4000, s31;
	s1 =	sadd.s32 s1, s30  }
0xbb: {  	s0 =	sor.u32 s3, s0;
	s1 =	sshll.u32 s1, $0x11  }
0xbc: {  	s0 =	sor.u32 s1, s0  }
0xbd: {  	s0 =	sadd.s32 $0x8F2B, s0  }
0xbe: {  	[sflag:s0] =	ssyncadd.remote.s32 $0x1  }
0xbf: {  	_ =	sfence.sel $0xFFFF  }
0xc0: {  	[dreg:$0x0] =	wrdreg $0xFFFFFFFF;
	(pc) =	sbr.abs _section_cstart, $3  }
0xc1: {  	[dreg:$0x1] =	wrdreg $0xFFFFFFFF  }
0xc2: {  	_ =	task.clear_ibuf [dreg:s7], $0x2FFFF;
	_ =	strace $0x9FFFFFFF  }
0xc3: {  	(tm) =	ssettm $0x7FFFFFFF  }
tec
execute0_lowered:
.L_overlay_start_1:
0x0: {  	(tag) =	ssettag $0x1  }
0x1: {  	s1 =	rddreg [dreg:$0x0]  }
0x2: {  	s0 =	srdreg.scid;
	s2 =	rddreg [dreg:$0x1]  }
0x3: {  	s29 =	stileid.u32;
	s3 =	rddreg [dreg:$0x2]  }
0x4: {  	s14 =	simm.s32 $0x3;
	s15 =	simm.s32 $0x1400;
	s16 =	simm.s32 $0x80  }
0x5: {  	s17 =	simm.s32 $0x2800;
	s18 =	simm.s32 $0x6800;
	s23 =	simm.s32 $0x1  }
0x6: {  	s24 =	simm.s32 $0x2;
	s25 =	simm.s32 $0x2700;
	s26 =	simm.s32 $0x2780  }
0x7: {  	s28 =	simm.s32 $0x0;
	s7 =	sand.u32 $0x1, s0;
	s9 =	smul.u32 $0x14000, s29  }
0x8: {  	s11 =	smul.u32 $0x50000, s29;
	s31 =	sshll.u32 s29, $0x6;
	s4 =	sshll.u32 s7, $0x4  }
0x9: {  	s8 =	smul.u32 $0x140000, s7;
	s7 =	ssub.s32 $0x2, s7;
	s19 =	sor.u32 $0x1C03, s31  }
0xa: {  	s5 =	sor.u32 s29, s4;
	s4 =	simm.s32 $0x0;
	s30 =	sshrl.u32 s7, $0x1  }
0xb: {  	s11 =	sshrl.u32 s11, $0x2;
	s6 =	smul.u32 $0x280, s5;
	[smem:$0x7FF] =	sst s4  }
0xc: {  	s5 =	sadd.s32 $0x4E00, s1;
	s8 =	sadd.s32 s9, s8;
	s13 =	ssub.s32 s7, s30  }
0xd: {  	s20 =	sadd.s32 s11, s3;
	_ =	strace $0x8000004D;
	s8 =	sshrl.u32 s8, $0x3  }
0xe: {  	s21 =	sadd.s32 $0x4000, s20;
	s22 =	sadd.s32 $0x8000, s20;
	s9 =	sadd.s32 $0xC000, s20  }
0xf: {  	s13 =	smax.u32 s13, $0x1;
	s10 =	sadd.s32 s6, s1;
	s6 =	sadd.s32 $0x36E00, s1  }
0x10: {  	s1 =	sadd.s32 s8, s1;
	s21 =	sshrl.u32 s21, $0x3;
	s22 =	sshrl.u32 s22, $0x3  }
0x11: {  	s7 =	sadd.s32 $0x31E00, s10;
	s8 =	sadd.s32 $0x2CE00, s10;
	s10 =	sadd.s32 $0x10000, s20  }
0x12: {  	s11 =	sadd.s32 $0x87600, s1;
	s12 =	sadd.s32 $0xD7600, s1;
	s20 =	sshrl.u32 s20, $0x3  }
.LBB2_1:
0x13: {  	[tilespmem:s4], [sflag:$0x3] =	stream.linear.gather [hbm4b:s7+s4], $0x1400, $0x38;
	[tilespmem:$0x1E800] =	vst v63  }
0x14: {  	_ =	swait.ge [sflag:s14], $0x1400  }
0x15: {  	[sflag:s14] =	ssyncset.done $0x0  }
0x16: {  	[sflag:s14] =	ssyncadd.s32 $0xFFFFEC00  }
0x17: {  	[tilespmem:s15], [sflag:$0x3] =	stream.linear.gather [hbm4b:s8+s4], $0x1400, $0x38;
	[tilespmem:$0x1E800] =	vst v63  }
0x18: {  	_ =	swait.ge [sflag:s14], $0x1400  }
0x19: {  	[sflag:s14] =	ssyncset.done $0x0  }
0x1a: {  	[sflag:s14] =	ssyncadd.s32 $0xFFFFEC00  }
0x1b: {  	[tilespmem:s17], [sflag:$0x1] =	stream.indirect.gather [hbm4b:s5+s16], $0x80, s4, s16, $0xb8;
	[tilespmem:$0x1E800] =	vst v63  }
0x1c: {  	_ = 	snop  }
0x1d: {  	[tilespmem:s18], [sflag:$0x2] =	stream.indirect.gather [hbm4b:s5+s16], $0x80, s16, s16, $0xb8;
	[tilespmem:$0x1E800] =	vst v63  }
0x1e: {  	[spmem:s20], [sflag:s19] =	dma.local [hbm:s6], $0x800  }
0x1f: {  	_ =	swait.ge [sflag:s14], $0x800  }
0x20: {  	[sflag:s14] =	ssyncset.done $0x0  }
0x21: {  	[sflag:s14] =	ssyncadd.s32 $0xFFFFF800  }
0x22: {  	[spmem:s21], [sflag:s19] =	dma.local [hbm:s6], $0x800  }
0x23: {  	_ =	swait.ge [sflag:s14], $0x800  }
0x24: {  	[sflag:s14] =	ssyncset.done $0x0  }
0x25: {  	[sflag:s14] =	ssyncadd.s32 $0xFFFFF800  }
0x26: {  	[spmem:s22], [sflag:s19] =	dma.local [hbm:s6], $0x800  }
0x27: {  	_ =	swait.ge [sflag:s14], $0x800  }
0x28: {  	[sflag:s14] =	ssyncset.done $0x0  }
0x29: {  	s29 =	sshrl.u32 s9, $0x3;
	[sflag:s14] =	ssyncadd.s32 $0xFFFFF800  }
0x2a: {  	[spmem:s29], [sflag:s19] =	dma.local [hbm:s6], $0x800  }
0x2b: {  	_ =	swait.ge [sflag:s14], $0x800  }
0x2c: {  	[sflag:s14] =	ssyncset.done $0x0  }
0x2d: {  	s30 =	sshrl.u32 s10, $0x3;
	[sflag:s14] =	ssyncadd.s32 $0xFFFFF800  }
0x2e: {  	[spmem:s30], [sflag:s19] =	dma.local [hbm:s6], $0x800  }
0x2f: {  	_ =	swait.ge [sflag:s14], $0x800  }
0x30: {  	[sflag:s14] =	ssyncset.done $0x0  }
0x31: {  	[sflag:s14] =	ssyncadd.s32 $0xFFFFF800  }
0x32: {  	[bflag:$0x0] =	sbarrier.arrive $0xFFFF  }
0x33: {  	_ =	swait.ge [sflag:s23], $0x4000  }
0x34: {  	[sflag:s23] =	ssyncset.done $0x0  }
0x35: {  	s1 =	simm.s32 $0x1400;
	[sflag:s23] =	ssyncadd.s32 $0xFFFFC000  }
0x36: {  	[spmem:s3] =	stream.indirect.scatter.add.f32 [tilespmem:s17], [sflag:$0x3], $0x80, s1, s16, $0xb8;
	[tilespmem:$0x1E800] =	vst v63  }
0x37: {  	_ =	swait.ge [sflag:s14], $0x4000  }
0x38: {  	[sflag:s14] =	ssyncset.done $0x0  }
0x39: {  	s0 =	simm.s32 $0x100;
	[sflag:s14] =	ssyncadd.s32 $0xFFFFC000  }
0x3a: {  	[tilespmem:s17], [sflag:$0x1] =	stream.indirect.gather [hbm4b:s5+s16], $0x80, s0, s16, $0xb8;
	[tilespmem:$0x1E800] =	vst v63  }
0x3b: {  	_ =	swait.ge [sflag:s24], $0x4000  }
0x3c: {  	[sflag:s24] =	ssyncset.done $0x0  }
0x3d: {  	s0 =	simm.s32 $0x1480;
	[sflag:s24] =	ssyncadd.s32 $0xFFFFC000  }
0x3e: {  	[spmem:s3] =	stream.indirect.scatter.add.f32 [tilespmem:s18], [sflag:$0x3], $0x80, s0, s16, $0xb8;
	[tilespmem:$0x1E800] =	vst v63  }
0x3f: {  	_ =	swait.ge [sflag:s14], $0x4000  }
0x40: {  	[sflag:s14] =	ssyncset.done $0x0  }
0x41: {  	s31 =	simm.s32 $0x400;
	s1 =	simm.s32 $0x180;
	[sflag:s14] =	ssyncadd.s32 $0xFFFFC000  }
.LBB2_2:
0x42: {  	[tilespmem:s18], [sflag:$0x2] =	stream.indirect.gather [hbm4b:s5+s16], $0x80, s1, s16, $0xb8;
	[tilespmem:$0x1E800] =	vst v63  }
0x43: {  	s1 =	smov.u32 s31  }
0x44: {  	p0 =	sne.s32 s31, $0x4800;
	s31 =	sadd.s32 $0x400, s31;
	_ =	swait.ge [sflag:s23], $0x4000  }
0x45: {  	s1 =	sshra.s32 s1, $0x2;
	[sflag:s23] =	ssyncset.done $0x0  }
0x46: {  	s0 =	sadd.s32 $0x1400, s1;
	[sflag:s23] =	ssyncadd.s32 $0xFFFFC000  }
0x47: {  	[spmem:s3] =	stream.indirect.scatter.add.f32 [tilespmem:s17], [sflag:$0x3], $0x80, s0, s16, $0xb8;
	[tilespmem:$0x1E800] =	vst v63  }
0x48: {  	_ =	swait.ge [sflag:s14], $0x4000  }
0x49: {  	[sflag:s14] =	ssyncset.done $0x0  }
0x4a: {  	s0 =	sadd.s32 $0x100, s1;
	[sflag:s14] =	ssyncadd.s32 $0xFFFFC000  }
0x4b: {  	[tilespmem:s17], [sflag:$0x1] =	stream.indirect.gather [hbm4b:s5+s16], $0x80, s0, s16, $0xb8;
	[tilespmem:$0x1E800] =	vst v63  }
0x4c: {  	_ =	swait.ge [sflag:s24], $0x4000  }
0x4d: {  	[sflag:s24] =	ssyncset.done $0x0  }
.Ltmp0:
0x4e: {  	s0 =	sadd.s32 $0x1480, s1;
	[sflag:s24] =	ssyncadd.s32 $0xFFFFC000;
	(pc) =	sbr.rel @p0 .LBB2_2-.Ltmp0, $4  }
0x4f: {  	[spmem:s3] =	stream.indirect.scatter.add.f32 [tilespmem:s18], [sflag:$0x3], $0x80, s0, s16, $0xb8;
	[tilespmem:$0x1E800] =	vst v63  }
0x50: {  	_ =	swait.ge [sflag:s14], $0x4000  }
0x51: {  	[sflag:s14] =	ssyncset.done $0x0  }
0x52: {  	s1 =	sadd.s32 $0x180, s1;
	[sflag:s14] =	ssyncadd.s32 $0xFFFFC000  }
0x53: {  	[tilespmem:s18], [sflag:$0x2] =	stream.indirect.gather [hbm4b:s5+s16], $0x80, s1, s16, $0xb8;
	[tilespmem:$0x1E800] =	vst v63  }
0x54: {  	_ =	swait.ge [sflag:s23], $0x4000  }
0x55: {  	[sflag:s23] =	ssyncset.done $0x0  }
0x56: {  	[sflag:s23] =	ssyncadd.s32 $0xFFFFC000  }
0x57: {  	[spmem:s3] =	stream.indirect.scatter.add.f32 [tilespmem:s17], [sflag:$0x3], $0x80, s25, s16, $0xb8;
	[tilespmem:$0x1E800] =	vst v63  }
0x58: {  	_ =	swait.ge [sflag:s14], $0x4000  }
0x59: {  	[sflag:s14] =	ssyncset.done $0x0  }
0x5a: {  	[sflag:s14] =	ssyncadd.s32 $0xFFFFC000  }
0x5b: {  	_ =	swait.ge [sflag:s24], $0x4000  }
0x5c: {  	[sflag:s24] =	ssyncset.done $0x0  }
0x5d: {  	[sflag:s24] =	ssyncadd.s32 $0xFFFFC000  }
0x5e: {  	[spmem:s3] =	stream.indirect.scatter.add.f32 [tilespmem:s18], [sflag:$0x3], $0x80, s26, s16, $0xb8;
	[tilespmem:$0x1E800] =	vst v63  }
0x5f: {  	_ =	swait.ge [sflag:s14], $0x4000  }
0x60: {  	[sflag:s14] =	ssyncset.done $0x0  }
0x61: {  	[sflag:s14] =	ssyncadd.s32 $0xFFFFC000  }
0x62: {  	[bflag:$0x0] =	sbarrier.arrive $0xFFFF  }
0x63: {  	[hbm:s11], [sflag:s19] =	dma.local [spmem:s20], $0x2800  }
0x64: {  	_ =	swait.ge [sflag:s14], $0x2800  }
0x65: {  	[sflag:s14] =	ssyncset.done $0x0  }
0x66: {  	[sflag:s14] =	ssyncadd.s32 $0xFFFFD800  }
0x67: {  	s0 =	simm.s32 $0x0;
	[bflag:$0x0] =	sbarrier.arrive $0xFFFF  }
0x68: {  	[tilespmem:s17], [sflag:$0x1] =	stream.indirect.gather [hbm4b:s2+s16], $0x80, s0, s16, $0xb8;
	[tilespmem:$0x1E800] =	vst v63  }
0x69: {  	_ = 	snop  }
0x6a: {  	[tilespmem:s18], [sflag:$0x2] =	stream.indirect.gather [hbm4b:s2+s16], $0x80, s16, s16, $0xb8;
	[tilespmem:$0x1E800] =	vst v63  }
0x6b: {  	[spmem:s20], [sflag:s19] =	dma.local [hbm:s6], $0x800  }
0x6c: {  	_ =	swait.ge [sflag:s14], $0x800  }
0x6d: {  	[sflag:s14] =	ssyncset.done $0x0  }
0x6e: {  	[sflag:s14] =	ssyncadd.s32 $0xFFFFF800  }
0x6f: {  	[spmem:s21], [sflag:s19] =	dma.local [hbm:s6], $0x800  }
0x70: {  	_ =	swait.ge [sflag:s14], $0x800  }
0x71: {  	[sflag:s14] =	ssyncset.done $0x0  }
0x72: {  	[sflag:s14] =	ssyncadd.s32 $0xFFFFF800  }
0x73: {  	[spmem:s22], [sflag:s19] =	dma.local [hbm:s6], $0x800  }
0x74: {  	_ =	swait.ge [sflag:s14], $0x800  }
0x75: {  	[sflag:s14] =	ssyncset.done $0x0  }
0x76: {  	[sflag:s14] =	ssyncadd.s32 $0xFFFFF800  }
0x77: {  	[spmem:s29], [sflag:s19] =	dma.local [hbm:s6], $0x800  }
0x78: {  	_ =	swait.ge [sflag:s14], $0x800  }
0x79: {  	[sflag:s14] =	ssyncset.done $0x0  }
0x7a: {  	[sflag:s14] =	ssyncadd.s32 $0xFFFFF800  }
0x7b: {  	[spmem:s30], [sflag:s19] =	dma.local [hbm:s6], $0x800  }
0x7c: {  	_ =	swait.ge [sflag:s14], $0x800  }
0x7d: {  	[sflag:s14] =	ssyncset.done $0x0  }
0x7e: {  	[sflag:s14] =	ssyncadd.s32 $0xFFFFF800  }
0x7f: {  	[bflag:$0x0] =	sbarrier.arrive $0xFFFF  }
0x80: {  	_ =	swait.ge [sflag:s23], $0x4000  }
0x81: {  	[sflag:s23] =	ssyncset.done $0x0  }
0x82: {  	s1 =	simm.s32 $0x1400;
	[sflag:s23] =	ssyncadd.s32 $0xFFFFC000  }
0x83: {  	[spmem:s3] =	stream.indirect.scatter.add.f32 [tilespmem:s17], [sflag:$0x3], $0x80, s1, s16, $0xb8;
	[tilespmem:$0x1E800] =	vst v63  }
0x84: {  	_ =	swait.ge [sflag:s14], $0x4000  }
0x85: {  	[sflag:s14] =	ssyncset.done $0x0  }
0x86: {  	s30 =	simm.s32 $0x100;
	[sflag:s14] =	ssyncadd.s32 $0xFFFFC000  }
0x87: {  	[tilespmem:s17], [sflag:$0x1] =	stream.indirect.gather [hbm4b:s2+s16], $0x80, s30, s16, $0xb8;
	[tilespmem:$0x1E800] =	vst v63  }
0x88: {  	_ =	swait.ge [sflag:s24], $0x4000  }
0x89: {  	[sflag:s24] =	ssyncset.done $0x0  }
0x8a: {  	s31 =	simm.s32 $0x1480;
	[sflag:s24] =	ssyncadd.s32 $0xFFFFC000  }
0x8b: {  	[spmem:s3] =	stream.indirect.scatter.add.f32 [tilespmem:s18], [sflag:$0x3], $0x80, s31, s16, $0xb8;
	[tilespmem:$0x1E800] =	vst v63  }
0x8c: {  	_ =	swait.ge [sflag:s14], $0x4000  }
0x8d: {  	[sflag:s14] =	ssyncset.done $0x0  }
0x8e: {  	s29 =	simm.s32 $0x400;
	s1 =	simm.s32 $0x180;
	[sflag:s14] =	ssyncadd.s32 $0xFFFFC000  }
.LBB2_4:
0x8f: {  	[tilespmem:s18], [sflag:$0x2] =	stream.indirect.gather [hbm4b:s2+s16], $0x80, s1, s16, $0xb8;
	[tilespmem:$0x1E800] =	vst v63  }
0x90: {  	s0 =	smov.u32 s29  }
0x91: {  	p0 =	sne.s32 s29, $0x4800;
	s29 =	sadd.s32 $0x400, s29;
	_ =	swait.ge [sflag:s23], $0x4000  }
0x92: {  	s0 =	sshra.s32 s0, $0x2;
	[sflag:s23] =	ssyncset.done $0x0  }
0x93: {  	s1 =	sadd.s32 $0x1400, s0;
	[sflag:s23] =	ssyncadd.s32 $0xFFFFC000  }
0x94: {  	[spmem:s3] =	stream.indirect.scatter.add.f32 [tilespmem:s17], [sflag:$0x3], $0x80, s1, s16, $0xb8;
	[tilespmem:$0x1E800] =	vst v63  }
0x95: {  	_ =	swait.ge [sflag:s14], $0x4000  }
0x96: {  	[sflag:s14] =	ssyncset.done $0x0  }
0x97: {  	s1 =	sadd.s32 $0x100, s0;
	[sflag:s14] =	ssyncadd.s32 $0xFFFFC000  }
0x98: {  	[tilespmem:s17], [sflag:$0x1] =	stream.indirect.gather [hbm4b:s2+s16], $0x80, s1, s16, $0xb8;
	[tilespmem:$0x1E800] =	vst v63  }
0x99: {  	_ =	swait.ge [sflag:s24], $0x4000  }
0x9a: {  	[sflag:s24] =	ssyncset.done $0x0  }
.Ltmp1:
0x9b: {  	s1 =	sadd.s32 $0x1480, s0;
	[sflag:s24] =	ssyncadd.s32 $0xFFFFC000;
	(pc) =	sbr.rel @p0 .LBB2_4-.Ltmp1, $4  }
0x9c: {  	[spmem:s3] =	stream.indirect.scatter.add.f32 [tilespmem:s18], [sflag:$0x3], $0x80, s1, s16, $0xb8;
	[tilespmem:$0x1E800] =	vst v63  }
0x9d: {  	_ =	swait.ge [sflag:s14], $0x4000  }
0x9e: {  	[sflag:s14] =	ssyncset.done $0x0  }
0x9f: {  	s1 =	sadd.s32 $0x180, s0;
	[sflag:s14] =	ssyncadd.s32 $0xFFFFC000  }
0xa0: {  	[tilespmem:s18], [sflag:$0x2] =	stream.indirect.gather [hbm4b:s2+s16], $0x80, s1, s16, $0xb8;
	[tilespmem:$0x1E800] =	vst v63  }
0xa1: {  	_ =	swait.ge [sflag:s23], $0x4000  }
0xa2: {  	[sflag:s23] =	ssyncset.done $0x0  }
0xa3: {  	[sflag:s23] =	ssyncadd.s32 $0xFFFFC000  }
0xa4: {  	[spmem:s3] =	stream.indirect.scatter.add.f32 [tilespmem:s17], [sflag:$0x3], $0x80, s25, s16, $0xb8;
	[tilespmem:$0x1E800] =	vst v63  }
0xa5: {  	_ =	swait.ge [sflag:s14], $0x4000  }
0xa6: {  	[sflag:s14] =	ssyncset.done $0x0  }
0xa7: {  	[sflag:s14] =	ssyncadd.s32 $0xFFFFC000  }
0xa8: {  	_ =	swait.ge [sflag:s24], $0x4000  }
0xa9: {  	[sflag:s24] =	ssyncset.done $0x0  }
0xaa: {  	[sflag:s24] =	ssyncadd.s32 $0xFFFFC000  }
0xab: {  	[spmem:s3] =	stream.indirect.scatter.add.f32 [tilespmem:s18], [sflag:$0x3], $0x80, s26, s16, $0xb8;
	[tilespmem:$0x1E800] =	vst v63  }
0xac: {  	_ =	swait.ge [sflag:s14], $0x4000  }
0xad: {  	[sflag:s14] =	ssyncset.done $0x0  }
0xae: {  	s28 =	sadd.s32 $0x1, s28;
	[sflag:s14] =	ssyncadd.s32 $0xFFFFC000  }
0xaf: {  	p0 =	sne.s32 s28, s13;
	[bflag:$0x0] =	sbarrier.arrive $0xFFFF  }
0xb0: {  	[hbm:s12], [sflag:s19] =	dma.local [spmem:s20], $0x2800  }
.Ltmp2:
0xb1: {  	_ =	swait.ge [sflag:s14], $0x2800;
	(pc) =	sbr.rel @p0 .LBB2_1-.Ltmp2, $3  }
0xb2: {  	[sflag:s14] =	ssyncset.done $0x0  }
0xb3: {  	[sflag:s14] =	ssyncadd.s32 $0xFFFFD800  }
0xb4: {  	[bflag:$0x0] =	sbarrier.arrive $0xFFFF;
	_ =	sdelay $0x1  }
0xb5: {  	_ =	sfence.sel $0x180000  }
0xb6: {  	[bflag:$0x0] =	sbarrier.arrive $0xFFFF  }
0xb7: {  	_ =	strace $0x9000004D  }
0xb8: {  	s0 =	stileid.u32;
	[bflag:$0x2] =	sbarrier.arrive $0xFFFF  }
0xb9: {  	p0 =	sne.s32 s0, $0x0;
	s0 =	rddreg [dreg:$0x3]  }
0xba: {  	s0 =	sadd.s32 @!p0 $0x100000, s0  }
0xbb: {  	[sflag:s0] =	ssyncadd.tile.s32 @!p0 $0x1;
	_ =	shalt  }
.Lfunc_end2:
_tile_overlayer_lowered:
.L_overlay_start_2:
0xbc: {  	(tag) =	ssettag $0x2  }
0xbd: {  	s0 =	rddreg [dreg:$0x0];
	s2 =	stileid.u32  }
0xbe: {  	s1 =	rddreg [dreg:$0x1];
	p0 =	sne.s32 s2, $0x0  }
0xbf: {  	s3 =	rddreg [dreg:$0x2];
	[bflag:$0x3] =	sbarrier.arrive $0xFFFF;
	s2 =	simm.s32 @!p0 $0x1C03  }
0xc0: {  	[timem:s3], [sflag:s2] =	dma.local @!p0 [hbm:s0], s1  }
0xc1: {  	s0 =	simm.s32 @!p0 $0x3  }
0xc2: {  	_ =	swait.ge @!p0 [sflag:s0], s1  }
0xc3: {  	s1 =	ssub.s32 @!p0 $0x0, s1;
	[sflag:s0] =	ssyncset.done @!p0 $0x0  }
0xc4: {  	[sflag:s0] =	ssyncadd.s32 @!p0 s1  }
0xc5: {  	[bflag:$0x3] =	sbarrier.arrive $0xFFFF  }
0xc6: {  	_ =	shalt  }

</sc_bundles>
